<compile_context>
chip_gen: v7x
topology: tpu7x:2x2x1
jax: 0.10.2.dev20260603
libtpu: 0.0.44.dev20260713+nightly
codegen_flags: <defaults>
</compile_context>

<pallas_src>
import dataclasses
import functools

import jax
import jax.numpy as jnp
from jax import lax
from jax.experimental import pallas as pl
from jax.experimental.pallas import tpu as pltpu
from jax.experimental.pallas import tpu_sc as plsc

N = 10000
E = 320000
D = 128
NC, NS, L = 2, 16, 16
NW = NC * NS
CHUNK = 128
NCHUNK = E // CHUNK
CPTF = NCHUNK // NW
XTRA = NCHUNK - CPTF * NW
NSLOT = 4
NDEG = 10240
HR = NDEG // 128
HRT = 8
ACC_ROWS = 10240
ZROWS = ACC_ROWS // NS
DRAIN = ACC_ROWS // NS
RB = 1000
GRID = N // RB

_MESH = dict(core_axis_name="c", subcore_axis_name="s")

_SC_PARAMS = pltpu.CompilerParams()
if "needs_layout_passes" in pltpu.CompilerParams.__dataclass_fields__:
    _SC_PARAMS = dataclasses.replace(_SC_PARAMS, needs_layout_passes=False)


def _sc_degree(ei):
    mesh = plsc.VectorSubcoreMesh(**_MESH)

    @functools.partial(
        pl.kernel, mesh=mesh, compiler_params=_SC_PARAMS,
        out_type=jax.ShapeDtypeStruct((NC, HR, 128), jnp.float32),
        scratch_types=[pltpu.VMEM(((CPTF + 1) * CHUNK,), jnp.int32),
                       pltpu.VMEM((HR, 128), jnp.float32),
                       pltpu.VMEM((1, HR), jnp.int32),
                       pltpu.VMEM_SHARED((HR, 128), jnp.float32),
                       pltpu.SemaphoreType.DMA])
    def k(ei_hbm, out_hbm, idx_v, hist_v, rowidx_v, shist, isem):
        c = lax.axis_index("c")
        s = lax.axis_index("s")
        w = c * NS + s
        base = (w * CPTF + jnp.minimum(w, XTRA)) * CHUNK
        nfull = CPTF * CHUNK
        pltpu.async_copy(ei_hbm.at[1, pl.ds(base, nfull)],
                         idx_v.at[pl.ds(0, nfull)], isem)

        @pl.when(w < XTRA)
        def _():
            pltpu.sync_copy(ei_hbm.at[1, pl.ds(base + nfull, CHUNK)],
                            idx_v.at[pl.ds(nfull, CHUNK)])

        zeros16 = jnp.zeros((L,), jnp.float32)

        @pl.loop(0, HR)
        def _(r):
            for j in range(128 // L):
                hist_v[r, pl.ds(j * L, L)] = zeros16

        @pl.when(s < HR // HRT)
        def _():
            pltpu.sync_copy(hist_v.at[pl.ds(s * HRT, HRT)],
                            shist.at[pl.ds(s * HRT, HRT)])
        iota16 = lax.iota(jnp.int32, L)
        for j in range(HR // L):
            rowidx_v[0, pl.ds(j * L, L)] = iota16 + j * L
        plsc.subcore_barrier()
        pltpu.make_async_copy(ei_hbm.at[1, pl.ds(base, nfull)],
                              idx_v.at[pl.ds(0, nfull)], isem).wait()

        ones16 = jnp.ones((L,), jnp.float32)

        @pl.loop(0, CPTF * CHUNK // L)
        def _(i):
            idx = idx_v[pl.ds(i * L, L)]
            plsc.addupdate_scatter(hist_v, [idx // 128, idx % 128], ones16)

        @pl.when(w < XTRA)
        def _():
            @pl.loop(CPTF * CHUNK // L, (CPTF + 1) * CHUNK // L)
            def _(i):
                idx = idx_v[pl.ds(i * L, L)]
                plsc.addupdate_scatter(hist_v, [idx // 128, idx % 128],
                                       ones16)

        pltpu.sync_copy(hist_v, shist.at[rowidx_v.at[0]], add=True)
        plsc.subcore_barrier()

        @pl.when(s < HR // HRT)
        def _():
            pltpu.sync_copy(shist.at[pl.ds(s * HRT, HRT)],
                            out_hbm.at[c, pl.ds(s * HRT, HRT)])

    return k(ei)


def _sc_propagate(g, ei):
    mesh = plsc.VectorSubcoreMesh(**_MESH)

    slot_scratch = []
    for _ in range(NSLOT):
        slot_scratch += [pltpu.VMEM((CHUNK,), jnp.int32),
                         pltpu.VMEM((CHUNK,), jnp.int32),
                         pltpu.SemaphoreType.DMA]

    @functools.partial(
        pl.kernel, mesh=mesh,
        out_type=jax.ShapeDtypeStruct((NC, ACC_ROWS, D), jnp.float32),
        scratch_types=[
            pltpu.VMEM((CHUNK, D), jnp.float32),
            pltpu.VMEM((CHUNK, D), jnp.float32),
            pltpu.VMEM_SHARED((ACC_ROWS, D), jnp.float32),
            pltpu.SemaphoreType.DMA,
            pltpu.SemaphoreType.DMA,
            pltpu.SemaphoreType.DMA,
            pltpu.SemaphoreType.DMA,
        ] + slot_scratch)
    def k(g_hbm, ei_hbm, out_hbm,
          rows_a, rows_b, acc,
          gs_a, gs_b, ss_a, ss_b, *slots_flat):
        c = lax.axis_index("c")
        s = lax.axis_index("s")
        w = c * NS + s
        base = (w * CPTF + jnp.minimum(w, XTRA)) * CHUNK
        rows = [(rows_a, gs_a, ss_a), (rows_b, gs_b, ss_b)]
        slots = [tuple(slots_flat[3 * j:3 * j + 3]) for j in range(NSLOT)]

        def i_start(ch, sl):
            sv, dv, sem = slots[sl % NSLOT]
            pltpu.async_copy(ei_hbm.at[0, pl.ds(base + ch * CHUNK, CHUNK)],
                             sv, sem)
            pltpu.async_copy(ei_hbm.at[1, pl.ds(base + ch * CHUNK, CHUNK)],
                             dv, sem)

        def i_wait(ch, sl):
            sv, dv, sem = slots[sl % NSLOT]
            pltpu.make_async_copy(
                ei_hbm.at[0, pl.ds(base + ch * CHUNK, CHUNK)], sv, sem).wait()
            pltpu.make_async_copy(
                ei_hbm.at[1, pl.ds(base + ch * CHUNK, CHUNK)], dv, sem).wait()

        def g_start(sl, r):
            buf, gs, _ = rows[r % 2]
            pltpu.async_copy(g_hbm.at[slots[sl % NSLOT][0]], buf, gs)

        def g_wait(sl, r):
            buf, gs, _ = rows[r % 2]
            pltpu.make_async_copy(
                g_hbm.at[slots[sl % NSLOT][0]], buf, gs).wait()

        def s_start(sl, r):
            buf, _, ss = rows[r % 2]
            pltpu.async_copy(buf, acc.at[slots[sl % NSLOT][1]], ss, add=True)

        def s_wait(sl, r):
            buf, _, ss = rows[r % 2]
            pltpu.make_async_copy(
                buf, acc.at[slots[sl % NSLOT][1]], ss).wait()

        for j in range(NSLOT):
            i_start(j, j)
        zeros16 = jnp.zeros((L,), jnp.float32)

        @pl.loop(0, CHUNK)
        def _(r):
            for j in range(D // L):
                rows_a[r, pl.ds(j * L, L)] = zeros16

        for j in range(ZROWS // CHUNK):
            pltpu.sync_copy(
                rows_a, acc.at[pl.ds(s * ZROWS + j * CHUNK, CHUNK)])
        i_wait(0, 0)
        g_start(0, 0)
        plsc.subcore_barrier()

        def step(ch, j, refill, swait):
            g_wait(j, j)
            if swait:
                s_wait(j + 3, j + 1)
            i_wait(ch + 1, j + 1)
            g_start(j + 1, j + 1)
            s_start(j, j)
            if refill:
                i_start(ch + 3, j + 3)

        step(0, 0, False, False)

        @pl.loop(1, CPTF - 5, step=NSLOT)
        def _(cb):
            for t in range(NSLOT):
                step(cb + t, 1 + t, True, True)

        step(CPTF - 5, CPTF - 5, True, True)
        step(CPTF - 4, CPTF - 4, True, True)
        step(CPTF - 3, CPTF - 3, False, True)
        step(CPTF - 2, CPTF - 2, False, True)
        g_wait(CPTF - 1, CPTF - 1)
        s_wait(CPTF + 2, CPTF)
        s_start(CPTF - 1, CPTF - 1)
        s_wait(CPTF - 1, CPTF - 1)

        @pl.when(w < XTRA)
        def _():
            sv, dv, sem = slots[0]
            pltpu.async_copy(
                ei_hbm.at[0, pl.ds(base + CPTF * CHUNK, CHUNK)], sv, sem)
            pltpu.async_copy(
                ei_hbm.at[1, pl.ds(base + CPTF * CHUNK, CHUNK)], dv, sem)
            pltpu.make_async_copy(
                ei_hbm.at[0, pl.ds(base + CPTF * CHUNK, CHUNK)], sv,
                sem).wait()
            pltpu.make_async_copy(
                ei_hbm.at[1, pl.ds(base + CPTF * CHUNK, CHUNK)], dv,
                sem).wait()
            pltpu.sync_copy(g_hbm.at[sv], rows_a)
            pltpu.sync_copy(rows_a, acc.at[dv], add=True)

        plsc.subcore_barrier()
        pltpu.sync_copy(acc.at[pl.ds(s * DRAIN, DRAIN)],
                        out_hbm.at[c, pl.ds(s * DRAIN, DRAIN)])

    return k(g, ei)


def _dinv(d_ref):
    deg = jnp.sum(d_ref[...], axis=0) + 1.0
    return lax.rsqrt(deg)


def _tc_matmul(x, W1):
    def body(x_ref, w_ref, h_ref):
        h_ref[...] = jnp.dot(x_ref[...], w_ref[...],
                             preferred_element_type=jnp.float32,
                             precision=lax.Precision.HIGHEST)

    return pl.pallas_call(
        body,
        grid=(GRID,),
        in_specs=[pl.BlockSpec((RB, D), lambda i: (i, 0)),
                  pl.BlockSpec((D, D), lambda i: (0, 0))],
        out_specs=pl.BlockSpec((RB, D), lambda i: (i, 0)),
        out_shape=jax.ShapeDtypeStruct((N, D), jnp.float32),
    )(x, W1)


def _tc_scale(h, degp):
    def body(h_ref, d_ref, g_ref):
        g_ref[...] = _dinv(d_ref) * h_ref[...]

    return pl.pallas_call(
        body,
        grid=(GRID,),
        in_specs=[pl.BlockSpec((RB, D), lambda i: (i, 0)),
                  pl.BlockSpec((NC, RB, 1), lambda i: (0, i, 0))],
        out_specs=pl.BlockSpec((RB, D), lambda i: (i, 0)),
        out_shape=jax.ShapeDtypeStruct((N, D), jnp.float32),
    )(h, degp)


def _tc_mid(P, g, degp, b, W):
    def body(p_ref, g_ref, d_ref, b_ref, w_ref, o_ref):
        dinv = _dinv(d_ref)
        ssum = p_ref[0] + p_ref[1] + g_ref[...]
        h = jax.nn.relu(dinv * ssum + b_ref[...])
        o_ref[...] = dinv * jnp.dot(h, w_ref[...],
                                    preferred_element_type=jnp.float32,
                                    precision=lax.Precision.HIGHEST)

    return pl.pallas_call(
        body,
        grid=(GRID,),
        in_specs=[pl.BlockSpec((NC, RB, D), lambda i: (0, i, 0)),
                  pl.BlockSpec((RB, D), lambda i: (i, 0)),
                  pl.BlockSpec((NC, RB, 1), lambda i: (0, i, 0)),
                  pl.BlockSpec((1, D), lambda i: (0, 0)),
                  pl.BlockSpec((D, D), lambda i: (0, 0))],
        out_specs=pl.BlockSpec((RB, D), lambda i: (i, 0)),
        out_shape=jax.ShapeDtypeStruct((N, D), jnp.float32),
    )(P, g, degp, b, W)


def _tc_last(P, g, degp, b):
    def body(p_ref, g_ref, d_ref, b_ref, o_ref):
        dinv = _dinv(d_ref)
        ssum = p_ref[0] + p_ref[1] + g_ref[...]
        o_ref[...] = jax.nn.relu(dinv * ssum + b_ref[...])

    return pl.pallas_call(
        body,
        grid=(GRID,),
        in_specs=[pl.BlockSpec((NC, RB, D), lambda i: (0, i, 0)),
                  pl.BlockSpec((RB, D), lambda i: (i, 0)),
                  pl.BlockSpec((NC, RB, 1), lambda i: (0, i, 0)),
                  pl.BlockSpec((1, D), lambda i: (0, 0))],
        out_specs=pl.BlockSpec((RB, D), lambda i: (i, 0)),
        out_shape=jax.ShapeDtypeStruct((N, D), jnp.float32),
    )(P, g, degp, b)


def kernel(x, edge_index, W1, b1, W2, b2):
    ei = edge_index.astype(jnp.int32)

    degp3 = _sc_degree(ei).reshape(NC, NDEG, 1)
    b1r = b1.reshape(1, D)
    b2r = b2.reshape(1, D)

    g1 = _tc_scale(_tc_matmul(x, W1), degp3)
    P1 = _sc_propagate(g1, ei)
    g2 = _tc_mid(P1, g1, degp3, b1r, W2)
    P2 = _sc_propagate(g2, ei)
    return _tc_last(P2, g2, degp3, b2r)

# --- scband reference (transcript-rebuilt; emitter-appended) ---
"""Pipeline reference for scband-gnn-34986803593596 (READ-ONLY COPY).

The authoritative reference and input builder live on the scoring server;
editing this copy changes nothing except your own understanding.
"""

import jax, jax.numpy as jnp
import numpy as np

N_NODES = 10000
N_EDGES = 320000
D = 128


def gcn_layer(x, edge_index, W, b, num_nodes):
    # GCNConv with default add_self_loops=True, symmetric normalization
    src = edge_index[0]
    dst = edge_index[1]
    loop = jnp.arange(num_nodes, dtype=src.dtype)
    src = jnp.concatenate([src, loop], axis=0)
    dst = jnp.concatenate([dst, loop], axis=0)
    ones = jnp.ones(src.shape[0], dtype=x.dtype)
    deg = jax.ops.segment_sum(ones, dst, num_segments=num_nodes)
    deg_inv_sqrt = jnp.where(deg > 0, deg ** -0.5, 0.0)
    norm = deg_inv_sqrt[src] * deg_inv_sqrt[dst]
    h = x @ W  # linear transform
    msg = h[src] * norm[:, None]
    out = jax.ops.segment_sum(msg, dst, num_segments=num_nodes)
    return out + b


def setup_inputs(seed: int = 0) -> dict:
    key = jax.random.key(seed)
    k1, k2, k3, k4, k5 = jax.random.split(key, 5)
    x = jax.random.normal(k1, (N_NODES, D), dtype=jnp.float32)
    edge_index = jax.random.randint(k2, (2, N_EDGES), 0, N_NODES, dtype=jnp.int64)
    scale = 1.0 / np.sqrt(D)
    W1 = jax.random.uniform(k3, (D, D), dtype=jnp.float32, minval=-scale, maxval=scale)
    b1 = jnp.zeros((D,), dtype=jnp.float32)
    W2 = jax.random.uniform(k4, (D, D), dtype=jnp.float32, minval=-scale, maxval=scale)
    b2 = jnp.zeros((D,), dtype=jnp.float32)
    return {"x": x, "edge_index": edge_index, "W1": W1, "b1": b1, "W2": W2, "b2": b2}


def reference(x, edge_index, W1, b1, W2, b2):
    h = gcn_layer(x, edge_index, W1, b1, N_NODES)
    h = jax.nn.relu(h)
    h = gcn_layer(h, edge_index, W2, b2, N_NODES)
    h = jax.nn.relu(h)
    return h

if __name__ == "__main__":
    import jax
    _d = setup_inputs()
    print(jax.jit(kernel)(*tuple(_d.values())))

</pallas_src>

<mosaic_0001>
#map = affine_map<(d0, d1) -> (0, 0)>
#map1 = affine_map<(d0, d1) -> (0, 0, 0)>
module attributes {stable_mosaic.version = 14 : i64} {
  func.func @k(%arg0: i32, %arg1: i32, %arg2: memref<10000x128xf32, #tpu.memory_space<hbm>>, %arg3: memref<2x320000xi32, #tpu.memory_space<hbm>>, %arg4: memref<2x10240x128xf32, #tpu.memory_space<hbm>>, %arg5: memref<128x128xf32, #tpu.memory_space<vmem>>, %arg6: memref<128x128xf32, #tpu.memory_space<vmem>>, %arg7: memref<10240x128xf32, #tpu.memory_space<vmem_shared>>, %arg8: memref<!tpu.dma_semaphore, #tpu.memory_space<semaphore_mem>>, %arg9: memref<!tpu.dma_semaphore, #tpu.memory_space<semaphore_mem>>, %arg10: memref<!tpu.dma_semaphore, #tpu.memory_space<semaphore_mem>>, %arg11: memref<!tpu.dma_semaphore, #tpu.memory_space<semaphore_mem>>, %arg12: memref<128xi32, #tpu.memory_space<vmem>>, %arg13: memref<128xi32, #tpu.memory_space<vmem>>, %arg14: memref<!tpu.dma_semaphore, #tpu.memory_space<semaphore_mem>>, %arg15: memref<128xi32, #tpu.memory_space<vmem>>, %arg16: memref<128xi32, #tpu.memory_space<vmem>>, %arg17: memref<!tpu.dma_semaphore, #tpu.memory_space<semaphore_mem>>, %arg18: memref<128xi32, #tpu.memory_space<vmem>>, %arg19: memref<128xi32, #tpu.memory_space<vmem>>, %arg20: memref<!tpu.dma_semaphore, #tpu.memory_space<semaphore_mem>>, %arg21: memref<128xi32, #tpu.memory_space<vmem>>, %arg22: memref<128xi32, #tpu.memory_space<vmem>>, %arg23: memref<!tpu.dma_semaphore, #tpu.memory_space<semaphore_mem>>) attributes {dimension_semantics = [#tpu.dimension_semantics<core_parallel>, #tpu.dimension_semantics<subcore_parallel>], iteration_bounds = array<i64: 2, 16>, scalar_prefetch = 0 : i64, scratch_operands = 19 : i64, tpu.core_type = #tpu.core_type<sc_vector_subcore>, window_params = [{transform_indices = #map}, {transform_indices = #map}, {transform_indices = #map1}]} {
    %mul3A = arith.constant 16 : i32
    %mul3A_0 = arith.muli %arg0, %mul3A : i32
    %add3A = arith.addi %mul3A_0, %arg1 : i32
    %mul3A_1 = arith.constant 78 : i32
    %mul3A_2 = arith.muli %add3A, %mul3A_1 : i32
    %min3A = arith.constant 4 : i32
    %min3A_3 = arith.minsi %add3A, %min3A : i32
    %add3A_4 = arith.addi %mul3A_2, %min3A_3 : i32
    %mul3A_5 = arith.constant 128 : i32
    %mul3A_6 = arith.muli %add3A_4, %mul3A_5 : i32
    %add3A_7 = arith.constant 0 : i32
    %add3A_8 = arith.addi %mul3A_6, %add3A_7 : i32
    %dma_start3A = arith.constant 0 : i32
    %dma_start3A_9 = tpu.memref_slice %arg3[%dma_start3A, %add3A_8] : memref<2x320000xi32, #tpu.memory_space<hbm>> -> memref<1x128xi32, #tpu.memory_space<hbm>>
    %dma_start3A_10 = tpu.memref_squeeze %dma_start3A_9 : memref<1x128xi32, #tpu.memory_space<hbm>> -> memref<128xi32, #tpu.memory_space<hbm>>
    %dma_start3A_11 = tpu.memref_slice %arg3[%dma_start3A, %add3A_8] : memref<2x320000xi32, #tpu.memory_space<hbm>> -> memref<1x128xi32, #tpu.memory_space<hbm>>
    %dma_start3A_12 = tpu.memref_squeeze %dma_start3A_11 : memref<1x128xi32, #tpu.memory_space<hbm>> -> memref<128xi32, #tpu.memory_space<hbm>>
    tpu.enqueue_dma source(%dma_start3A_12 : memref<128xi32, #tpu.memory_space<hbm>>) target(%arg12 : memref<128xi32, #tpu.memory_space<vmem>>) target_semaphore(%arg14 : memref<!tpu.dma_semaphore, #tpu.memory_space<semaphore_mem>>)
    %add3A_13 = arith.constant 0 : i32
    %add3A_14 = arith.addi %mul3A_6, %add3A_13 : i32
    %dma_start3A_15 = arith.constant 1 : i32
    %dma_start3A_16 = tpu.memref_slice %arg3[%dma_start3A_15, %add3A_14] : memref<2x320000xi32, #tpu.memory_space<hbm>> -> memref<1x128xi32, #tpu.memory_space<hbm>>
    %dma_start3A_17 = tpu.memref_squeeze %dma_start3A_16 : memref<1x128xi32, #tpu.memory_space<hbm>> -> memref<128xi32, #tpu.memory_space<hbm>>
    %dma_start3A_18 = tpu.memref_slice %arg3[%dma_start3A_15, %add3A_14] : memref<2x320000xi32, #tpu.memory_space<hbm>> -> memref<1x128xi32, #tpu.memory_space<hbm>>
    %dma_start3A_19 = tpu.memref_squeeze %dma_start3A_18 : memref<1x128xi32, #tpu.memory_space<hbm>> -> memref<128xi32, #tpu.memory_space<hbm>>
    tpu.enqueue_dma source(%dma_start3A_19 : memref<128xi32, #tpu.memory_space<hbm>>) target(%arg13 : memref<128xi32, #tpu.memory_space<vmem>>) target_semaphore(%arg14 : memref<!tpu.dma_semaphore, #tpu.memory_space<semaphore_mem>>)
    %add3A_20 = arith.constant 128 : i32
    %add3A_21 = arith.addi %mul3A_6, %add3A_20 : i32
    %dma_start3A_22 = arith.constant 0 : i32
    %dma_start3A_23 = tpu.memref_slice %arg3[%dma_start3A_22, %add3A_21] : memref<2x320000xi32, #tpu.memory_space<hbm>> -> memref<1x128xi32, #tpu.memory_space<hbm>>
    %dma_start3A_24 = tpu.memref_squeeze %dma_start3A_23 : memref<1x128xi32, #tpu.memory_space<hbm>> -> memref<128xi32, #tpu.memory_space<hbm>>
    %dma_start3A_25 = tpu.memref_slice %arg3[%dma_start3A_22, %add3A_21] : memref<2x320000xi32, #tpu.memory_space<hbm>> -> memref<1x128xi32, #tpu.memory_space<hbm>>
    %dma_start3A_26 = tpu.memref_squeeze %dma_start3A_25 : memref<1x128xi32, #tpu.memory_space<hbm>> -> memref<128xi32, #tpu.memory_space<hbm>>
    tpu.enqueue_dma source(%dma_start3A_26 : memref<128xi32, #tpu.memory_space<hbm>>) target(%arg15 : memref<128xi32, #tpu.memory_space<vmem>>) target_semaphore(%arg17 : memref<!tpu.dma_semaphore, #tpu.memory_space<semaphore_mem>>)
    %add3A_27 = arith.constant 128 : i32
    %add3A_28 = arith.addi %mul3A_6, %add3A_27 : i32
    %dma_start3A_29 = arith.constant 1 : i32
    %dma_start3A_30 = tpu.memref_slice %arg3[%dma_start3A_29, %add3A_28] : memref<2x320000xi32, #tpu.memory_space<hbm>> -> memref<1x128xi32, #tpu.memory_space<hbm>>
    %dma_start3A_31 = tpu.memref_squeeze %dma_start3A_30 : memref<1x128xi32, #tpu.memory_space<hbm>> -> memref<128xi32, #tpu.memory_space<hbm>>
    %dma_start3A_32 = tpu.memref_slice %arg3[%dma_start3A_29, %add3A_28] : memref<2x320000xi32, #tpu.memory_space<hbm>> -> memref<1x128xi32, #tpu.memory_space<hbm>>
    %dma_start3A_33 = tpu.memref_squeeze %dma_start3A_32 : memref<1x128xi32, #tpu.memory_space<hbm>> -> memref<128xi32, #tpu.memory_space<hbm>>
    tpu.enqueue_dma source(%dma_start3A_33 : memref<128xi32, #tpu.memory_space<hbm>>) target(%arg16 : memref<128xi32, #tpu.memory_space<vmem>>) target_semaphore(%arg17 : memref<!tpu.dma_semaphore, #tpu.memory_space<semaphore_mem>>)
    %add3A_34 = arith.constant 256 : i32
    %add3A_35 = arith.addi %mul3A_6, %add3A_34 : i32
    %dma_start3A_36 = arith.constant 0 : i32
    %dma_start3A_37 = tpu.memref_slice %arg3[%dma_start3A_36, %add3A_35] : memref<2x320000xi32, #tpu.memory_space<hbm>> -> memref<1x128xi32, #tpu.memory_space<hbm>>
    %dma_start3A_38 = tpu.memref_squeeze %dma_start3A_37 : memref<1x128xi32, #tpu.memory_space<hbm>> -> memref<128xi32, #tpu.memory_space<hbm>>
    %dma_start3A_39 = tpu.memref_slice %arg3[%dma_start3A_36, %add3A_35] : memref<2x320000xi32, #tpu.memory_space<hbm>> -> memref<1x128xi32, #tpu.memory_space<hbm>>
    %dma_start3A_40 = tpu.memref_squeeze %dma_start3A_39 : memref<1x128xi32, #tpu.memory_space<hbm>> -> memref<128xi32, #tpu.memory_space<hbm>>
    tpu.enqueue_dma source(%dma_start3A_40 : memref<128xi32, #tpu.memory_space<hbm>>) target(%arg18 : memref<128xi32, #tpu.memory_space<vmem>>) target_semaphore(%arg20 : memref<!tpu.dma_semaphore, #tpu.memory_space<semaphore_mem>>)
    %add3A_41 = arith.constant 256 : i32
    %add3A_42 = arith.addi %mul3A_6, %add3A_41 : i32
    %dma_start3A_43 = arith.constant 1 : i32
    %dma_start3A_44 = tpu.memref_slice %arg3[%dma_start3A_43, %add3A_42] : memref<2x320000xi32, #tpu.memory_space<hbm>> -> memref<1x128xi32, #tpu.memory_space<hbm>>
    %dma_start3A_45 = tpu.memref_squeeze %dma_start3A_44 : memref<1x128xi32, #tpu.memory_space<hbm>> -> memref<128xi32, #tpu.memory_space<hbm>>
    %dma_start3A_46 = tpu.memref_slice %arg3[%dma_start3A_43, %add3A_42] : memref<2x320000xi32, #tpu.memory_space<hbm>> -> memref<1x128xi32, #tpu.memory_space<hbm>>
    %dma_start3A_47 = tpu.memref_squeeze %dma_start3A_46 : memref<1x128xi32, #tpu.memory_space<hbm>> -> memref<128xi32, #tpu.memory_space<hbm>>
    tpu.enqueue_dma source(%dma_start3A_47 : memref<128xi32, #tpu.memory_space<hbm>>) target(%arg19 : memref<128xi32, #tpu.memory_space<vmem>>) target_semaphore(%arg20 : memref<!tpu.dma_semaphore, #tpu.memory_space<semaphore_mem>>)
    %add3A_48 = arith.constant 384 : i32
    %add3A_49 = arith.addi %mul3A_6, %add3A_48 : i32
    %dma_start3A_50 = arith.constant 0 : i32
    %dma_start3A_51 = tpu.memref_slice %arg3[%dma_start3A_50, %add3A_49] : memref<2x320000xi32, #tpu.memory_space<hbm>> -> memref<1x128xi32, #tpu.memory_space<hbm>>
    %dma_start3A_52 = tpu.memref_squeeze %dma_start3A_51 : memref<1x128xi32, #tpu.memory_space<hbm>> -> memref<128xi32, #tpu.memory_space<hbm>>
    %dma_start3A_53 = tpu.memref_slice %arg3[%dma_start3A_50, %add3A_49] : memref<2x320000xi32, #tpu.memory_space<hbm>> -> memref<1x128xi32, #tpu.memory_space<hbm>>
    %dma_start3A_54 = tpu.memref_squeeze %dma_start3A_53 : memref<1x128xi32, #tpu.memory_space<hbm>> -> memref<128xi32, #tpu.memory_space<hbm>>
    tpu.enqueue_dma source(%dma_start3A_54 : memref<128xi32, #tpu.memory_space<hbm>>) target(%arg21 : memref<128xi32, #tpu.memory_space<vmem>>) target_semaphore(%arg23 : memref<!tpu.dma_semaphore, #tpu.memory_space<semaphore_mem>>)
    %add3A_55 = arith.constant 384 : i32
    %add3A_56 = arith.addi %mul3A_6, %add3A_55 : i32
    %dma_start3A_57 = arith.constant 1 : i32
    %dma_start3A_58 = tpu.memref_slice %arg3[%dma_start3A_57, %add3A_56] : memref<2x320000xi32, #tpu.memory_space<hbm>> -> memref<1x128xi32, #tpu.memory_space<hbm>>
    %dma_start3A_59 = tpu.memref_squeeze %dma_start3A_58 : memref<1x128xi32, #tpu.memory_space<hbm>> -> memref<128xi32, #tpu.memory_space<hbm>>
    %dma_start3A_60 = tpu.memref_slice %arg3[%dma_start3A_57, %add3A_56] : memref<2x320000xi32, #tpu.memory_space<hbm>> -> memref<1x128xi32, #tpu.memory_space<hbm>>
    %dma_start3A_61 = tpu.memref_squeeze %dma_start3A_60 : memref<1x128xi32, #tpu.memory_space<hbm>> -> memref<128xi32, #tpu.memory_space<hbm>>
    tpu.enqueue_dma source(%dma_start3A_61 : memref<128xi32, #tpu.memory_space<hbm>>) target(%arg22 : memref<128xi32, #tpu.memory_space<vmem>>) target_semaphore(%arg23 : memref<!tpu.dma_semaphore, #tpu.memory_space<semaphore_mem>>)
    %broadcast_in_dim3A = arith.constant 0.000000e+00 : f32
    %broadcast_in_dim3A_62 = vector.broadcast %broadcast_in_dim3A : f32 to vector<16xf32>
    %scan3A = arith.constant 0 : i32
    %scan3A_63 = arith.constant 128 : i32
    %scan3A_64 = arith.addi %scan3A, %scan3A_63 : i32
    %scan3A_65 = arith.constant 1 : i32
    scf.for %scan3A_282 = %scan3A to %scan3A_64 step %scan3A_65  : i32 {
      %mul3A_283 = arith.constant 1 : i32
      %mul3A_284 = arith.muli %scan3A_282, %mul3A_283 : i32
      %add3A_285 = arith.constant 0 : i32
      %add3A_286 = arith.addi %add3A_285, %mul3A_284 : i32
      %swap3A = arith.index_cast %add3A_286 : i32 to index
      %swap3A_287 = arith.constant 0 : index
      %swap3A_288 = tpu.vector_load %arg5[%swap3A, %swap3A_287] {strides = array<i32>} : memref<128x128xf32, #tpu.memory_space<vmem>>, vector<1x16xf32>,
      %swap3A_289 = vector.shape_cast %swap3A_288 : vector<1x16xf32> to vector<16xf32>
      %swap3A_290 = vector.shape_cast %broadcast_in_dim3A_62 : vector<16xf32> to vector<1x16xf32>
      tpu.vector_store %arg5[%swap3A, %swap3A_287], %swap3A_290 {strides = array<i32>} : memref<128x128xf32, #tpu.memory_space<vmem>>, vector<1x16xf32>,
      %swap3A_291 = arith.index_cast %add3A_286 : i32 to index
      %swap3A_292 = arith.constant 16 : index
      %swap3A_293 = tpu.vector_load %arg5[%swap3A_291, %swap3A_292] {strides = array<i32>} : memref<128x128xf32, #tpu.memory_space<vmem>>, vector<1x16xf32>,
      %swap3A_294 = vector.shape_cast %swap3A_293 : vector<1x16xf32> to vector<16xf32>
      %swap3A_295 = vector.shape_cast %broadcast_in_dim3A_62 : vector<16xf32> to vector<1x16xf32>
      tpu.vector_store %arg5[%swap3A_291, %swap3A_292], %swap3A_295 {strides = array<i32>} : memref<128x128xf32, #tpu.memory_space<vmem>>, vector<1x16xf32>,
      %swap3A_296 = arith.index_cast %add3A_286 : i32 to index
      %swap3A_297 = arith.constant 32 : index
      %swap3A_298 = tpu.vector_load %arg5[%swap3A_296, %swap3A_297] {strides = array<i32>} : memref<128x128xf32, #tpu.memory_space<vmem>>, vector<1x16xf32>,
      %swap3A_299 = vector.shape_cast %swap3A_298 : vector<1x16xf32> to vector<16xf32>
      %swap3A_300 = vector.shape_cast %broadcast_in_dim3A_62 : vector<16xf32> to vector<1x16xf32>
      tpu.vector_store %arg5[%swap3A_296, %swap3A_297], %swap3A_300 {strides = array<i32>} : memref<128x128xf32, #tpu.memory_space<vmem>>, vector<1x16xf32>,
      %swap3A_301 = arith.index_cast %add3A_286 : i32 to index
      %swap3A_302 = arith.constant 48 : index
      %swap3A_303 = tpu.vector_load %arg5[%swap3A_301, %swap3A_302] {strides = array<i32>} : memref<128x128xf32, #tpu.memory_space<vmem>>, vector<1x16xf32>,
      %swap3A_304 = vector.shape_cast %swap3A_303 : vector<1x16xf32> to vector<16xf32>
      %swap3A_305 = vector.shape_cast %broadcast_in_dim3A_62 : vector<16xf32> to vector<1x16xf32>
      tpu.vector_store %arg5[%swap3A_301, %swap3A_302], %swap3A_305 {strides = array<i32>} : memref<128x128xf32, #tpu.memory_space<vmem>>, vector<1x16xf32>,
      %swap3A_306 = arith.index_cast %add3A_286 : i32 to index
      %swap3A_307 = arith.constant 64 : index
      %swap3A_308 = tpu.vector_load %arg5[%swap3A_306, %swap3A_307] {strides = array<i32>} : memref<128x128xf32, #tpu.memory_space<vmem>>, vector<1x16xf32>,
      %swap3A_309 = vector.shape_cast %swap3A_308 : vector<1x16xf32> to vector<16xf32>
      %swap3A_310 = vector.shape_cast %broadcast_in_dim3A_62 : vector<16xf32> to vector<1x16xf32>
      tpu.vector_store %arg5[%swap3A_306, %swap3A_307], %swap3A_310 {strides = array<i32>} : memref<128x128xf32, #tpu.memory_space<vmem>>, vector<1x16xf32>,
      %swap3A_311 = arith.index_cast %add3A_286 : i32 to index
      %swap3A_312 = arith.constant 80 : index
      %swap3A_313 = tpu.vector_load %arg5[%swap3A_311, %swap3A_312] {strides = array<i32>} : memref<128x128xf32, #tpu.memory_space<vmem>>, vector<1x16xf32>,
      %swap3A_314 = vector.shape_cast %swap3A_313 : vector<1x16xf32> to vector<16xf32>
      %swap3A_315 = vector.shape_cast %broadcast_in_dim3A_62 : vector<16xf32> to vector<1x16xf32>
      tpu.vector_store %arg5[%swap3A_311, %swap3A_312], %swap3A_315 {strides = array<i32>} : memref<128x128xf32, #tpu.memory_space<vmem>>, vector<1x16xf32>,
      %swap3A_316 = arith.index_cast %add3A_286 : i32 to index
      %swap3A_317 = arith.constant 96 : index
      %swap3A_318 = tpu.vector_load %arg5[%swap3A_316, %swap3A_317] {strides = array<i32>} : memref<128x128xf32, #tpu.memory_space<vmem>>, vector<1x16xf32>,
      %swap3A_319 = vector.shape_cast %swap3A_318 : vector<1x16xf32> to vector<16xf32>
      %swap3A_320 = vector.shape_cast %broadcast_in_dim3A_62 : vector<16xf32> to vector<1x16xf32>
      tpu.vector_store %arg5[%swap3A_316, %swap3A_317], %swap3A_320 {strides = array<i32>} : memref<128x128xf32, #tpu.memory_space<vmem>>, vector<1x16xf32>,
      %swap3A_321 = arith.index_cast %add3A_286 : i32 to index
      %swap3A_322 = arith.constant 112 : index
      %swap3A_323 = tpu.vector_load %arg5[%swap3A_321, %swap3A_322] {strides = array<i32>} : memref<128x128xf32, #tpu.memory_space<vmem>>, vector<1x16xf32>,
      %swap3A_324 = vector.shape_cast %swap3A_323 : vector<1x16xf32> to vector<16xf32>
      %swap3A_325 = vector.shape_cast %broadcast_in_dim3A_62 : vector<16xf32> to vector<1x16xf32>
      tpu.vector_store %arg5[%swap3A_321, %swap3A_322], %swap3A_325 {strides = array<i32>} : memref<128x128xf32, #tpu.memory_space<vmem>>, vector<1x16xf32>,
    }
    %scan3A_66 = arith.constant 128 : i32
    %mul3A_67 = arith.constant 640 : i32
    %mul3A_68 = arith.muli %arg1, %mul3A_67 : i32
    %add3A_69 = arith.constant 0 : i32
    %add3A_70 = arith.addi %mul3A_68, %add3A_69 : i32
    "tpu.region"() ({
      %run_scoped3A = tpu.sem_alloc : memref<!tpu.dma_semaphore, #tpu.memory_space<semaphore_mem>>
      %dma_start3A_282 = arith.constant 0 : i32
      %dma_start3A_283 = tpu.memref_slice %arg7[%add3A_70, %dma_start3A_282] : memref<10240x128xf32, #tpu.memory_space<vmem_shared>> -> memref<128x128xf32, #tpu.memory_space<vmem_shared>>
      %dma_start3A_284 = arith.constant 0 : i32
      %dma_start3A_285 = tpu.memref_slice %arg7[%add3A_70, %dma_start3A_284] : memref<10240x128xf32, #tpu.memory_space<vmem_shared>> -> memref<128x128xf32, #tpu.memory_space<vmem_shared>>
      tpu.enqueue_dma source(%arg5 : memref<128x128xf32, #tpu.memory_space<vmem>>) target(%dma_start3A_285 : memref<128x128xf32, #tpu.memory_space<vmem_shared>>) target_semaphore(%run_scoped3A : memref<!tpu.dma_semaphore, #tpu.memory_space<semaphore_mem>>)
      %dma_wait3A_286 = arith.constant 0 : i32
      %dma_wait3A_287 = tpu.memref_slice %arg7[%add3A_70, %dma_wait3A_286] : memref<10240x128xf32, #tpu.memory_space<vmem_shared>> -> memref<128x128xf32, #tpu.memory_space<vmem_shared>>
      %dma_wait3A_288 = arith.constant 0 : i32
      %dma_wait3A_289 = tpu.memref_slice %arg7[%add3A_70, %dma_wait3A_288] : memref<10240x128xf32, #tpu.memory_space<vmem_shared>> -> memref<128x128xf32, #tpu.memory_space<vmem_shared>>
      tpu.wait_dma2 semaphore(%run_scoped3A : memref<!tpu.dma_semaphore, #tpu.memory_space<semaphore_mem>>) src(%arg5 : memref<128x128xf32, #tpu.memory_space<vmem>>) dst(%dma_wait3A_289 : memref<128x128xf32, #tpu.memory_space<vmem_shared>>)
      tpu.yield
    }) : () -> ()
    %mul3A_71 = arith.constant 640 : i32
    %mul3A_72 = arith.muli %arg1, %mul3A_71 : i32
    %add3A_73 = arith.constant 128 : i32
    %add3A_74 = arith.addi %mul3A_72, %add3A_73 : i32
    "tpu.region"() ({
      %run_scoped3A = tpu.sem_alloc : memref<!tpu.dma_semaphore, #tpu.memory_space<semaphore_mem>>
      %dma_start3A_282 = arith.constant 0 : i32
      %dma_start3A_283 = tpu.memref_slice %arg7[%add3A_74, %dma_start3A_282] : memref<10240x128xf32, #tpu.memory_space<vmem_shared>> -> memref<128x128xf32, #tpu.memory_space<vmem_shared>>
      %dma_start3A_284 = arith.constant 0 : i32
      %dma_start3A_285 = tpu.memref_slice %arg7[%add3A_74, %dma_start3A_284] : memref<10240x128xf32, #tpu.memory_space<vmem_shared>> -> memref<128x128xf32, #tpu.memory_space<vmem_shared>>
      tpu.enqueue_dma source(%arg5 : memref<128x128xf32, #tpu.memory_space<vmem>>) target(%dma_start3A_285 : memref<128x128xf32, #tpu.memory_space<vmem_shared>>) target_semaphore(%run_scoped3A : memref<!tpu.dma_semaphore, #tpu.memory_space<semaphore_mem>>)
      %dma_wait3A_286 = arith.constant 0 : i32
      %dma_wait3A_287 = tpu.memref_slice %arg7[%add3A_74, %dma_wait3A_286] : memref<10240x128xf32, #tpu.memory_space<vmem_shared>> -> memref<128x128xf32, #tpu.memory_space<vmem_shared>>
      %dma_wait3A_288 = arith.constant 0 : i32
      %dma_wait3A_289 = tpu.memref_slice %arg7[%add3A_74, %dma_wait3A_288] : memref<10240x128xf32, #tpu.memory_space<vmem_shared>> -> memref<128x128xf32, #tpu.memory_space<vmem_shared>>
      tpu.wait_dma2 semaphore(%run_scoped3A : memref<!tpu.dma_semaphore, #tpu.memory_space<semaphore_mem>>) src(%arg5 : memref<128x128xf32, #tpu.memory_space<vmem>>) dst(%dma_wait3A_289 : memref<128x128xf32, #tpu.memory_space<vmem_shared>>)
      tpu.yield
    }) : () -> ()
    %mul3A_75 = arith.constant 640 : i32
    %mul3A_76 = arith.muli %arg1, %mul3A_75 : i32
    %add3A_77 = arith.constant 256 : i32
    %add3A_78 = arith.addi %mul3A_76, %add3A_77 : i32
    "tpu.region"() ({
      %run_scoped3A = tpu.sem_alloc : memref<!tpu.dma_semaphore, #tpu.memory_space<semaphore_mem>>
      %dma_start3A_282 = arith.constant 0 : i32
      %dma_start3A_283 = tpu.memref_slice %arg7[%add3A_78, %dma_start3A_282] : memref<10240x128xf32, #tpu.memory_space<vmem_shared>> -> memref<128x128xf32, #tpu.memory_space<vmem_shared>>
      %dma_start3A_284 = arith.constant 0 : i32
      %dma_start3A_285 = tpu.memref_slice %arg7[%add3A_78, %dma_start3A_284] : memref<10240x128xf32, #tpu.memory_space<vmem_shared>> -> memref<128x128xf32, #tpu.memory_space<vmem_shared>>
      tpu.enqueue_dma source(%arg5 : memref<128x128xf32, #tpu.memory_space<vmem>>) target(%dma_start3A_285 : memref<128x128xf32, #tpu.memory_space<vmem_shared>>) target_semaphore(%run_scoped3A : memref<!tpu.dma_semaphore, #tpu.memory_space<semaphore_mem>>)
      %dma_wait3A_286 = arith.constant 0 : i32
      %dma_wait3A_287 = tpu.memref_slice %arg7[%add3A_78, %dma_wait3A_286] : memref<10240x128xf32, #tpu.memory_space<vmem_shared>> -> memref<128x128xf32, #tpu.memory_space<vmem_shared>>
      %dma_wait3A_288 = arith.constant 0 : i32
      %dma_wait3A_289 = tpu.memref_slice %arg7[%add3A_78, %dma_wait3A_288] : memref<10240x128xf32, #tpu.memory_space<vmem_shared>> -> memref<128x128xf32, #tpu.memory_space<vmem_shared>>
      tpu.wait_dma2 semaphore(%run_scoped3A : memref<!tpu.dma_semaphore, #tpu.memory_space<semaphore_mem>>) src(%arg5 : memref<128x128xf32, #tpu.memory_space<vmem>>) dst(%dma_wait3A_289 : memref<128x128xf32, #tpu.memory_space<vmem_shared>>)
      tpu.yield
    }) : () -> ()
    %mul3A_79 = arith.constant 640 : i32
    %mul3A_80 = arith.muli %arg1, %mul3A_79 : i32
    %add3A_81 = arith.constant 384 : i32
    %add3A_82 = arith.addi %mul3A_80, %add3A_81 : i32
    "tpu.region"() ({
      %run_scoped3A = tpu.sem_alloc : memref<!tpu.dma_semaphore, #tpu.memory_space<semaphore_mem>>
      %dma_start3A_282 = arith.constant 0 : i32
      %dma_start3A_283 = tpu.memref_slice %arg7[%add3A_82, %dma_start3A_282] : memref<10240x128xf32, #tpu.memory_space<vmem_shared>> -> memref<128x128xf32, #tpu.memory_space<vmem_shared>>
      %dma_start3A_284 = arith.constant 0 : i32
      %dma_start3A_285 = tpu.memref_slice %arg7[%add3A_82, %dma_start3A_284] : memref<10240x128xf32, #tpu.memory_space<vmem_shared>> -> memref<128x128xf32, #tpu.memory_space<vmem_shared>>
      tpu.enqueue_dma source(%arg5 : memref<128x128xf32, #tpu.memory_space<vmem>>) target(%dma_start3A_285 : memref<128x128xf32, #tpu.memory_space<vmem_shared>>) target_semaphore(%run_scoped3A : memref<!tpu.dma_semaphore, #tpu.memory_space<semaphore_mem>>)
      %dma_wait3A_286 = arith.constant 0 : i32
      %dma_wait3A_287 = tpu.memref_slice %arg7[%add3A_82, %dma_wait3A_286] : memref<10240x128xf32, #tpu.memory_space<vmem_shared>> -> memref<128x128xf32, #tpu.memory_space<vmem_shared>>
      %dma_wait3A_288 = arith.constant 0 : i32
      %dma_wait3A_289 = tpu.memref_slice %arg7[%add3A_82, %dma_wait3A_288] : memref<10240x128xf32, #tpu.memory_space<vmem_shared>> -> memref<128x128xf32, #tpu.memory_space<vmem_shared>>
      tpu.wait_dma2 semaphore(%run_scoped3A : memref<!tpu.dma_semaphore, #tpu.memory_space<semaphore_mem>>) src(%arg5 : memref<128x128xf32, #tpu.memory_space<vmem>>) dst(%dma_wait3A_289 : memref<128x128xf32, #tpu.memory_space<vmem_shared>>)
      tpu.yield
    }) : () -> ()
    %mul3A_83 = arith.constant 640 : i32
    %mul3A_84 = arith.muli %arg1, %mul3A_83 : i32
    %add3A_85 = arith.constant 512 : i32
    %add3A_86 = arith.addi %mul3A_84, %add3A_85 : i32
    "tpu.region"() ({
      %run_scoped3A = tpu.sem_alloc : memref<!tpu.dma_semaphore, #tpu.memory_space<semaphore_mem>>
      %dma_start3A_282 = arith.constant 0 : i32
      %dma_start3A_283 = tpu.memref_slice %arg7[%add3A_86, %dma_start3A_282] : memref<10240x128xf32, #tpu.memory_space<vmem_shared>> -> memref<128x128xf32, #tpu.memory_space<vmem_shared>>
      %dma_start3A_284 = arith.constant 0 : i32
      %dma_start3A_285 = tpu.memref_slice %arg7[%add3A_86, %dma_start3A_284] : memref<10240x128xf32, #tpu.memory_space<vmem_shared>> -> memref<128x128xf32, #tpu.memory_space<vmem_shared>>
      tpu.enqueue_dma source(%arg5 : memref<128x128xf32, #tpu.memory_space<vmem>>) target(%dma_start3A_285 : memref<128x128xf32, #tpu.memory_space<vmem_shared>>) target_semaphore(%run_scoped3A : memref<!tpu.dma_semaphore, #tpu.memory_space<semaphore_mem>>)
      %dma_wait3A_286 = arith.constant 0 : i32
      %dma_wait3A_287 = tpu.memref_slice %arg7[%add3A_86, %dma_wait3A_286] : memref<10240x128xf32, #tpu.memory_space<vmem_shared>> -> memref<128x128xf32, #tpu.memory_space<vmem_shared>>
      %dma_wait3A_288 = arith.constant 0 : i32
      %dma_wait3A_289 = tpu.memref_slice %arg7[%add3A_86, %dma_wait3A_288] : memref<10240x128xf32, #tpu.memory_space<vmem_shared>> -> memref<128x128xf32, #tpu.memory_space<vmem_shared>>
      tpu.wait_dma2 semaphore(%run_scoped3A : memref<!tpu.dma_semaphore, #tpu.memory_space<semaphore_mem>>) src(%arg5 : memref<128x128xf32, #tpu.memory_space<vmem>>) dst(%dma_wait3A_289 : memref<128x128xf32, #tpu.memory_space<vmem_shared>>)
      tpu.yield
    }) : () -> ()
    %add3A_87 = arith.constant 0 : i32
    %add3A_88 = arith.addi %mul3A_6, %add3A_87 : i32
    %dma_wait3A = arith.constant 0 : i32
    %dma_wait3A_89 = tpu.memref_slice %arg3[%dma_wait3A, %add3A_88] : memref<2x320000xi32, #tpu.memory_space<hbm>> -> memref<1x128xi32, #tpu.memory_space<hbm>>
    %dma_wait3A_90 = tpu.memref_squeeze %dma_wait3A_89 : memref<1x128xi32, #tpu.memory_space<hbm>> -> memref<128xi32, #tpu.memory_space<hbm>>
    %dma_wait3A_91 = tpu.memref_slice %arg3[%dma_wait3A, %add3A_88] : memref<2x320000xi32, #tpu.memory_space<hbm>> -> memref<1x128xi32, #tpu.memory_space<hbm>>
    %dma_wait3A_92 = tpu.memref_squeeze %dma_wait3A_91 : memref<1x128xi32, #tpu.memory_space<hbm>> -> memref<128xi32, #tpu.memory_space<hbm>>
    tpu.wait_dma2 semaphore(%arg14 : memref<!tpu.dma_semaphore, #tpu.memory_space<semaphore_mem>>) src(%dma_wait3A_92 : memref<128xi32, #tpu.memory_space<hbm>>) dst(%arg12 : memref<128xi32, #tpu.memory_space<vmem>>)
    %add3A_93 = arith.constant 0 : i32
    %add3A_94 = arith.addi %mul3A_6, %add3A_93 : i32
    %dma_wait3A_95 = arith.constant 1 : i32
    %dma_wait3A_96 = tpu.memref_slice %arg3[%dma_wait3A_95, %add3A_94] : memref<2x320000xi32, #tpu.memory_space<hbm>> -> memref<1x128xi32, #tpu.memory_space<hbm>>
    %dma_wait3A_97 = tpu.memref_squeeze %dma_wait3A_96 : memref<1x128xi32, #tpu.memory_space<hbm>> -> memref<128xi32, #tpu.memory_space<hbm>>
    %dma_wait3A_98 = tpu.memref_slice %arg3[%dma_wait3A_95, %add3A_94] : memref<2x320000xi32, #tpu.memory_space<hbm>> -> memref<1x128xi32, #tpu.memory_space<hbm>>
    %dma_wait3A_99 = tpu.memref_squeeze %dma_wait3A_98 : memref<1x128xi32, #tpu.memory_space<hbm>> -> memref<128xi32, #tpu.memory_space<hbm>>
    tpu.wait_dma2 semaphore(%arg14 : memref<!tpu.dma_semaphore, #tpu.memory_space<semaphore_mem>>) src(%dma_wait3A_99 : memref<128xi32, #tpu.memory_space<hbm>>) dst(%arg13 : memref<128xi32, #tpu.memory_space<vmem>>)
    %dma_start3A_100 = arith.constant 0 : i32
    %dma_start3A_101 = arith.constant 0 : i32
    %dma_start3A_102 = tpu.memref_slice %arg2[%dma_start3A_100, %dma_start3A_101] : memref<10000x128xf32, #tpu.memory_space<hbm>> -> memref<10000x128xf32, #tpu.memory_space<hbm>>
    tpu.enqueue_indirect_dma source(%dma_start3A_102 : memref<10000x128xf32, #tpu.memory_space<hbm>>) target(%arg5 : memref<128x128xf32, #tpu.memory_space<vmem>>) offsets(%arg12 : memref<128xi32, #tpu.memory_space<vmem>>) semaphore(%arg8 : memref<!tpu.dma_semaphore, #tpu.memory_space<semaphore_mem>>)
    %barrier3A = arith.constant 0 : index
    tpu.barrier barrier_id(%barrier3A)
    %dma_wait3A_103 = arith.constant 0 : i32
    %dma_wait3A_104 = arith.constant 0 : i32
    %dma_wait3A_105 = tpu.memref_slice %arg2[%dma_wait3A_103, %dma_wait3A_104] : memref<10000x128xf32, #tpu.memory_space<hbm>> -> memref<10000x128xf32, #tpu.memory_space<hbm>>
    tpu.wait_indirect_dma semaphore(%arg8 : memref<!tpu.dma_semaphore, #tpu.memory_space<semaphore_mem>>) src(%dma_wait3A_105 : memref<10000x128xf32, #tpu.memory_space<hbm>>) dst(%arg5 : memref<128x128xf32, #tpu.memory_space<vmem>>)
    %add3A_106 = arith.constant 128 : i32
    %add3A_107 = arith.addi %mul3A_6, %add3A_106 : i32
    %dma_wait3A_108 = arith.constant 0 : i32
    %dma_wait3A_109 = tpu.memref_slice %arg3[%dma_wait3A_108, %add3A_107] : memref<2x320000xi32, #tpu.memory_space<hbm>> -> memref<1x128xi32, #tpu.memory_space<hbm>>
    %dma_wait3A_110 = tpu.memref_squeeze %dma_wait3A_109 : memref<1x128xi32, #tpu.memory_space<hbm>> -> memref<128xi32, #tpu.memory_space<hbm>>
    %dma_wait3A_111 = tpu.memref_slice %arg3[%dma_wait3A_108, %add3A_107] : memref<2x320000xi32, #tpu.memory_space<hbm>> -> memref<1x128xi32, #tpu.memory_space<hbm>>
    %dma_wait3A_112 = tpu.memref_squeeze %dma_wait3A_111 : memref<1x128xi32, #tpu.memory_space<hbm>> -> memref<128xi32, #tpu.memory_space<hbm>>
    tpu.wait_dma2 semaphore(%arg17 : memref<!tpu.dma_semaphore, #tpu.memory_space<semaphore_mem>>) src(%dma_wait3A_112 : memref<128xi32, #tpu.memory_space<hbm>>) dst(%arg15 : memref<128xi32, #tpu.memory_space<vmem>>)
    %add3A_113 = arith.constant 128 : i32
    %add3A_114 = arith.addi %mul3A_6, %add3A_113 : i32
    %dma_wait3A_115 = arith.constant 1 : i32
    %dma_wait3A_116 = tpu.memref_slice %arg3[%dma_wait3A_115, %add3A_114] : memref<2x320000xi32, #tpu.memory_space<hbm>> -> memref<1x128xi32, #tpu.memory_space<hbm>>
    %dma_wait3A_117 = tpu.memref_squeeze %dma_wait3A_116 : memref<1x128xi32, #tpu.memory_space<hbm>> -> memref<128xi32, #tpu.memory_space<hbm>>
    %dma_wait3A_118 = tpu.memref_slice %arg3[%dma_wait3A_115, %add3A_114] : memref<2x320000xi32, #tpu.memory_space<hbm>> -> memref<1x128xi32, #tpu.memory_space<hbm>>
    %dma_wait3A_119 = tpu.memref_squeeze %dma_wait3A_118 : memref<1x128xi32, #tpu.memory_space<hbm>> -> memref<128xi32, #tpu.memory_space<hbm>>
    tpu.wait_dma2 semaphore(%arg17 : memref<!tpu.dma_semaphore, #tpu.memory_space<semaphore_mem>>) src(%dma_wait3A_119 : memref<128xi32, #tpu.memory_space<hbm>>) dst(%arg16 : memref<128xi32, #tpu.memory_space<vmem>>)
    %dma_start3A_120 = arith.constant 0 : i32
    %dma_start3A_121 = arith.constant 0 : i32
    %dma_start3A_122 = tpu.memref_slice %arg2[%dma_start3A_120, %dma_start3A_121] : memref<10000x128xf32, #tpu.memory_space<hbm>> -> memref<10000x128xf32, #tpu.memory_space<hbm>>
    tpu.enqueue_indirect_dma source(%dma_start3A_122 : memref<10000x128xf32, #tpu.memory_space<hbm>>) target(%arg6 : memref<128x128xf32, #tpu.memory_space<vmem>>) offsets(%arg15 : memref<128xi32, #tpu.memory_space<vmem>>) semaphore(%arg9 : memref<!tpu.dma_semaphore, #tpu.memory_space<semaphore_mem>>)
    %dma_start3A_123 = arith.constant 0 : i32
    %dma_start3A_124 = arith.constant 0 : i32
    %dma_start3A_125 = tpu.memref_slice %arg7[%dma_start3A_123, %dma_start3A_124] : memref<10240x128xf32, #tpu.memory_space<vmem_shared>> -> memref<10240x128xf32, #tpu.memory_space<vmem_shared>>
    tpu.enqueue_indirect_dma source(%arg5 : memref<128x128xf32, #tpu.memory_space<vmem>>) target(%dma_start3A_125 : memref<10240x128xf32, #tpu.memory_space<vmem_shared>>) offsets(%arg13 : memref<128xi32, #tpu.memory_space<vmem>>) semaphore(%arg10 : memref<!tpu.dma_semaphore, #tpu.memory_space<semaphore_mem>>) {add = true}
    %scan3A_126 = arith.constant 0 : i32
    %scan3A_127 = arith.constant 18 : i32
    %scan3A_128 = arith.addi %scan3A_126, %scan3A_127 : i32
    %scan3A_129 = arith.constant 1 : i32
    scf.for %scan3A_282 = %scan3A_126 to %scan3A_128 step %scan3A_129  : i32 {
      %mul3A_283 = arith.constant 4 : i32
      %mul3A_284 = arith.muli %scan3A_282, %mul3A_283 : i32
      %add3A_285 = arith.constant 1 : i32
      %add3A_286 = arith.addi %add3A_285, %mul3A_284 : i32
      %add3A_287 = arith.constant 0 : i32
      %add3A_288 = arith.addi %add3A_286, %add3A_287 : i32
      %dma_wait3A_289 = arith.constant 0 : i32
      %dma_wait3A_290 = arith.constant 0 : i32
      %dma_wait3A_291 = tpu.memref_slice %arg2[%dma_wait3A_289, %dma_wait3A_290] : memref<10000x128xf32, #tpu.memory_space<hbm>> -> memref<10000x128xf32, #tpu.memory_space<hbm>>
      tpu.wait_indirect_dma semaphore(%arg9 : memref<!tpu.dma_semaphore, #tpu.memory_space<semaphore_mem>>) src(%dma_wait3A_291 : memref<10000x128xf32, #tpu.memory_space<hbm>>) dst(%arg6 : memref<128x128xf32, #tpu.memory_space<vmem>>)
      %dma_wait3A_292 = arith.constant 0 : i32
      %dma_wait3A_293 = arith.constant 0 : i32
      %dma_wait3A_294 = tpu.memref_slice %arg7[%dma_wait3A_292, %dma_wait3A_293] : memref<10240x128xf32, #tpu.memory_space<vmem_shared>> -> memref<10240x128xf32, #tpu.memory_space<vmem_shared>>
      tpu.wait_indirect_dma semaphore(%arg10 : memref<!tpu.dma_semaphore, #tpu.memory_space<semaphore_mem>>) src(%arg5 : memref<128x128xf32, #tpu.memory_space<vmem>>) dst(%dma_wait3A_294 : memref<10240x128xf32, #tpu.memory_space<vmem_shared>>)
      %add3A_295 = arith.constant 1 : i32
      %add3A_296 = arith.addi %add3A_288, %add3A_295 : i32
      %mul3A_297 = arith.constant 128 : i32
      %mul3A_298 = arith.muli %add3A_296, %mul3A_297 : i32
      %add3A_299 = arith.addi %mul3A_6, %mul3A_298 : i32
      %dma_wait3A_300 = arith.constant 0 : i32
      %dma_wait3A_301 = tpu.memref_slice %arg3[%dma_wait3A_300, %add3A_299] : memref<2x320000xi32, #tpu.memory_space<hbm>> -> memref<1x128xi32, #tpu.memory_space<hbm>>
      %dma_wait3A_302 = tpu.memref_squeeze %dma_wait3A_301 : memref<1x128xi32, #tpu.memory_space<hbm>> -> memref<128xi32, #tpu.memory_space<hbm>>
      %dma_wait3A_303 = tpu.memref_slice %arg3[%dma_wait3A_300, %add3A_299] : memref<2x320000xi32, #tpu.memory_space<hbm>> -> memref<1x128xi32, #tpu.memory_space<hbm>>
      %dma_wait3A_304 = tpu.memref_squeeze %dma_wait3A_303 : memref<1x128xi32, #tpu.memory_space<hbm>> -> memref<128xi32, #tpu.memory_space<hbm>>
      tpu.wait_dma2 semaphore(%arg20 : memref<!tpu.dma_semaphore, #tpu.memory_space<semaphore_mem>>) src(%dma_wait3A_304 : memref<128xi32, #tpu.memory_space<hbm>>) dst(%arg18 : memref<128xi32, #tpu.memory_space<vmem>>)
      %mul3A_305 = arith.constant 128 : i32
      %mul3A_306 = arith.muli %add3A_296, %mul3A_305 : i32
      %add3A_307 = arith.addi %mul3A_6, %mul3A_306 : i32
      %dma_wait3A_308 = arith.constant 1 : i32
      %dma_wait3A_309 = tpu.memref_slice %arg3[%dma_wait3A_308, %add3A_307] : memref<2x320000xi32, #tpu.memory_space<hbm>> -> memref<1x128xi32, #tpu.memory_space<hbm>>
      %dma_wait3A_310 = tpu.memref_squeeze %dma_wait3A_309 : memref<1x128xi32, #tpu.memory_space<hbm>> -> memref<128xi32, #tpu.memory_space<hbm>>
      %dma_wait3A_311 = tpu.memref_slice %arg3[%dma_wait3A_308, %add3A_307] : memref<2x320000xi32, #tpu.memory_space<hbm>> -> memref<1x128xi32, #tpu.memory_space<hbm>>
      %dma_wait3A_312 = tpu.memref_squeeze %dma_wait3A_311 : memref<1x128xi32, #tpu.memory_space<hbm>> -> memref<128xi32, #tpu.memory_space<hbm>>
      tpu.wait_dma2 semaphore(%arg20 : memref<!tpu.dma_semaphore, #tpu.memory_space<semaphore_mem>>) src(%dma_wait3A_312 : memref<128xi32, #tpu.memory_space<hbm>>) dst(%arg19 : memref<128xi32, #tpu.memory_space<vmem>>)
      %dma_start3A_313 = arith.constant 0 : i32
      %dma_start3A_314 = arith.constant 0 : i32
      %dma_start3A_315 = tpu.memref_slice %arg2[%dma_start3A_313, %dma_start3A_314] : memref<10000x128xf32, #tpu.memory_space<hbm>> -> memref<10000x128xf32, #tpu.memory_space<hbm>>
      tpu.enqueue_indirect_dma source(%dma_start3A_315 : memref<10000x128xf32, #tpu.memory_space<hbm>>) target(%arg5 : memref<128x128xf32, #tpu.memory_space<vmem>>) offsets(%arg18 : memref<128xi32, #tpu.memory_space<vmem>>) semaphore(%arg8 : memref<!tpu.dma_semaphore, #tpu.memory_space<semaphore_mem>>)
      %dma_start3A_316 = arith.constant 0 : i32
      %dma_start3A_317 = arith.constant 0 : i32
      %dma_start3A_318 = tpu.memref_slice %arg7[%dma_start3A_316, %dma_start3A_317] : memref<10240x128xf32, #tpu.memory_space<vmem_shared>> -> memref<10240x128xf32, #tpu.memory_space<vmem_shared>>
      tpu.enqueue_indirect_dma source(%arg6 : memref<128x128xf32, #tpu.memory_space<vmem>>) target(%dma_start3A_318 : memref<10240x128xf32, #tpu.memory_space<vmem_shared>>) offsets(%arg16 : memref<128xi32, #tpu.memory_space<vmem>>) semaphore(%arg11 : memref<!tpu.dma_semaphore, #tpu.memory_space<semaphore_mem>>) {add = true}
      %add3A_319 = arith.constant 3 : i32
      %add3A_320 = arith.addi %add3A_288, %add3A_319 : i32
      %mul3A_321 = arith.constant 128 : i32
      %mul3A_322 = arith.muli %add3A_320, %mul3A_321 : i32
      %add3A_323 = arith.addi %mul3A_6, %mul3A_322 : i32
      %dma_start3A_324 = arith.constant 0 : i32
      %dma_start3A_325 = tpu.memref_slice %arg3[%dma_start3A_324, %add3A_323] : memref<2x320000xi32, #tpu.memory_space<hbm>> -> memref<1x128xi32, #tpu.memory_space<hbm>>
      %dma_start3A_326 = tpu.memref_squeeze %dma_start3A_325 : memref<1x128xi32, #tpu.memory_space<hbm>> -> memref<128xi32, #tpu.memory_space<hbm>>
      %dma_start3A_327 = tpu.memref_slice %arg3[%dma_start3A_324, %add3A_323] : memref<2x320000xi32, #tpu.memory_space<hbm>> -> memref<1x128xi32, #tpu.memory_space<hbm>>
      %dma_start3A_328 = tpu.memref_squeeze %dma_start3A_327 : memref<1x128xi32, #tpu.memory_space<hbm>> -> memref<128xi32, #tpu.memory_space<hbm>>
      tpu.enqueue_dma source(%dma_start3A_328 : memref<128xi32, #tpu.memory_space<hbm>>) target(%arg12 : memref<128xi32, #tpu.memory_space<vmem>>) target_semaphore(%arg14 : memref<!tpu.dma_semaphore, #tpu.memory_space<semaphore_mem>>)
      %mul3A_329 = arith.constant 128 : i32
      %mul3A_330 = arith.muli %add3A_320, %mul3A_329 : i32
      %add3A_331 = arith.addi %mul3A_6, %mul3A_330 : i32
      %dma_start3A_332 = arith.constant 1 : i32
      %dma_start3A_333 = tpu.memref_slice %arg3[%dma_start3A_332, %add3A_331] : memref<2x320000xi32, #tpu.memory_space<hbm>> -> memref<1x128xi32, #tpu.memory_space<hbm>>
      %dma_start3A_334 = tpu.memref_squeeze %dma_start3A_333 : memref<1x128xi32, #tpu.memory_space<hbm>> -> memref<128xi32, #tpu.memory_space<hbm>>
      %dma_start3A_335 = tpu.memref_slice %arg3[%dma_start3A_332, %add3A_331] : memref<2x320000xi32, #tpu.memory_space<hbm>> -> memref<1x128xi32, #tpu.memory_space<hbm>>
      %dma_start3A_336 = tpu.memref_squeeze %dma_start3A_335 : memref<1x128xi32, #tpu.memory_space<hbm>> -> memref<128xi32, #tpu.memory_space<hbm>>
      tpu.enqueue_dma source(%dma_start3A_336 : memref<128xi32, #tpu.memory_space<hbm>>) target(%arg13 : memref<128xi32, #tpu.memory_space<vmem>>) target_semaphore(%arg14 : memref<!tpu.dma_semaphore, #tpu.memory_space<semaphore_mem>>)
      %add3A_337 = arith.constant 1 : i32
      %add3A_338 = arith.addi %add3A_286, %add3A_337 : i32
      %dma_wait3A_339 = arith.constant 0 : i32
      %dma_wait3A_340 = arith.constant 0 : i32
      %dma_wait3A_341 = tpu.memref_slice %arg2[%dma_wait3A_339, %dma_wait3A_340] : memref<10000x128xf32, #tpu.memory_space<hbm>> -> memref<10000x128xf32, #tpu.memory_space<hbm>>
      tpu.wait_indirect_dma semaphore(%arg8 : memref<!tpu.dma_semaphore, #tpu.memory_space<semaphore_mem>>) src(%dma_wait3A_341 : memref<10000x128xf32, #tpu.memory_space<hbm>>) dst(%arg5 : memref<128x128xf32, #tpu.memory_space<vmem>>)
      %dma_wait3A_342 = arith.constant 0 : i32
      %dma_wait3A_343 = arith.constant 0 : i32
      %dma_wait3A_344 = tpu.memref_slice %arg7[%dma_wait3A_342, %dma_wait3A_343] : memref<10240x128xf32, #tpu.memory_space<vmem_shared>> -> memref<10240x128xf32, #tpu.memory_space<vmem_shared>>
      tpu.wait_indirect_dma semaphore(%arg11 : memref<!tpu.dma_semaphore, #tpu.memory_space<semaphore_mem>>) src(%arg6 : memref<128x128xf32, #tpu.memory_space<vmem>>) dst(%dma_wait3A_344 : memref<10240x128xf32, #tpu.memory_space<vmem_shared>>)
      %add3A_345 = arith.constant 1 : i32
      %add3A_346 = arith.addi %add3A_338, %add3A_345 : i32
      %mul3A_347 = arith.constant 128 : i32
      %mul3A_348 = arith.muli %add3A_346, %mul3A_347 : i32
      %add3A_349 = arith.addi %mul3A_6, %mul3A_348 : i32
      %dma_wait3A_350 = arith.constant 0 : i32
      %dma_wait3A_351 = tpu.memref_slice %arg3[%dma_wait3A_350, %add3A_349] : memref<2x320000xi32, #tpu.memory_space<hbm>> -> memref<1x128xi32, #tpu.memory_space<hbm>>
      %dma_wait3A_352 = tpu.memref_squeeze %dma_wait3A_351 : memref<1x128xi32, #tpu.memory_space<hbm>> -> memref<128xi32, #tpu.memory_space<hbm>>
      %dma_wait3A_353 = tpu.memref_slice %arg3[%dma_wait3A_350, %add3A_349] : memref<2x320000xi32, #tpu.memory_space<hbm>> -> memref<1x128xi32, #tpu.memory_space<hbm>>
      %dma_wait3A_354 = tpu.memref_squeeze %dma_wait3A_353 : memref<1x128xi32, #tpu.memory_space<hbm>> -> memref<128xi32, #tpu.memory_space<hbm>>
      tpu.wait_dma2 semaphore(%arg23 : memref<!tpu.dma_semaphore, #tpu.memory_space<semaphore_mem>>) src(%dma_wait3A_354 : memref<128xi32, #tpu.memory_space<hbm>>) dst(%arg21 : memref<128xi32, #tpu.memory_space<vmem>>)
      %mul3A_355 = arith.constant 128 : i32
      %mul3A_356 = arith.muli %add3A_346, %mul3A_355 : i32
      %add3A_357 = arith.addi %mul3A_6, %mul3A_356 : i32
      %dma_wait3A_358 = arith.constant 1 : i32
      %dma_wait3A_359 = tpu.memref_slice %arg3[%dma_wait3A_358, %add3A_357] : memref<2x320000xi32, #tpu.memory_space<hbm>> -> memref<1x128xi32, #tpu.memory_space<hbm>>
      %dma_wait3A_360 = tpu.memref_squeeze %dma_wait3A_359 : memref<1x128xi32, #tpu.memory_space<hbm>> -> memref<128xi32, #tpu.memory_space<hbm>>
      %dma_wait3A_361 = tpu.memref_slice %arg3[%dma_wait3A_358, %add3A_357] : memref<2x320000xi32, #tpu.memory_space<hbm>> -> memref<1x128xi32, #tpu.memory_space<hbm>>
      %dma_wait3A_362 = tpu.memref_squeeze %dma_wait3A_361 : memref<1x128xi32, #tpu.memory_space<hbm>> -> memref<128xi32, #tpu.memory_space<hbm>>
      tpu.wait_dma2 semaphore(%arg23 : memref<!tpu.dma_semaphore, #tpu.memory_space<semaphore_mem>>) src(%dma_wait3A_362 : memref<128xi32, #tpu.memory_space<hbm>>) dst(%arg22 : memref<128xi32, #tpu.memory_space<vmem>>)
      %dma_start3A_363 = arith.constant 0 : i32
      %dma_start3A_364 = arith.constant 0 : i32
      %dma_start3A_365 = tpu.memref_slice %arg2[%dma_start3A_363, %dma_start3A_364] : memref<10000x128xf32, #tpu.memory_space<hbm>> -> memref<10000x128xf32, #tpu.memory_space<hbm>>
      tpu.enqueue_indirect_dma source(%dma_start3A_365 : memref<10000x128xf32, #tpu.memory_space<hbm>>) target(%arg6 : memref<128x128xf32, #tpu.memory_space<vmem>>) offsets(%arg21 : memref<128xi32, #tpu.memory_space<vmem>>) semaphore(%arg9 : memref<!tpu.dma_semaphore, #tpu.memory_space<semaphore_mem>>)
      %dma_start3A_366 = arith.constant 0 : i32
      %dma_start3A_367 = arith.constant 0 : i32
      %dma_start3A_368 = tpu.memref_slice %arg7[%dma_start3A_366, %dma_start3A_367] : memref<10240x128xf32, #tpu.memory_space<vmem_shared>> -> memref<10240x128xf32, #tpu.memory_space<vmem_shared>>
      tpu.enqueue_indirect_dma source(%arg5 : memref<128x128xf32, #tpu.memory_space<vmem>>) target(%dma_start3A_368 : memref<10240x128xf32, #tpu.memory_space<vmem_shared>>) offsets(%arg19 : memref<128xi32, #tpu.memory_space<vmem>>) semaphore(%arg10 : memref<!tpu.dma_semaphore, #tpu.memory_space<semaphore_mem>>) {add = true}
      %add3A_369 = arith.constant 3 : i32
      %add3A_370 = arith.addi %add3A_338, %add3A_369 : i32
      %mul3A_371 = arith.constant 128 : i32
      %mul3A_372 = arith.muli %add3A_370, %mul3A_371 : i32
      %add3A_373 = arith.addi %mul3A_6, %mul3A_372 : i32
      %dma_start3A_374 = arith.constant 0 : i32
      %dma_start3A_375 = tpu.memref_slice %arg3[%dma_start3A_374, %add3A_373] : memref<2x320000xi32, #tpu.memory_space<hbm>> -> memref<1x128xi32, #tpu.memory_space<hbm>>
      %dma_start3A_376 = tpu.memref_squeeze %dma_start3A_375 : memref<1x128xi32, #tpu.memory_space<hbm>> -> memref<128xi32, #tpu.memory_space<hbm>>
      %dma_start3A_377 = tpu.memref_slice %arg3[%dma_start3A_374, %add3A_373] : memref<2x320000xi32, #tpu.memory_space<hbm>> -> memref<1x128xi32, #tpu.memory_space<hbm>>
      %dma_start3A_378 = tpu.memref_squeeze %dma_start3A_377 : memref<1x128xi32, #tpu.memory_space<hbm>> -> memref<128xi32, #tpu.memory_space<hbm>>
      tpu.enqueue_dma source(%dma_start3A_378 : memref<128xi32, #tpu.memory_space<hbm>>) target(%arg15 : memref<128xi32, #tpu.memory_space<vmem>>) target_semaphore(%arg17 : memref<!tpu.dma_semaphore, #tpu.memory_space<semaphore_mem>>)
      %mul3A_379 = arith.constant 128 : i32
      %mul3A_380 = arith.muli %add3A_370, %mul3A_379 : i32
      %add3A_381 = arith.addi %mul3A_6, %mul3A_380 : i32
      %dma_start3A_382 = arith.constant 1 : i32
      %dma_start3A_383 = tpu.memref_slice %arg3[%dma_start3A_382, %add3A_381] : memref<2x320000xi32, #tpu.memory_space<hbm>> -> memref<1x128xi32, #tpu.memory_space<hbm>>
      %dma_start3A_384 = tpu.memref_squeeze %dma_start3A_383 : memref<1x128xi32, #tpu.memory_space<hbm>> -> memref<128xi32, #tpu.memory_space<hbm>>
      %dma_start3A_385 = tpu.memref_slice %arg3[%dma_start3A_382, %add3A_381] : memref<2x320000xi32, #tpu.memory_space<hbm>> -> memref<1x128xi32, #tpu.memory_space<hbm>>
      %dma_start3A_386 = tpu.memref_squeeze %dma_start3A_385 : memref<1x128xi32, #tpu.memory_space<hbm>> -> memref<128xi32, #tpu.memory_space<hbm>>
      tpu.enqueue_dma source(%dma_start3A_386 : memref<128xi32, #tpu.memory_space<hbm>>) target(%arg16 : memref<128xi32, #tpu.memory_space<vmem>>) target_semaphore(%arg17 : memref<!tpu.dma_semaphore, #tpu.memory_space<semaphore_mem>>)
      %add3A_387 = arith.constant 2 : i32
      %add3A_388 = arith.addi %add3A_286, %add3A_387 : i32
      %dma_wait3A_389 = arith.constant 0 : i32
      %dma_wait3A_390 = arith.constant 0 : i32
      %dma_wait3A_391 = tpu.memref_slice %arg2[%dma_wait3A_389, %dma_wait3A_390] : memref<10000x128xf32, #tpu.memory_space<hbm>> -> memref<10000x128xf32, #tpu.memory_space<hbm>>
      tpu.wait_indirect_dma semaphore(%arg9 : memref<!tpu.dma_semaphore, #tpu.memory_space<semaphore_mem>>) src(%dma_wait3A_391 : memref<10000x128xf32, #tpu.memory_space<hbm>>) dst(%arg6 : memref<128x128xf32, #tpu.memory_space<vmem>>)
      %dma_wait3A_392 = arith.constant 0 : i32
      %dma_wait3A_393 = arith.constant 0 : i32
      %dma_wait3A_394 = tpu.memref_slice %arg7[%dma_wait3A_392, %dma_wait3A_393] : memref<10240x128xf32, #tpu.memory_space<vmem_shared>> -> memref<10240x128xf32, #tpu.memory_space<vmem_shared>>
      tpu.wait_indirect_dma semaphore(%arg10 : memref<!tpu.dma_semaphore, #tpu.memory_space<semaphore_mem>>) src(%arg5 : memref<128x128xf32, #tpu.memory_space<vmem>>) dst(%dma_wait3A_394 : memref<10240x128xf32, #tpu.memory_space<vmem_shared>>)
      %add3A_395 = arith.constant 1 : i32
      %add3A_396 = arith.addi %add3A_388, %add3A_395 : i32
      %mul3A_397 = arith.constant 128 : i32
      %mul3A_398 = arith.muli %add3A_396, %mul3A_397 : i32
      %add3A_399 = arith.addi %mul3A_6, %mul3A_398 : i32
      %dma_wait3A_400 = arith.constant 0 : i32
      %dma_wait3A_401 = tpu.memref_slice %arg3[%dma_wait3A_400, %add3A_399] : memref<2x320000xi32, #tpu.memory_space<hbm>> -> memref<1x128xi32, #tpu.memory_space<hbm>>
      %dma_wait3A_402 = tpu.memref_squeeze %dma_wait3A_401 : memref<1x128xi32, #tpu.memory_space<hbm>> -> memref<128xi32, #tpu.memory_space<hbm>>
      %dma_wait3A_403 = tpu.memref_slice %arg3[%dma_wait3A_400, %add3A_399] : memref<2x320000xi32, #tpu.memory_space<hbm>> -> memref<1x128xi32, #tpu.memory_space<hbm>>
      %dma_wait3A_404 = tpu.memref_squeeze %dma_wait3A_403 : memref<1x128xi32, #tpu.memory_space<hbm>> -> memref<128xi32, #tpu.memory_space<hbm>>
      tpu.wait_dma2 semaphore(%arg14 : memref<!tpu.dma_semaphore, #tpu.memory_space<semaphore_mem>>) src(%dma_wait3A_404 : memref<128xi32, #tpu.memory_space<hbm>>) dst(%arg12 : memref<128xi32, #tpu.memory_space<vmem>>)
      %mul3A_405 = arith.constant 128 : i32
      %mul3A_406 = arith.muli %add3A_396, %mul3A_405 : i32
      %add3A_407 = arith.addi %mul3A_6, %mul3A_406 : i32
      %dma_wait3A_408 = arith.constant 1 : i32
      %dma_wait3A_409 = tpu.memref_slice %arg3[%dma_wait3A_408, %add3A_407] : memref<2x320000xi32, #tpu.memory_space<hbm>> -> memref<1x128xi32, #tpu.memory_space<hbm>>
      %dma_wait3A_410 = tpu.memref_squeeze %dma_wait3A_409 : memref<1x128xi32, #tpu.memory_space<hbm>> -> memref<128xi32, #tpu.memory_space<hbm>>
      %dma_wait3A_411 = tpu.memref_slice %arg3[%dma_wait3A_408, %add3A_407] : memref<2x320000xi32, #tpu.memory_space<hbm>> -> memref<1x128xi32, #tpu.memory_space<hbm>>
      %dma_wait3A_412 = tpu.memref_squeeze %dma_wait3A_411 : memref<1x128xi32, #tpu.memory_space<hbm>> -> memref<128xi32, #tpu.memory_space<hbm>>
      tpu.wait_dma2 semaphore(%arg14 : memref<!tpu.dma_semaphore, #tpu.memory_space<semaphore_mem>>) src(%dma_wait3A_412 : memref<128xi32, #tpu.memory_space<hbm>>) dst(%arg13 : memref<128xi32, #tpu.memory_space<vmem>>)
      %dma_start3A_413 = arith.constant 0 : i32
      %dma_start3A_414 = arith.constant 0 : i32
      %dma_start3A_415 = tpu.memref_slice %arg2[%dma_start3A_413, %dma_start3A_414] : memref<10000x128xf32, #tpu.memory_space<hbm>> -> memref<10000x128xf32, #tpu.memory_space<hbm>>
      tpu.enqueue_indirect_dma source(%dma_start3A_415 : memref<10000x128xf32, #tpu.memory_space<hbm>>) target(%arg5 : memref<128x128xf32, #tpu.memory_space<vmem>>) offsets(%arg12 : memref<128xi32, #tpu.memory_space<vmem>>) semaphore(%arg8 : memref<!tpu.dma_semaphore, #tpu.memory_space<semaphore_mem>>)
      %dma_start3A_416 = arith.constant 0 : i32
      %dma_start3A_417 = arith.constant 0 : i32
      %dma_start3A_418 = tpu.memref_slice %arg7[%dma_start3A_416, %dma_start3A_417] : memref<10240x128xf32, #tpu.memory_space<vmem_shared>> -> memref<10240x128xf32, #tpu.memory_space<vmem_shared>>
      tpu.enqueue_indirect_dma source(%arg6 : memref<128x128xf32, #tpu.memory_space<vmem>>) target(%dma_start3A_418 : memref<10240x128xf32, #tpu.memory_space<vmem_shared>>) offsets(%arg22 : memref<128xi32, #tpu.memory_space<vmem>>) semaphore(%arg11 : memref<!tpu.dma_semaphore, #tpu.memory_space<semaphore_mem>>) {add = true}
      %add3A_419 = arith.constant 3 : i32
      %add3A_420 = arith.addi %add3A_388, %add3A_419 : i32
      %mul3A_421 = arith.constant 128 : i32
      %mul3A_422 = arith.muli %add3A_420, %mul3A_421 : i32
      %add3A_423 = arith.addi %mul3A_6, %mul3A_422 : i32
      %dma_start3A_424 = arith.constant 0 : i32
      %dma_start3A_425 = tpu.memref_slice %arg3[%dma_start3A_424, %add3A_423] : memref<2x320000xi32, #tpu.memory_space<hbm>> -> memref<1x128xi32, #tpu.memory_space<hbm>>
      %dma_start3A_426 = tpu.memref_squeeze %dma_start3A_425 : memref<1x128xi32, #tpu.memory_space<hbm>> -> memref<128xi32, #tpu.memory_space<hbm>>
      %dma_start3A_427 = tpu.memref_slice %arg3[%dma_start3A_424, %add3A_423] : memref<2x320000xi32, #tpu.memory_space<hbm>> -> memref<1x128xi32, #tpu.memory_space<hbm>>
      %dma_start3A_428 = tpu.memref_squeeze %dma_start3A_427 : memref<1x128xi32, #tpu.memory_space<hbm>> -> memref<128xi32, #tpu.memory_space<hbm>>
      tpu.enqueue_dma source(%dma_start3A_428 : memref<128xi32, #tpu.memory_space<hbm>>) target(%arg18 : memref<128xi32, #tpu.memory_space<vmem>>) target_semaphore(%arg20 : memref<!tpu.dma_semaphore, #tpu.memory_space<semaphore_mem>>)
      %mul3A_429 = arith.constant 128 : i32
      %mul3A_430 = arith.muli %add3A_420, %mul3A_429 : i32
      %add3A_431 = arith.addi %mul3A_6, %mul3A_430 : i32
      %dma_start3A_432 = arith.constant 1 : i32
      %dma_start3A_433 = tpu.memref_slice %arg3[%dma_start3A_432, %add3A_431] : memref<2x320000xi32, #tpu.memory_space<hbm>> -> memref<1x128xi32, #tpu.memory_space<hbm>>
      %dma_start3A_434 = tpu.memref_squeeze %dma_start3A_433 : memref<1x128xi32, #tpu.memory_space<hbm>> -> memref<128xi32, #tpu.memory_space<hbm>>
      %dma_start3A_435 = tpu.memref_slice %arg3[%dma_start3A_432, %add3A_431] : memref<2x320000xi32, #tpu.memory_space<hbm>> -> memref<1x128xi32, #tpu.memory_space<hbm>>
      %dma_start3A_436 = tpu.memref_squeeze %dma_start3A_435 : memref<1x128xi32, #tpu.memory_space<hbm>> -> memref<128xi32, #tpu.memory_space<hbm>>
      tpu.enqueue_dma source(%dma_start3A_436 : memref<128xi32, #tpu.memory_space<hbm>>) target(%arg19 : memref<128xi32, #tpu.memory_space<vmem>>) target_semaphore(%arg20 : memref<!tpu.dma_semaphore, #tpu.memory_space<semaphore_mem>>)
      %add3A_437 = arith.constant 3 : i32
      %add3A_438 = arith.addi %add3A_286, %add3A_437 : i32
      %dma_wait3A_439 = arith.constant 0 : i32
      %dma_wait3A_440 = arith.constant 0 : i32
      %dma_wait3A_441 = tpu.memref_slice %arg2[%dma_wait3A_439, %dma_wait3A_440] : memref<10000x128xf32, #tpu.memory_space<hbm>> -> memref<10000x128xf32, #tpu.memory_space<hbm>>
      tpu.wait_indirect_dma semaphore(%arg8 : memref<!tpu.dma_semaphore, #tpu.memory_space<semaphore_mem>>) src(%dma_wait3A_441 : memref<10000x128xf32, #tpu.memory_space<hbm>>) dst(%arg5 : memref<128x128xf32, #tpu.memory_space<vmem>>)
      %dma_wait3A_442 = arith.constant 0 : i32
      %dma_wait3A_443 = arith.constant 0 : i32
      %dma_wait3A_444 = tpu.memref_slice %arg7[%dma_wait3A_442, %dma_wait3A_443] : memref<10240x128xf32, #tpu.memory_space<vmem_shared>> -> memref<10240x128xf32, #tpu.memory_space<vmem_shared>>
      tpu.wait_indirect_dma semaphore(%arg11 : memref<!tpu.dma_semaphore, #tpu.memory_space<semaphore_mem>>) src(%arg6 : memref<128x128xf32, #tpu.memory_space<vmem>>) dst(%dma_wait3A_444 : memref<10240x128xf32, #tpu.memory_space<vmem_shared>>)
      %add3A_445 = arith.constant 1 : i32
      %add3A_446 = arith.addi %add3A_438, %add3A_445 : i32
      %mul3A_447 = arith.constant 128 : i32
      %mul3A_448 = arith.muli %add3A_446, %mul3A_447 : i32
      %add3A_449 = arith.addi %mul3A_6, %mul3A_448 : i32
      %dma_wait3A_450 = arith.constant 0 : i32
      %dma_wait3A_451 = tpu.memref_slice %arg3[%dma_wait3A_450, %add3A_449] : memref<2x320000xi32, #tpu.memory_space<hbm>> -> memref<1x128xi32, #tpu.memory_space<hbm>>
      %dma_wait3A_452 = tpu.memref_squeeze %dma_wait3A_451 : memref<1x128xi32, #tpu.memory_space<hbm>> -> memref<128xi32, #tpu.memory_space<hbm>>
      %dma_wait3A_453 = tpu.memref_slice %arg3[%dma_wait3A_450, %add3A_449] : memref<2x320000xi32, #tpu.memory_space<hbm>> -> memref<1x128xi32, #tpu.memory_space<hbm>>
      %dma_wait3A_454 = tpu.memref_squeeze %dma_wait3A_453 : memref<1x128xi32, #tpu.memory_space<hbm>> -> memref<128xi32, #tpu.memory_space<hbm>>
      tpu.wait_dma2 semaphore(%arg17 : memref<!tpu.dma_semaphore, #tpu.memory_space<semaphore_mem>>) src(%dma_wait3A_454 : memref<128xi32, #tpu.memory_space<hbm>>) dst(%arg15 : memref<128xi32, #tpu.memory_space<vmem>>)
      %mul3A_455 = arith.constant 128 : i32
      %mul3A_456 = arith.muli %add3A_446, %mul3A_455 : i32
      %add3A_457 = arith.addi %mul3A_6, %mul3A_456 : i32
      %dma_wait3A_458 = arith.constant 1 : i32
      %dma_wait3A_459 = tpu.memref_slice %arg3[%dma_wait3A_458, %add3A_457] : memref<2x320000xi32, #tpu.memory_space<hbm>> -> memref<1x128xi32, #tpu.memory_space<hbm>>
      %dma_wait3A_460 = tpu.memref_squeeze %dma_wait3A_459 : memref<1x128xi32, #tpu.memory_space<hbm>> -> memref<128xi32, #tpu.memory_space<hbm>>
      %dma_wait3A_461 = tpu.memref_slice %arg3[%dma_wait3A_458, %add3A_457] : memref<2x320000xi32, #tpu.memory_space<hbm>> -> memref<1x128xi32, #tpu.memory_space<hbm>>
      %dma_wait3A_462 = tpu.memref_squeeze %dma_wait3A_461 : memref<1x128xi32, #tpu.memory_space<hbm>> -> memref<128xi32, #tpu.memory_space<hbm>>
      tpu.wait_dma2 semaphore(%arg17 : memref<!tpu.dma_semaphore, #tpu.memory_space<semaphore_mem>>) src(%dma_wait3A_462 : memref<128xi32, #tpu.memory_space<hbm>>) dst(%arg16 : memref<128xi32, #tpu.memory_space<vmem>>)
      %dma_start3A_463 = arith.constant 0 : i32
      %dma_start3A_464 = arith.constant 0 : i32
      %dma_start3A_465 = tpu.memref_slice %arg2[%dma_start3A_463, %dma_start3A_464] : memref<10000x128xf32, #tpu.memory_space<hbm>> -> memref<10000x128xf32, #tpu.memory_space<hbm>>
      tpu.enqueue_indirect_dma source(%dma_start3A_465 : memref<10000x128xf32, #tpu.memory_space<hbm>>) target(%arg6 : memref<128x128xf32, #tpu.memory_space<vmem>>) offsets(%arg15 : memref<128xi32, #tpu.memory_space<vmem>>) semaphore(%arg9 : memref<!tpu.dma_semaphore, #tpu.memory_space<semaphore_mem>>)
      %dma_start3A_466 = arith.constant 0 : i32
      %dma_start3A_467 = arith.constant 0 : i32
      %dma_start3A_468 = tpu.memref_slice %arg7[%dma_start3A_466, %dma_start3A_467] : memref<10240x128xf32, #tpu.memory_space<vmem_shared>> -> memref<10240x128xf32, #tpu.memory_space<vmem_shared>>
      tpu.enqueue_indirect_dma source(%arg5 : memref<128x128xf32, #tpu.memory_space<vmem>>) target(%dma_start3A_468 : memref<10240x128xf32, #tpu.memory_space<vmem_shared>>) offsets(%arg13 : memref<128xi32, #tpu.memory_space<vmem>>) semaphore(%arg10 : memref<!tpu.dma_semaphore, #tpu.memory_space<semaphore_mem>>) {add = true}
      %add3A_469 = arith.constant 3 : i32
      %add3A_470 = arith.addi %add3A_438, %add3A_469 : i32
      %mul3A_471 = arith.constant 128 : i32
      %mul3A_472 = arith.muli %add3A_470, %mul3A_471 : i32
      %add3A_473 = arith.addi %mul3A_6, %mul3A_472 : i32
      %dma_start3A_474 = arith.constant 0 : i32
      %dma_start3A_475 = tpu.memref_slice %arg3[%dma_start3A_474, %add3A_473] : memref<2x320000xi32, #tpu.memory_space<hbm>> -> memref<1x128xi32, #tpu.memory_space<hbm>>
      %dma_start3A_476 = tpu.memref_squeeze %dma_start3A_475 : memref<1x128xi32, #tpu.memory_space<hbm>> -> memref<128xi32, #tpu.memory_space<hbm>>
      %dma_start3A_477 = tpu.memref_slice %arg3[%dma_start3A_474, %add3A_473] : memref<2x320000xi32, #tpu.memory_space<hbm>> -> memref<1x128xi32, #tpu.memory_space<hbm>>
      %dma_start3A_478 = tpu.memref_squeeze %dma_start3A_477 : memref<1x128xi32, #tpu.memory_space<hbm>> -> memref<128xi32, #tpu.memory_space<hbm>>
      tpu.enqueue_dma source(%dma_start3A_478 : memref<128xi32, #tpu.memory_space<hbm>>) target(%arg21 : memref<128xi32, #tpu.memory_space<vmem>>) target_semaphore(%arg23 : memref<!tpu.dma_semaphore, #tpu.memory_space<semaphore_mem>>)
      %mul3A_479 = arith.constant 128 : i32
      %mul3A_480 = arith.muli %add3A_470, %mul3A_479 : i32
      %add3A_481 = arith.addi %mul3A_6, %mul3A_480 : i32
      %dma_start3A_482 = arith.constant 1 : i32
      %dma_start3A_483 = tpu.memref_slice %arg3[%dma_start3A_482, %add3A_481] : memref<2x320000xi32, #tpu.memory_space<hbm>> -> memref<1x128xi32, #tpu.memory_space<hbm>>
      %dma_start3A_484 = tpu.memref_squeeze %dma_start3A_483 : memref<1x128xi32, #tpu.memory_space<hbm>> -> memref<128xi32, #tpu.memory_space<hbm>>
      %dma_start3A_485 = tpu.memref_slice %arg3[%dma_start3A_482, %add3A_481] : memref<2x320000xi32, #tpu.memory_space<hbm>> -> memref<1x128xi32, #tpu.memory_space<hbm>>
      %dma_start3A_486 = tpu.memref_squeeze %dma_start3A_485 : memref<1x128xi32, #tpu.memory_space<hbm>> -> memref<128xi32, #tpu.memory_space<hbm>>
      tpu.enqueue_dma source(%dma_start3A_486 : memref<128xi32, #tpu.memory_space<hbm>>) target(%arg22 : memref<128xi32, #tpu.memory_space<vmem>>) target_semaphore(%arg23 : memref<!tpu.dma_semaphore, #tpu.memory_space<semaphore_mem>>)
    }
    %scan3A_130 = arith.constant 18 : i32
    %dma_wait3A_131 = arith.constant 0 : i32
    %dma_wait3A_132 = arith.constant 0 : i32
    %dma_wait3A_133 = tpu.memref_slice %arg2[%dma_wait3A_131, %dma_wait3A_132] : memref<10000x128xf32, #tpu.memory_space<hbm>> -> memref<10000x128xf32, #tpu.memory_space<hbm>>
    tpu.wait_indirect_dma semaphore(%arg9 : memref<!tpu.dma_semaphore, #tpu.memory_space<semaphore_mem>>) src(%dma_wait3A_133 : memref<10000x128xf32, #tpu.memory_space<hbm>>) dst(%arg6 : memref<128x128xf32, #tpu.memory_space<vmem>>)
    %dma_wait3A_134 = arith.constant 0 : i32
    %dma_wait3A_135 = arith.constant 0 : i32
    %dma_wait3A_136 = tpu.memref_slice %arg7[%dma_wait3A_134, %dma_wait3A_135] : memref<10240x128xf32, #tpu.memory_space<vmem_shared>> -> memref<10240x128xf32, #tpu.memory_space<vmem_shared>>
    tpu.wait_indirect_dma semaphore(%arg10 : memref<!tpu.dma_semaphore, #tpu.memory_space<semaphore_mem>>) src(%arg5 : memref<128x128xf32, #tpu.memory_space<vmem>>) dst(%dma_wait3A_136 : memref<10240x128xf32, #tpu.memory_space<vmem_shared>>)
    %add3A_137 = arith.constant 9472 : i32
    %add3A_138 = arith.addi %mul3A_6, %add3A_137 : i32
    %dma_wait3A_139 = arith.constant 0 : i32
    %dma_wait3A_140 = tpu.memref_slice %arg3[%dma_wait3A_139, %add3A_138] : memref<2x320000xi32, #tpu.memory_space<hbm>> -> memref<1x128xi32, #tpu.memory_space<hbm>>
    %dma_wait3A_141 = tpu.memref_squeeze %dma_wait3A_140 : memref<1x128xi32, #tpu.memory_space<hbm>> -> memref<128xi32, #tpu.memory_space<hbm>>
    %dma_wait3A_142 = tpu.memref_slice %arg3[%dma_wait3A_139, %add3A_138] : memref<2x320000xi32, #tpu.memory_space<hbm>> -> memref<1x128xi32, #tpu.memory_space<hbm>>
    %dma_wait3A_143 = tpu.memref_squeeze %dma_wait3A_142 : memref<1x128xi32, #tpu.memory_space<hbm>> -> memref<128xi32, #tpu.memory_space<hbm>>
    tpu.wait_dma2 semaphore(%arg20 : memref<!tpu.dma_semaphore, #tpu.memory_space<semaphore_mem>>) src(%dma_wait3A_143 : memref<128xi32, #tpu.memory_space<hbm>>) dst(%arg18 : memref<128xi32, #tpu.memory_space<vmem>>)
    %add3A_144 = arith.constant 9472 : i32
    %add3A_145 = arith.addi %mul3A_6, %add3A_144 : i32
    %dma_wait3A_146 = arith.constant 1 : i32
    %dma_wait3A_147 = tpu.memref_slice %arg3[%dma_wait3A_146, %add3A_145] : memref<2x320000xi32, #tpu.memory_space<hbm>> -> memref<1x128xi32, #tpu.memory_space<hbm>>
    %dma_wait3A_148 = tpu.memref_squeeze %dma_wait3A_147 : memref<1x128xi32, #tpu.memory_space<hbm>> -> memref<128xi32, #tpu.memory_space<hbm>>
    %dma_wait3A_149 = tpu.memref_slice %arg3[%dma_wait3A_146, %add3A_145] : memref<2x320000xi32, #tpu.memory_space<hbm>> -> memref<1x128xi32, #tpu.memory_space<hbm>>
    %dma_wait3A_150 = tpu.memref_squeeze %dma_wait3A_149 : memref<1x128xi32, #tpu.memory_space<hbm>> -> memref<128xi32, #tpu.memory_space<hbm>>
    tpu.wait_dma2 semaphore(%arg20 : memref<!tpu.dma_semaphore, #tpu.memory_space<semaphore_mem>>) src(%dma_wait3A_150 : memref<128xi32, #tpu.memory_space<hbm>>) dst(%arg19 : memref<128xi32, #tpu.memory_space<vmem>>)
    %dma_start3A_151 = arith.constant 0 : i32
    %dma_start3A_152 = arith.constant 0 : i32
    %dma_start3A_153 = tpu.memref_slice %arg2[%dma_start3A_151, %dma_start3A_152] : memref<10000x128xf32, #tpu.memory_space<hbm>> -> memref<10000x128xf32, #tpu.memory_space<hbm>>
    tpu.enqueue_indirect_dma source(%dma_start3A_153 : memref<10000x128xf32, #tpu.memory_space<hbm>>) target(%arg5 : memref<128x128xf32, #tpu.memory_space<vmem>>) offsets(%arg18 : memref<128xi32, #tpu.memory_space<vmem>>) semaphore(%arg8 : memref<!tpu.dma_semaphore, #tpu.memory_space<semaphore_mem>>)
    %dma_start3A_154 = arith.constant 0 : i32
    %dma_start3A_155 = arith.constant 0 : i32
    %dma_start3A_156 = tpu.memref_slice %arg7[%dma_start3A_154, %dma_start3A_155] : memref<10240x128xf32, #tpu.memory_space<vmem_shared>> -> memref<10240x128xf32, #tpu.memory_space<vmem_shared>>
    tpu.enqueue_indirect_dma source(%arg6 : memref<128x128xf32, #tpu.memory_space<vmem>>) target(%dma_start3A_156 : memref<10240x128xf32, #tpu.memory_space<vmem_shared>>) offsets(%arg16 : memref<128xi32, #tpu.memory_space<vmem>>) semaphore(%arg11 : memref<!tpu.dma_semaphore, #tpu.memory_space<semaphore_mem>>) {add = true}
    %add3A_157 = arith.constant 9728 : i32
    %add3A_158 = arith.addi %mul3A_6, %add3A_157 : i32
    %dma_start3A_159 = arith.constant 0 : i32
    %dma_start3A_160 = tpu.memref_slice %arg3[%dma_start3A_159, %add3A_158] : memref<2x320000xi32, #tpu.memory_space<hbm>> -> memref<1x128xi32, #tpu.memory_space<hbm>>
    %dma_start3A_161 = tpu.memref_squeeze %dma_start3A_160 : memref<1x128xi32, #tpu.memory_space<hbm>> -> memref<128xi32, #tpu.memory_space<hbm>>
    %dma_start3A_162 = tpu.memref_slice %arg3[%dma_start3A_159, %add3A_158] : memref<2x320000xi32, #tpu.memory_space<hbm>> -> memref<1x128xi32, #tpu.memory_space<hbm>>
    %dma_start3A_163 = tpu.memref_squeeze %dma_start3A_162 : memref<1x128xi32, #tpu.memory_space<hbm>> -> memref<128xi32, #tpu.memory_space<hbm>>
    tpu.enqueue_dma source(%dma_start3A_163 : memref<128xi32, #tpu.memory_space<hbm>>) target(%arg12 : memref<128xi32, #tpu.memory_space<vmem>>) target_semaphore(%arg14 : memref<!tpu.dma_semaphore, #tpu.memory_space<semaphore_mem>>)
    %add3A_164 = arith.constant 9728 : i32
    %add3A_165 = arith.addi %mul3A_6, %add3A_164 : i32
    %dma_start3A_166 = arith.constant 1 : i32
    %dma_start3A_167 = tpu.memref_slice %arg3[%dma_start3A_166, %add3A_165] : memref<2x320000xi32, #tpu.memory_space<hbm>> -> memref<1x128xi32, #tpu.memory_space<hbm>>
    %dma_start3A_168 = tpu.memref_squeeze %dma_start3A_167 : memref<1x128xi32, #tpu.memory_space<hbm>> -> memref<128xi32, #tpu.memory_space<hbm>>
    %dma_start3A_169 = tpu.memref_slice %arg3[%dma_start3A_166, %add3A_165] : memref<2x320000xi32, #tpu.memory_space<hbm>> -> memref<1x128xi32, #tpu.memory_space<hbm>>
    %dma_start3A_170 = tpu.memref_squeeze %dma_start3A_169 : memref<1x128xi32, #tpu.memory_space<hbm>> -> memref<128xi32, #tpu.memory_space<hbm>>
    tpu.enqueue_dma source(%dma_start3A_170 : memref<128xi32, #tpu.memory_space<hbm>>) target(%arg13 : memref<128xi32, #tpu.memory_space<vmem>>) target_semaphore(%arg14 : memref<!tpu.dma_semaphore, #tpu.memory_space<semaphore_mem>>)
    %dma_wait3A_171 = arith.constant 0 : i32
    %dma_wait3A_172 = arith.constant 0 : i32
    %dma_wait3A_173 = tpu.memref_slice %arg2[%dma_wait3A_171, %dma_wait3A_172] : memref<10000x128xf32, #tpu.memory_space<hbm>> -> memref<10000x128xf32, #tpu.memory_space<hbm>>
    tpu.wait_indirect_dma semaphore(%arg8 : memref<!tpu.dma_semaphore, #tpu.memory_space<semaphore_mem>>) src(%dma_wait3A_173 : memref<10000x128xf32, #tpu.memory_space<hbm>>) dst(%arg5 : memref<128x128xf32, #tpu.memory_space<vmem>>)
    %dma_wait3A_174 = arith.constant 0 : i32
    %dma_wait3A_175 = arith.constant 0 : i32
    %dma_wait3A_176 = tpu.memref_slice %arg7[%dma_wait3A_174, %dma_wait3A_175] : memref<10240x128xf32, #tpu.memory_space<vmem_shared>> -> memref<10240x128xf32, #tpu.memory_space<vmem_shared>>
    tpu.wait_indirect_dma semaphore(%arg11 : memref<!tpu.dma_semaphore, #tpu.memory_space<semaphore_mem>>) src(%arg6 : memref<128x128xf32, #tpu.memory_space<vmem>>) dst(%dma_wait3A_176 : memref<10240x128xf32, #tpu.memory_space<vmem_shared>>)
    %add3A_177 = arith.constant 9600 : i32
    %add3A_178 = arith.addi %mul3A_6, %add3A_177 : i32
    %dma_wait3A_179 = arith.constant 0 : i32
    %dma_wait3A_180 = tpu.memref_slice %arg3[%dma_wait3A_179, %add3A_178] : memref<2x320000xi32, #tpu.memory_space<hbm>> -> memref<1x128xi32, #tpu.memory_space<hbm>>
    %dma_wait3A_181 = tpu.memref_squeeze %dma_wait3A_180 : memref<1x128xi32, #tpu.memory_space<hbm>> -> memref<128xi32, #tpu.memory_space<hbm>>
    %dma_wait3A_182 = tpu.memref_slice %arg3[%dma_wait3A_179, %add3A_178] : memref<2x320000xi32, #tpu.memory_space<hbm>> -> memref<1x128xi32, #tpu.memory_space<hbm>>
    %dma_wait3A_183 = tpu.memref_squeeze %dma_wait3A_182 : memref<1x128xi32, #tpu.memory_space<hbm>> -> memref<128xi32, #tpu.memory_space<hbm>>
    tpu.wait_dma2 semaphore(%arg23 : memref<!tpu.dma_semaphore, #tpu.memory_space<semaphore_mem>>) src(%dma_wait3A_183 : memref<128xi32, #tpu.memory_space<hbm>>) dst(%arg21 : memref<128xi32, #tpu.memory_space<vmem>>)
    %add3A_184 = arith.constant 9600 : i32
    %add3A_185 = arith.addi %mul3A_6, %add3A_184 : i32
    %dma_wait3A_186 = arith.constant 1 : i32
    %dma_wait3A_187 = tpu.memref_slice %arg3[%dma_wait3A_186, %add3A_185] : memref<2x320000xi32, #tpu.memory_space<hbm>> -> memref<1x128xi32, #tpu.memory_space<hbm>>
    %dma_wait3A_188 = tpu.memref_squeeze %dma_wait3A_187 : memref<1x128xi32, #tpu.memory_space<hbm>> -> memref<128xi32, #tpu.memory_space<hbm>>
    %dma_wait3A_189 = tpu.memref_slice %arg3[%dma_wait3A_186, %add3A_185] : memref<2x320000xi32, #tpu.memory_space<hbm>> -> memref<1x128xi32, #tpu.memory_space<hbm>>
    %dma_wait3A_190 = tpu.memref_squeeze %dma_wait3A_189 : memref<1x128xi32, #tpu.memory_space<hbm>> -> memref<128xi32, #tpu.memory_space<hbm>>
    tpu.wait_dma2 semaphore(%arg23 : memref<!tpu.dma_semaphore, #tpu.memory_space<semaphore_mem>>) src(%dma_wait3A_190 : memref<128xi32, #tpu.memory_space<hbm>>) dst(%arg22 : memref<128xi32, #tpu.memory_space<vmem>>)
    %dma_start3A_191 = arith.constant 0 : i32
    %dma_start3A_192 = arith.constant 0 : i32
    %dma_start3A_193 = tpu.memref_slice %arg2[%dma_start3A_191, %dma_start3A_192] : memref<10000x128xf32, #tpu.memory_space<hbm>> -> memref<10000x128xf32, #tpu.memory_space<hbm>>
    tpu.enqueue_indirect_dma source(%dma_start3A_193 : memref<10000x128xf32, #tpu.memory_space<hbm>>) target(%arg6 : memref<128x128xf32, #tpu.memory_space<vmem>>) offsets(%arg21 : memref<128xi32, #tpu.memory_space<vmem>>) semaphore(%arg9 : memref<!tpu.dma_semaphore, #tpu.memory_space<semaphore_mem>>)
    %dma_start3A_194 = arith.constant 0 : i32
    %dma_start3A_195 = arith.constant 0 : i32
    %dma_start3A_196 = tpu.memref_slice %arg7[%dma_start3A_194, %dma_start3A_195] : memref<10240x128xf32, #tpu.memory_space<vmem_shared>> -> memref<10240x128xf32, #tpu.memory_space<vmem_shared>>
    tpu.enqueue_indirect_dma source(%arg5 : memref<128x128xf32, #tpu.memory_space<vmem>>) target(%dma_start3A_196 : memref<10240x128xf32, #tpu.memory_space<vmem_shared>>) offsets(%arg19 : memref<128xi32, #tpu.memory_space<vmem>>) semaphore(%arg10 : memref<!tpu.dma_semaphore, #tpu.memory_space<semaphore_mem>>) {add = true}
    %add3A_197 = arith.constant 9856 : i32
    %add3A_198 = arith.addi %mul3A_6, %add3A_197 : i32
    %dma_start3A_199 = arith.constant 0 : i32
    %dma_start3A_200 = tpu.memref_slice %arg3[%dma_start3A_199, %add3A_198] : memref<2x320000xi32, #tpu.memory_space<hbm>> -> memref<1x128xi32, #tpu.memory_space<hbm>>
    %dma_start3A_201 = tpu.memref_squeeze %dma_start3A_200 : memref<1x128xi32, #tpu.memory_space<hbm>> -> memref<128xi32, #tpu.memory_space<hbm>>
    %dma_start3A_202 = tpu.memref_slice %arg3[%dma_start3A_199, %add3A_198] : memref<2x320000xi32, #tpu.memory_space<hbm>> -> memref<1x128xi32, #tpu.memory_space<hbm>>
    %dma_start3A_203 = tpu.memref_squeeze %dma_start3A_202 : memref<1x128xi32, #tpu.memory_space<hbm>> -> memref<128xi32, #tpu.memory_space<hbm>>
    tpu.enqueue_dma source(%dma_start3A_203 : memref<128xi32, #tpu.memory_space<hbm>>) target(%arg15 : memref<128xi32, #tpu.memory_space<vmem>>) target_semaphore(%arg17 : memref<!tpu.dma_semaphore, #tpu.memory_space<semaphore_mem>>)
    %add3A_204 = arith.constant 9856 : i32
    %add3A_205 = arith.addi %mul3A_6, %add3A_204 : i32
    %dma_start3A_206 = arith.constant 1 : i32
    %dma_start3A_207 = tpu.memref_slice %arg3[%dma_start3A_206, %add3A_205] : memref<2x320000xi32, #tpu.memory_space<hbm>> -> memref<1x128xi32, #tpu.memory_space<hbm>>
    %dma_start3A_208 = tpu.memref_squeeze %dma_start3A_207 : memref<1x128xi32, #tpu.memory_space<hbm>> -> memref<128xi32, #tpu.memory_space<hbm>>
    %dma_start3A_209 = tpu.memref_slice %arg3[%dma_start3A_206, %add3A_205] : memref<2x320000xi32, #tpu.memory_space<hbm>> -> memref<1x128xi32, #tpu.memory_space<hbm>>
    %dma_start3A_210 = tpu.memref_squeeze %dma_start3A_209 : memref<1x128xi32, #tpu.memory_space<hbm>> -> memref<128xi32, #tpu.memory_space<hbm>>
    tpu.enqueue_dma source(%dma_start3A_210 : memref<128xi32, #tpu.memory_space<hbm>>) target(%arg16 : memref<128xi32, #tpu.memory_space<vmem>>) target_semaphore(%arg17 : memref<!tpu.dma_semaphore, #tpu.memory_space<semaphore_mem>>)
    %dma_wait3A_211 = arith.constant 0 : i32
    %dma_wait3A_212 = arith.constant 0 : i32
    %dma_wait3A_213 = tpu.memref_slice %arg2[%dma_wait3A_211, %dma_wait3A_212] : memref<10000x128xf32, #tpu.memory_space<hbm>> -> memref<10000x128xf32, #tpu.memory_space<hbm>>
    tpu.wait_indirect_dma semaphore(%arg9 : memref<!tpu.dma_semaphore, #tpu.memory_space<semaphore_mem>>) src(%dma_wait3A_213 : memref<10000x128xf32, #tpu.memory_space<hbm>>) dst(%arg6 : memref<128x128xf32, #tpu.memory_space<vmem>>)
    %dma_wait3A_214 = arith.constant 0 : i32
    %dma_wait3A_215 = arith.constant 0 : i32
    %dma_wait3A_216 = tpu.memref_slice %arg7[%dma_wait3A_214, %dma_wait3A_215] : memref<10240x128xf32, #tpu.memory_space<vmem_shared>> -> memref<10240x128xf32, #tpu.memory_space<vmem_shared>>
    tpu.wait_indirect_dma semaphore(%arg10 : memref<!tpu.dma_semaphore, #tpu.memory_space<semaphore_mem>>) src(%arg5 : memref<128x128xf32, #tpu.memory_space<vmem>>) dst(%dma_wait3A_216 : memref<10240x128xf32, #tpu.memory_space<vmem_shared>>)
    %add3A_217 = arith.constant 9728 : i32
    %add3A_218 = arith.addi %mul3A_6, %add3A_217 : i32
    %dma_wait3A_219 = arith.constant 0 : i32
    %dma_wait3A_220 = tpu.memref_slice %arg3[%dma_wait3A_219, %add3A_218] : memref<2x320000xi32, #tpu.memory_space<hbm>> -> memref<1x128xi32, #tpu.memory_space<hbm>>
    %dma_wait3A_221 = tpu.memref_squeeze %dma_wait3A_220 : memref<1x128xi32, #tpu.memory_space<hbm>> -> memref<128xi32, #tpu.memory_space<hbm>>
    %dma_wait3A_222 = tpu.memref_slice %arg3[%dma_wait3A_219, %add3A_218] : memref<2x320000xi32, #tpu.memory_space<hbm>> -> memref<1x128xi32, #tpu.memory_space<hbm>>
    %dma_wait3A_223 = tpu.memref_squeeze %dma_wait3A_222 : memref<1x128xi32, #tpu.memory_space<hbm>> -> memref<128xi32, #tpu.memory_space<hbm>>
    tpu.wait_dma2 semaphore(%arg14 : memref<!tpu.dma_semaphore, #tpu.memory_space<semaphore_mem>>) src(%dma_wait3A_223 : memref<128xi32, #tpu.memory_space<hbm>>) dst(%arg12 : memref<128xi32, #tpu.memory_space<vmem>>)
    %add3A_224 = arith.constant 9728 : i32
    %add3A_225 = arith.addi %mul3A_6, %add3A_224 : i32
    %dma_wait3A_226 = arith.constant 1 : i32
    %dma_wait3A_227 = tpu.memref_slice %arg3[%dma_wait3A_226, %add3A_225] : memref<2x320000xi32, #tpu.memory_space<hbm>> -> memref<1x128xi32, #tpu.memory_space<hbm>>
    %dma_wait3A_228 = tpu.memref_squeeze %dma_wait3A_227 : memref<1x128xi32, #tpu.memory_space<hbm>> -> memref<128xi32, #tpu.memory_space<hbm>>
    %dma_wait3A_229 = tpu.memref_slice %arg3[%dma_wait3A_226, %add3A_225] : memref<2x320000xi32, #tpu.memory_space<hbm>> -> memref<1x128xi32, #tpu.memory_space<hbm>>
    %dma_wait3A_230 = tpu.memref_squeeze %dma_wait3A_229 : memref<1x128xi32, #tpu.memory_space<hbm>> -> memref<128xi32, #tpu.memory_space<hbm>>
    tpu.wait_dma2 semaphore(%arg14 : memref<!tpu.dma_semaphore, #tpu.memory_space<semaphore_mem>>) src(%dma_wait3A_230 : memref<128xi32, #tpu.memory_space<hbm>>) dst(%arg13 : memref<128xi32, #tpu.memory_space<vmem>>)
    %dma_start3A_231 = arith.constant 0 : i32
    %dma_start3A_232 = arith.constant 0 : i32
    %dma_start3A_233 = tpu.memref_slice %arg2[%dma_start3A_231, %dma_start3A_232] : memref<10000x128xf32, #tpu.memory_space<hbm>> -> memref<10000x128xf32, #tpu.memory_space<hbm>>
    tpu.enqueue_indirect_dma source(%dma_start3A_233 : memref<10000x128xf32, #tpu.memory_space<hbm>>) target(%arg5 : memref<128x128xf32, #tpu.memory_space<vmem>>) offsets(%arg12 : memref<128xi32, #tpu.memory_space<vmem>>) semaphore(%arg8 : memref<!tpu.dma_semaphore, #tpu.memory_space<semaphore_mem>>)
    %dma_start3A_234 = arith.constant 0 : i32
    %dma_start3A_235 = arith.constant 0 : i32
    %dma_start3A_236 = tpu.memref_slice %arg7[%dma_start3A_234, %dma_start3A_235] : memref<10240x128xf32, #tpu.memory_space<vmem_shared>> -> memref<10240x128xf32, #tpu.memory_space<vmem_shared>>
    tpu.enqueue_indirect_dma source(%arg6 : memref<128x128xf32, #tpu.memory_space<vmem>>) target(%dma_start3A_236 : memref<10240x128xf32, #tpu.memory_space<vmem_shared>>) offsets(%arg22 : memref<128xi32, #tpu.memory_space<vmem>>) semaphore(%arg11 : memref<!tpu.dma_semaphore, #tpu.memory_space<semaphore_mem>>) {add = true}
    %dma_wait3A_237 = arith.constant 0 : i32
    %dma_wait3A_238 = arith.constant 0 : i32
    %dma_wait3A_239 = tpu.memref_slice %arg2[%dma_wait3A_237, %dma_wait3A_238] : memref<10000x128xf32, #tpu.memory_space<hbm>> -> memref<10000x128xf32, #tpu.memory_space<hbm>>
    tpu.wait_indirect_dma semaphore(%arg8 : memref<!tpu.dma_semaphore, #tpu.memory_space<semaphore_mem>>) src(%dma_wait3A_239 : memref<10000x128xf32, #tpu.memory_space<hbm>>) dst(%arg5 : memref<128x128xf32, #tpu.memory_space<vmem>>)
    %dma_wait3A_240 = arith.constant 0 : i32
    %dma_wait3A_241 = arith.constant 0 : i32
    %dma_wait3A_242 = tpu.memref_slice %arg7[%dma_wait3A_240, %dma_wait3A_241] : memref<10240x128xf32, #tpu.memory_space<vmem_shared>> -> memref<10240x128xf32, #tpu.memory_space<vmem_shared>>
    tpu.wait_indirect_dma semaphore(%arg11 : memref<!tpu.dma_semaphore, #tpu.memory_space<semaphore_mem>>) src(%arg6 : memref<128x128xf32, #tpu.memory_space<vmem>>) dst(%dma_wait3A_242 : memref<10240x128xf32, #tpu.memory_space<vmem_shared>>)
    %add3A_243 = arith.constant 9856 : i32
    %add3A_244 = arith.addi %mul3A_6, %add3A_243 : i32
    %dma_wait3A_245 = arith.constant 0 : i32
    %dma_wait3A_246 = tpu.memref_slice %arg3[%dma_wait3A_245, %add3A_244] : memref<2x320000xi32, #tpu.memory_space<hbm>> -> memref<1x128xi32, #tpu.memory_space<hbm>>
    %dma_wait3A_247 = tpu.memref_squeeze %dma_wait3A_246 : memref<1x128xi32, #tpu.memory_space<hbm>> -> memref<128xi32, #tpu.memory_space<hbm>>
    %dma_wait3A_248 = tpu.memref_slice %arg3[%dma_wait3A_245, %add3A_244] : memref<2x320000xi32, #tpu.memory_space<hbm>> -> memref<1x128xi32, #tpu.memory_space<hbm>>
    %dma_wait3A_249 = tpu.memref_squeeze %dma_wait3A_248 : memref<1x128xi32, #tpu.memory_space<hbm>> -> memref<128xi32, #tpu.memory_space<hbm>>
    tpu.wait_dma2 semaphore(%arg17 : memref<!tpu.dma_semaphore, #tpu.memory_space<semaphore_mem>>) src(%dma_wait3A_249 : memref<128xi32, #tpu.memory_space<hbm>>) dst(%arg15 : memref<128xi32, #tpu.memory_space<vmem>>)
    %add3A_250 = arith.constant 9856 : i32
    %add3A_251 = arith.addi %mul3A_6, %add3A_250 : i32
    %dma_wait3A_252 = arith.constant 1 : i32
    %dma_wait3A_253 = tpu.memref_slice %arg3[%dma_wait3A_252, %add3A_251] : memref<2x320000xi32, #tpu.memory_space<hbm>> -> memref<1x128xi32, #tpu.memory_space<hbm>>
    %dma_wait3A_254 = tpu.memref_squeeze %dma_wait3A_253 : memref<1x128xi32, #tpu.memory_space<hbm>> -> memref<128xi32, #tpu.memory_space<hbm>>
    %dma_wait3A_255 = tpu.memref_slice %arg3[%dma_wait3A_252, %add3A_251] : memref<2x320000xi32, #tpu.memory_space<hbm>> -> memref<1x128xi32, #tpu.memory_space<hbm>>
    %dma_wait3A_256 = tpu.memref_squeeze %dma_wait3A_255 : memref<1x128xi32, #tpu.memory_space<hbm>> -> memref<128xi32, #tpu.memory_space<hbm>>
    tpu.wait_dma2 semaphore(%arg17 : memref<!tpu.dma_semaphore, #tpu.memory_space<semaphore_mem>>) src(%dma_wait3A_256 : memref<128xi32, #tpu.memory_space<hbm>>) dst(%arg16 : memref<128xi32, #tpu.memory_space<vmem>>)
    %dma_start3A_257 = arith.constant 0 : i32
    %dma_start3A_258 = arith.constant 0 : i32
    %dma_start3A_259 = tpu.memref_slice %arg2[%dma_start3A_257, %dma_start3A_258] : memref<10000x128xf32, #tpu.memory_space<hbm>> -> memref<10000x128xf32, #tpu.memory_space<hbm>>
    tpu.enqueue_indirect_dma source(%dma_start3A_259 : memref<10000x128xf32, #tpu.memory_space<hbm>>) target(%arg6 : memref<128x128xf32, #tpu.memory_space<vmem>>) offsets(%arg15 : memref<128xi32, #tpu.memory_space<vmem>>) semaphore(%arg9 : memref<!tpu.dma_semaphore, #tpu.memory_space<semaphore_mem>>)
    %dma_start3A_260 = arith.constant 0 : i32
    %dma_start3A_261 = arith.constant 0 : i32
    %dma_start3A_262 = tpu.memref_slice %arg7[%dma_start3A_260, %dma_start3A_261] : memref<10240x128xf32, #tpu.memory_space<vmem_shared>> -> memref<10240x128xf32, #tpu.memory_space<vmem_shared>>
    tpu.enqueue_indirect_dma source(%arg5 : memref<128x128xf32, #tpu.memory_space<vmem>>) target(%dma_start3A_262 : memref<10240x128xf32, #tpu.memory_space<vmem_shared>>) offsets(%arg13 : memref<128xi32, #tpu.memory_space<vmem>>) semaphore(%arg10 : memref<!tpu.dma_semaphore, #tpu.memory_space<semaphore_mem>>) {add = true}
    %dma_wait3A_263 = arith.constant 0 : i32
    %dma_wait3A_264 = arith.constant 0 : i32
    %dma_wait3A_265 = tpu.memref_slice %arg2[%dma_wait3A_263, %dma_wait3A_264] : memref<10000x128xf32, #tpu.memory_space<hbm>> -> memref<10000x128xf32, #tpu.memory_space<hbm>>
    tpu.wait_indirect_dma semaphore(%arg9 : memref<!tpu.dma_semaphore, #tpu.memory_space<semaphore_mem>>) src(%dma_wait3A_265 : memref<10000x128xf32, #tpu.memory_space<hbm>>) dst(%arg6 : memref<128x128xf32, #tpu.memory_space<vmem>>)
    %dma_wait3A_266 = arith.constant 0 : i32
    %dma_wait3A_267 = arith.constant 0 : i32
    %dma_wait3A_268 = tpu.memref_slice %arg7[%dma_wait3A_266, %dma_wait3A_267] : memref<10240x128xf32, #tpu.memory_space<vmem_shared>> -> memref<10240x128xf32, #tpu.memory_space<vmem_shared>>
    tpu.wait_indirect_dma semaphore(%arg10 : memref<!tpu.dma_semaphore, #tpu.memory_space<semaphore_mem>>) src(%arg5 : memref<128x128xf32, #tpu.memory_space<vmem>>) dst(%dma_wait3A_268 : memref<10240x128xf32, #tpu.memory_space<vmem_shared>>)
    %dma_start3A_269 = arith.constant 0 : i32
    %dma_start3A_270 = arith.constant 0 : i32
    %dma_start3A_271 = tpu.memref_slice %arg7[%dma_start3A_269, %dma_start3A_270] : memref<10240x128xf32, #tpu.memory_space<vmem_shared>> -> memref<10240x128xf32, #tpu.memory_space<vmem_shared>>
    tpu.enqueue_indirect_dma source(%arg6 : memref<128x128xf32, #tpu.memory_space<vmem>>) target(%dma_start3A_271 : memref<10240x128xf32, #tpu.memory_space<vmem_shared>>) offsets(%arg16 : memref<128xi32, #tpu.memory_space<vmem>>) semaphore(%arg11 : memref<!tpu.dma_semaphore, #tpu.memory_space<semaphore_mem>>) {add = true}
    %dma_wait3A_272 = arith.constant 0 : i32
    %dma_wait3A_273 = arith.constant 0 : i32
    %dma_wait3A_274 = tpu.memref_slice %arg7[%dma_wait3A_272, %dma_wait3A_273] : memref<10240x128xf32, #tpu.memory_space<vmem_shared>> -> memref<10240x128xf32, #tpu.memory_space<vmem_shared>>
    tpu.wait_indirect_dma semaphore(%arg11 : memref<!tpu.dma_semaphore, #tpu.memory_space<semaphore_mem>>) src(%arg6 : memref<128x128xf32, #tpu.memory_space<vmem>>) dst(%dma_wait3A_274 : memref<10240x128xf32, #tpu.memory_space<vmem_shared>>)
    %lt3A = arith.constant 4 : i32
    %lt3A_275 = arith.cmpi slt, %add3A, %lt3A : i32
    %convert_element_type3A = arith.extui %lt3A_275 : i1 to i32
    %cond3A = arith.constant 0 : i32
    %cond3A_276 = arith.cmpi ne, %convert_element_type3A, %cond3A : i32
    scf.if %cond3A_276 {
      %add3A_282 = arith.constant 9984 : i32
      %add3A_283 = arith.addi %mul3A_6, %add3A_282 : i32
      %dma_start3A_284 = arith.constant 0 : i32
      %dma_start3A_285 = tpu.memref_slice %arg3[%dma_start3A_284, %add3A_283] : memref<2x320000xi32, #tpu.memory_space<hbm>> -> memref<1x128xi32, #tpu.memory_space<hbm>>
      %dma_start3A_286 = tpu.memref_squeeze %dma_start3A_285 : memref<1x128xi32, #tpu.memory_space<hbm>> -> memref<128xi32, #tpu.memory_space<hbm>>
      %dma_start3A_287 = tpu.memref_slice %arg3[%dma_start3A_284, %add3A_283] : memref<2x320000xi32, #tpu.memory_space<hbm>> -> memref<1x128xi32, #tpu.memory_space<hbm>>
      %dma_start3A_288 = tpu.memref_squeeze %dma_start3A_287 : memref<1x128xi32, #tpu.memory_space<hbm>> -> memref<128xi32, #tpu.memory_space<hbm>>
      tpu.enqueue_dma source(%dma_start3A_288 : memref<128xi32, #tpu.memory_space<hbm>>) target(%arg12 : memref<128xi32, #tpu.memory_space<vmem>>) target_semaphore(%arg14 : memref<!tpu.dma_semaphore, #tpu.memory_space<semaphore_mem>>)
      %add3A_289 = arith.constant 9984 : i32
      %add3A_290 = arith.addi %mul3A_6, %add3A_289 : i32
      %dma_start3A_291 = arith.constant 1 : i32
      %dma_start3A_292 = tpu.memref_slice %arg3[%dma_start3A_291, %add3A_290] : memref<2x320000xi32, #tpu.memory_space<hbm>> -> memref<1x128xi32, #tpu.memory_space<hbm>>
      %dma_start3A_293 = tpu.memref_squeeze %dma_start3A_292 : memref<1x128xi32, #tpu.memory_space<hbm>> -> memref<128xi32, #tpu.memory_space<hbm>>
      %dma_start3A_294 = tpu.memref_slice %arg3[%dma_start3A_291, %add3A_290] : memref<2x320000xi32, #tpu.memory_space<hbm>> -> memref<1x128xi32, #tpu.memory_space<hbm>>
      %dma_start3A_295 = tpu.memref_squeeze %dma_start3A_294 : memref<1x128xi32, #tpu.memory_space<hbm>> -> memref<128xi32, #tpu.memory_space<hbm>>
      tpu.enqueue_dma source(%dma_start3A_295 : memref<128xi32, #tpu.memory_space<hbm>>) target(%arg13 : memref<128xi32, #tpu.memory_space<vmem>>) target_semaphore(%arg14 : memref<!tpu.dma_semaphore, #tpu.memory_space<semaphore_mem>>)
      %add3A_296 = arith.constant 9984 : i32
      %add3A_297 = arith.addi %mul3A_6, %add3A_296 : i32
      %dma_wait3A_298 = arith.constant 0 : i32
      %dma_wait3A_299 = tpu.memref_slice %arg3[%dma_wait3A_298, %add3A_297] : memref<2x320000xi32, #tpu.memory_space<hbm>> -> memref<1x128xi32, #tpu.memory_space<hbm>>
      %dma_wait3A_300 = tpu.memref_squeeze %dma_wait3A_299 : memref<1x128xi32, #tpu.memory_space<hbm>> -> memref<128xi32, #tpu.memory_space<hbm>>
      %dma_wait3A_301 = tpu.memref_slice %arg3[%dma_wait3A_298, %add3A_297] : memref<2x320000xi32, #tpu.memory_space<hbm>> -> memref<1x128xi32, #tpu.memory_space<hbm>>
      %dma_wait3A_302 = tpu.memref_squeeze %dma_wait3A_301 : memref<1x128xi32, #tpu.memory_space<hbm>> -> memref<128xi32, #tpu.memory_space<hbm>>
      tpu.wait_dma2 semaphore(%arg14 : memref<!tpu.dma_semaphore, #tpu.memory_space<semaphore_mem>>) src(%dma_wait3A_302 : memref<128xi32, #tpu.memory_space<hbm>>) dst(%arg12 : memref<128xi32, #tpu.memory_space<vmem>>)
      %add3A_303 = arith.constant 9984 : i32
      %add3A_304 = arith.addi %mul3A_6, %add3A_303 : i32
      %dma_wait3A_305 = arith.constant 1 : i32
      %dma_wait3A_306 = tpu.memref_slice %arg3[%dma_wait3A_305, %add3A_304] : memref<2x320000xi32, #tpu.memory_space<hbm>> -> memref<1x128xi32, #tpu.memory_space<hbm>>
      %dma_wait3A_307 = tpu.memref_squeeze %dma_wait3A_306 : memref<1x128xi32, #tpu.memory_space<hbm>> -> memref<128xi32, #tpu.memory_space<hbm>>
      %dma_wait3A_308 = tpu.memref_slice %arg3[%dma_wait3A_305, %add3A_304] : memref<2x320000xi32, #tpu.memory_space<hbm>> -> memref<1x128xi32, #tpu.memory_space<hbm>>
      %dma_wait3A_309 = tpu.memref_squeeze %dma_wait3A_308 : memref<1x128xi32, #tpu.memory_space<hbm>> -> memref<128xi32, #tpu.memory_space<hbm>>
      tpu.wait_dma2 semaphore(%arg14 : memref<!tpu.dma_semaphore, #tpu.memory_space<semaphore_mem>>) src(%dma_wait3A_309 : memref<128xi32, #tpu.memory_space<hbm>>) dst(%arg13 : memref<128xi32, #tpu.memory_space<vmem>>)
      "tpu.region"() ({
        %run_scoped3A = tpu.sem_alloc : memref<!tpu.dma_semaphore, #tpu.memory_space<semaphore_mem>>
        %dma_start3A_310 = arith.constant 0 : i32
        %dma_start3A_311 = arith.constant 0 : i32
        %dma_start3A_312 = tpu.memref_slice %arg2[%dma_start3A_310, %dma_start3A_311] : memref<10000x128xf32, #tpu.memory_space<hbm>> -> memref<10000x128xf32, #tpu.memory_space<hbm>>
        tpu.enqueue_indirect_dma source(%dma_start3A_312 : memref<10000x128xf32, #tpu.memory_space<hbm>>) target(%arg5 : memref<128x128xf32, #tpu.memory_space<vmem>>) offsets(%arg12 : memref<128xi32, #tpu.memory_space<vmem>>) semaphore(%run_scoped3A : memref<!tpu.dma_semaphore, #tpu.memory_space<semaphore_mem>>)
        %dma_wait3A_313 = arith.constant 0 : i32
        %dma_wait3A_314 = arith.constant 0 : i32
        %dma_wait3A_315 = tpu.memref_slice %arg2[%dma_wait3A_313, %dma_wait3A_314] : memref<10000x128xf32, #tpu.memory_space<hbm>> -> memref<10000x128xf32, #tpu.memory_space<hbm>>
        tpu.wait_indirect_dma semaphore(%run_scoped3A : memref<!tpu.dma_semaphore, #tpu.memory_space<semaphore_mem>>) src(%dma_wait3A_315 : memref<10000x128xf32, #tpu.memory_space<hbm>>) dst(%arg5 : memref<128x128xf32, #tpu.memory_space<vmem>>)
        tpu.yield
      }) : () -> ()
      "tpu.region"() ({
        %run_scoped3A = tpu.sem_alloc : memref<!tpu.dma_semaphore, #tpu.memory_space<semaphore_mem>>
        %dma_start3A_310 = arith.constant 0 : i32
        %dma_start3A_311 = arith.constant 0 : i32
        %dma_start3A_312 = tpu.memref_slice %arg7[%dma_start3A_310, %dma_start3A_311] : memref<10240x128xf32, #tpu.memory_space<vmem_shared>> -> memref<10240x128xf32, #tpu.memory_space<vmem_shared>>
        tpu.enqueue_indirect_dma source(%arg5 : memref<128x128xf32, #tpu.memory_space<vmem>>) target(%dma_start3A_312 : memref<10240x128xf32, #tpu.memory_space<vmem_shared>>) offsets(%arg13 : memref<128xi32, #tpu.memory_space<vmem>>) semaphore(%run_scoped3A : memref<!tpu.dma_semaphore, #tpu.memory_space<semaphore_mem>>) {add = true}
        %dma_wait3A_313 = arith.constant 0 : i32
        %dma_wait3A_314 = arith.constant 0 : i32
        %dma_wait3A_315 = tpu.memref_slice %arg7[%dma_wait3A_313, %dma_wait3A_314] : memref<10240x128xf32, #tpu.memory_space<vmem_shared>> -> memref<10240x128xf32, #tpu.memory_space<vmem_shared>>
        tpu.wait_indirect_dma semaphore(%run_scoped3A : memref<!tpu.dma_semaphore, #tpu.memory_space<semaphore_mem>>) src(%arg5 : memref<128x128xf32, #tpu.memory_space<vmem>>) dst(%dma_wait3A_315 : memref<10240x128xf32, #tpu.memory_space<vmem_shared>>)
        tpu.yield
      }) : () -> ()
    } else {
    }
    %barrier3A_277 = arith.constant 0 : index
    tpu.barrier barrier_id(%barrier3A_277)
    %mul3A_278 = arith.constant 640 : i32
    %mul3A_279 = arith.muli %arg1, %mul3A_278 : i32
    %mul3A_280 = arith.constant 640 : i32
    %mul3A_281 = arith.muli %arg1, %mul3A_280 : i32
    "tpu.region"() ({
      %run_scoped3A = tpu.sem_alloc : memref<!tpu.dma_semaphore, #tpu.memory_space<semaphore_mem>>
      %dma_start3A_282 = arith.constant 0 : i32
      %dma_start3A_283 = tpu.memref_slice %arg4[%arg0, %mul3A_281, %dma_start3A_282] : memref<2x10240x128xf32, #tpu.memory_space<hbm>> -> memref<1x640x128xf32, #tpu.memory_space<hbm>>
      %dma_start3A_284 = tpu.memref_squeeze %dma_start3A_283 : memref<1x640x128xf32, #tpu.memory_space<hbm>> -> memref<640x128xf32, #tpu.memory_space<hbm>>
      %dma_start3A_285 = arith.constant 0 : i32
      %dma_start3A_286 = tpu.memref_slice %arg7[%mul3A_279, %dma_start3A_285] : memref<10240x128xf32, #tpu.memory_space<vmem_shared>> -> memref<640x128xf32, #tpu.memory_space<vmem_shared>>
      tpu.enqueue_dma source(%dma_start3A_286 : memref<640x128xf32, #tpu.memory_space<vmem_shared>>) target(%dma_start3A_284 : memref<640x128xf32, #tpu.memory_space<hbm>>) target_semaphore(%run_scoped3A : memref<!tpu.dma_semaphore, #tpu.memory_space<semaphore_mem>>)
      %dma_wait3A_287 = arith.constant 0 : i32
      %dma_wait3A_288 = tpu.memref_slice %arg4[%arg0, %mul3A_281, %dma_wait3A_287] : memref<2x10240x128xf32, #tpu.memory_space<hbm>> -> memref<1x640x128xf32, #tpu.memory_space<hbm>>
      %dma_wait3A_289 = tpu.memref_squeeze %dma_wait3A_288 : memref<1x640x128xf32, #tpu.memory_space<hbm>> -> memref<640x128xf32, #tpu.memory_space<hbm>>
      %dma_wait3A_290 = arith.constant 0 : i32
      %dma_wait3A_291 = tpu.memref_slice %arg7[%mul3A_279, %dma_wait3A_290] : memref<10240x128xf32, #tpu.memory_space<vmem_shared>> -> memref<640x128xf32, #tpu.memory_space<vmem_shared>>
      tpu.wait_dma2 semaphore(%run_scoped3A : memref<!tpu.dma_semaphore, #tpu.memory_space<semaphore_mem>>) src(%dma_wait3A_291 : memref<640x128xf32, #tpu.memory_space<vmem_shared>>) dst(%dma_wait3A_289 : memref<640x128xf32, #tpu.memory_space<hbm>>)
      tpu.yield
    }) : () -> ()
    return
  }
}

#map = affine_map<(d0, d1) -> (0, 0)>
#map1 = affine_map<(d0, d1) -> (0, 0, 0)>
module attributes {stable_mosaic.version = 14 : i64} {
  func.func @k(%arg0: i32, %arg1: i32, %arg2: memref<2x320000xi32, #tpu.memory_space<hbm>>, %arg3: memref<2x80x128xf32, #tpu.memory_space<hbm>>, %arg4: memref<10112xi32, #tpu.memory_space<vmem>>, %arg5: memref<80x128xf32, #tpu.memory_space<vmem>>, %arg6: memref<1x80xi32, #tpu.memory_space<vmem>>, %arg7: memref<80x128xf32, #tpu.memory_space<vmem_shared>>, %arg8: memref<!tpu.dma_semaphore, #tpu.memory_space<semaphore_mem>>) attributes {dimension_semantics = [#tpu.dimension_semantics<core_parallel>, #tpu.dimension_semantics<subcore_parallel>], iteration_bounds = array<i64: 2, 16>, scalar_prefetch = 0 : i64, scratch_operands = 5 : i64, tpu.core_type = #tpu.core_type<sc_vector_subcore>, window_params = [{transform_indices = #map}, {transform_indices = #map1}]} {
    %mul3A = arith.constant 16 : i32
    %mul3A_0 = arith.muli %arg0, %mul3A : i32
    %add3A = arith.addi %mul3A_0, %arg1 : i32
    %mul3A_1 = arith.constant 78 : i32
    %mul3A_2 = arith.muli %add3A, %mul3A_1 : i32
    %min3A = arith.constant 4 : i32
    %min3A_3 = arith.minsi %add3A, %min3A : i32
    %add3A_4 = arith.addi %mul3A_2, %min3A_3 : i32
    %mul3A_5 = arith.constant 128 : i32
    %mul3A_6 = arith.muli %add3A_4, %mul3A_5 : i32
    %dma_start3A = arith.constant 1 : i32
    %dma_start3A_7 = arith.constant 0 : i32
    %dma_start3A_8 = tpu.memref_slice %arg4[%dma_start3A_7] : memref<10112xi32, #tpu.memory_space<vmem>> -> memref<9984xi32, #tpu.memory_space<vmem>>
    %dma_start3A_9 = tpu.memref_slice %arg2[%dma_start3A, %mul3A_6] : memref<2x320000xi32, #tpu.memory_space<hbm>> -> memref<1x9984xi32, #tpu.memory_space<hbm>>
    %dma_start3A_10 = tpu.memref_squeeze %dma_start3A_9 : memref<1x9984xi32, #tpu.memory_space<hbm>> -> memref<9984xi32, #tpu.memory_space<hbm>>
    %dma_start3A_11 = arith.constant 0 : i32
    %dma_start3A_12 = tpu.memref_slice %arg4[%dma_start3A_11] : memref<10112xi32, #tpu.memory_space<vmem>> -> memref<9984xi32, #tpu.memory_space<vmem>>
    %dma_start3A_13 = tpu.memref_slice %arg2[%dma_start3A, %mul3A_6] : memref<2x320000xi32, #tpu.memory_space<hbm>> -> memref<1x9984xi32, #tpu.memory_space<hbm>>
    %dma_start3A_14 = tpu.memref_squeeze %dma_start3A_13 : memref<1x9984xi32, #tpu.memory_space<hbm>> -> memref<9984xi32, #tpu.memory_space<hbm>>
    tpu.enqueue_dma source(%dma_start3A_14 : memref<9984xi32, #tpu.memory_space<hbm>>) target(%dma_start3A_12 : memref<9984xi32, #tpu.memory_space<vmem>>) target_semaphore(%arg8 : memref<!tpu.dma_semaphore, #tpu.memory_space<semaphore_mem>>)
    %lt3A = arith.constant 4 : i32
    %lt3A_15 = arith.cmpi slt, %add3A, %lt3A : i32
    %convert_element_type3A = arith.extui %lt3A_15 : i1 to i32
    %cond3A = arith.constant 0 : i32
    %cond3A_16 = arith.cmpi ne, %convert_element_type3A, %cond3A : i32
    scf.if %cond3A_16 {
      %add3A_87 = arith.constant 9984 : i32
      %add3A_88 = arith.addi %mul3A_6, %add3A_87 : i32
      %run_scoped3A_89 = arith.constant 1 : i32
      "tpu.region"() ({
        %run_scoped3A_90 = tpu.sem_alloc : memref<!tpu.dma_semaphore, #tpu.memory_space<semaphore_mem>>
        %dma_start3A_91 = arith.constant 9984 : i32
        %dma_start3A_92 = tpu.memref_slice %arg4[%dma_start3A_91] : memref<10112xi32, #tpu.memory_space<vmem>> -> memref<128xi32, #tpu.memory_space<vmem>>
        %dma_start3A_93 = tpu.memref_slice %arg2[%run_scoped3A_89, %add3A_88] : memref<2x320000xi32, #tpu.memory_space<hbm>> -> memref<1x128xi32, #tpu.memory_space<hbm>>
        %dma_start3A_94 = tpu.memref_squeeze %dma_start3A_93 : memref<1x128xi32, #tpu.memory_space<hbm>> -> memref<128xi32, #tpu.memory_space<hbm>>
        %dma_start3A_95 = arith.constant 9984 : i32
        %dma_start3A_96 = tpu.memref_slice %arg4[%dma_start3A_95] : memref<10112xi32, #tpu.memory_space<vmem>> -> memref<128xi32, #tpu.memory_space<vmem>>
        %dma_start3A_97 = tpu.memref_slice %arg2[%run_scoped3A_89, %add3A_88] : memref<2x320000xi32, #tpu.memory_space<hbm>> -> memref<1x128xi32, #tpu.memory_space<hbm>>
        %dma_start3A_98 = tpu.memref_squeeze %dma_start3A_97 : memref<1x128xi32, #tpu.memory_space<hbm>> -> memref<128xi32, #tpu.memory_space<hbm>>
        tpu.enqueue_dma source(%dma_start3A_98 : memref<128xi32, #tpu.memory_space<hbm>>) target(%dma_start3A_96 : memref<128xi32, #tpu.memory_space<vmem>>) target_semaphore(%run_scoped3A_90 : memref<!tpu.dma_semaphore, #tpu.memory_space<semaphore_mem>>)
        %dma_wait3A_99 = arith.constant 9984 : i32
        %dma_wait3A_100 = tpu.memref_slice %arg4[%dma_wait3A_99] : memref<10112xi32, #tpu.memory_space<vmem>> -> memref<128xi32, #tpu.memory_space<vmem>>
        %dma_wait3A_101 = tpu.memref_slice %arg2[%run_scoped3A_89, %add3A_88] : memref<2x320000xi32, #tpu.memory_space<hbm>> -> memref<1x128xi32, #tpu.memory_space<hbm>>
        %dma_wait3A_102 = tpu.memref_squeeze %dma_wait3A_101 : memref<1x128xi32, #tpu.memory_space<hbm>> -> memref<128xi32, #tpu.memory_space<hbm>>
        %dma_wait3A_103 = arith.constant 9984 : i32
        %dma_wait3A_104 = tpu.memref_slice %arg4[%dma_wait3A_103] : memref<10112xi32, #tpu.memory_space<vmem>> -> memref<128xi32, #tpu.memory_space<vmem>>
        %dma_wait3A_105 = tpu.memref_slice %arg2[%run_scoped3A_89, %add3A_88] : memref<2x320000xi32, #tpu.memory_space<hbm>> -> memref<1x128xi32, #tpu.memory_space<hbm>>
        %dma_wait3A_106 = tpu.memref_squeeze %dma_wait3A_105 : memref<1x128xi32, #tpu.memory_space<hbm>> -> memref<128xi32, #tpu.memory_space<hbm>>
        tpu.wait_dma2 semaphore(%run_scoped3A_90 : memref<!tpu.dma_semaphore, #tpu.memory_space<semaphore_mem>>) src(%dma_wait3A_106 : memref<128xi32, #tpu.memory_space<hbm>>) dst(%dma_wait3A_104 : memref<128xi32, #tpu.memory_space<vmem>>)
        tpu.yield
      }) : () -> ()
    } else {
    }
    %broadcast_in_dim3A = arith.constant 0.000000e+00 : f32
    %broadcast_in_dim3A_17 = vector.broadcast %broadcast_in_dim3A : f32 to vector<16xf32>
    %scan3A = arith.constant 0 : i32
    %scan3A_18 = arith.constant 80 : i32
    %scan3A_19 = arith.addi %scan3A, %scan3A_18 : i32
    %scan3A_20 = arith.constant 1 : i32
    scf.for %scan3A_87 = %scan3A to %scan3A_19 step %scan3A_20  : i32 {
      %mul3A_88 = arith.constant 1 : i32
      %mul3A_89 = arith.muli %scan3A_87, %mul3A_88 : i32
      %add3A_90 = arith.constant 0 : i32
      %add3A_91 = arith.addi %add3A_90, %mul3A_89 : i32
      %swap3A_92 = arith.index_cast %add3A_91 : i32 to index
      %swap3A_93 = arith.constant 0 : index
      %swap3A_94 = tpu.vector_load %arg5[%swap3A_92, %swap3A_93] {strides = array<i32>} : memref<80x128xf32, #tpu.memory_space<vmem>>, vector<16xf32>,
      tpu.vector_store %arg5[%swap3A_92, %swap3A_93], %broadcast_in_dim3A_17 {strides = array<i32>} : memref<80x128xf32, #tpu.memory_space<vmem>>, vector<16xf32>,
      %swap3A_95 = arith.index_cast %add3A_91 : i32 to index
      %swap3A_96 = arith.constant 16 : index
      %swap3A_97 = tpu.vector_load %arg5[%swap3A_95, %swap3A_96] {strides = array<i32>} : memref<80x128xf32, #tpu.memory_space<vmem>>, vector<16xf32>,
      tpu.vector_store %arg5[%swap3A_95, %swap3A_96], %broadcast_in_dim3A_17 {strides = array<i32>} : memref<80x128xf32, #tpu.memory_space<vmem>>, vector<16xf32>,
      %swap3A_98 = arith.index_cast %add3A_91 : i32 to index
      %swap3A_99 = arith.constant 32 : index
      %swap3A_100 = tpu.vector_load %arg5[%swap3A_98, %swap3A_99] {strides = array<i32>} : memref<80x128xf32, #tpu.memory_space<vmem>>, vector<16xf32>,
      tpu.vector_store %arg5[%swap3A_98, %swap3A_99], %broadcast_in_dim3A_17 {strides = array<i32>} : memref<80x128xf32, #tpu.memory_space<vmem>>, vector<16xf32>,
      %swap3A_101 = arith.index_cast %add3A_91 : i32 to index
      %swap3A_102 = arith.constant 48 : index
      %swap3A_103 = tpu.vector_load %arg5[%swap3A_101, %swap3A_102] {strides = array<i32>} : memref<80x128xf32, #tpu.memory_space<vmem>>, vector<16xf32>,
      tpu.vector_store %arg5[%swap3A_101, %swap3A_102], %broadcast_in_dim3A_17 {strides = array<i32>} : memref<80x128xf32, #tpu.memory_space<vmem>>, vector<16xf32>,
      %swap3A_104 = arith.index_cast %add3A_91 : i32 to index
      %swap3A_105 = arith.constant 64 : index
      %swap3A_106 = tpu.vector_load %arg5[%swap3A_104, %swap3A_105] {strides = array<i32>} : memref<80x128xf32, #tpu.memory_space<vmem>>, vector<16xf32>,
      tpu.vector_store %arg5[%swap3A_104, %swap3A_105], %broadcast_in_dim3A_17 {strides = array<i32>} : memref<80x128xf32, #tpu.memory_space<vmem>>, vector<16xf32>,
      %swap3A_107 = arith.index_cast %add3A_91 : i32 to index
      %swap3A_108 = arith.constant 80 : index
      %swap3A_109 = tpu.vector_load %arg5[%swap3A_107, %swap3A_108] {strides = array<i32>} : memref<80x128xf32, #tpu.memory_space<vmem>>, vector<16xf32>,
      tpu.vector_store %arg5[%swap3A_107, %swap3A_108], %broadcast_in_dim3A_17 {strides = array<i32>} : memref<80x128xf32, #tpu.memory_space<vmem>>, vector<16xf32>,
      %swap3A_110 = arith.index_cast %add3A_91 : i32 to index
      %swap3A_111 = arith.constant 96 : index
      %swap3A_112 = tpu.vector_load %arg5[%swap3A_110, %swap3A_111] {strides = array<i32>} : memref<80x128xf32, #tpu.memory_space<vmem>>, vector<16xf32>,
      tpu.vector_store %arg5[%swap3A_110, %swap3A_111], %broadcast_in_dim3A_17 {strides = array<i32>} : memref<80x128xf32, #tpu.memory_space<vmem>>, vector<16xf32>,
      %swap3A_113 = arith.index_cast %add3A_91 : i32 to index
      %swap3A_114 = arith.constant 112 : index
      %swap3A_115 = tpu.vector_load %arg5[%swap3A_113, %swap3A_114] {strides = array<i32>} : memref<80x128xf32, #tpu.memory_space<vmem>>, vector<16xf32>,
      tpu.vector_store %arg5[%swap3A_113, %swap3A_114], %broadcast_in_dim3A_17 {strides = array<i32>} : memref<80x128xf32, #tpu.memory_space<vmem>>, vector<16xf32>,
    }
    %scan3A_21 = arith.constant 80 : i32
    %lt3A_22 = arith.constant 10 : i32
    %lt3A_23 = arith.cmpi slt, %arg1, %lt3A_22 : i32
    %convert_element_type3A_24 = arith.extui %lt3A_23 : i1 to i32
    %cond3A_25 = arith.constant 0 : i32
    %cond3A_26 = arith.cmpi ne, %convert_element_type3A_24, %cond3A_25 : i32
    scf.if %cond3A_26 {
      %mul3A_87 = arith.constant 8 : i32
      %mul3A_88 = arith.muli %arg1, %mul3A_87 : i32
      %mul3A_89 = arith.constant 8 : i32
      %mul3A_90 = arith.muli %arg1, %mul3A_89 : i32
      "tpu.region"() ({
        %run_scoped3A_91 = tpu.sem_alloc : memref<!tpu.dma_semaphore, #tpu.memory_space<semaphore_mem>>
        %dma_start3A_92 = arith.constant 0 : i32
        %dma_start3A_93 = tpu.memref_slice %arg5[%mul3A_88, %dma_start3A_92] : memref<80x128xf32, #tpu.memory_space<vmem>> -> memref<8x128xf32, #tpu.memory_space<vmem>>
        %dma_start3A_94 = arith.constant 0 : i32
        %dma_start3A_95 = tpu.memref_slice %arg7[%mul3A_90, %dma_start3A_94] : memref<80x128xf32, #tpu.memory_space<vmem_shared>> -> memref<8x128xf32, #tpu.memory_space<vmem_shared>>
        %dma_start3A_96 = arith.constant 0 : i32
        %dma_start3A_97 = tpu.memref_slice %arg7[%mul3A_90, %dma_start3A_96] : memref<80x128xf32, #tpu.memory_space<vmem_shared>> -> memref<8x128xf32, #tpu.memory_space<vmem_shared>>
        %dma_start3A_98 = arith.constant 0 : i32
        %dma_start3A_99 = tpu.memref_slice %arg5[%mul3A_88, %dma_start3A_98] : memref<80x128xf32, #tpu.memory_space<vmem>> -> memref<8x128xf32, #tpu.memory_space<vmem>>
        tpu.enqueue_dma source(%dma_start3A_99 : memref<8x128xf32, #tpu.memory_space<vmem>>) target(%dma_start3A_97 : memref<8x128xf32, #tpu.memory_space<vmem_shared>>) target_semaphore(%run_scoped3A_91 : memref<!tpu.dma_semaphore, #tpu.memory_space<semaphore_mem>>)
        %dma_wait3A_100 = arith.constant 0 : i32
        %dma_wait3A_101 = tpu.memref_slice %arg5[%mul3A_88, %dma_wait3A_100] : memref<80x128xf32, #tpu.memory_space<vmem>> -> memref<8x128xf32, #tpu.memory_space<vmem>>
        %dma_wait3A_102 = arith.constant 0 : i32
        %dma_wait3A_103 = tpu.memref_slice %arg7[%mul3A_90, %dma_wait3A_102] : memref<80x128xf32, #tpu.memory_space<vmem_shared>> -> memref<8x128xf32, #tpu.memory_space<vmem_shared>>
        %dma_wait3A_104 = arith.constant 0 : i32
        %dma_wait3A_105 = tpu.memref_slice %arg7[%mul3A_90, %dma_wait3A_104] : memref<80x128xf32, #tpu.memory_space<vmem_shared>> -> memref<8x128xf32, #tpu.memory_space<vmem_shared>>
        %dma_wait3A_106 = arith.constant 0 : i32
        %dma_wait3A_107 = tpu.memref_slice %arg5[%mul3A_88, %dma_wait3A_106] : memref<80x128xf32, #tpu.memory_space<vmem>> -> memref<8x128xf32, #tpu.memory_space<vmem>>
        tpu.wait_dma2 semaphore(%run_scoped3A_91 : memref<!tpu.dma_semaphore, #tpu.memory_space<semaphore_mem>>) src(%dma_wait3A_107 : memref<8x128xf32, #tpu.memory_space<vmem>>) dst(%dma_wait3A_105 : memref<8x128xf32, #tpu.memory_space<vmem_shared>>)
        tpu.yield
      }) : () -> ()
    } else {
    }
    %iota3A = tpu.iota {dimensions = array<i32: 0>} : vector<16xi32>
    %add3A_27 = arith.constant 0 : i32
    %add3A_28 = vector.broadcast %add3A_27 : i32 to vector<16xi32>
    %add3A_29 = arith.addi %iota3A, %add3A_28 : vector<16xi32>
    %swap3A = arith.constant 0 : i32
    %swap3A_30 = arith.index_cast %swap3A : i32 to index
    %swap3A_31 = arith.constant 0 : index
    %swap3A_32 = tpu.vector_load %arg6[%swap3A_30, %swap3A_31] {strides = array<i32>} : memref<1x80xi32, #tpu.memory_space<vmem>>, vector<16xi32>,
    tpu.vector_store %arg6[%swap3A_30, %swap3A_31], %add3A_29 {strides = array<i32>} : memref<1x80xi32, #tpu.memory_space<vmem>>, vector<16xi32>,
    %add3A_33 = arith.constant 16 : i32
    %add3A_34 = vector.broadcast %add3A_33 : i32 to vector<16xi32>
    %add3A_35 = arith.addi %iota3A, %add3A_34 : vector<16xi32>
    %swap3A_36 = arith.constant 0 : i32
    %swap3A_37 = arith.index_cast %swap3A_36 : i32 to index
    %swap3A_38 = arith.constant 16 : index
    %swap3A_39 = tpu.vector_load %arg6[%swap3A_37, %swap3A_38] {strides = array<i32>} : memref<1x80xi32, #tpu.memory_space<vmem>>, vector<16xi32>,
    tpu.vector_store %arg6[%swap3A_37, %swap3A_38], %add3A_35 {strides = array<i32>} : memref<1x80xi32, #tpu.memory_space<vmem>>, vector<16xi32>,
    %add3A_40 = arith.constant 32 : i32
    %add3A_41 = vector.broadcast %add3A_40 : i32 to vector<16xi32>
    %add3A_42 = arith.addi %iota3A, %add3A_41 : vector<16xi32>
    %swap3A_43 = arith.constant 0 : i32
    %swap3A_44 = arith.index_cast %swap3A_43 : i32 to index
    %swap3A_45 = arith.constant 32 : index
    %swap3A_46 = tpu.vector_load %arg6[%swap3A_44, %swap3A_45] {strides = array<i32>} : memref<1x80xi32, #tpu.memory_space<vmem>>, vector<16xi32>,
    tpu.vector_store %arg6[%swap3A_44, %swap3A_45], %add3A_42 {strides = array<i32>} : memref<1x80xi32, #tpu.memory_space<vmem>>, vector<16xi32>,
    %add3A_47 = arith.constant 48 : i32
    %add3A_48 = vector.broadcast %add3A_47 : i32 to vector<16xi32>
    %add3A_49 = arith.addi %iota3A, %add3A_48 : vector<16xi32>
    %swap3A_50 = arith.constant 0 : i32
    %swap3A_51 = arith.index_cast %swap3A_50 : i32 to index
    %swap3A_52 = arith.constant 48 : index
    %swap3A_53 = tpu.vector_load %arg6[%swap3A_51, %swap3A_52] {strides = array<i32>} : memref<1x80xi32, #tpu.memory_space<vmem>>, vector<16xi32>,
    tpu.vector_store %arg6[%swap3A_51, %swap3A_52], %add3A_49 {strides = array<i32>} : memref<1x80xi32, #tpu.memory_space<vmem>>, vector<16xi32>,
    %add3A_54 = arith.constant 64 : i32
    %add3A_55 = vector.broadcast %add3A_54 : i32 to vector<16xi32>
    %add3A_56 = arith.addi %iota3A, %add3A_55 : vector<16xi32>
    %swap3A_57 = arith.constant 0 : i32
    %swap3A_58 = arith.index_cast %swap3A_57 : i32 to index
    %swap3A_59 = arith.constant 64 : index
    %swap3A_60 = tpu.vector_load %arg6[%swap3A_58, %swap3A_59] {strides = array<i32>} : memref<1x80xi32, #tpu.memory_space<vmem>>, vector<16xi32>,
    tpu.vector_store %arg6[%swap3A_58, %swap3A_59], %add3A_56 {strides = array<i32>} : memref<1x80xi32, #tpu.memory_space<vmem>>, vector<16xi32>,
    %barrier3A = arith.constant 0 : index
    tpu.barrier barrier_id(%barrier3A)
    %dma_wait3A = arith.constant 1 : i32
    %dma_wait3A_61 = arith.constant 0 : i32
    %dma_wait3A_62 = tpu.memref_slice %arg4[%dma_wait3A_61] : memref<10112xi32, #tpu.memory_space<vmem>> -> memref<9984xi32, #tpu.memory_space<vmem>>
    %dma_wait3A_63 = tpu.memref_slice %arg2[%dma_wait3A, %mul3A_6] : memref<2x320000xi32, #tpu.memory_space<hbm>> -> memref<1x9984xi32, #tpu.memory_space<hbm>>
    %dma_wait3A_64 = tpu.memref_squeeze %dma_wait3A_63 : memref<1x9984xi32, #tpu.memory_space<hbm>> -> memref<9984xi32, #tpu.memory_space<hbm>>
    %dma_wait3A_65 = arith.constant 0 : i32
    %dma_wait3A_66 = tpu.memref_slice %arg4[%dma_wait3A_65] : memref<10112xi32, #tpu.memory_space<vmem>> -> memref<9984xi32, #tpu.memory_space<vmem>>
    %dma_wait3A_67 = tpu.memref_slice %arg2[%dma_wait3A, %mul3A_6] : memref<2x320000xi32, #tpu.memory_space<hbm>> -> memref<1x9984xi32, #tpu.memory_space<hbm>>
    %dma_wait3A_68 = tpu.memref_squeeze %dma_wait3A_67 : memref<1x9984xi32, #tpu.memory_space<hbm>> -> memref<9984xi32, #tpu.memory_space<hbm>>
    tpu.wait_dma2 semaphore(%arg8 : memref<!tpu.dma_semaphore, #tpu.memory_space<semaphore_mem>>) src(%dma_wait3A_68 : memref<9984xi32, #tpu.memory_space<hbm>>) dst(%dma_wait3A_66 : memref<9984xi32, #tpu.memory_space<vmem>>)
    %broadcast_in_dim3A_69 = arith.constant 1.000000e+00 : f32
    %broadcast_in_dim3A_70 = vector.broadcast %broadcast_in_dim3A_69 : f32 to vector<16xf32>
    %scan3A_71 = arith.constant 0 : i32
    %scan3A_72 = arith.constant 624 : i32
    %scan3A_73 = arith.addi %scan3A_71, %scan3A_72 : i32
    %scan3A_74 = arith.constant 1 : i32
    scf.for %scan3A_87 = %scan3A_71 to %scan3A_73 step %scan3A_74  : i32 {
      %mul3A_88 = arith.constant 1 : i32
      %mul3A_89 = arith.muli %scan3A_87, %mul3A_88 : i32
      %add3A_90 = arith.constant 0 : i32
      %add3A_91 = arith.addi %add3A_90, %mul3A_89 : i32
      %mul3A_92 = arith.constant 16 : i32
      %mul3A_93 = arith.muli %add3A_91, %mul3A_92 : i32
      %get3A = arith.index_cast %mul3A_93 : i32 to index
      %get3A_94 = tpu.vector_load %arg4[%get3A] {strides = array<i32>} : memref<10112xi32, #tpu.memory_space<vmem>>, vector<16xi32>,
      %jit3A = arith.constant 128 : i32
      %div3A = vector.broadcast %jit3A : i32 to vector<16xi32>
      %div3A_95 = arith.divsi %get3A_94, %div3A : vector<16xi32>
      %sign3A = arith.constant 0 : i32
      %sign3A_96 = vector.broadcast %sign3A : i32 to vector<16xi32>
      %sign3A_97 = arith.cmpi sgt, %get3A_94, %sign3A_96 : vector<16xi32>
      %sign3A_98 = arith.extui %sign3A_97 : vector<16xi1> to vector<16xi32>
      %sign3A_99 = arith.constant 0 : i32
      %sign3A_100 = vector.broadcast %sign3A_99 : i32 to vector<16xi32>
      %sign3A_101 = arith.cmpi slt, %get3A_94, %sign3A_100 : vector<16xi32>
      %sign3A_102 = arith.extui %sign3A_101 : vector<16xi1> to vector<16xi32>
      %sign3A_103 = arith.subi %sign3A_98, %sign3A_102 : vector<16xi32>
      %sign3A_104 = arith.constant 0 : i32
      %sign3A_105 = arith.cmpi sgt, %jit3A, %sign3A_104 : i32
      %sign3A_106 = arith.extui %sign3A_105 : i1 to i32
      %sign3A_107 = arith.constant 0 : i32
      %sign3A_108 = arith.cmpi slt, %jit3A, %sign3A_107 : i32
      %sign3A_109 = arith.extui %sign3A_108 : i1 to i32
      %sign3A_110 = arith.subi %sign3A_106, %sign3A_109 : i32
      %ne3A = vector.broadcast %sign3A_110 : i32 to vector<16xi32>
      %ne3A_111 = arith.cmpi ne, %sign3A_103, %ne3A : vector<16xi32>
      %rem3A = vector.broadcast %jit3A : i32 to vector<16xi32>
      %rem3A_112 = arith.remsi %get3A_94, %rem3A : vector<16xi32>
      %ne3A_113 = arith.constant 0 : i32
      %ne3A_114 = vector.broadcast %ne3A_113 : i32 to vector<16xi32>
      %ne3A_115 = arith.cmpi ne, %rem3A_112, %ne3A_114 : vector<16xi32>
      %and3A = arith.andi %ne3A_111, %ne3A_115 : vector<16xi1>
      %sub3A = arith.constant 1 : i32
      %sub3A_116 = vector.broadcast %sub3A : i32 to vector<16xi32>
      %sub3A_117 = arith.subi %div3A_95, %sub3A_116 : vector<16xi32>
      %select_n3A = arith.select %and3A, %sub3A_117, %div3A_95 : vector<16xi1>, vector<16xi32>
      %jit3A_118 = arith.constant 128 : i32
      %eq3A = arith.constant 0 : i32
      %eq3A_119 = arith.cmpi eq, %jit3A_118, %eq3A : i32
      %jit3A_120 = arith.constant 1 : i32
      %select_n3A_121 = arith.select %eq3A_119, %jit3A_120, %jit3A_118 : i32
      %rem3A_122 = vector.broadcast %select_n3A_121 : i32 to vector<16xi32>
      %rem3A_123 = arith.remsi %get3A_94, %rem3A_122 : vector<16xi32>
      %ne3A_124 = arith.constant 0 : i32
      %ne3A_125 = vector.broadcast %ne3A_124 : i32 to vector<16xi32>
      %ne3A_126 = arith.cmpi ne, %rem3A_123, %ne3A_125 : vector<16xi32>
      %lt3A_127 = arith.constant 0 : i32
      %lt3A_128 = vector.broadcast %lt3A_127 : i32 to vector<16xi32>
      %lt3A_129 = arith.cmpi slt, %rem3A_123, %lt3A_128 : vector<16xi32>
      %lt3A_130 = arith.constant 0 : i32
      %lt3A_131 = arith.cmpi slt, %select_n3A_121, %lt3A_130 : i32
      %ne3A_132 = vector.broadcast %lt3A_131 : i1 to vector<16xi1>
      %ne3A_133 = vector.broadcast %ne3A_132 : vector<16xi1> to vector<16xi1>
      %ne3A_134 = arith.xori %lt3A_129, %ne3A_133 : vector<16xi1>
      %and3A_135 = arith.andi %ne3A_134, %ne3A_126 : vector<16xi1>
      %add3A_136 = vector.broadcast %select_n3A_121 : i32 to vector<16xi32>
      %add3A_137 = arith.addi %rem3A_123, %add3A_136 : vector<16xi32>
      %select_n3A_138 = arith.select %and3A_135, %add3A_137, %rem3A_123 : vector<16xi1>, vector<16xi32>
      tpu.vector_store_idx %arg5[%select_n3A, %select_n3A_138], %broadcast_in_dim3A_70 {add = true} : memref<80x128xf32, #tpu.memory_space<vmem>>[vector<16xi32>, vector<16xi32>], vector<16xf32>,
    }
    %scan3A_75 = arith.constant 624 : i32
    %lt3A_76 = arith.constant 4 : i32
    %lt3A_77 = arith.cmpi slt, %add3A, %lt3A_76 : i32
    %convert_element_type3A_78 = arith.extui %lt3A_77 : i1 to i32
    %cond3A_79 = arith.constant 0 : i32
    %cond3A_80 = arith.cmpi ne, %convert_element_type3A_78, %cond3A_79 : i32
    scf.if %cond3A_80 {
      %scan3A_87 = arith.constant 0 : i32
      %scan3A_88 = arith.constant 8 : i32
      %scan3A_89 = arith.addi %scan3A_87, %scan3A_88 : i32
      %scan3A_90 = arith.constant 1 : i32
      scf.for %scan3A_92 = %scan3A_87 to %scan3A_89 step %scan3A_90  : i32 {
        %mul3A_93 = arith.constant 1 : i32
        %mul3A_94 = arith.muli %scan3A_92, %mul3A_93 : i32
        %add3A_95 = arith.constant 624 : i32
        %add3A_96 = arith.addi %add3A_95, %mul3A_94 : i32
        %mul3A_97 = arith.constant 16 : i32
        %mul3A_98 = arith.muli %add3A_96, %mul3A_97 : i32
        %get3A = arith.index_cast %mul3A_98 : i32 to index
        %get3A_99 = tpu.vector_load %arg4[%get3A] {strides = array<i32>} : memref<10112xi32, #tpu.memory_space<vmem>>, vector<16xi32>,
        %jit3A = arith.constant 128 : i32
        %div3A = vector.broadcast %jit3A : i32 to vector<16xi32>
        %div3A_100 = arith.divsi %get3A_99, %div3A : vector<16xi32>
        %sign3A = arith.constant 0 : i32
        %sign3A_101 = vector.broadcast %sign3A : i32 to vector<16xi32>
        %sign3A_102 = arith.cmpi sgt, %get3A_99, %sign3A_101 : vector<16xi32>
        %sign3A_103 = arith.extui %sign3A_102 : vector<16xi1> to vector<16xi32>
        %sign3A_104 = arith.constant 0 : i32
        %sign3A_105 = vector.broadcast %sign3A_104 : i32 to vector<16xi32>
        %sign3A_106 = arith.cmpi slt, %get3A_99, %sign3A_105 : vector<16xi32>
        %sign3A_107 = arith.extui %sign3A_106 : vector<16xi1> to vector<16xi32>
        %sign3A_108 = arith.subi %sign3A_103, %sign3A_107 : vector<16xi32>
        %sign3A_109 = arith.constant 0 : i32
        %sign3A_110 = arith.cmpi sgt, %jit3A, %sign3A_109 : i32
        %sign3A_111 = arith.extui %sign3A_110 : i1 to i32
        %sign3A_112 = arith.constant 0 : i32
        %sign3A_113 = arith.cmpi slt, %jit3A, %sign3A_112 : i32
        %sign3A_114 = arith.extui %sign3A_113 : i1 to i32
        %sign3A_115 = arith.subi %sign3A_111, %sign3A_114 : i32
        %ne3A = vector.broadcast %sign3A_115 : i32 to vector<16xi32>
        %ne3A_116 = arith.cmpi ne, %sign3A_108, %ne3A : vector<16xi32>
        %rem3A = vector.broadcast %jit3A : i32 to vector<16xi32>
        %rem3A_117 = arith.remsi %get3A_99, %rem3A : vector<16xi32>
        %ne3A_118 = arith.constant 0 : i32
        %ne3A_119 = vector.broadcast %ne3A_118 : i32 to vector<16xi32>
        %ne3A_120 = arith.cmpi ne, %rem3A_117, %ne3A_119 : vector<16xi32>
        %and3A = arith.andi %ne3A_116, %ne3A_120 : vector<16xi1>
        %sub3A = arith.constant 1 : i32
        %sub3A_121 = vector.broadcast %sub3A : i32 to vector<16xi32>
        %sub3A_122 = arith.subi %div3A_100, %sub3A_121 : vector<16xi32>
        %select_n3A = arith.select %and3A, %sub3A_122, %div3A_100 : vector<16xi1>, vector<16xi32>
        %jit3A_123 = arith.constant 128 : i32
        %eq3A = arith.constant 0 : i32
        %eq3A_124 = arith.cmpi eq, %jit3A_123, %eq3A : i32
        %jit3A_125 = arith.constant 1 : i32
        %select_n3A_126 = arith.select %eq3A_124, %jit3A_125, %jit3A_123 : i32
        %rem3A_127 = vector.broadcast %select_n3A_126 : i32 to vector<16xi32>
        %rem3A_128 = arith.remsi %get3A_99, %rem3A_127 : vector<16xi32>
        %ne3A_129 = arith.constant 0 : i32
        %ne3A_130 = vector.broadcast %ne3A_129 : i32 to vector<16xi32>
        %ne3A_131 = arith.cmpi ne, %rem3A_128, %ne3A_130 : vector<16xi32>
        %lt3A_132 = arith.constant 0 : i32
        %lt3A_133 = vector.broadcast %lt3A_132 : i32 to vector<16xi32>
        %lt3A_134 = arith.cmpi slt, %rem3A_128, %lt3A_133 : vector<16xi32>
        %lt3A_135 = arith.constant 0 : i32
        %lt3A_136 = arith.cmpi slt, %select_n3A_126, %lt3A_135 : i32
        %ne3A_137 = vector.broadcast %lt3A_136 : i1 to vector<16xi1>
        %ne3A_138 = vector.broadcast %ne3A_137 : vector<16xi1> to vector<16xi1>
        %ne3A_139 = arith.xori %lt3A_134, %ne3A_138 : vector<16xi1>
        %and3A_140 = arith.andi %ne3A_139, %ne3A_131 : vector<16xi1>
        %add3A_141 = vector.broadcast %select_n3A_126 : i32 to vector<16xi32>
        %add3A_142 = arith.addi %rem3A_128, %add3A_141 : vector<16xi32>
        %select_n3A_143 = arith.select %and3A_140, %add3A_142, %rem3A_128 : vector<16xi1>, vector<16xi32>
        tpu.vector_store_idx %arg5[%select_n3A, %select_n3A_143], %broadcast_in_dim3A_70 {add = true} : memref<80x128xf32, #tpu.memory_space<vmem>>[vector<16xi32>, vector<16xi32>], vector<16xf32>,
      }
      %scan3A_91 = arith.constant 8 : i32
    } else {
    }
    %run_scoped3A = arith.constant 0 : i32
    "tpu.region"() ({
      %run_scoped3A_87 = tpu.sem_alloc : memref<!tpu.dma_semaphore, #tpu.memory_space<semaphore_mem>>
      %dma_start3A_88 = arith.constant 0 : i32
      %dma_start3A_89 = tpu.memref_slice %arg6[%run_scoped3A, %dma_start3A_88] : memref<1x80xi32, #tpu.memory_space<vmem>> -> memref<1x80xi32, #tpu.memory_space<vmem>>
      %dma_start3A_90 = tpu.memref_squeeze %dma_start3A_89 : memref<1x80xi32, #tpu.memory_space<vmem>> -> memref<80xi32, #tpu.memory_space<vmem>>
      %dma_start3A_91 = arith.constant 0 : i32
      %dma_start3A_92 = arith.constant 0 : i32
      %dma_start3A_93 = tpu.memref_slice %arg7[%dma_start3A_91, %dma_start3A_92] : memref<80x128xf32, #tpu.memory_space<vmem_shared>> -> memref<80x128xf32, #tpu.memory_space<vmem_shared>>
      tpu.enqueue_indirect_dma source(%arg5 : memref<80x128xf32, #tpu.memory_space<vmem>>) target(%dma_start3A_93 : memref<80x128xf32, #tpu.memory_space<vmem_shared>>) offsets(%dma_start3A_90 : memref<80xi32, #tpu.memory_space<vmem>>) semaphore(%run_scoped3A_87 : memref<!tpu.dma_semaphore, #tpu.memory_space<semaphore_mem>>) {add = true}
      %dma_wait3A_94 = arith.constant 0 : i32
      %dma_wait3A_95 = tpu.memref_slice %arg6[%run_scoped3A, %dma_wait3A_94] : memref<1x80xi32, #tpu.memory_space<vmem>> -> memref<1x80xi32, #tpu.memory_space<vmem>>
      %dma_wait3A_96 = tpu.memref_squeeze %dma_wait3A_95 : memref<1x80xi32, #tpu.memory_space<vmem>> -> memref<80xi32, #tpu.memory_space<vmem>>
      %dma_wait3A_97 = arith.constant 0 : i32
      %dma_wait3A_98 = arith.constant 0 : i32
      %dma_wait3A_99 = tpu.memref_slice %arg7[%dma_wait3A_97, %dma_wait3A_98] : memref<80x128xf32, #tpu.memory_space<vmem_shared>> -> memref<80x128xf32, #tpu.memory_space<vmem_shared>>
      tpu.wait_indirect_dma semaphore(%run_scoped3A_87 : memref<!tpu.dma_semaphore, #tpu.memory_space<semaphore_mem>>) src(%arg5 : memref<80x128xf32, #tpu.memory_space<vmem>>) dst(%dma_wait3A_99 : memref<80x128xf32, #tpu.memory_space<vmem_shared>>)
      tpu.yield
    }) : () -> ()
    %barrier3A_81 = arith.constant 0 : index
    tpu.barrier barrier_id(%barrier3A_81)
    %lt3A_82 = arith.constant 10 : i32
    %lt3A_83 = arith.cmpi slt, %arg1, %lt3A_82 : i32
    %convert_element_type3A_84 = arith.extui %lt3A_83 : i1 to i32
    %cond3A_85 = arith.constant 0 : i32
    %cond3A_86 = arith.cmpi ne, %convert_element_type3A_84, %cond3A_85 : i32
    scf.if %cond3A_86 {
      %mul3A_87 = arith.constant 8 : i32
      %mul3A_88 = arith.muli %arg1, %mul3A_87 : i32
      %mul3A_89 = arith.constant 8 : i32
      %mul3A_90 = arith.muli %arg1, %mul3A_89 : i32
      "tpu.region"() ({
        %run_scoped3A_91 = tpu.sem_alloc : memref<!tpu.dma_semaphore, #tpu.memory_space<semaphore_mem>>
        %dma_start3A_92 = arith.constant 0 : i32
        %dma_start3A_93 = tpu.memref_slice %arg3[%arg0, %mul3A_90, %dma_start3A_92] : memref<2x80x128xf32, #tpu.memory_space<hbm>> -> memref<1x8x128xf32, #tpu.memory_space<hbm>>
        %dma_start3A_94 = tpu.memref_squeeze %dma_start3A_93 : memref<1x8x128xf32, #tpu.memory_space<hbm>> -> memref<8x128xf32, #tpu.memory_space<hbm>>
        %dma_start3A_95 = arith.constant 0 : i32
        %dma_start3A_96 = tpu.memref_slice %arg7[%mul3A_88, %dma_start3A_95] : memref<80x128xf32, #tpu.memory_space<vmem_shared>> -> memref<8x128xf32, #tpu.memory_space<vmem_shared>>
        tpu.enqueue_dma source(%dma_start3A_96 : memref<8x128xf32, #tpu.memory_space<vmem_shared>>) target(%dma_start3A_94 : memref<8x128xf32, #tpu.memory_space<hbm>>) target_semaphore(%run_scoped3A_91 : memref<!tpu.dma_semaphore, #tpu.memory_space<semaphore_mem>>)
        %dma_wait3A_97 = arith.constant 0 : i32
        %dma_wait3A_98 = tpu.memref_slice %arg3[%arg0, %mul3A_90, %dma_wait3A_97] : memref<2x80x128xf32, #tpu.memory_space<hbm>> -> memref<1x8x128xf32, #tpu.memory_space<hbm>>
        %dma_wait3A_99 = tpu.memref_squeeze %dma_wait3A_98 : memref<1x8x128xf32, #tpu.memory_space<hbm>> -> memref<8x128xf32, #tpu.memory_space<hbm>>
        %dma_wait3A_100 = arith.constant 0 : i32
        %dma_wait3A_101 = tpu.memref_slice %arg7[%mul3A_88, %dma_wait3A_100] : memref<80x128xf32, #tpu.memory_space<vmem_shared>> -> memref<8x128xf32, #tpu.memory_space<vmem_shared>>
        tpu.wait_dma2 semaphore(%run_scoped3A_91 : memref<!tpu.dma_semaphore, #tpu.memory_space<semaphore_mem>>) src(%dma_wait3A_101 : memref<8x128xf32, #tpu.memory_space<vmem_shared>>) dst(%dma_wait3A_99 : memref<8x128xf32, #tpu.memory_space<hbm>>)
        tpu.yield
      }) : () -> ()
    } else {
    }
    return
  }
}

#map = affine_map<(d0, d1) -> (0, 0)>
#map1 = affine_map<(d0, d1) -> (0, 0, 0)>
module attributes {stable_mosaic.version = 14 : i64} {
  func.func @k(%arg0: i32, %arg1: i32, %arg2: memref<10000x128xf32, #tpu.memory_space<hbm>>, %arg3: memref<2x320000xi32, #tpu.memory_space<hbm>>, %arg4: memref<2x10240x128xf32, #tpu.memory_space<hbm>>, %arg5: memref<128x128xf32, #tpu.memory_space<vmem>>, %arg6: memref<128x128xf32, #tpu.memory_space<vmem>>, %arg7: memref<10240x128xf32, #tpu.memory_space<vmem_shared>>, %arg8: memref<!tpu.dma_semaphore, #tpu.memory_space<semaphore_mem>>, %arg9: memref<!tpu.dma_semaphore, #tpu.memory_space<semaphore_mem>>, %arg10: memref<!tpu.dma_semaphore, #tpu.memory_space<semaphore_mem>>, %arg11: memref<!tpu.dma_semaphore, #tpu.memory_space<semaphore_mem>>, %arg12: memref<128xi32, #tpu.memory_space<vmem>>, %arg13: memref<128xi32, #tpu.memory_space<vmem>>, %arg14: memref<!tpu.dma_semaphore, #tpu.memory_space<semaphore_mem>>, %arg15: memref<128xi32, #tpu.memory_space<vmem>>, %arg16: memref<128xi32, #tpu.memory_space<vmem>>, %arg17: memref<!tpu.dma_semaphore, #tpu.memory_space<semaphore_mem>>, %arg18: memref<128xi32, #tpu.memory_space<vmem>>, %arg19: memref<128xi32, #tpu.memory_space<vmem>>, %arg20: memref<!tpu.dma_semaphore, #tpu.memory_space<semaphore_mem>>, %arg21: memref<128xi32, #tpu.memory_space<vmem>>, %arg22: memref<128xi32, #tpu.memory_space<vmem>>, %arg23: memref<!tpu.dma_semaphore, #tpu.memory_space<semaphore_mem>>) attributes {dimension_semantics = [#tpu.dimension_semantics<core_parallel>, #tpu.dimension_semantics<subcore_parallel>], iteration_bounds = array<i64: 2, 16>, scalar_prefetch = 0 : i64, scratch_operands = 19 : i64, tpu.core_type = #tpu.core_type<sc_vector_subcore>, window_params = [{transform_indices = #map}, {transform_indices = #map}, {transform_indices = #map1}]} {
    %mul3A = arith.constant 16 : i32
    %mul3A_0 = arith.muli %arg0, %mul3A : i32
    %add3A = arith.addi %mul3A_0, %arg1 : i32
    %mul3A_1 = arith.constant 78 : i32
    %mul3A_2 = arith.muli %add3A, %mul3A_1 : i32
    %min3A = arith.constant 4 : i32
    %min3A_3 = arith.minsi %add3A, %min3A : i32
    %add3A_4 = arith.addi %mul3A_2, %min3A_3 : i32
    %mul3A_5 = arith.constant 128 : i32
    %mul3A_6 = arith.muli %add3A_4, %mul3A_5 : i32
    %add3A_7 = arith.constant 0 : i32
    %add3A_8 = arith.addi %mul3A_6, %add3A_7 : i32
    %dma_start3A = arith.constant 0 : i32
    %dma_start3A_9 = tpu.memref_slice %arg3[%dma_start3A, %add3A_8] : memref<2x320000xi32, #tpu.memory_space<hbm>> -> memref<1x128xi32, #tpu.memory_space<hbm>>
    %dma_start3A_10 = tpu.memref_squeeze %dma_start3A_9 : memref<1x128xi32, #tpu.memory_space<hbm>> -> memref<128xi32, #tpu.memory_space<hbm>>
    %dma_start3A_11 = tpu.memref_slice %arg3[%dma_start3A, %add3A_8] : memref<2x320000xi32, #tpu.memory_space<hbm>> -> memref<1x128xi32, #tpu.memory_space<hbm>>
    %dma_start3A_12 = tpu.memref_squeeze %dma_start3A_11 : memref<1x128xi32, #tpu.memory_space<hbm>> -> memref<128xi32, #tpu.memory_space<hbm>>
    tpu.enqueue_dma source(%dma_start3A_12 : memref<128xi32, #tpu.memory_space<hbm>>) target(%arg12 : memref<128xi32, #tpu.memory_space<vmem>>) target_semaphore(%arg14 : memref<!tpu.dma_semaphore, #tpu.memory_space<semaphore_mem>>)
    %add3A_13 = arith.constant 0 : i32
    %add3A_14 = arith.addi %mul3A_6, %add3A_13 : i32
    %dma_start3A_15 = arith.constant 1 : i32
    %dma_start3A_16 = tpu.memref_slice %arg3[%dma_start3A_15, %add3A_14] : memref<2x320000xi32, #tpu.memory_space<hbm>> -> memref<1x128xi32, #tpu.memory_space<hbm>>
    %dma_start3A_17 = tpu.memref_squeeze %dma_start3A_16 : memref<1x128xi32, #tpu.memory_space<hbm>> -> memref<128xi32, #tpu.memory_space<hbm>>
    %dma_start3A_18 = tpu.memref_slice %arg3[%dma_start3A_15, %add3A_14] : memref<2x320000xi32, #tpu.memory_space<hbm>> -> memref<1x128xi32, #tpu.memory_space<hbm>>
    %dma_start3A_19 = tpu.memref_squeeze %dma_start3A_18 : memref<1x128xi32, #tpu.memory_space<hbm>> -> memref<128xi32, #tpu.memory_space<hbm>>
    tpu.enqueue_dma source(%dma_start3A_19 : memref<128xi32, #tpu.memory_space<hbm>>) target(%arg13 : memref<128xi32, #tpu.memory_space<vmem>>) target_semaphore(%arg14 : memref<!tpu.dma_semaphore, #tpu.memory_space<semaphore_mem>>)
    %add3A_20 = arith.constant 128 : i32
    %add3A_21 = arith.addi %mul3A_6, %add3A_20 : i32
    %dma_start3A_22 = arith.constant 0 : i32
    %dma_start3A_23 = tpu.memref_slice %arg3[%dma_start3A_22, %add3A_21] : memref<2x320000xi32, #tpu.memory_space<hbm>> -> memref<1x128xi32, #tpu.memory_space<hbm>>
    %dma_start3A_24 = tpu.memref_squeeze %dma_start3A_23 : memref<1x128xi32, #tpu.memory_space<hbm>> -> memref<128xi32, #tpu.memory_space<hbm>>
    %dma_start3A_25 = tpu.memref_slice %arg3[%dma_start3A_22, %add3A_21] : memref<2x320000xi32, #tpu.memory_space<hbm>> -> memref<1x128xi32, #tpu.memory_space<hbm>>
    %dma_start3A_26 = tpu.memref_squeeze %dma_start3A_25 : memref<1x128xi32, #tpu.memory_space<hbm>> -> memref<128xi32, #tpu.memory_space<hbm>>
    tpu.enqueue_dma source(%dma_start3A_26 : memref<128xi32, #tpu.memory_space<hbm>>) target(%arg15 : memref<128xi32, #tpu.memory_space<vmem>>) target_semaphore(%arg17 : memref<!tpu.dma_semaphore, #tpu.memory_space<semaphore_mem>>)
    %add3A_27 = arith.constant 128 : i32
    %add3A_28 = arith.addi %mul3A_6, %add3A_27 : i32
    %dma_start3A_29 = arith.constant 1 : i32
    %dma_start3A_30 = tpu.memref_slice %arg3[%dma_start3A_29, %add3A_28] : memref<2x320000xi32, #tpu.memory_space<hbm>> -> memref<1x128xi32, #tpu.memory_space<hbm>>
    %dma_start3A_31 = tpu.memref_squeeze %dma_start3A_30 : memref<1x128xi32, #tpu.memory_space<hbm>> -> memref<128xi32, #tpu.memory_space<hbm>>
    %dma_start3A_32 = tpu.memref_slice %arg3[%dma_start3A_29, %add3A_28] : memref<2x320000xi32, #tpu.memory_space<hbm>> -> memref<1x128xi32, #tpu.memory_space<hbm>>
    %dma_start3A_33 = tpu.memref_squeeze %dma_start3A_32 : memref<1x128xi32, #tpu.memory_space<hbm>> -> memref<128xi32, #tpu.memory_space<hbm>>
    tpu.enqueue_dma source(%dma_start3A_33 : memref<128xi32, #tpu.memory_space<hbm>>) target(%arg16 : memref<128xi32, #tpu.memory_space<vmem>>) target_semaphore(%arg17 : memref<!tpu.dma_semaphore, #tpu.memory_space<semaphore_mem>>)
    %add3A_34 = arith.constant 256 : i32
    %add3A_35 = arith.addi %mul3A_6, %add3A_34 : i32
    %dma_start3A_36 = arith.constant 0 : i32
    %dma_start3A_37 = tpu.memref_slice %arg3[%dma_start3A_36, %add3A_35] : memref<2x320000xi32, #tpu.memory_space<hbm>> -> memref<1x128xi32, #tpu.memory_space<hbm>>
    %dma_start3A_38 = tpu.memref_squeeze %dma_start3A_37 : memref<1x128xi32, #tpu.memory_space<hbm>> -> memref<128xi32, #tpu.memory_space<hbm>>
    %dma_start3A_39 = tpu.memref_slice %arg3[%dma_start3A_36, %add3A_35] : memref<2x320000xi32, #tpu.memory_space<hbm>> -> memref<1x128xi32, #tpu.memory_space<hbm>>
    %dma_start3A_40 = tpu.memref_squeeze %dma_start3A_39 : memref<1x128xi32, #tpu.memory_space<hbm>> -> memref<128xi32, #tpu.memory_space<hbm>>
    tpu.enqueue_dma source(%dma_start3A_40 : memref<128xi32, #tpu.memory_space<hbm>>) target(%arg18 : memref<128xi32, #tpu.memory_space<vmem>>) target_semaphore(%arg20 : memref<!tpu.dma_semaphore, #tpu.memory_space<semaphore_mem>>)
    %add3A_41 = arith.constant 256 : i32
    %add3A_42 = arith.addi %mul3A_6, %add3A_41 : i32
    %dma_start3A_43 = arith.constant 1 : i32
    %dma_start3A_44 = tpu.memref_slice %arg3[%dma_start3A_43, %add3A_42] : memref<2x320000xi32, #tpu.memory_space<hbm>> -> memref<1x128xi32, #tpu.memory_space<hbm>>
    %dma_start3A_45 = tpu.memref_squeeze %dma_start3A_44 : memref<1x128xi32, #tpu.memory_space<hbm>> -> memref<128xi32, #tpu.memory_space<hbm>>
    %dma_start3A_46 = tpu.memref_slice %arg3[%dma_start3A_43, %add3A_42] : memref<2x320000xi32, #tpu.memory_space<hbm>> -> memref<1x128xi32, #tpu.memory_space<hbm>>
    %dma_start3A_47 = tpu.memref_squeeze %dma_start3A_46 : memref<1x128xi32, #tpu.memory_space<hbm>> -> memref<128xi32, #tpu.memory_space<hbm>>
    tpu.enqueue_dma source(%dma_start3A_47 : memref<128xi32, #tpu.memory_space<hbm>>) target(%arg19 : memref<128xi32, #tpu.memory_space<vmem>>) target_semaphore(%arg20 : memref<!tpu.dma_semaphore, #tpu.memory_space<semaphore_mem>>)
    %add3A_48 = arith.constant 384 : i32
    %add3A_49 = arith.addi %mul3A_6, %add3A_48 : i32
    %dma_start3A_50 = arith.constant 0 : i32
    %dma_start3A_51 = tpu.memref_slice %arg3[%dma_start3A_50, %add3A_49] : memref<2x320000xi32, #tpu.memory_space<hbm>> -> memref<1x128xi32, #tpu.memory_space<hbm>>
    %dma_start3A_52 = tpu.memref_squeeze %dma_start3A_51 : memref<1x128xi32, #tpu.memory_space<hbm>> -> memref<128xi32, #tpu.memory_space<hbm>>
    %dma_start3A_53 = tpu.memref_slice %arg3[%dma_start3A_50, %add3A_49] : memref<2x320000xi32, #tpu.memory_space<hbm>> -> memref<1x128xi32, #tpu.memory_space<hbm>>
    %dma_start3A_54 = tpu.memref_squeeze %dma_start3A_53 : memref<1x128xi32, #tpu.memory_space<hbm>> -> memref<128xi32, #tpu.memory_space<hbm>>
    tpu.enqueue_dma source(%dma_start3A_54 : memref<128xi32, #tpu.memory_space<hbm>>) target(%arg21 : memref<128xi32, #tpu.memory_space<vmem>>) target_semaphore(%arg23 : memref<!tpu.dma_semaphore, #tpu.memory_space<semaphore_mem>>)
    %add3A_55 = arith.constant 384 : i32
    %add3A_56 = arith.addi %mul3A_6, %add3A_55 : i32
    %dma_start3A_57 = arith.constant 1 : i32
    %dma_start3A_58 = tpu.memref_slice %arg3[%dma_start3A_57, %add3A_56] : memref<2x320000xi32, #tpu.memory_space<hbm>> -> memref<1x128xi32, #tpu.memory_space<hbm>>
    %dma_start3A_59 = tpu.memref_squeeze %dma_start3A_58 : memref<1x128xi32, #tpu.memory_space<hbm>> -> memref<128xi32, #tpu.memory_space<hbm>>
    %dma_start3A_60 = tpu.memref_slice %arg3[%dma_start3A_57, %add3A_56] : memref<2x320000xi32, #tpu.memory_space<hbm>> -> memref<1x128xi32, #tpu.memory_space<hbm>>
    %dma_start3A_61 = tpu.memref_squeeze %dma_start3A_60 : memref<1x128xi32, #tpu.memory_space<hbm>> -> memref<128xi32, #tpu.memory_space<hbm>>
    tpu.enqueue_dma source(%dma_start3A_61 : memref<128xi32, #tpu.memory_space<hbm>>) target(%arg22 : memref<128xi32, #tpu.memory_space<vmem>>) target_semaphore(%arg23 : memref<!tpu.dma_semaphore, #tpu.memory_space<semaphore_mem>>)
    %broadcast_in_dim3A = arith.constant 0.000000e+00 : f32
    %broadcast_in_dim3A_62 = vector.broadcast %broadcast_in_dim3A : f32 to vector<16xf32>
    %scan3A = arith.constant 0 : i32
    %scan3A_63 = arith.constant 128 : i32
    %scan3A_64 = arith.addi %scan3A, %scan3A_63 : i32
    %scan3A_65 = arith.constant 1 : i32
    scf.for %scan3A_282 = %scan3A to %scan3A_64 step %scan3A_65  : i32 {
      %mul3A_283 = arith.constant 1 : i32
      %mul3A_284 = arith.muli %scan3A_282, %mul3A_283 : i32
      %add3A_285 = arith.constant 0 : i32
      %add3A_286 = arith.addi %add3A_285, %mul3A_284 : i32
      %swap3A = arith.index_cast %add3A_286 : i32 to index
      %swap3A_287 = arith.constant 0 : index
      %swap3A_288 = tpu.vector_load %arg5[%swap3A, %swap3A_287] {strides = array<i32>} : memref<128x128xf32, #tpu.memory_space<vmem>>, vector<1x16xf32>,
      %swap3A_289 = vector.shape_cast %swap3A_288 : vector<1x16xf32> to vector<16xf32>
      %swap3A_290 = vector.shape_cast %broadcast_in_dim3A_62 : vector<16xf32> to vector<1x16xf32>
      tpu.vector_store %arg5[%swap3A, %swap3A_287], %swap3A_290 {strides = array<i32>} : memref<128x128xf32, #tpu.memory_space<vmem>>, vector<1x16xf32>,
      %swap3A_291 = arith.index_cast %add3A_286 : i32 to index
      %swap3A_292 = arith.constant 16 : index
      %swap3A_293 = tpu.vector_load %arg5[%swap3A_291, %swap3A_292] {strides = array<i32>} : memref<128x128xf32, #tpu.memory_space<vmem>>, vector<1x16xf32>,
      %swap3A_294 = vector.shape_cast %swap3A_293 : vector<1x16xf32> to vector<16xf32>
      %swap3A_295 = vector.shape_cast %broadcast_in_dim3A_62 : vector<16xf32> to vector<1x16xf32>
      tpu.vector_store %arg5[%swap3A_291, %swap3A_292], %swap3A_295 {strides = array<i32>} : memref<128x128xf32, #tpu.memory_space<vmem>>, vector<1x16xf32>,
      %swap3A_296 = arith.index_cast %add3A_286 : i32 to index
      %swap3A_297 = arith.constant 32 : index
      %swap3A_298 = tpu.vector_load %arg5[%swap3A_296, %swap3A_297] {strides = array<i32>} : memref<128x128xf32, #tpu.memory_space<vmem>>, vector<1x16xf32>,
      %swap3A_299 = vector.shape_cast %swap3A_298 : vector<1x16xf32> to vector<16xf32>
      %swap3A_300 = vector.shape_cast %broadcast_in_dim3A_62 : vector<16xf32> to vector<1x16xf32>
      tpu.vector_store %arg5[%swap3A_296, %swap3A_297], %swap3A_300 {strides = array<i32>} : memref<128x128xf32, #tpu.memory_space<vmem>>, vector<1x16xf32>,
      %swap3A_301 = arith.index_cast %add3A_286 : i32 to index
      %swap3A_302 = arith.constant 48 : index
      %swap3A_303 = tpu.vector_load %arg5[%swap3A_301, %swap3A_302] {strides = array<i32>} : memref<128x128xf32, #tpu.memory_space<vmem>>, vector<1x16xf32>,
      %swap3A_304 = vector.shape_cast %swap3A_303 : vector<1x16xf32> to vector<16xf32>
      %swap3A_305 = vector.shape_cast %broadcast_in_dim3A_62 : vector<16xf32> to vector<1x16xf32>
      tpu.vector_store %arg5[%swap3A_301, %swap3A_302], %swap3A_305 {strides = array<i32>} : memref<128x128xf32, #tpu.memory_space<vmem>>, vector<1x16xf32>,
      %swap3A_306 = arith.index_cast %add3A_286 : i32 to index
      %swap3A_307 = arith.constant 64 : index
      %swap3A_308 = tpu.vector_load %arg5[%swap3A_306, %swap3A_307] {strides = array<i32>} : memref<128x128xf32, #tpu.memory_space<vmem>>, vector<1x16xf32>,
      %swap3A_309 = vector.shape_cast %swap3A_308 : vector<1x16xf32> to vector<16xf32>
      %swap3A_310 = vector.shape_cast %broadcast_in_dim3A_62 : vector<16xf32> to vector<1x16xf32>
      tpu.vector_store %arg5[%swap3A_306, %swap3A_307], %swap3A_310 {strides = array<i32>} : memref<128x128xf32, #tpu.memory_space<vmem>>, vector<1x16xf32>,
      %swap3A_311 = arith.index_cast %add3A_286 : i32 to index
      %swap3A_312 = arith.constant 80 : index
      %swap3A_313 = tpu.vector_load %arg5[%swap3A_311, %swap3A_312] {strides = array<i32>} : memref<128x128xf32, #tpu.memory_space<vmem>>, vector<1x16xf32>,
      %swap3A_314 = vector.shape_cast %swap3A_313 : vector<1x16xf32> to vector<16xf32>
      %swap3A_315 = vector.shape_cast %broadcast_in_dim3A_62 : vector<16xf32> to vector<1x16xf32>
      tpu.vector_store %arg5[%swap3A_311, %swap3A_312], %swap3A_315 {strides = array<i32>} : memref<128x128xf32, #tpu.memory_space<vmem>>, vector<1x16xf32>,
      %swap3A_316 = arith.index_cast %add3A_286 : i32 to index
      %swap3A_317 = arith.constant 96 : index
      %swap3A_318 = tpu.vector_load %arg5[%swap3A_316, %swap3A_317] {strides = array<i32>} : memref<128x128xf32, #tpu.memory_space<vmem>>, vector<1x16xf32>,
      %swap3A_319 = vector.shape_cast %swap3A_318 : vector<1x16xf32> to vector<16xf32>
      %swap3A_320 = vector.shape_cast %broadcast_in_dim3A_62 : vector<16xf32> to vector<1x16xf32>
      tpu.vector_store %arg5[%swap3A_316, %swap3A_317], %swap3A_320 {strides = array<i32>} : memref<128x128xf32, #tpu.memory_space<vmem>>, vector<1x16xf32>,
      %swap3A_321 = arith.index_cast %add3A_286 : i32 to index
      %swap3A_322 = arith.constant 112 : index
      %swap3A_323 = tpu.vector_load %arg5[%swap3A_321, %swap3A_322] {strides = array<i32>} : memref<128x128xf32, #tpu.memory_space<vmem>>, vector<1x16xf32>,
      %swap3A_324 = vector.shape_cast %swap3A_323 : vector<1x16xf32> to vector<16xf32>
      %swap3A_325 = vector.shape_cast %broadcast_in_dim3A_62 : vector<16xf32> to vector<1x16xf32>
      tpu.vector_store %arg5[%swap3A_321, %swap3A_322], %swap3A_325 {strides = array<i32>} : memref<128x128xf32, #tpu.memory_space<vmem>>, vector<1x16xf32>,
    }
    %scan3A_66 = arith.constant 128 : i32
    %mul3A_67 = arith.constant 640 : i32
    %mul3A_68 = arith.muli %arg1, %mul3A_67 : i32
    %add3A_69 = arith.constant 0 : i32
    %add3A_70 = arith.addi %mul3A_68, %add3A_69 : i32
    "tpu.region"() ({
      %run_scoped3A = tpu.sem_alloc : memref<!tpu.dma_semaphore, #tpu.memory_space<semaphore_mem>>
      %dma_start3A_282 = arith.constant 0 : i32
      %dma_start3A_283 = tpu.memref_slice %arg7[%add3A_70, %dma_start3A_282] : memref<10240x128xf32, #tpu.memory_space<vmem_shared>> -> memref<128x128xf32, #tpu.memory_space<vmem_shared>>
      %dma_start3A_284 = arith.constant 0 : i32
      %dma_start3A_285 = tpu.memref_slice %arg7[%add3A_70, %dma_start3A_284] : memref<10240x128xf32, #tpu.memory_space<vmem_shared>> -> memref<128x128xf32, #tpu.memory_space<vmem_shared>>
      tpu.enqueue_dma source(%arg5 : memref<128x128xf32, #tpu.memory_space<vmem>>) target(%dma_start3A_285 : memref<128x128xf32, #tpu.memory_space<vmem_shared>>) target_semaphore(%run_scoped3A : memref<!tpu.dma_semaphore, #tpu.memory_space<semaphore_mem>>)
      %dma_wait3A_286 = arith.constant 0 : i32
      %dma_wait3A_287 = tpu.memref_slice %arg7[%add3A_70, %dma_wait3A_286] : memref<10240x128xf32, #tpu.memory_space<vmem_shared>> -> memref<128x128xf32, #tpu.memory_space<vmem_shared>>
      %dma_wait3A_288 = arith.constant 0 : i32
      %dma_wait3A_289 = tpu.memref_slice %arg7[%add3A_70, %dma_wait3A_288] : memref<10240x128xf32, #tpu.memory_space<vmem_shared>> -> memref<128x128xf32, #tpu.memory_space<vmem_shared>>
      tpu.wait_dma2 semaphore(%run_scoped3A : memref<!tpu.dma_semaphore, #tpu.memory_space<semaphore_mem>>) src(%arg5 : memref<128x128xf32, #tpu.memory_space<vmem>>) dst(%dma_wait3A_289 : memref<128x128xf32, #tpu.memory_space<vmem_shared>>)
      tpu.yield
    }) : () -> ()
    %mul3A_71 = arith.constant 640 : i32
    %mul3A_72 = arith.muli %arg1, %mul3A_71 : i32
    %add3A_73 = arith.constant 128 : i32
    %add3A_74 = arith.addi %mul3A_72, %add3A_73 : i32
    "tpu.region"() ({
      %run_scoped3A = tpu.sem_alloc : memref<!tpu.dma_semaphore, #tpu.memory_space<semaphore_mem>>
      %dma_start3A_282 = arith.constant 0 : i32
      %dma_start3A_283 = tpu.memref_slice %arg7[%add3A_74, %dma_start3A_282] : memref<10240x128xf32, #tpu.memory_space<vmem_shared>> -> memref<128x128xf32, #tpu.memory_space<vmem_shared>>
      %dma_start3A_284 = arith.constant 0 : i32
      %dma_start3A_285 = tpu.memref_slice %arg7[%add3A_74, %dma_start3A_284] : memref<10240x128xf32, #tpu.memory_space<vmem_shared>> -> memref<128x128xf32, #tpu.memory_space<vmem_shared>>
      tpu.enqueue_dma source(%arg5 : memref<128x128xf32, #tpu.memory_space<vmem>>) target(%dma_start3A_285 : memref<128x128xf32, #tpu.memory_space<vmem_shared>>) target_semaphore(%run_scoped3A : memref<!tpu.dma_semaphore, #tpu.memory_space<semaphore_mem>>)
      %dma_wait3A_286 = arith.constant 0 : i32
      %dma_wait3A_287 = tpu.memref_slice %arg7[%add3A_74, %dma_wait3A_286] : memref<10240x128xf32, #tpu.memory_space<vmem_shared>> -> memref<128x128xf32, #tpu.memory_space<vmem_shared>>
      %dma_wait3A_288 = arith.constant 0 : i32
      %dma_wait3A_289 = tpu.memref_slice %arg7[%add3A_74, %dma_wait3A_288] : memref<10240x128xf32, #tpu.memory_space<vmem_shared>> -> memref<128x128xf32, #tpu.memory_space<vmem_shared>>
      tpu.wait_dma2 semaphore(%run_scoped3A : memref<!tpu.dma_semaphore, #tpu.memory_space<semaphore_mem>>) src(%arg5 : memref<128x128xf32, #tpu.memory_space<vmem>>) dst(%dma_wait3A_289 : memref<128x128xf32, #tpu.memory_space<vmem_shared>>)
      tpu.yield
    }) : () -> ()
    %mul3A_75 = arith.constant 640 : i32
    %mul3A_76 = arith.muli %arg1, %mul3A_75 : i32
    %add3A_77 = arith.constant 256 : i32
    %add3A_78 = arith.addi %mul3A_76, %add3A_77 : i32
    "tpu.region"() ({
      %run_scoped3A = tpu.sem_alloc : memref<!tpu.dma_semaphore, #tpu.memory_space<semaphore_mem>>
      %dma_start3A_282 = arith.constant 0 : i32
      %dma_start3A_283 = tpu.memref_slice %arg7[%add3A_78, %dma_start3A_282] : memref<10240x128xf32, #tpu.memory_space<vmem_shared>> -> memref<128x128xf32, #tpu.memory_space<vmem_shared>>
      %dma_start3A_284 = arith.constant 0 : i32
      %dma_start3A_285 = tpu.memref_slice %arg7[%add3A_78, %dma_start3A_284] : memref<10240x128xf32, #tpu.memory_space<vmem_shared>> -> memref<128x128xf32, #tpu.memory_space<vmem_shared>>
      tpu.enqueue_dma source(%arg5 : memref<128x128xf32, #tpu.memory_space<vmem>>) target(%dma_start3A_285 : memref<128x128xf32, #tpu.memory_space<vmem_shared>>) target_semaphore(%run_scoped3A : memref<!tpu.dma_semaphore, #tpu.memory_space<semaphore_mem>>)
      %dma_wait3A_286 = arith.constant 0 : i32
      %dma_wait3A_287 = tpu.memref_slice %arg7[%add3A_78, %dma_wait3A_286] : memref<10240x128xf32, #tpu.memory_space<vmem_shared>> -> memref<128x128xf32, #tpu.memory_space<vmem_shared>>
      %dma_wait3A_288 = arith.constant 0 : i32
      %dma_wait3A_289 = tpu.memref_slice %arg7[%add3A_78, %dma_wait3A_288] : memref<10240x128xf32, #tpu.memory_space<vmem_shared>> -> memref<128x128xf32, #tpu.memory_space<vmem_shared>>
      tpu.wait_dma2 semaphore(%run_scoped3A : memref<!tpu.dma_semaphore, #tpu.memory_space<semaphore_mem>>) src(%arg5 : memref<128x128xf32, #tpu.memory_space<vmem>>) dst(%dma_wait3A_289 : memref<128x128xf32, #tpu.memory_space<vmem_shared>>)
      tpu.yield
    }) : () -> ()
    %mul3A_79 = arith.constant 640 : i32
    %mul3A_80 = arith.muli %arg1, %mul3A_79 : i32
    %add3A_81 = arith.constant 384 : i32
    %add3A_82 = arith.addi %mul3A_80, %add3A_81 : i32
    "tpu.region"() ({
      %run_scoped3A = tpu.sem_alloc : memref<!tpu.dma_semaphore, #tpu.memory_space<semaphore_mem>>
      %dma_start3A_282 = arith.constant 0 : i32
      %dma_start3A_283 = tpu.memref_slice %arg7[%add3A_82, %dma_start3A_282] : memref<10240x128xf32, #tpu.memory_space<vmem_shared>> -> memref<128x128xf32, #tpu.memory_space<vmem_shared>>
      %dma_start3A_284 = arith.constant 0 : i32
      %dma_start3A_285 = tpu.memref_slice %arg7[%add3A_82, %dma_start3A_284] : memref<10240x128xf32, #tpu.memory_space<vmem_shared>> -> memref<128x128xf32, #tpu.memory_space<vmem_shared>>
      tpu.enqueue_dma source(%arg5 : memref<128x128xf32, #tpu.memory_space<vmem>>) target(%dma_start3A_285 : memref<128x128xf32, #tpu.memory_space<vmem_shared>>) target_semaphore(%run_scoped3A : memref<!tpu.dma_semaphore, #tpu.memory_space<semaphore_mem>>)
      %dma_wait3A_286 = arith.constant 0 : i32
      %dma_wait3A_287 = tpu.memref_slice %arg7[%add3A_82, %dma_wait3A_286] : memref<10240x128xf32, #tpu.memory_space<vmem_shared>> -> memref<128x128xf32, #tpu.memory_space<vmem_shared>>
      %dma_wait3A_288 = arith.constant 0 : i32
      %dma_wait3A_289 = tpu.memref_slice %arg7[%add3A_82, %dma_wait3A_288] : memref<10240x128xf32, #tpu.memory_space<vmem_shared>> -> memref<128x128xf32, #tpu.memory_space<vmem_shared>>
      tpu.wait_dma2 semaphore(%run_scoped3A : memref<!tpu.dma_semaphore, #tpu.memory_space<semaphore_mem>>) src(%arg5 : memref<128x128xf32, #tpu.memory_space<vmem>>) dst(%dma_wait3A_289 : memref<128x128xf32, #tpu.memory_space<vmem_shared>>)
      tpu.yield
    }) : () -> ()
    %mul3A_83 = arith.constant 640 : i32
    %mul3A_84 = arith.muli %arg1, %mul3A_83 : i32
    %add3A_85 = arith.constant 512 : i32
    %add3A_86 = arith.addi %mul3A_84, %add3A_85 : i32
    "tpu.region"() ({
      %run_scoped3A = tpu.sem_alloc : memref<!tpu.dma_semaphore, #tpu.memory_space<semaphore_mem>>
      %dma_start3A_282 = arith.constant 0 : i32
      %dma_start3A_283 = tpu.memref_slice %arg7[%add3A_86, %dma_start3A_282] : memref<10240x128xf32, #tpu.memory_space<vmem_shared>> -> memref<128x128xf32, #tpu.memory_space<vmem_shared>>
      %dma_start3A_284 = arith.constant 0 : i32
      %dma_start3A_285 = tpu.memref_slice %arg7[%add3A_86, %dma_start3A_284] : memref<10240x128xf32, #tpu.memory_space<vmem_shared>> -> memref<128x128xf32, #tpu.memory_space<vmem_shared>>
      tpu.enqueue_dma source(%arg5 : memref<128x128xf32, #tpu.memory_space<vmem>>) target(%dma_start3A_285 : memref<128x128xf32, #tpu.memory_space<vmem_shared>>) target_semaphore(%run_scoped3A : memref<!tpu.dma_semaphore, #tpu.memory_space<semaphore_mem>>)
      %dma_wait3A_286 = arith.constant 0 : i32
      %dma_wait3A_287 = tpu.memref_slice %arg7[%add3A_86, %dma_wait3A_286] : memref<10240x128xf32, #tpu.memory_space<vmem_shared>> -> memref<128x128xf32, #tpu.memory_space<vmem_shared>>
      %dma_wait3A_288 = arith.constant 0 : i32
      %dma_wait3A_289 = tpu.memref_slice %arg7[%add3A_86, %dma_wait3A_288] : memref<10240x128xf32, #tpu.memory_space<vmem_shared>> -> memref<128x128xf32, #tpu.memory_space<vmem_shared>>
      tpu.wait_dma2 semaphore(%run_scoped3A : memref<!tpu.dma_semaphore, #tpu.memory_space<semaphore_mem>>) src(%arg5 : memref<128x128xf32, #tpu.memory_space<vmem>>) dst(%dma_wait3A_289 : memref<128x128xf32, #tpu.memory_space<vmem_shared>>)
      tpu.yield
    }) : () -> ()
    %add3A_87 = arith.constant 0 : i32
    %add3A_88 = arith.addi %mul3A_6, %add3A_87 : i32
    %dma_wait3A = arith.constant 0 : i32
    %dma_wait3A_89 = tpu.memref_slice %arg3[%dma_wait3A, %add3A_88] : memref<2x320000xi32, #tpu.memory_space<hbm>> -> memref<1x128xi32, #tpu.memory_space<hbm>>
    %dma_wait3A_90 = tpu.memref_squeeze %dma_wait3A_89 : memref<1x128xi32, #tpu.memory_space<hbm>> -> memref<128xi32, #tpu.memory_space<hbm>>
    %dma_wait3A_91 = tpu.memref_slice %arg3[%dma_wait3A, %add3A_88] : memref<2x320000xi32, #tpu.memory_space<hbm>> -> memref<1x128xi32, #tpu.memory_space<hbm>>
    %dma_wait3A_92 = tpu.memref_squeeze %dma_wait3A_91 : memref<1x128xi32, #tpu.memory_space<hbm>> -> memref<128xi32, #tpu.memory_space<hbm>>
    tpu.wait_dma2 semaphore(%arg14 : memref<!tpu.dma_semaphore, #tpu.memory_space<semaphore_mem>>) src(%dma_wait3A_92 : memref<128xi32, #tpu.memory_space<hbm>>) dst(%arg12 : memref<128xi32, #tpu.memory_space<vmem>>)
    %add3A_93 = arith.constant 0 : i32
    %add3A_94 = arith.addi %mul3A_6, %add3A_93 : i32
    %dma_wait3A_95 = arith.constant 1 : i32
    %dma_wait3A_96 = tpu.memref_slice %arg3[%dma_wait3A_95, %add3A_94] : memref<2x320000xi32, #tpu.memory_space<hbm>> -> memref<1x128xi32, #tpu.memory_space<hbm>>
    %dma_wait3A_97 = tpu.memref_squeeze %dma_wait3A_96 : memref<1x128xi32, #tpu.memory_space<hbm>> -> memref<128xi32, #tpu.memory_space<hbm>>
    %dma_wait3A_98 = tpu.memref_slice %arg3[%dma_wait3A_95, %add3A_94] : memref<2x320000xi32, #tpu.memory_space<hbm>> -> memref<1x128xi32, #tpu.memory_space<hbm>>
    %dma_wait3A_99 = tpu.memref_squeeze %dma_wait3A_98 : memref<1x128xi32, #tpu.memory_space<hbm>> -> memref<128xi32, #tpu.memory_space<hbm>>
    tpu.wait_dma2 semaphore(%arg14 : memref<!tpu.dma_semaphore, #tpu.memory_space<semaphore_mem>>) src(%dma_wait3A_99 : memref<128xi32, #tpu.memory_space<hbm>>) dst(%arg13 : memref<128xi32, #tpu.memory_space<vmem>>)
    %dma_start3A_100 = arith.constant 0 : i32
    %dma_start3A_101 = arith.constant 0 : i32
    %dma_start3A_102 = tpu.memref_slice %arg2[%dma_start3A_100, %dma_start3A_101] : memref<10000x128xf32, #tpu.memory_space<hbm>> -> memref<10000x128xf32, #tpu.memory_space<hbm>>
    tpu.enqueue_indirect_dma source(%dma_start3A_102 : memref<10000x128xf32, #tpu.memory_space<hbm>>) target(%arg5 : memref<128x128xf32, #tpu.memory_space<vmem>>) offsets(%arg12 : memref<128xi32, #tpu.memory_space<vmem>>) semaphore(%arg8 : memref<!tpu.dma_semaphore, #tpu.memory_space<semaphore_mem>>)
    %barrier3A = arith.constant 0 : index
    tpu.barrier barrier_id(%barrier3A)
    %dma_wait3A_103 = arith.constant 0 : i32
    %dma_wait3A_104 = arith.constant 0 : i32
    %dma_wait3A_105 = tpu.memref_slice %arg2[%dma_wait3A_103, %dma_wait3A_104] : memref<10000x128xf32, #tpu.memory_space<hbm>> -> memref<10000x128xf32, #tpu.memory_space<hbm>>
    tpu.wait_indirect_dma semaphore(%arg8 : memref<!tpu.dma_semaphore, #tpu.memory_space<semaphore_mem>>) src(%dma_wait3A_105 : memref<10000x128xf32, #tpu.memory_space<hbm>>) dst(%arg5 : memref<128x128xf32, #tpu.memory_space<vmem>>)
    %add3A_106 = arith.constant 128 : i32
    %add3A_107 = arith.addi %mul3A_6, %add3A_106 : i32
    %dma_wait3A_108 = arith.constant 0 : i32
    %dma_wait3A_109 = tpu.memref_slice %arg3[%dma_wait3A_108, %add3A_107] : memref<2x320000xi32, #tpu.memory_space<hbm>> -> memref<1x128xi32, #tpu.memory_space<hbm>>
    %dma_wait3A_110 = tpu.memref_squeeze %dma_wait3A_109 : memref<1x128xi32, #tpu.memory_space<hbm>> -> memref<128xi32, #tpu.memory_space<hbm>>
    %dma_wait3A_111 = tpu.memref_slice %arg3[%dma_wait3A_108, %add3A_107] : memref<2x320000xi32, #tpu.memory_space<hbm>> -> memref<1x128xi32, #tpu.memory_space<hbm>>
    %dma_wait3A_112 = tpu.memref_squeeze %dma_wait3A_111 : memref<1x128xi32, #tpu.memory_space<hbm>> -> memref<128xi32, #tpu.memory_space<hbm>>
    tpu.wait_dma2 semaphore(%arg17 : memref<!tpu.dma_semaphore, #tpu.memory_space<semaphore_mem>>) src(%dma_wait3A_112 : memref<128xi32, #tpu.memory_space<hbm>>) dst(%arg15 : memref<128xi32, #tpu.memory_space<vmem>>)
    %add3A_113 = arith.constant 128 : i32
    %add3A_114 = arith.addi %mul3A_6, %add3A_113 : i32
    %dma_wait3A_115 = arith.constant 1 : i32
    %dma_wait3A_116 = tpu.memref_slice %arg3[%dma_wait3A_115, %add3A_114] : memref<2x320000xi32, #tpu.memory_space<hbm>> -> memref<1x128xi32, #tpu.memory_space<hbm>>
    %dma_wait3A_117 = tpu.memref_squeeze %dma_wait3A_116 : memref<1x128xi32, #tpu.memory_space<hbm>> -> memref<128xi32, #tpu.memory_space<hbm>>
    %dma_wait3A_118 = tpu.memref_slice %arg3[%dma_wait3A_115, %add3A_114] : memref<2x320000xi32, #tpu.memory_space<hbm>> -> memref<1x128xi32, #tpu.memory_space<hbm>>
    %dma_wait3A_119 = tpu.memref_squeeze %dma_wait3A_118 : memref<1x128xi32, #tpu.memory_space<hbm>> -> memref<128xi32, #tpu.memory_space<hbm>>
    tpu.wait_dma2 semaphore(%arg17 : memref<!tpu.dma_semaphore, #tpu.memory_space<semaphore_mem>>) src(%dma_wait3A_119 : memref<128xi32, #tpu.memory_space<hbm>>) dst(%arg16 : memref<128xi32, #tpu.memory_space<vmem>>)
    %dma_start3A_120 = arith.constant 0 : i32
    %dma_start3A_121 = arith.constant 0 : i32
    %dma_start3A_122 = tpu.memref_slice %arg2[%dma_start3A_120, %dma_start3A_121] : memref<10000x128xf32, #tpu.memory_space<hbm>> -> memref<10000x128xf32, #tpu.memory_space<hbm>>
    tpu.enqueue_indirect_dma source(%dma_start3A_122 : memref<10000x128xf32, #tpu.memory_space<hbm>>) target(%arg6 : memref<128x128xf32, #tpu.memory_space<vmem>>) offsets(%arg15 : memref<128xi32, #tpu.memory_space<vmem>>) semaphore(%arg9 : memref<!tpu.dma_semaphore, #tpu.memory_space<semaphore_mem>>)
    %dma_start3A_123 = arith.constant 0 : i32
    %dma_start3A_124 = arith.constant 0 : i32
    %dma_start3A_125 = tpu.memref_slice %arg7[%dma_start3A_123, %dma_start3A_124] : memref<10240x128xf32, #tpu.memory_space<vmem_shared>> -> memref<10240x128xf32, #tpu.memory_space<vmem_shared>>
    tpu.enqueue_indirect_dma source(%arg5 : memref<128x128xf32, #tpu.memory_space<vmem>>) target(%dma_start3A_125 : memref<10240x128xf32, #tpu.memory_space<vmem_shared>>) offsets(%arg13 : memref<128xi32, #tpu.memory_space<vmem>>) semaphore(%arg10 : memref<!tpu.dma_semaphore, #tpu.memory_space<semaphore_mem>>) {add = true}
    %scan3A_126 = arith.constant 0 : i32
    %scan3A_127 = arith.constant 18 : i32
    %scan3A_128 = arith.addi %scan3A_126, %scan3A_127 : i32
    %scan3A_129 = arith.constant 1 : i32
    scf.for %scan3A_282 = %scan3A_126 to %scan3A_128 step %scan3A_129  : i32 {
      %mul3A_283 = arith.constant 4 : i32
      %mul3A_284 = arith.muli %scan3A_282, %mul3A_283 : i32
      %add3A_285 = arith.constant 1 : i32
      %add3A_286 = arith.addi %add3A_285, %mul3A_284 : i32
      %add3A_287 = arith.constant 0 : i32
      %add3A_288 = arith.addi %add3A_286, %add3A_287 : i32
      %dma_wait3A_289 = arith.constant 0 : i32
      %dma_wait3A_290 = arith.constant 0 : i32
      %dma_wait3A_291 = tpu.memref_slice %arg2[%dma_wait3A_289, %dma_wait3A_290] : memref<10000x128xf32, #tpu.memory_space<hbm>> -> memref<10000x128xf32, #tpu.memory_space<hbm>>
      tpu.wait_indirect_dma semaphore(%arg9 : memref<!tpu.dma_semaphore, #tpu.memory_space<semaphore_mem>>) src(%dma_wait3A_291 : memref<10000x128xf32, #tpu.memory_space<hbm>>) dst(%arg6 : memref<128x128xf32, #tpu.memory_space<vmem>>)
      %dma_wait3A_292 = arith.constant 0 : i32
      %dma_wait3A_293 = arith.constant 0 : i32
      %dma_wait3A_294 = tpu.memref_slice %arg7[%dma_wait3A_292, %dma_wait3A_293] : memref<10240x128xf32, #tpu.memory_space<vmem_shared>> -> memref<10240x128xf32, #tpu.memory_space<vmem_shared>>
      tpu.wait_indirect_dma semaphore(%arg10 : memref<!tpu.dma_semaphore, #tpu.memory_space<semaphore_mem>>) src(%arg5 : memref<128x128xf32, #tpu.memory_space<vmem>>) dst(%dma_wait3A_294 : memref<10240x128xf32, #tpu.memory_space<vmem_shared>>)
      %add3A_295 = arith.constant 1 : i32
      %add3A_296 = arith.addi %add3A_288, %add3A_295 : i32
      %mul3A_297 = arith.constant 128 : i32
      %mul3A_298 = arith.muli %add3A_296, %mul3A_297 : i32
      %add3A_299 = arith.addi %mul3A_6, %mul3A_298 : i32
      %dma_wait3A_300 = arith.constant 0 : i32
      %dma_wait3A_301 = tpu.memref_slice %arg3[%dma_wait3A_300, %add3A_299] : memref<2x320000xi32, #tpu.memory_space<hbm>> -> memref<1x128xi32, #tpu.memory_space<hbm>>
      %dma_wait3A_302 = tpu.memref_squeeze %dma_wait3A_301 : memref<1x128xi32, #tpu.memory_space<hbm>> -> memref<128xi32, #tpu.memory_space<hbm>>
      %dma_wait3A_303 = tpu.memref_slice %arg3[%dma_wait3A_300, %add3A_299] : memref<2x320000xi32, #tpu.memory_space<hbm>> -> memref<1x128xi32, #tpu.memory_space<hbm>>
      %dma_wait3A_304 = tpu.memref_squeeze %dma_wait3A_303 : memref<1x128xi32, #tpu.memory_space<hbm>> -> memref<128xi32, #tpu.memory_space<hbm>>
      tpu.wait_dma2 semaphore(%arg20 : memref<!tpu.dma_semaphore, #tpu.memory_space<semaphore_mem>>) src(%dma_wait3A_304 : memref<128xi32, #tpu.memory_space<hbm>>) dst(%arg18 : memref<128xi32, #tpu.memory_space<vmem>>)
      %mul3A_305 = arith.constant 128 : i32
      %mul3A_306 = arith.muli %add3A_296, %mul3A_305 : i32
      %add3A_307 = arith.addi %mul3A_6, %mul3A_306 : i32
      %dma_wait3A_308 = arith.constant 1 : i32
      %dma_wait3A_309 = tpu.memref_slice %arg3[%dma_wait3A_308, %add3A_307] : memref<2x320000xi32, #tpu.memory_space<hbm>> -> memref<1x128xi32, #tpu.memory_space<hbm>>
      %dma_wait3A_310 = tpu.memref_squeeze %dma_wait3A_309 : memref<1x128xi32, #tpu.memory_space<hbm>> -> memref<128xi32, #tpu.memory_space<hbm>>
      %dma_wait3A_311 = tpu.memref_slice %arg3[%dma_wait3A_308, %add3A_307] : memref<2x320000xi32, #tpu.memory_space<hbm>> -> memref<1x128xi32, #tpu.memory_space<hbm>>
      %dma_wait3A_312 = tpu.memref_squeeze %dma_wait3A_311 : memref<1x128xi32, #tpu.memory_space<hbm>> -> memref<128xi32, #tpu.memory_space<hbm>>
      tpu.wait_dma2 semaphore(%arg20 : memref<!tpu.dma_semaphore, #tpu.memory_space<semaphore_mem>>) src(%dma_wait3A_312 : memref<128xi32, #tpu.memory_space<hbm>>) dst(%arg19 : memref<128xi32, #tpu.memory_space<vmem>>)
      %dma_start3A_313 = arith.constant 0 : i32
      %dma_start3A_314 = arith.constant 0 : i32
      %dma_start3A_315 = tpu.memref_slice %arg2[%dma_start3A_313, %dma_start3A_314] : memref<10000x128xf32, #tpu.memory_space<hbm>> -> memref<10000x128xf32, #tpu.memory_space<hbm>>
      tpu.enqueue_indirect_dma source(%dma_start3A_315 : memref<10000x128xf32, #tpu.memory_space<hbm>>) target(%arg5 : memref<128x128xf32, #tpu.memory_space<vmem>>) offsets(%arg18 : memref<128xi32, #tpu.memory_space<vmem>>) semaphore(%arg8 : memref<!tpu.dma_semaphore, #tpu.memory_space<semaphore_mem>>)
      %dma_start3A_316 = arith.constant 0 : i32
      %dma_start3A_317 = arith.constant 0 : i32
      %dma_start3A_318 = tpu.memref_slice %arg7[%dma_start3A_316, %dma_start3A_317] : memref<10240x128xf32, #tpu.memory_space<vmem_shared>> -> memref<10240x128xf32, #tpu.memory_space<vmem_shared>>
      tpu.enqueue_indirect_dma source(%arg6 : memref<128x128xf32, #tpu.memory_space<vmem>>) target(%dma_start3A_318 : memref<10240x128xf32, #tpu.memory_space<vmem_shared>>) offsets(%arg16 : memref<128xi32, #tpu.memory_space<vmem>>) semaphore(%arg11 : memref<!tpu.dma_semaphore, #tpu.memory_space<semaphore_mem>>) {add = true}
      %add3A_319 = arith.constant 3 : i32
      %add3A_320 = arith.addi %add3A_288, %add3A_319 : i32
      %mul3A_321 = arith.constant 128 : i32
      %mul3A_322 = arith.muli %add3A_320, %mul3A_321 : i32
      %add3A_323 = arith.addi %mul3A_6, %mul3A_322 : i32
      %dma_start3A_324 = arith.constant 0 : i32
      %dma_start3A_325 = tpu.memref_slice %arg3[%dma_start3A_324, %add3A_323] : memref<2x320000xi32, #tpu.memory_space<hbm>> -> memref<1x128xi32, #tpu.memory_space<hbm>>
      %dma_start3A_326 = tpu.memref_squeeze %dma_start3A_325 : memref<1x128xi32, #tpu.memory_space<hbm>> -> memref<128xi32, #tpu.memory_space<hbm>>
      %dma_start3A_327 = tpu.memref_slice %arg3[%dma_start3A_324, %add3A_323] : memref<2x320000xi32, #tpu.memory_space<hbm>> -> memref<1x128xi32, #tpu.memory_space<hbm>>
      %dma_start3A_328 = tpu.memref_squeeze %dma_start3A_327 : memref<1x128xi32, #tpu.memory_space<hbm>> -> memref<128xi32, #tpu.memory_space<hbm>>
      tpu.enqueue_dma source(%dma_start3A_328 : memref<128xi32, #tpu.memory_space<hbm>>) target(%arg12 : memref<128xi32, #tpu.memory_space<vmem>>) target_semaphore(%arg14 : memref<!tpu.dma_semaphore, #tpu.memory_space<semaphore_mem>>)
      %mul3A_329 = arith.constant 128 : i32
      %mul3A_330 = arith.muli %add3A_320, %mul3A_329 : i32
      %add3A_331 = arith.addi %mul3A_6, %mul3A_330 : i32
      %dma_start3A_332 = arith.constant 1 : i32
      %dma_start3A_333 = tpu.memref_slice %arg3[%dma_start3A_332, %add3A_331] : memref<2x320000xi32, #tpu.memory_space<hbm>> -> memref<1x128xi32, #tpu.memory_space<hbm>>
      %dma_start3A_334 = tpu.memref_squeeze %dma_start3A_333 : memref<1x128xi32, #tpu.memory_space<hbm>> -> memref<128xi32, #tpu.memory_space<hbm>>
      %dma_start3A_335 = tpu.memref_slice %arg3[%dma_start3A_332, %add3A_331] : memref<2x320000xi32, #tpu.memory_space<hbm>> -> memref<1x128xi32, #tpu.memory_space<hbm>>
      %dma_start3A_336 = tpu.memref_squeeze %dma_start3A_335 : memref<1x128xi32, #tpu.memory_space<hbm>> -> memref<128xi32, #tpu.memory_space<hbm>>
      tpu.enqueue_dma source(%dma_start3A_336 : memref<128xi32, #tpu.memory_space<hbm>>) target(%arg13 : memref<128xi32, #tpu.memory_space<vmem>>) target_semaphore(%arg14 : memref<!tpu.dma_semaphore, #tpu.memory_space<semaphore_mem>>)
      %add3A_337 = arith.constant 1 : i32
      %add3A_338 = arith.addi %add3A_286, %add3A_337 : i32
      %dma_wait3A_339 = arith.constant 0 : i32
      %dma_wait3A_340 = arith.constant 0 : i32
      %dma_wait3A_341 = tpu.memref_slice %arg2[%dma_wait3A_339, %dma_wait3A_340] : memref<10000x128xf32, #tpu.memory_space<hbm>> -> memref<10000x128xf32, #tpu.memory_space<hbm>>
      tpu.wait_indirect_dma semaphore(%arg8 : memref<!tpu.dma_semaphore, #tpu.memory_space<semaphore_mem>>) src(%dma_wait3A_341 : memref<10000x128xf32, #tpu.memory_space<hbm>>) dst(%arg5 : memref<128x128xf32, #tpu.memory_space<vmem>>)
      %dma_wait3A_342 = arith.constant 0 : i32
      %dma_wait3A_343 = arith.constant 0 : i32
      %dma_wait3A_344 = tpu.memref_slice %arg7[%dma_wait3A_342, %dma_wait3A_343] : memref<10240x128xf32, #tpu.memory_space<vmem_shared>> -> memref<10240x128xf32, #tpu.memory_space<vmem_shared>>
      tpu.wait_indirect_dma semaphore(%arg11 : memref<!tpu.dma_semaphore, #tpu.memory_space<semaphore_mem>>) src(%arg6 : memref<128x128xf32, #tpu.memory_space<vmem>>) dst(%dma_wait3A_344 : memref<10240x128xf32, #tpu.memory_space<vmem_shared>>)
      %add3A_345 = arith.constant 1 : i32
      %add3A_346 = arith.addi %add3A_338, %add3A_345 : i32
      %mul3A_347 = arith.constant 128 : i32
      %mul3A_348 = arith.muli %add3A_346, %mul3A_347 : i32
      %add3A_349 = arith.addi %mul3A_6, %mul3A_348 : i32
      %dma_wait3A_350 = arith.constant 0 : i32
      %dma_wait3A_351 = tpu.memref_slice %arg3[%dma_wait3A_350, %add3A_349] : memref<2x320000xi32, #tpu.memory_space<hbm>> -> memref<1x128xi32, #tpu.memory_space<hbm>>
      %dma_wait3A_352 = tpu.memref_squeeze %dma_wait3A_351 : memref<1x128xi32, #tpu.memory_space<hbm>> -> memref<128xi32, #tpu.memory_space<hbm>>
      %dma_wait3A_353 = tpu.memref_slice %arg3[%dma_wait3A_350, %add3A_349] : memref<2x320000xi32, #tpu.memory_space<hbm>> -> memref<1x128xi32, #tpu.memory_space<hbm>>
      %dma_wait3A_354 = tpu.memref_squeeze %dma_wait3A_353 : memref<1x128xi32, #tpu.memory_space<hbm>> -> memref<128xi32, #tpu.memory_space<hbm>>
      tpu.wait_dma2 semaphore(%arg23 : memref<!tpu.dma_semaphore, #tpu.memory_space<semaphore_mem>>) src(%dma_wait3A_354 : memref<128xi32, #tpu.memory_space<hbm>>) dst(%arg21 : memref<128xi32, #tpu.memory_space<vmem>>)
      %mul3A_355 = arith.constant 128 : i32
      %mul3A_356 = arith.muli %add3A_346, %mul3A_355 : i32
      %add3A_357 = arith.addi %mul3A_6, %mul3A_356 : i32
      %dma_wait3A_358 = arith.constant 1 : i32
      %dma_wait3A_359 = tpu.memref_slice %arg3[%dma_wait3A_358, %add3A_357] : memref<2x320000xi32, #tpu.memory_space<hbm>> -> memref<1x128xi32, #tpu.memory_space<hbm>>
      %dma_wait3A_360 = tpu.memref_squeeze %dma_wait3A_359 : memref<1x128xi32, #tpu.memory_space<hbm>> -> memref<128xi32, #tpu.memory_space<hbm>>
      %dma_wait3A_361 = tpu.memref_slice %arg3[%dma_wait3A_358, %add3A_357] : memref<2x320000xi32, #tpu.memory_space<hbm>> -> memref<1x128xi32, #tpu.memory_space<hbm>>
      %dma_wait3A_362 = tpu.memref_squeeze %dma_wait3A_361 : memref<1x128xi32, #tpu.memory_space<hbm>> -> memref<128xi32, #tpu.memory_space<hbm>>
      tpu.wait_dma2 semaphore(%arg23 : memref<!tpu.dma_semaphore, #tpu.memory_space<semaphore_mem>>) src(%dma_wait3A_362 : memref<128xi32, #tpu.memory_space<hbm>>) dst(%arg22 : memref<128xi32, #tpu.memory_space<vmem>>)
      %dma_start3A_363 = arith.constant 0 : i32
      %dma_start3A_364 = arith.constant 0 : i32
      %dma_start3A_365 = tpu.memref_slice %arg2[%dma_start3A_363, %dma_start3A_364] : memref<10000x128xf32, #tpu.memory_space<hbm>> -> memref<10000x128xf32, #tpu.memory_space<hbm>>
      tpu.enqueue_indirect_dma source(%dma_start3A_365 : memref<10000x128xf32, #tpu.memory_space<hbm>>) target(%arg6 : memref<128x128xf32, #tpu.memory_space<vmem>>) offsets(%arg21 : memref<128xi32, #tpu.memory_space<vmem>>) semaphore(%arg9 : memref<!tpu.dma_semaphore, #tpu.memory_space<semaphore_mem>>)
      %dma_start3A_366 = arith.constant 0 : i32
      %dma_start3A_367 = arith.constant 0 : i32
      %dma_start3A_368 = tpu.memref_slice %arg7[%dma_start3A_366, %dma_start3A_367] : memref<10240x128xf32, #tpu.memory_space<vmem_shared>> -> memref<10240x128xf32, #tpu.memory_space<vmem_shared>>
      tpu.enqueue_indirect_dma source(%arg5 : memref<128x128xf32, #tpu.memory_space<vmem>>) target(%dma_start3A_368 : memref<10240x128xf32, #tpu.memory_space<vmem_shared>>) offsets(%arg19 : memref<128xi32, #tpu.memory_space<vmem>>) semaphore(%arg10 : memref<!tpu.dma_semaphore, #tpu.memory_space<semaphore_mem>>) {add = true}
      %add3A_369 = arith.constant 3 : i32
      %add3A_370 = arith.addi %add3A_338, %add3A_369 : i32
      %mul3A_371 = arith.constant 128 : i32
      %mul3A_372 = arith.muli %add3A_370, %mul3A_371 : i32
      %add3A_373 = arith.addi %mul3A_6, %mul3A_372 : i32
      %dma_start3A_374 = arith.constant 0 : i32
      %dma_start3A_375 = tpu.memref_slice %arg3[%dma_start3A_374, %add3A_373] : memref<2x320000xi32, #tpu.memory_space<hbm>> -> memref<1x128xi32, #tpu.memory_space<hbm>>
      %dma_start3A_376 = tpu.memref_squeeze %dma_start3A_375 : memref<1x128xi32, #tpu.memory_space<hbm>> -> memref<128xi32, #tpu.memory_space<hbm>>
      %dma_start3A_377 = tpu.memref_slice %arg3[%dma_start3A_374, %add3A_373] : memref<2x320000xi32, #tpu.memory_space<hbm>> -> memref<1x128xi32, #tpu.memory_space<hbm>>
      %dma_start3A_378 = tpu.memref_squeeze %dma_start3A_377 : memref<1x128xi32, #tpu.memory_space<hbm>> -> memref<128xi32, #tpu.memory_space<hbm>>
      tpu.enqueue_dma source(%dma_start3A_378 : memref<128xi32, #tpu.memory_space<hbm>>) target(%arg15 : memref<128xi32, #tpu.memory_space<vmem>>) target_semaphore(%arg17 : memref<!tpu.dma_semaphore, #tpu.memory_space<semaphore_mem>>)
      %mul3A_379 = arith.constant 128 : i32
      %mul3A_380 = arith.muli %add3A_370, %mul3A_379 : i32
      %add3A_381 = arith.addi %mul3A_6, %mul3A_380 : i32
      %dma_start3A_382 = arith.constant 1 : i32
      %dma_start3A_383 = tpu.memref_slice %arg3[%dma_start3A_382, %add3A_381] : memref<2x320000xi32, #tpu.memory_space<hbm>> -> memref<1x128xi32, #tpu.memory_space<hbm>>
      %dma_start3A_384 = tpu.memref_squeeze %dma_start3A_383 : memref<1x128xi32, #tpu.memory_space<hbm>> -> memref<128xi32, #tpu.memory_space<hbm>>
      %dma_start3A_385 = tpu.memref_slice %arg3[%dma_start3A_382, %add3A_381] : memref<2x320000xi32, #tpu.memory_space<hbm>> -> memref<1x128xi32, #tpu.memory_space<hbm>>
      %dma_start3A_386 = tpu.memref_squeeze %dma_start3A_385 : memref<1x128xi32, #tpu.memory_space<hbm>> -> memref<128xi32, #tpu.memory_space<hbm>>
      tpu.enqueue_dma source(%dma_start3A_386 : memref<128xi32, #tpu.memory_space<hbm>>) target(%arg16 : memref<128xi32, #tpu.memory_space<vmem>>) target_semaphore(%arg17 : memref<!tpu.dma_semaphore, #tpu.memory_space<semaphore_mem>>)
      %add3A_387 = arith.constant 2 : i32
      %add3A_388 = arith.addi %add3A_286, %add3A_387 : i32
      %dma_wait3A_389 = arith.constant 0 : i32
      %dma_wait3A_390 = arith.constant 0 : i32
      %dma_wait3A_391 = tpu.memref_slice %arg2[%dma_wait3A_389, %dma_wait3A_390] : memref<10000x128xf32, #tpu.memory_space<hbm>> -> memref<10000x128xf32, #tpu.memory_space<hbm>>
      tpu.wait_indirect_dma semaphore(%arg9 : memref<!tpu.dma_semaphore, #tpu.memory_space<semaphore_mem>>) src(%dma_wait3A_391 : memref<10000x128xf32, #tpu.memory_space<hbm>>) dst(%arg6 : memref<128x128xf32, #tpu.memory_space<vmem>>)
      %dma_wait3A_392 = arith.constant 0 : i32
      %dma_wait3A_393 = arith.constant 0 : i32
      %dma_wait3A_394 = tpu.memref_slice %arg7[%dma_wait3A_392, %dma_wait3A_393] : memref<10240x128xf32, #tpu.memory_space<vmem_shared>> -> memref<10240x128xf32, #tpu.memory_space<vmem_shared>>
      tpu.wait_indirect_dma semaphore(%arg10 : memref<!tpu.dma_semaphore, #tpu.memory_space<semaphore_mem>>) src(%arg5 : memref<128x128xf32, #tpu.memory_space<vmem>>) dst(%dma_wait3A_394 : memref<10240x128xf32, #tpu.memory_space<vmem_shared>>)
      %add3A_395 = arith.constant 1 : i32
      %add3A_396 = arith.addi %add3A_388, %add3A_395 : i32
      %mul3A_397 = arith.constant 128 : i32
      %mul3A_398 = arith.muli %add3A_396, %mul3A_397 : i32
      %add3A_399 = arith.addi %mul3A_6, %mul3A_398 : i32
      %dma_wait3A_400 = arith.constant 0 : i32
      %dma_wait3A_401 = tpu.memref_slice %arg3[%dma_wait3A_400, %add3A_399] : memref<2x320000xi32, #tpu.memory_space<hbm>> -> memref<1x128xi32, #tpu.memory_space<hbm>>
      %dma_wait3A_402 = tpu.memref_squeeze %dma_wait3A_401 : memref<1x128xi32, #tpu.memory_space<hbm>> -> memref<128xi32, #tpu.memory_space<hbm>>
      %dma_wait3A_403 = tpu.memref_slice %arg3[%dma_wait3A_400, %add3A_399] : memref<2x320000xi32, #tpu.memory_space<hbm>> -> memref<1x128xi32, #tpu.memory_space<hbm>>
      %dma_wait3A_404 = tpu.memref_squeeze %dma_wait3A_403 : memref<1x128xi32, #tpu.memory_space<hbm>> -> memref<128xi32, #tpu.memory_space<hbm>>
      tpu.wait_dma2 semaphore(%arg14 : memref<!tpu.dma_semaphore, #tpu.memory_space<semaphore_mem>>) src(%dma_wait3A_404 : memref<128xi32, #tpu.memory_space<hbm>>) dst(%arg12 : memref<128xi32, #tpu.memory_space<vmem>>)
      %mul3A_405 = arith.constant 128 : i32
      %mul3A_406 = arith.muli %add3A_396, %mul3A_405 : i32
      %add3A_407 = arith.addi %mul3A_6, %mul3A_406 : i32
      %dma_wait3A_408 = arith.constant 1 : i32
      %dma_wait3A_409 = tpu.memref_slice %arg3[%dma_wait3A_408, %add3A_407] : memref<2x320000xi32, #tpu.memory_space<hbm>> -> memref<1x128xi32, #tpu.memory_space<hbm>>
      %dma_wait3A_410 = tpu.memref_squeeze %dma_wait3A_409 : memref<1x128xi32, #tpu.memory_space<hbm>> -> memref<128xi32, #tpu.memory_space<hbm>>
      %dma_wait3A_411 = tpu.memref_slice %arg3[%dma_wait3A_408, %add3A_407] : memref<2x320000xi32, #tpu.memory_space<hbm>> -> memref<1x128xi32, #tpu.memory_space<hbm>>
      %dma_wait3A_412 = tpu.memref_squeeze %dma_wait3A_411 : memref<1x128xi32, #tpu.memory_space<hbm>> -> memref<128xi32, #tpu.memory_space<hbm>>
      tpu.wait_dma2 semaphore(%arg14 : memref<!tpu.dma_semaphore, #tpu.memory_space<semaphore_mem>>) src(%dma_wait3A_412 : memref<128xi32, #tpu.memory_space<hbm>>) dst(%arg13 : memref<128xi32, #tpu.memory_space<vmem>>)
      %dma_start3A_413 = arith.constant 0 : i32
      %dma_start3A_414 = arith.constant 0 : i32
      %dma_start3A_415 = tpu.memref_slice %arg2[%dma_start3A_413, %dma_start3A_414] : memref<10000x128xf32, #tpu.memory_space<hbm>> -> memref<10000x128xf32, #tpu.memory_space<hbm>>
      tpu.enqueue_indirect_dma source(%dma_start3A_415 : memref<10000x128xf32, #tpu.memory_space<hbm>>) target(%arg5 : memref<128x128xf32, #tpu.memory_space<vmem>>) offsets(%arg12 : memref<128xi32, #tpu.memory_space<vmem>>) semaphore(%arg8 : memref<!tpu.dma_semaphore, #tpu.memory_space<semaphore_mem>>)
      %dma_start3A_416 = arith.constant 0 : i32
      %dma_start3A_417 = arith.constant 0 : i32
      %dma_start3A_418 = tpu.memref_slice %arg7[%dma_start3A_416, %dma_start3A_417] : memref<10240x128xf32, #tpu.memory_space<vmem_shared>> -> memref<10240x128xf32, #tpu.memory_space<vmem_shared>>
      tpu.enqueue_indirect_dma source(%arg6 : memref<128x128xf32, #tpu.memory_space<vmem>>) target(%dma_start3A_418 : memref<10240x128xf32, #tpu.memory_space<vmem_shared>>) offsets(%arg22 : memref<128xi32, #tpu.memory_space<vmem>>) semaphore(%arg11 : memref<!tpu.dma_semaphore, #tpu.memory_space<semaphore_mem>>) {add = true}
      %add3A_419 = arith.constant 3 : i32
      %add3A_420 = arith.addi %add3A_388, %add3A_419 : i32
      %mul3A_421 = arith.constant 128 : i32
      %mul3A_422 = arith.muli %add3A_420, %mul3A_421 : i32
      %add3A_423 = arith.addi %mul3A_6, %mul3A_422 : i32
      %dma_start3A_424 = arith.constant 0 : i32
      %dma_start3A_425 = tpu.memref_slice %arg3[%dma_start3A_424, %add3A_423] : memref<2x320000xi32, #tpu.memory_space<hbm>> -> memref<1x128xi32, #tpu.memory_space<hbm>>
      %dma_start3A_426 = tpu.memref_squeeze %dma_start3A_425 : memref<1x128xi32, #tpu.memory_space<hbm>> -> memref<128xi32, #tpu.memory_space<hbm>>
      %dma_start3A_427 = tpu.memref_slice %arg3[%dma_start3A_424, %add3A_423] : memref<2x320000xi32, #tpu.memory_space<hbm>> -> memref<1x128xi32, #tpu.memory_space<hbm>>
      %dma_start3A_428 = tpu.memref_squeeze %dma_start3A_427 : memref<1x128xi32, #tpu.memory_space<hbm>> -> memref<128xi32, #tpu.memory_space<hbm>>
      tpu.enqueue_dma source(%dma_start3A_428 : memref<128xi32, #tpu.memory_space<hbm>>) target(%arg18 : memref<128xi32, #tpu.memory_space<vmem>>) target_semaphore(%arg20 : memref<!tpu.dma_semaphore, #tpu.memory_space<semaphore_mem>>)
      %mul3A_429 = arith.constant 128 : i32
      %mul3A_430 = arith.muli %add3A_420, %mul3A_429 : i32
      %add3A_431 = arith.addi %mul3A_6, %mul3A_430 : i32
      %dma_start3A_432 = arith.constant 1 : i32
      %dma_start3A_433 = tpu.memref_slice %arg3[%dma_start3A_432, %add3A_431] : memref<2x320000xi32, #tpu.memory_space<hbm>> -> memref<1x128xi32, #tpu.memory_space<hbm>>
      %dma_start3A_434 = tpu.memref_squeeze %dma_start3A_433 : memref<1x128xi32, #tpu.memory_space<hbm>> -> memref<128xi32, #tpu.memory_space<hbm>>
      %dma_start3A_435 = tpu.memref_slice %arg3[%dma_start3A_432, %add3A_431] : memref<2x320000xi32, #tpu.memory_space<hbm>> -> memref<1x128xi32, #tpu.memory_space<hbm>>
      %dma_start3A_436 = tpu.memref_squeeze %dma_start3A_435 : memref<1x128xi32, #tpu.memory_space<hbm>> -> memref<128xi32, #tpu.memory_space<hbm>>
      tpu.enqueue_dma source(%dma_start3A_436 : memref<128xi32, #tpu.memory_space<hbm>>) target(%arg19 : memref<128xi32, #tpu.memory_space<vmem>>) target_semaphore(%arg20 : memref<!tpu.dma_semaphore, #tpu.memory_space<semaphore_mem>>)
      %add3A_437 = arith.constant 3 : i32
      %add3A_438 = arith.addi %add3A_286, %add3A_437 : i32
      %dma_wait3A_439 = arith.constant 0 : i32
      %dma_wait3A_440 = arith.constant 0 : i32
      %dma_wait3A_441 = tpu.memref_slice %arg2[%dma_wait3A_439, %dma_wait3A_440] : memref<10000x128xf32, #tpu.memory_space<hbm>> -> memref<10000x128xf32, #tpu.memory_space<hbm>>
      tpu.wait_indirect_dma semaphore(%arg8 : memref<!tpu.dma_semaphore, #tpu.memory_space<semaphore_mem>>) src(%dma_wait3A_441 : memref<10000x128xf32, #tpu.memory_space<hbm>>) dst(%arg5 : memref<128x128xf32, #tpu.memory_space<vmem>>)
      %dma_wait3A_442 = arith.constant 0 : i32
      %dma_wait3A_443 = arith.constant 0 : i32
      %dma_wait3A_444 = tpu.memref_slice %arg7[%dma_wait3A_442, %dma_wait3A_443] : memref<10240x128xf32, #tpu.memory_space<vmem_shared>> -> memref<10240x128xf32, #tpu.memory_space<vmem_shared>>
      tpu.wait_indirect_dma semaphore(%arg11 : memref<!tpu.dma_semaphore, #tpu.memory_space<semaphore_mem>>) src(%arg6 : memref<128x128xf32, #tpu.memory_space<vmem>>) dst(%dma_wait3A_444 : memref<10240x128xf32, #tpu.memory_space<vmem_shared>>)
      %add3A_445 = arith.constant 1 : i32
      %add3A_446 = arith.addi %add3A_438, %add3A_445 : i32
      %mul3A_447 = arith.constant 128 : i32
      %mul3A_448 = arith.muli %add3A_446, %mul3A_447 : i32
      %add3A_449 = arith.addi %mul3A_6, %mul3A_448 : i32
      %dma_wait3A_450 = arith.constant 0 : i32
      %dma_wait3A_451 = tpu.memref_slice %arg3[%dma_wait3A_450, %add3A_449] : memref<2x320000xi32, #tpu.memory_space<hbm>> -> memref<1x128xi32, #tpu.memory_space<hbm>>
      %dma_wait3A_452 = tpu.memref_squeeze %dma_wait3A_451 : memref<1x128xi32, #tpu.memory_space<hbm>> -> memref<128xi32, #tpu.memory_space<hbm>>
      %dma_wait3A_453 = tpu.memref_slice %arg3[%dma_wait3A_450, %add3A_449] : memref<2x320000xi32, #tpu.memory_space<hbm>> -> memref<1x128xi32, #tpu.memory_space<hbm>>
      %dma_wait3A_454 = tpu.memref_squeeze %dma_wait3A_453 : memref<1x128xi32, #tpu.memory_space<hbm>> -> memref<128xi32, #tpu.memory_space<hbm>>
      tpu.wait_dma2 semaphore(%arg17 : memref<!tpu.dma_semaphore, #tpu.memory_space<semaphore_mem>>) src(%dma_wait3A_454 : memref<128xi32, #tpu.memory_space<hbm>>) dst(%arg15 : memref<128xi32, #tpu.memory_space<vmem>>)
      %mul3A_455 = arith.constant 128 : i32
      %mul3A_456 = arith.muli %add3A_446, %mul3A_455 : i32
      %add3A_457 = arith.addi %mul3A_6, %mul3A_456 : i32
      %dma_wait3A_458 = arith.constant 1 : i32
      %dma_wait3A_459 = tpu.memref_slice %arg3[%dma_wait3A_458, %add3A_457] : memref<2x320000xi32, #tpu.memory_space<hbm>> -> memref<1x128xi32, #tpu.memory_space<hbm>>
      %dma_wait3A_460 = tpu.memref_squeeze %dma_wait3A_459 : memref<1x128xi32, #tpu.memory_space<hbm>> -> memref<128xi32, #tpu.memory_space<hbm>>
      %dma_wait3A_461 = tpu.memref_slice %arg3[%dma_wait3A_458, %add3A_457] : memref<2x320000xi32, #tpu.memory_space<hbm>> -> memref<1x128xi32, #tpu.memory_space<hbm>>
      %dma_wait3A_462 = tpu.memref_squeeze %dma_wait3A_461 : memref<1x128xi32, #tpu.memory_space<hbm>> -> memref<128xi32, #tpu.memory_space<hbm>>
      tpu.wait_dma2 semaphore(%arg17 : memref<!tpu.dma_semaphore, #tpu.memory_space<semaphore_mem>>) src(%dma_wait3A_462 : memref<128xi32, #tpu.memory_space<hbm>>) dst(%arg16 : memref<128xi32, #tpu.memory_space<vmem>>)
      %dma_start3A_463 = arith.constant 0 : i32
      %dma_start3A_464 = arith.constant 0 : i32
      %dma_start3A_465 = tpu.memref_slice %arg2[%dma_start3A_463, %dma_start3A_464] : memref<10000x128xf32, #tpu.memory_space<hbm>> -> memref<10000x128xf32, #tpu.memory_space<hbm>>
      tpu.enqueue_indirect_dma source(%dma_start3A_465 : memref<10000x128xf32, #tpu.memory_space<hbm>>) target(%arg6 : memref<128x128xf32, #tpu.memory_space<vmem>>) offsets(%arg15 : memref<128xi32, #tpu.memory_space<vmem>>) semaphore(%arg9 : memref<!tpu.dma_semaphore, #tpu.memory_space<semaphore_mem>>)
      %dma_start3A_466 = arith.constant 0 : i32
      %dma_start3A_467 = arith.constant 0 : i32
      %dma_start3A_468 = tpu.memref_slice %arg7[%dma_start3A_466, %dma_start3A_467] : memref<10240x128xf32, #tpu.memory_space<vmem_shared>> -> memref<10240x128xf32, #tpu.memory_space<vmem_shared>>
      tpu.enqueue_indirect_dma source(%arg5 : memref<128x128xf32, #tpu.memory_space<vmem>>) target(%dma_start3A_468 : memref<10240x128xf32, #tpu.memory_space<vmem_shared>>) offsets(%arg13 : memref<128xi32, #tpu.memory_space<vmem>>) semaphore(%arg10 : memref<!tpu.dma_semaphore, #tpu.memory_space<semaphore_mem>>) {add = true}
      %add3A_469 = arith.constant 3 : i32
      %add3A_470 = arith.addi %add3A_438, %add3A_469 : i32
      %mul3A_471 = arith.constant 128 : i32
      %mul3A_472 = arith.muli %add3A_470, %mul3A_471 : i32
      %add3A_473 = arith.addi %mul3A_6, %mul3A_472 : i32
      %dma_start3A_474 = arith.constant 0 : i32
      %dma_start3A_475 = tpu.memref_slice %arg3[%dma_start3A_474, %add3A_473] : memref<2x320000xi32, #tpu.memory_space<hbm>> -> memref<1x128xi32, #tpu.memory_space<hbm>>
      %dma_start3A_476 = tpu.memref_squeeze %dma_start3A_475 : memref<1x128xi32, #tpu.memory_space<hbm>> -> memref<128xi32, #tpu.memory_space<hbm>>
      %dma_start3A_477 = tpu.memref_slice %arg3[%dma_start3A_474, %add3A_473] : memref<2x320000xi32, #tpu.memory_space<hbm>> -> memref<1x128xi32, #tpu.memory_space<hbm>>
      %dma_start3A_478 = tpu.memref_squeeze %dma_start3A_477 : memref<1x128xi32, #tpu.memory_space<hbm>> -> memref<128xi32, #tpu.memory_space<hbm>>
      tpu.enqueue_dma source(%dma_start3A_478 : memref<128xi32, #tpu.memory_space<hbm>>) target(%arg21 : memref<128xi32, #tpu.memory_space<vmem>>) target_semaphore(%arg23 : memref<!tpu.dma_semaphore, #tpu.memory_space<semaphore_mem>>)
      %mul3A_479 = arith.constant 128 : i32
      %mul3A_480 = arith.muli %add3A_470, %mul3A_479 : i32
      %add3A_481 = arith.addi %mul3A_6, %mul3A_480 : i32
      %dma_start3A_482 = arith.constant 1 : i32
      %dma_start3A_483 = tpu.memref_slice %arg3[%dma_start3A_482, %add3A_481] : memref<2x320000xi32, #tpu.memory_space<hbm>> -> memref<1x128xi32, #tpu.memory_space<hbm>>
      %dma_start3A_484 = tpu.memref_squeeze %dma_start3A_483 : memref<1x128xi32, #tpu.memory_space<hbm>> -> memref<128xi32, #tpu.memory_space<hbm>>
      %dma_start3A_485 = tpu.memref_slice %arg3[%dma_start3A_482, %add3A_481] : memref<2x320000xi32, #tpu.memory_space<hbm>> -> memref<1x128xi32, #tpu.memory_space<hbm>>
      %dma_start3A_486 = tpu.memref_squeeze %dma_start3A_485 : memref<1x128xi32, #tpu.memory_space<hbm>> -> memref<128xi32, #tpu.memory_space<hbm>>
      tpu.enqueue_dma source(%dma_start3A_486 : memref<128xi32, #tpu.memory_space<hbm>>) target(%arg22 : memref<128xi32, #tpu.memory_space<vmem>>) target_semaphore(%arg23 : memref<!tpu.dma_semaphore, #tpu.memory_space<semaphore_mem>>)
    }
    %scan3A_130 = arith.constant 18 : i32
    %dma_wait3A_131 = arith.constant 0 : i32
    %dma_wait3A_132 = arith.constant 0 : i32
    %dma_wait3A_133 = tpu.memref_slice %arg2[%dma_wait3A_131, %dma_wait3A_132] : memref<10000x128xf32, #tpu.memory_space<hbm>> -> memref<10000x128xf32, #tpu.memory_space<hbm>>
    tpu.wait_indirect_dma semaphore(%arg9 : memref<!tpu.dma_semaphore, #tpu.memory_space<semaphore_mem>>) src(%dma_wait3A_133 : memref<10000x128xf32, #tpu.memory_space<hbm>>) dst(%arg6 : memref<128x128xf32, #tpu.memory_space<vmem>>)
    %dma_wait3A_134 = arith.constant 0 : i32
    %dma_wait3A_135 = arith.constant 0 : i32
    %dma_wait3A_136 = tpu.memref_slice %arg7[%dma_wait3A_134, %dma_wait3A_135] : memref<10240x128xf32, #tpu.memory_space<vmem_shared>> -> memref<10240x128xf32, #tpu.memory_space<vmem_shared>>
    tpu.wait_indirect_dma semaphore(%arg10 : memref<!tpu.dma_semaphore, #tpu.memory_space<semaphore_mem>>) src(%arg5 : memref<128x128xf32, #tpu.memory_space<vmem>>) dst(%dma_wait3A_136 : memref<10240x128xf32, #tpu.memory_space<vmem_shared>>)
    %add3A_137 = arith.constant 9472 : i32
    %add3A_138 = arith.addi %mul3A_6, %add3A_137 : i32
    %dma_wait3A_139 = arith.constant 0 : i32
    %dma_wait3A_140 = tpu.memref_slice %arg3[%dma_wait3A_139, %add3A_138] : memref<2x320000xi32, #tpu.memory_space<hbm>> -> memref<1x128xi32, #tpu.memory_space<hbm>>
    %dma_wait3A_141 = tpu.memref_squeeze %dma_wait3A_140 : memref<1x128xi32, #tpu.memory_space<hbm>> -> memref<128xi32, #tpu.memory_space<hbm>>
    %dma_wait3A_142 = tpu.memref_slice %arg3[%dma_wait3A_139, %add3A_138] : memref<2x320000xi32, #tpu.memory_space<hbm>> -> memref<1x128xi32, #tpu.memory_space<hbm>>
    %dma_wait3A_143 = tpu.memref_squeeze %dma_wait3A_142 : memref<1x128xi32, #tpu.memory_space<hbm>> -> memref<128xi32, #tpu.memory_space<hbm>>
    tpu.wait_dma2 semaphore(%arg20 : memref<!tpu.dma_semaphore, #tpu.memory_space<semaphore_mem>>) src(%dma_wait3A_143 : memref<128xi32, #tpu.memory_space<hbm>>) dst(%arg18 : memref<128xi32, #tpu.memory_space<vmem>>)
    %add3A_144 = arith.constant 9472 : i32
    %add3A_145 = arith.addi %mul3A_6, %add3A_144 : i32
    %dma_wait3A_146 = arith.constant 1 : i32
    %dma_wait3A_147 = tpu.memref_slice %arg3[%dma_wait3A_146, %add3A_145] : memref<2x320000xi32, #tpu.memory_space<hbm>> -> memref<1x128xi32, #tpu.memory_space<hbm>>
    %dma_wait3A_148 = tpu.memref_squeeze %dma_wait3A_147 : memref<1x128xi32, #tpu.memory_space<hbm>> -> memref<128xi32, #tpu.memory_space<hbm>>
    %dma_wait3A_149 = tpu.memref_slice %arg3[%dma_wait3A_146, %add3A_145] : memref<2x320000xi32, #tpu.memory_space<hbm>> -> memref<1x128xi32, #tpu.memory_space<hbm>>
    %dma_wait3A_150 = tpu.memref_squeeze %dma_wait3A_149 : memref<1x128xi32, #tpu.memory_space<hbm>> -> memref<128xi32, #tpu.memory_space<hbm>>
    tpu.wait_dma2 semaphore(%arg20 : memref<!tpu.dma_semaphore, #tpu.memory_space<semaphore_mem>>) src(%dma_wait3A_150 : memref<128xi32, #tpu.memory_space<hbm>>) dst(%arg19 : memref<128xi32, #tpu.memory_space<vmem>>)
    %dma_start3A_151 = arith.constant 0 : i32
    %dma_start3A_152 = arith.constant 0 : i32
    %dma_start3A_153 = tpu.memref_slice %arg2[%dma_start3A_151, %dma_start3A_152] : memref<10000x128xf32, #tpu.memory_space<hbm>> -> memref<10000x128xf32, #tpu.memory_space<hbm>>
    tpu.enqueue_indirect_dma source(%dma_start3A_153 : memref<10000x128xf32, #tpu.memory_space<hbm>>) target(%arg5 : memref<128x128xf32, #tpu.memory_space<vmem>>) offsets(%arg18 : memref<128xi32, #tpu.memory_space<vmem>>) semaphore(%arg8 : memref<!tpu.dma_semaphore, #tpu.memory_space<semaphore_mem>>)
    %dma_start3A_154 = arith.constant 0 : i32
    %dma_start3A_155 = arith.constant 0 : i32
    %dma_start3A_156 = tpu.memref_slice %arg7[%dma_start3A_154, %dma_start3A_155] : memref<10240x128xf32, #tpu.memory_space<vmem_shared>> -> memref<10240x128xf32, #tpu.memory_space<vmem_shared>>
    tpu.enqueue_indirect_dma source(%arg6 : memref<128x128xf32, #tpu.memory_space<vmem>>) target(%dma_start3A_156 : memref<10240x128xf32, #tpu.memory_space<vmem_shared>>) offsets(%arg16 : memref<128xi32, #tpu.memory_space<vmem>>) semaphore(%arg11 : memref<!tpu.dma_semaphore, #tpu.memory_space<semaphore_mem>>) {add = true}
    %add3A_157 = arith.constant 9728 : i32
    %add3A_158 = arith.addi %mul3A_6, %add3A_157 : i32
    %dma_start3A_159 = arith.constant 0 : i32
    %dma_start3A_160 = tpu.memref_slice %arg3[%dma_start3A_159, %add3A_158] : memref<2x320000xi32, #tpu.memory_space<hbm>> -> memref<1x128xi32, #tpu.memory_space<hbm>>
    %dma_start3A_161 = tpu.memref_squeeze %dma_start3A_160 : memref<1x128xi32, #tpu.memory_space<hbm>> -> memref<128xi32, #tpu.memory_space<hbm>>
    %dma_start3A_162 = tpu.memref_slice %arg3[%dma_start3A_159, %add3A_158] : memref<2x320000xi32, #tpu.memory_space<hbm>> -> memref<1x128xi32, #tpu.memory_space<hbm>>
    %dma_start3A_163 = tpu.memref_squeeze %dma_start3A_162 : memref<1x128xi32, #tpu.memory_space<hbm>> -> memref<128xi32, #tpu.memory_space<hbm>>
    tpu.enqueue_dma source(%dma_start3A_163 : memref<128xi32, #tpu.memory_space<hbm>>) target(%arg12 : memref<128xi32, #tpu.memory_space<vmem>>) target_semaphore(%arg14 : memref<!tpu.dma_semaphore, #tpu.memory_space<semaphore_mem>>)
    %add3A_164 = arith.constant 9728 : i32
    %add3A_165 = arith.addi %mul3A_6, %add3A_164 : i32
    %dma_start3A_166 = arith.constant 1 : i32
    %dma_start3A_167 = tpu.memref_slice %arg3[%dma_start3A_166, %add3A_165] : memref<2x320000xi32, #tpu.memory_space<hbm>> -> memref<1x128xi32, #tpu.memory_space<hbm>>
    %dma_start3A_168 = tpu.memref_squeeze %dma_start3A_167 : memref<1x128xi32, #tpu.memory_space<hbm>> -> memref<128xi32, #tpu.memory_space<hbm>>
    %dma_start3A_169 = tpu.memref_slice %arg3[%dma_start3A_166, %add3A_165] : memref<2x320000xi32, #tpu.memory_space<hbm>> -> memref<1x128xi32, #tpu.memory_space<hbm>>
    %dma_start3A_170 = tpu.memref_squeeze %dma_start3A_169 : memref<1x128xi32, #tpu.memory_space<hbm>> -> memref<128xi32, #tpu.memory_space<hbm>>
    tpu.enqueue_dma source(%dma_start3A_170 : memref<128xi32, #tpu.memory_space<hbm>>) target(%arg13 : memref<128xi32, #tpu.memory_space<vmem>>) target_semaphore(%arg14 : memref<!tpu.dma_semaphore, #tpu.memory_space<semaphore_mem>>)
    %dma_wait3A_171 = arith.constant 0 : i32
    %dma_wait3A_172 = arith.constant 0 : i32
    %dma_wait3A_173 = tpu.memref_slice %arg2[%dma_wait3A_171, %dma_wait3A_172] : memref<10000x128xf32, #tpu.memory_space<hbm>> -> memref<10000x128xf32, #tpu.memory_space<hbm>>
    tpu.wait_indirect_dma semaphore(%arg8 : memref<!tpu.dma_semaphore, #tpu.memory_space<semaphore_mem>>) src(%dma_wait3A_173 : memref<10000x128xf32, #tpu.memory_space<hbm>>) dst(%arg5 : memref<128x128xf32, #tpu.memory_space<vmem>>)
    %dma_wait3A_174 = arith.constant 0 : i32
    %dma_wait3A_175 = arith.constant 0 : i32
    %dma_wait3A_176 = tpu.memref_slice %arg7[%dma_wait3A_174, %dma_wait3A_175] : memref<10240x128xf32, #tpu.memory_space<vmem_shared>> -> memref<10240x128xf32, #tpu.memory_space<vmem_shared>>
    tpu.wait_indirect_dma semaphore(%arg11 : memref<!tpu.dma_semaphore, #tpu.memory_space<semaphore_mem>>) src(%arg6 : memref<128x128xf32, #tpu.memory_space<vmem>>) dst(%dma_wait3A_176 : memref<10240x128xf32, #tpu.memory_space<vmem_shared>>)
    %add3A_177 = arith.constant 9600 : i32
    %add3A_178 = arith.addi %mul3A_6, %add3A_177 : i32
    %dma_wait3A_179 = arith.constant 0 : i32
    %dma_wait3A_180 = tpu.memref_slice %arg3[%dma_wait3A_179, %add3A_178] : memref<2x320000xi32, #tpu.memory_space<hbm>> -> memref<1x128xi32, #tpu.memory_space<hbm>>
    %dma_wait3A_181 = tpu.memref_squeeze %dma_wait3A_180 : memref<1x128xi32, #tpu.memory_space<hbm>> -> memref<128xi32, #tpu.memory_space<hbm>>
    %dma_wait3A_182 = tpu.memref_slice %arg3[%dma_wait3A_179, %add3A_178] : memref<2x320000xi32, #tpu.memory_space<hbm>> -> memref<1x128xi32, #tpu.memory_space<hbm>>
    %dma_wait3A_183 = tpu.memref_squeeze %dma_wait3A_182 : memref<1x128xi32, #tpu.memory_space<hbm>> -> memref<128xi32, #tpu.memory_space<hbm>>
    tpu.wait_dma2 semaphore(%arg23 : memref<!tpu.dma_semaphore, #tpu.memory_space<semaphore_mem>>) src(%dma_wait3A_183 : memref<128xi32, #tpu.memory_space<hbm>>) dst(%arg21 : memref<128xi32, #tpu.memory_space<vmem>>)
    %add3A_184 = arith.constant 9600 : i32
    %add3A_185 = arith.addi %mul3A_6, %add3A_184 : i32
    %dma_wait3A_186 = arith.constant 1 : i32
    %dma_wait3A_187 = tpu.memref_slice %arg3[%dma_wait3A_186, %add3A_185] : memref<2x320000xi32, #tpu.memory_space<hbm>> -> memref<1x128xi32, #tpu.memory_space<hbm>>
    %dma_wait3A_188 = tpu.memref_squeeze %dma_wait3A_187 : memref<1x128xi32, #tpu.memory_space<hbm>> -> memref<128xi32, #tpu.memory_space<hbm>>
    %dma_wait3A_189 = tpu.memref_slice %arg3[%dma_wait3A_186, %add3A_185] : memref<2x320000xi32, #tpu.memory_space<hbm>> -> memref<1x128xi32, #tpu.memory_space<hbm>>
    %dma_wait3A_190 = tpu.memref_squeeze %dma_wait3A_189 : memref<1x128xi32, #tpu.memory_space<hbm>> -> memref<128xi32, #tpu.memory_space<hbm>>
    tpu.wait_dma2 semaphore(%arg23 : memref<!tpu.dma_semaphore, #tpu.memory_space<semaphore_mem>>) src(%dma_wait3A_190 : memref<128xi32, #tpu.memory_space<hbm>>) dst(%arg22 : memref<128xi32, #tpu.memory_space<vmem>>)
    %dma_start3A_191 = arith.constant 0 : i32
    %dma_start3A_192 = arith.constant 0 : i32
    %dma_start3A_193 = tpu.memref_slice %arg2[%dma_start3A_191, %dma_start3A_192] : memref<10000x128xf32, #tpu.memory_space<hbm>> -> memref<10000x128xf32, #tpu.memory_space<hbm>>
    tpu.enqueue_indirect_dma source(%dma_start3A_193 : memref<10000x128xf32, #tpu.memory_space<hbm>>) target(%arg6 : memref<128x128xf32, #tpu.memory_space<vmem>>) offsets(%arg21 : memref<128xi32, #tpu.memory_space<vmem>>) semaphore(%arg9 : memref<!tpu.dma_semaphore, #tpu.memory_space<semaphore_mem>>)
    %dma_start3A_194 = arith.constant 0 : i32
    %dma_start3A_195 = arith.constant 0 : i32
    %dma_start3A_196 = tpu.memref_slice %arg7[%dma_start3A_194, %dma_start3A_195] : memref<10240x128xf32, #tpu.memory_space<vmem_shared>> -> memref<10240x128xf32, #tpu.memory_space<vmem_shared>>
    tpu.enqueue_indirect_dma source(%arg5 : memref<128x128xf32, #tpu.memory_space<vmem>>) target(%dma_start3A_196 : memref<10240x128xf32, #tpu.memory_space<vmem_shared>>) offsets(%arg19 : memref<128xi32, #tpu.memory_space<vmem>>) semaphore(%arg10 : memref<!tpu.dma_semaphore, #tpu.memory_space<semaphore_mem>>) {add = true}
    %add3A_197 = arith.constant 9856 : i32
    %add3A_198 = arith.addi %mul3A_6, %add3A_197 : i32
    %dma_start3A_199 = arith.constant 0 : i32
    %dma_start3A_200 = tpu.memref_slice %arg3[%dma_start3A_199, %add3A_198] : memref<2x320000xi32, #tpu.memory_space<hbm>> -> memref<1x128xi32, #tpu.memory_space<hbm>>
    %dma_start3A_201 = tpu.memref_squeeze %dma_start3A_200 : memref<1x128xi32, #tpu.memory_space<hbm>> -> memref<128xi32, #tpu.memory_space<hbm>>
    %dma_start3A_202 = tpu.memref_slice %arg3[%dma_start3A_199, %add3A_198] : memref<2x320000xi32, #tpu.memory_space<hbm>> -> memref<1x128xi32, #tpu.memory_space<hbm>>
    %dma_start3A_203 = tpu.memref_squeeze %dma_start3A_202 : memref<1x128xi32, #tpu.memory_space<hbm>> -> memref<128xi32, #tpu.memory_space<hbm>>
    tpu.enqueue_dma source(%dma_start3A_203 : memref<128xi32, #tpu.memory_space<hbm>>) target(%arg15 : memref<128xi32, #tpu.memory_space<vmem>>) target_semaphore(%arg17 : memref<!tpu.dma_semaphore, #tpu.memory_space<semaphore_mem>>)
    %add3A_204 = arith.constant 9856 : i32
    %add3A_205 = arith.addi %mul3A_6, %add3A_204 : i32
    %dma_start3A_206 = arith.constant 1 : i32
    %dma_start3A_207 = tpu.memref_slice %arg3[%dma_start3A_206, %add3A_205] : memref<2x320000xi32, #tpu.memory_space<hbm>> -> memref<1x128xi32, #tpu.memory_space<hbm>>
    %dma_start3A_208 = tpu.memref_squeeze %dma_start3A_207 : memref<1x128xi32, #tpu.memory_space<hbm>> -> memref<128xi32, #tpu.memory_space<hbm>>
    %dma_start3A_209 = tpu.memref_slice %arg3[%dma_start3A_206, %add3A_205] : memref<2x320000xi32, #tpu.memory_space<hbm>> -> memref<1x128xi32, #tpu.memory_space<hbm>>
    %dma_start3A_210 = tpu.memref_squeeze %dma_start3A_209 : memref<1x128xi32, #tpu.memory_space<hbm>> -> memref<128xi32, #tpu.memory_space<hbm>>
    tpu.enqueue_dma source(%dma_start3A_210 : memref<128xi32, #tpu.memory_space<hbm>>) target(%arg16 : memref<128xi32, #tpu.memory_space<vmem>>) target_semaphore(%arg17 : memref<!tpu.dma_semaphore, #tpu.memory_space<semaphore_mem>>)
    %dma_wait3A_211 = arith.constant 0 : i32
    %dma_wait3A_212 = arith.constant 0 : i32
    %dma_wait3A_213 = tpu.memref_slice %arg2[%dma_wait3A_211, %dma_wait3A_212] : memref<10000x128xf32, #tpu.memory_space<hbm>> -> memref<10000x128xf32, #tpu.memory_space<hbm>>
    tpu.wait_indirect_dma semaphore(%arg9 : memref<!tpu.dma_semaphore, #tpu.memory_space<semaphore_mem>>) src(%dma_wait3A_213 : memref<10000x128xf32, #tpu.memory_space<hbm>>) dst(%arg6 : memref<128x128xf32, #tpu.memory_space<vmem>>)
    %dma_wait3A_214 = arith.constant 0 : i32
    %dma_wait3A_215 = arith.constant 0 : i32
    %dma_wait3A_216 = tpu.memref_slice %arg7[%dma_wait3A_214, %dma_wait3A_215] : memref<10240x128xf32, #tpu.memory_space<vmem_shared>> -> memref<10240x128xf32, #tpu.memory_space<vmem_shared>>
    tpu.wait_indirect_dma semaphore(%arg10 : memref<!tpu.dma_semaphore, #tpu.memory_space<semaphore_mem>>) src(%arg5 : memref<128x128xf32, #tpu.memory_space<vmem>>) dst(%dma_wait3A_216 : memref<10240x128xf32, #tpu.memory_space<vmem_shared>>)
    %add3A_217 = arith.constant 9728 : i32
    %add3A_218 = arith.addi %mul3A_6, %add3A_217 : i32
    %dma_wait3A_219 = arith.constant 0 : i32
    %dma_wait3A_220 = tpu.memref_slice %arg3[%dma_wait3A_219, %add3A_218] : memref<2x320000xi32, #tpu.memory_space<hbm>> -> memref<1x128xi32, #tpu.memory_space<hbm>>
    %dma_wait3A_221 = tpu.memref_squeeze %dma_wait3A_220 : memref<1x128xi32, #tpu.memory_space<hbm>> -> memref<128xi32, #tpu.memory_space<hbm>>
    %dma_wait3A_222 = tpu.memref_slice %arg3[%dma_wait3A_219, %add3A_218] : memref<2x320000xi32, #tpu.memory_space<hbm>> -> memref<1x128xi32, #tpu.memory_space<hbm>>
    %dma_wait3A_223 = tpu.memref_squeeze %dma_wait3A_222 : memref<1x128xi32, #tpu.memory_space<hbm>> -> memref<128xi32, #tpu.memory_space<hbm>>
    tpu.wait_dma2 semaphore(%arg14 : memref<!tpu.dma_semaphore, #tpu.memory_space<semaphore_mem>>) src(%dma_wait3A_223 : memref<128xi32, #tpu.memory_space<hbm>>) dst(%arg12 : memref<128xi32, #tpu.memory_space<vmem>>)
    %add3A_224 = arith.constant 9728 : i32
    %add3A_225 = arith.addi %mul3A_6, %add3A_224 : i32
    %dma_wait3A_226 = arith.constant 1 : i32
    %dma_wait3A_227 = tpu.memref_slice %arg3[%dma_wait3A_226, %add3A_225] : memref<2x320000xi32, #tpu.memory_space<hbm>> -> memref<1x128xi32, #tpu.memory_space<hbm>>
    %dma_wait3A_228 = tpu.memref_squeeze %dma_wait3A_227 : memref<1x128xi32, #tpu.memory_space<hbm>> -> memref<128xi32, #tpu.memory_space<hbm>>
    %dma_wait3A_229 = tpu.memref_slice %arg3[%dma_wait3A_226, %add3A_225] : memref<2x320000xi32, #tpu.memory_space<hbm>> -> memref<1x128xi32, #tpu.memory_space<hbm>>
    %dma_wait3A_230 = tpu.memref_squeeze %dma_wait3A_229 : memref<1x128xi32, #tpu.memory_space<hbm>> -> memref<128xi32, #tpu.memory_space<hbm>>
    tpu.wait_dma2 semaphore(%arg14 : memref<!tpu.dma_semaphore, #tpu.memory_space<semaphore_mem>>) src(%dma_wait3A_230 : memref<128xi32, #tpu.memory_space<hbm>>) dst(%arg13 : memref<128xi32, #tpu.memory_space<vmem>>)
    %dma_start3A_231 = arith.constant 0 : i32
    %dma_start3A_232 = arith.constant 0 : i32
    %dma_start3A_233 = tpu.memref_slice %arg2[%dma_start3A_231, %dma_start3A_232] : memref<10000x128xf32, #tpu.memory_space<hbm>> -> memref<10000x128xf32, #tpu.memory_space<hbm>>
    tpu.enqueue_indirect_dma source(%dma_start3A_233 : memref<10000x128xf32, #tpu.memory_space<hbm>>) target(%arg5 : memref<128x128xf32, #tpu.memory_space<vmem>>) offsets(%arg12 : memref<128xi32, #tpu.memory_space<vmem>>) semaphore(%arg8 : memref<!tpu.dma_semaphore, #tpu.memory_space<semaphore_mem>>)
    %dma_start3A_234 = arith.constant 0 : i32
    %dma_start3A_235 = arith.constant 0 : i32
    %dma_start3A_236 = tpu.memref_slice %arg7[%dma_start3A_234, %dma_start3A_235] : memref<10240x128xf32, #tpu.memory_space<vmem_shared>> -> memref<10240x128xf32, #tpu.memory_space<vmem_shared>>
    tpu.enqueue_indirect_dma source(%arg6 : memref<128x128xf32, #tpu.memory_space<vmem>>) target(%dma_start3A_236 : memref<10240x128xf32, #tpu.memory_space<vmem_shared>>) offsets(%arg22 : memref<128xi32, #tpu.memory_space<vmem>>) semaphore(%arg11 : memref<!tpu.dma_semaphore, #tpu.memory_space<semaphore_mem>>) {add = true}
    %dma_wait3A_237 = arith.constant 0 : i32
    %dma_wait3A_238 = arith.constant 0 : i32
    %dma_wait3A_239 = tpu.memref_slice %arg2[%dma_wait3A_237, %dma_wait3A_238] : memref<10000x128xf32, #tpu.memory_space<hbm>> -> memref<10000x128xf32, #tpu.memory_space<hbm>>
    tpu.wait_indirect_dma semaphore(%arg8 : memref<!tpu.dma_semaphore, #tpu.memory_space<semaphore_mem>>) src(%dma_wait3A_239 : memref<10000x128xf32, #tpu.memory_space<hbm>>) dst(%arg5 : memref<128x128xf32, #tpu.memory_space<vmem>>)
    %dma_wait3A_240 = arith.constant 0 : i32
    %dma_wait3A_241 = arith.constant 0 : i32
    %dma_wait3A_242 = tpu.memref_slice %arg7[%dma_wait3A_240, %dma_wait3A_241] : memref<10240x128xf32, #tpu.memory_space<vmem_shared>> -> memref<10240x128xf32, #tpu.memory_space<vmem_shared>>
    tpu.wait_indirect_dma semaphore(%arg11 : memref<!tpu.dma_semaphore, #tpu.memory_space<semaphore_mem>>) src(%arg6 : memref<128x128xf32, #tpu.memory_space<vmem>>) dst(%dma_wait3A_242 : memref<10240x128xf32, #tpu.memory_space<vmem_shared>>)
    %add3A_243 = arith.constant 9856 : i32
    %add3A_244 = arith.addi %mul3A_6, %add3A_243 : i32
    %dma_wait3A_245 = arith.constant 0 : i32
    %dma_wait3A_246 = tpu.memref_slice %arg3[%dma_wait3A_245, %add3A_244] : memref<2x320000xi32, #tpu.memory_space<hbm>> -> memref<1x128xi32, #tpu.memory_space<hbm>>
    %dma_wait3A_247 = tpu.memref_squeeze %dma_wait3A_246 : memref<1x128xi32, #tpu.memory_space<hbm>> -> memref<128xi32, #tpu.memory_space<hbm>>
    %dma_wait3A_248 = tpu.memref_slice %arg3[%dma_wait3A_245, %add3A_244] : memref<2x320000xi32, #tpu.memory_space<hbm>> -> memref<1x128xi32, #tpu.memory_space<hbm>>
    %dma_wait3A_249 = tpu.memref_squeeze %dma_wait3A_248 : memref<1x128xi32, #tpu.memory_space<hbm>> -> memref<128xi32, #tpu.memory_space<hbm>>
    tpu.wait_dma2 semaphore(%arg17 : memref<!tpu.dma_semaphore, #tpu.memory_space<semaphore_mem>>) src(%dma_wait3A_249 : memref<128xi32, #tpu.memory_space<hbm>>) dst(%arg15 : memref<128xi32, #tpu.memory_space<vmem>>)
    %add3A_250 = arith.constant 9856 : i32
    %add3A_251 = arith.addi %mul3A_6, %add3A_250 : i32
    %dma_wait3A_252 = arith.constant 1 : i32
    %dma_wait3A_253 = tpu.memref_slice %arg3[%dma_wait3A_252, %add3A_251] : memref<2x320000xi32, #tpu.memory_space<hbm>> -> memref<1x128xi32, #tpu.memory_space<hbm>>
    %dma_wait3A_254 = tpu.memref_squeeze %dma_wait3A_253 : memref<1x128xi32, #tpu.memory_space<hbm>> -> memref<128xi32, #tpu.memory_space<hbm>>
    %dma_wait3A_255 = tpu.memref_slice %arg3[%dma_wait3A_252, %add3A_251] : memref<2x320000xi32, #tpu.memory_space<hbm>> -> memref<1x128xi32, #tpu.memory_space<hbm>>
    %dma_wait3A_256 = tpu.memref_squeeze %dma_wait3A_255 : memref<1x128xi32, #tpu.memory_space<hbm>> -> memref<128xi32, #tpu.memory_space<hbm>>
    tpu.wait_dma2 semaphore(%arg17 : memref<!tpu.dma_semaphore, #tpu.memory_space<semaphore_mem>>) src(%dma_wait3A_256 : memref<128xi32, #tpu.memory_space<hbm>>) dst(%arg16 : memref<128xi32, #tpu.memory_space<vmem>>)
    %dma_start3A_257 = arith.constant 0 : i32
    %dma_start3A_258 = arith.constant 0 : i32
    %dma_start3A_259 = tpu.memref_slice %arg2[%dma_start3A_257, %dma_start3A_258] : memref<10000x128xf32, #tpu.memory_space<hbm>> -> memref<10000x128xf32, #tpu.memory_space<hbm>>
    tpu.enqueue_indirect_dma source(%dma_start3A_259 : memref<10000x128xf32, #tpu.memory_space<hbm>>) target(%arg6 : memref<128x128xf32, #tpu.memory_space<vmem>>) offsets(%arg15 : memref<128xi32, #tpu.memory_space<vmem>>) semaphore(%arg9 : memref<!tpu.dma_semaphore, #tpu.memory_space<semaphore_mem>>)
    %dma_start3A_260 = arith.constant 0 : i32
    %dma_start3A_261 = arith.constant 0 : i32
    %dma_start3A_262 = tpu.memref_slice %arg7[%dma_start3A_260, %dma_start3A_261] : memref<10240x128xf32, #tpu.memory_space<vmem_shared>> -> memref<10240x128xf32, #tpu.memory_space<vmem_shared>>
    tpu.enqueue_indirect_dma source(%arg5 : memref<128x128xf32, #tpu.memory_space<vmem>>) target(%dma_start3A_262 : memref<10240x128xf32, #tpu.memory_space<vmem_shared>>) offsets(%arg13 : memref<128xi32, #tpu.memory_space<vmem>>) semaphore(%arg10 : memref<!tpu.dma_semaphore, #tpu.memory_space<semaphore_mem>>) {add = true}
    %dma_wait3A_263 = arith.constant 0 : i32
    %dma_wait3A_264 = arith.constant 0 : i32
    %dma_wait3A_265 = tpu.memref_slice %arg2[%dma_wait3A_263, %dma_wait3A_264] : memref<10000x128xf32, #tpu.memory_space<hbm>> -> memref<10000x128xf32, #tpu.memory_space<hbm>>
    tpu.wait_indirect_dma semaphore(%arg9 : memref<!tpu.dma_semaphore, #tpu.memory_space<semaphore_mem>>) src(%dma_wait3A_265 : memref<10000x128xf32, #tpu.memory_space<hbm>>) dst(%arg6 : memref<128x128xf32, #tpu.memory_space<vmem>>)
    %dma_wait3A_266 = arith.constant 0 : i32
    %dma_wait3A_267 = arith.constant 0 : i32
    %dma_wait3A_268 = tpu.memref_slice %arg7[%dma_wait3A_266, %dma_wait3A_267] : memref<10240x128xf32, #tpu.memory_space<vmem_shared>> -> memref<10240x128xf32, #tpu.memory_space<vmem_shared>>
    tpu.wait_indirect_dma semaphore(%arg10 : memref<!tpu.dma_semaphore, #tpu.memory_space<semaphore_mem>>) src(%arg5 : memref<128x128xf32, #tpu.memory_space<vmem>>) dst(%dma_wait3A_268 : memref<10240x128xf32, #tpu.memory_space<vmem_shared>>)
    %dma_start3A_269 = arith.constant 0 : i32
    %dma_start3A_270 = arith.constant 0 : i32
    %dma_start3A_271 = tpu.memref_slice %arg7[%dma_start3A_269, %dma_start3A_270] : memref<10240x128xf32, #tpu.memory_space<vmem_shared>> -> memref<10240x128xf32, #tpu.memory_space<vmem_shared>>
    tpu.enqueue_indirect_dma source(%arg6 : memref<128x128xf32, #tpu.memory_space<vmem>>) target(%dma_start3A_271 : memref<10240x128xf32, #tpu.memory_space<vmem_shared>>) offsets(%arg16 : memref<128xi32, #tpu.memory_space<vmem>>) semaphore(%arg11 : memref<!tpu.dma_semaphore, #tpu.memory_space<semaphore_mem>>) {add = true}
    %dma_wait3A_272 = arith.constant 0 : i32
    %dma_wait3A_273 = arith.constant 0 : i32
    %dma_wait3A_274 = tpu.memref_slice %arg7[%dma_wait3A_272, %dma_wait3A_273] : memref<10240x128xf32, #tpu.memory_space<vmem_shared>> -> memref<10240x128xf32, #tpu.memory_space<vmem_shared>>
    tpu.wait_indirect_dma semaphore(%arg11 : memref<!tpu.dma_semaphore, #tpu.memory_space<semaphore_mem>>) src(%arg6 : memref<128x128xf32, #tpu.memory_space<vmem>>) dst(%dma_wait3A_274 : memref<10240x128xf32, #tpu.memory_space<vmem_shared>>)
    %lt3A = arith.constant 4 : i32
    %lt3A_275 = arith.cmpi slt, %add3A, %lt3A : i32
    %convert_element_type3A = arith.extui %lt3A_275 : i1 to i32
    %cond3A = arith.constant 0 : i32
    %cond3A_276 = arith.cmpi ne, %convert_element_type3A, %cond3A : i32
    scf.if %cond3A_276 {
      %add3A_282 = arith.constant 9984 : i32
      %add3A_283 = arith.addi %mul3A_6, %add3A_282 : i32
      %dma_start3A_284 = arith.constant 0 : i32
      %dma_start3A_285 = tpu.memref_slice %arg3[%dma_start3A_284, %add3A_283] : memref<2x320000xi32, #tpu.memory_space<hbm>> -> memref<1x128xi32, #tpu.memory_space<hbm>>
      %dma_start3A_286 = tpu.memref_squeeze %dma_start3A_285 : memref<1x128xi32, #tpu.memory_space<hbm>> -> memref<128xi32, #tpu.memory_space<hbm>>
      %dma_start3A_287 = tpu.memref_slice %arg3[%dma_start3A_284, %add3A_283] : memref<2x320000xi32, #tpu.memory_space<hbm>> -> memref<1x128xi32, #tpu.memory_space<hbm>>
      %dma_start3A_288 = tpu.memref_squeeze %dma_start3A_287 : memref<1x128xi32, #tpu.memory_space<hbm>> -> memref<128xi32, #tpu.memory_space<hbm>>
      tpu.enqueue_dma source(%dma_start3A_288 : memref<128xi32, #tpu.memory_space<hbm>>) target(%arg12 : memref<128xi32, #tpu.memory_space<vmem>>) target_semaphore(%arg14 : memref<!tpu.dma_semaphore, #tpu.memory_space<semaphore_mem>>)
      %add3A_289 = arith.constant 9984 : i32
      %add3A_290 = arith.addi %mul3A_6, %add3A_289 : i32
      %dma_start3A_291 = arith.constant 1 : i32
      %dma_start3A_292 = tpu.memref_slice %arg3[%dma_start3A_291, %add3A_290] : memref<2x320000xi32, #tpu.memory_space<hbm>> -> memref<1x128xi32, #tpu.memory_space<hbm>>
      %dma_start3A_293 = tpu.memref_squeeze %dma_start3A_292 : memref<1x128xi32, #tpu.memory_space<hbm>> -> memref<128xi32, #tpu.memory_space<hbm>>
      %dma_start3A_294 = tpu.memref_slice %arg3[%dma_start3A_291, %add3A_290] : memref<2x320000xi32, #tpu.memory_space<hbm>> -> memref<1x128xi32, #tpu.memory_space<hbm>>
      %dma_start3A_295 = tpu.memref_squeeze %dma_start3A_294 : memref<1x128xi32, #tpu.memory_space<hbm>> -> memref<128xi32, #tpu.memory_space<hbm>>
      tpu.enqueue_dma source(%dma_start3A_295 : memref<128xi32, #tpu.memory_space<hbm>>) target(%arg13 : memref<128xi32, #tpu.memory_space<vmem>>) target_semaphore(%arg14 : memref<!tpu.dma_semaphore, #tpu.memory_space<semaphore_mem>>)
      %add3A_296 = arith.constant 9984 : i32
      %add3A_297 = arith.addi %mul3A_6, %add3A_296 : i32
      %dma_wait3A_298 = arith.constant 0 : i32
      %dma_wait3A_299 = tpu.memref_slice %arg3[%dma_wait3A_298, %add3A_297] : memref<2x320000xi32, #tpu.memory_space<hbm>> -> memref<1x128xi32, #tpu.memory_space<hbm>>
      %dma_wait3A_300 = tpu.memref_squeeze %dma_wait3A_299 : memref<1x128xi32, #tpu.memory_space<hbm>> -> memref<128xi32, #tpu.memory_space<hbm>>
      %dma_wait3A_301 = tpu.memref_slice %arg3[%dma_wait3A_298, %add3A_297] : memref<2x320000xi32, #tpu.memory_space<hbm>> -> memref<1x128xi32, #tpu.memory_space<hbm>>
      %dma_wait3A_302 = tpu.memref_squeeze %dma_wait3A_301 : memref<1x128xi32, #tpu.memory_space<hbm>> -> memref<128xi32, #tpu.memory_space<hbm>>
      tpu.wait_dma2 semaphore(%arg14 : memref<!tpu.dma_semaphore, #tpu.memory_space<semaphore_mem>>) src(%dma_wait3A_302 : memref<128xi32, #tpu.memory_space<hbm>>) dst(%arg12 : memref<128xi32, #tpu.memory_space<vmem>>)
      %add3A_303 = arith.constant 9984 : i32
      %add3A_304 = arith.addi %mul3A_6, %add3A_303 : i32
      %dma_wait3A_305 = arith.constant 1 : i32
      %dma_wait3A_306 = tpu.memref_slice %arg3[%dma_wait3A_305, %add3A_304] : memref<2x320000xi32, #tpu.memory_space<hbm>> -> memref<1x128xi32, #tpu.memory_space<hbm>>
      %dma_wait3A_307 = tpu.memref_squeeze %dma_wait3A_306 : memref<1x128xi32, #tpu.memory_space<hbm>> -> memref<128xi32, #tpu.memory_space<hbm>>
      %dma_wait3A_308 = tpu.memref_slice %arg3[%dma_wait3A_305, %add3A_304] : memref<2x320000xi32, #tpu.memory_space<hbm>> -> memref<1x128xi32, #tpu.memory_space<hbm>>
      %dma_wait3A_309 = tpu.memref_squeeze %dma_wait3A_308 : memref<1x128xi32, #tpu.memory_space<hbm>> -> memref<128xi32, #tpu.memory_space<hbm>>
      tpu.wait_dma2 semaphore(%arg14 : memref<!tpu.dma_semaphore, #tpu.memory_space<semaphore_mem>>) src(%dma_wait3A_309 : memref<128xi32, #tpu.memory_space<hbm>>) dst(%arg13 : memref<128xi32, #tpu.memory_space<vmem>>)
      "tpu.region"() ({
        %run_scoped3A = tpu.sem_alloc : memref<!tpu.dma_semaphore, #tpu.memory_space<semaphore_mem>>
        %dma_start3A_310 = arith.constant 0 : i32
        %dma_start3A_311 = arith.constant 0 : i32
        %dma_start3A_312 = tpu.memref_slice %arg2[%dma_start3A_310, %dma_start3A_311] : memref<10000x128xf32, #tpu.memory_space<hbm>> -> memref<10000x128xf32, #tpu.memory_space<hbm>>
        tpu.enqueue_indirect_dma source(%dma_start3A_312 : memref<10000x128xf32, #tpu.memory_space<hbm>>) target(%arg5 : memref<128x128xf32, #tpu.memory_space<vmem>>) offsets(%arg12 : memref<128xi32, #tpu.memory_space<vmem>>) semaphore(%run_scoped3A : memref<!tpu.dma_semaphore, #tpu.memory_space<semaphore_mem>>)
        %dma_wait3A_313 = arith.constant 0 : i32
        %dma_wait3A_314 = arith.constant 0 : i32
        %dma_wait3A_315 = tpu.memref_slice %arg2[%dma_wait3A_313, %dma_wait3A_314] : memref<10000x128xf32, #tpu.memory_space<hbm>> -> memref<10000x128xf32, #tpu.memory_space<hbm>>
        tpu.wait_indirect_dma semaphore(%run_scoped3A : memref<!tpu.dma_semaphore, #tpu.memory_space<semaphore_mem>>) src(%dma_wait3A_315 : memref<10000x128xf32, #tpu.memory_space<hbm>>) dst(%arg5 : memref<128x128xf32, #tpu.memory_space<vmem>>)
        tpu.yield
      }) : () -> ()
      "tpu.region"() ({
        %run_scoped3A = tpu.sem_alloc : memref<!tpu.dma_semaphore, #tpu.memory_space<semaphore_mem>>
        %dma_start3A_310 = arith.constant 0 : i32
        %dma_start3A_311 = arith.constant 0 : i32
        %dma_start3A_312 = tpu.memref_slice %arg7[%dma_start3A_310, %dma_start3A_311] : memref<10240x128xf32, #tpu.memory_space<vmem_shared>> -> memref<10240x128xf32, #tpu.memory_space<vmem_shared>>
        tpu.enqueue_indirect_dma source(%arg5 : memref<128x128xf32, #tpu.memory_space<vmem>>) target(%dma_start3A_312 : memref<10240x128xf32, #tpu.memory_space<vmem_shared>>) offsets(%arg13 : memref<128xi32, #tpu.memory_space<vmem>>) semaphore(%run_scoped3A : memref<!tpu.dma_semaphore, #tpu.memory_space<semaphore_mem>>) {add = true}
        %dma_wait3A_313 = arith.constant 0 : i32
        %dma_wait3A_314 = arith.constant 0 : i32
        %dma_wait3A_315 = tpu.memref_slice %arg7[%dma_wait3A_313, %dma_wait3A_314] : memref<10240x128xf32, #tpu.memory_space<vmem_shared>> -> memref<10240x128xf32, #tpu.memory_space<vmem_shared>>
        tpu.wait_indirect_dma semaphore(%run_scoped3A : memref<!tpu.dma_semaphore, #tpu.memory_space<semaphore_mem>>) src(%arg5 : memref<128x128xf32, #tpu.memory_space<vmem>>) dst(%dma_wait3A_315 : memref<10240x128xf32, #tpu.memory_space<vmem_shared>>)
        tpu.yield
      }) : () -> ()
    } else {
    }
    %barrier3A_277 = arith.constant 0 : index
    tpu.barrier barrier_id(%barrier3A_277)
    %mul3A_278 = arith.constant 640 : i32
    %mul3A_279 = arith.muli %arg1, %mul3A_278 : i32
    %mul3A_280 = arith.constant 640 : i32
    %mul3A_281 = arith.muli %arg1, %mul3A_280 : i32
    "tpu.region"() ({
      %run_scoped3A = tpu.sem_alloc : memref<!tpu.dma_semaphore, #tpu.memory_space<semaphore_mem>>
      %dma_start3A_282 = arith.constant 0 : i32
      %dma_start3A_283 = tpu.memref_slice %arg4[%arg0, %mul3A_281, %dma_start3A_282] : memref<2x10240x128xf32, #tpu.memory_space<hbm>> -> memref<1x640x128xf32, #tpu.memory_space<hbm>>
      %dma_start3A_284 = tpu.memref_squeeze %dma_start3A_283 : memref<1x640x128xf32, #tpu.memory_space<hbm>> -> memref<640x128xf32, #tpu.memory_space<hbm>>
      %dma_start3A_285 = arith.constant 0 : i32
      %dma_start3A_286 = tpu.memref_slice %arg7[%mul3A_279, %dma_start3A_285] : memref<10240x128xf32, #tpu.memory_space<vmem_shared>> -> memref<640x128xf32, #tpu.memory_space<vmem_shared>>
      tpu.enqueue_dma source(%dma_start3A_286 : memref<640x128xf32, #tpu.memory_space<vmem_shared>>) target(%dma_start3A_284 : memref<640x128xf32, #tpu.memory_space<hbm>>) target_semaphore(%run_scoped3A : memref<!tpu.dma_semaphore, #tpu.memory_space<semaphore_mem>>)
      %dma_wait3A_287 = arith.constant 0 : i32
      %dma_wait3A_288 = tpu.memref_slice %arg4[%arg0, %mul3A_281, %dma_wait3A_287] : memref<2x10240x128xf32, #tpu.memory_space<hbm>> -> memref<1x640x128xf32, #tpu.memory_space<hbm>>
      %dma_wait3A_289 = tpu.memref_squeeze %dma_wait3A_288 : memref<1x640x128xf32, #tpu.memory_space<hbm>> -> memref<640x128xf32, #tpu.memory_space<hbm>>
      %dma_wait3A_290 = arith.constant 0 : i32
      %dma_wait3A_291 = tpu.memref_slice %arg7[%mul3A_279, %dma_wait3A_290] : memref<10240x128xf32, #tpu.memory_space<vmem_shared>> -> memref<640x128xf32, #tpu.memory_space<vmem_shared>>
      tpu.wait_dma2 semaphore(%run_scoped3A : memref<!tpu.dma_semaphore, #tpu.memory_space<semaphore_mem>>) src(%dma_wait3A_291 : memref<640x128xf32, #tpu.memory_space<vmem_shared>>) dst(%dma_wait3A_289 : memref<640x128xf32, #tpu.memory_space<hbm>>)
      tpu.yield
    }) : () -> ()
    return
  }
}

module attributes {stable_mosaic.version = 14 : i64} {
  func.func @body(%arg0: i32, %arg1: memref<1000x128xf32, #tpu.memory_space<vmem>>, %arg2: memref<128x128xf32, #tpu.memory_space<vmem>>, %arg3: memref<1000x128xf32, #tpu.memory_space<vmem>>) attributes {dimension_semantics = [#tpu.dimension_semantics<arbitrary>], iteration_bounds = array<i64: 10>, scalar_prefetch = 0 : i64, scratch_operands = 0 : i64, tpu.core_type = #tpu.core_type<tc>, window_params = [{transform_indices = @transform_0, window_bounds = array<i64: 1000, 128>}, {pipeline_mode = #tpu.pipeline_mode<synchronous>, transform_indices = @transform_1, window_bounds = array<i64: 128, 128>}, {transform_indices = @transform_2, window_bounds = array<i64: 1000, 128>}]} {
    %get3A = arith.constant 0 : index
    %get3A_0 = arith.constant 0 : index
    %get3A_1 = vector.load %arg1[%get3A, %get3A_0] : memref<1000x128xf32, #tpu.memory_space<vmem>>, vector<1000x128xf32>
    %get3A_2 = arith.constant 0 : index
    %get3A_3 = arith.constant 0 : index
    %get3A_4 = vector.load %arg2[%get3A_2, %get3A_3] : memref<128x128xf32, #tpu.memory_space<vmem>>, vector<128x128xf32>
    %dot_general3A = arith.constant dense<0.000000e+00> : vector<1000x128xf32>
    %dot_general3A_5 = tpu.matmul %get3A_1, %get3A_4, %dot_general3A {dimension_numbers = #tpu.dot_dimension_numbers<[1], [0], [0], [1], [0, 0, 1, 1], [], []>, precision = #tpu.contract_precision<fp32>, transpose_lhs_hint = false} : vector<1000x128xf32>, vector<128x128xf32>, vector<1000x128xf32> -> vector<1000x128xf32>
    %swap3A = arith.constant 0 : index
    %swap3A_6 = arith.constant 0 : index
    %swap3A_7 = vector.load %arg3[%swap3A, %swap3A_6] : memref<1000x128xf32, #tpu.memory_space<vmem>>, vector<1000x128xf32>
    tpu.vector_store %arg3[%swap3A, %swap3A_6], %dot_general3A_5 {strides = array<i32>} : memref<1000x128xf32, #tpu.memory_space<vmem>>, vector<1000x128xf32>,
    return
  }
  func.func @transform_0(%arg0: i32) -> (i32, i32) {
    %c0_i32 = arith.constant 0 : i32
    %c0_i32_0 = arith.constant 0 : i32
    return %arg0, %c0_i32 : i32, i32
  }
  func.func @transform_1(%arg0: i32) -> (i32, i32) {
    %c0_i32 = arith.constant 0 : i32
    %c0_i32_0 = arith.constant 0 : i32
    %c0_i32_1 = arith.constant 0 : i32
    return %c0_i32, %c0_i32_0 : i32, i32
  }
  func.func @transform_2(%arg0: i32) -> (i32, i32) {
    %c0_i32 = arith.constant 0 : i32
    %c0_i32_0 = arith.constant 0 : i32
    return %arg0, %c0_i32 : i32, i32
  }
}

module attributes {stable_mosaic.version = 14 : i64} {
  func.func @body(%arg0: i32, %arg1: memref<2x1000x128xf32, #tpu.memory_space<vmem>>, %arg2: memref<1000x128xf32, #tpu.memory_space<vmem>>, %arg3: memref<2x1000x1xf32, #tpu.memory_space<vmem>>, %arg4: memref<1x128xf32, #tpu.memory_space<vmem>>, %arg5: memref<128x128xf32, #tpu.memory_space<vmem>>, %arg6: memref<1000x128xf32, #tpu.memory_space<vmem>>) attributes {dimension_semantics = [#tpu.dimension_semantics<arbitrary>], iteration_bounds = array<i64: 10>, scalar_prefetch = 0 : i64, scratch_operands = 0 : i64, tpu.core_type = #tpu.core_type<tc>, window_params = [{transform_indices = @transform_0, window_bounds = array<i64: 2, 1000, 128>}, {transform_indices = @transform_1, window_bounds = array<i64: 1000, 128>}, {transform_indices = @transform_2, window_bounds = array<i64: 2, 1000, 1>}, {pipeline_mode = #tpu.pipeline_mode<synchronous>, transform_indices = @transform_3, window_bounds = array<i64: 1, 128>}, {pipeline_mode = #tpu.pipeline_mode<synchronous>, transform_indices = @transform_4, window_bounds = array<i64: 128, 128>}, {transform_indices = @transform_5, window_bounds = array<i64: 1000, 128>}]} {
    %get3A = arith.constant 0 : index
    %get3A_0 = arith.constant 0 : index
    %get3A_1 = arith.constant 0 : index
    %get3A_2 = vector.load %arg3[%get3A, %get3A_0, %get3A_1] : memref<2x1000x1xf32, #tpu.memory_space<vmem>>, vector<2x1000x1xf32>
    %reduce_sum3A = arith.constant dense<0.000000e+00> : vector<1000x1xf32>
    %reduce_sum3A_3 = vector.multi_reduction <add>, %get3A_2, %reduce_sum3A [0] : vector<2x1000x1xf32> to vector<1000x1xf32>
    %add3A = arith.constant 1.000000e+00 : f32
    %add3A_4 = vector.broadcast %add3A : f32 to vector<1000x1xf32>
    %add3A_5 = arith.addf %reduce_sum3A_3, %add3A_4 : vector<1000x1xf32>
    %rsqrt3A = math.rsqrt %add3A_5 : vector<1000x1xf32>
    %get3A_6 = arith.constant 0 : index
    %get3A_7 = arith.constant 0 : index
    %get3A_8 = arith.constant 0 : index
    %get3A_9 = vector.load %arg1[%get3A_6, %get3A_7, %get3A_8] : memref<2x1000x128xf32, #tpu.memory_space<vmem>>, vector<1x1000x128xf32>
    %get3A_10 = vector.shape_cast %get3A_9 : vector<1x1000x128xf32> to vector<1000x128xf32>
    %get3A_11 = arith.constant 1 : index
    %get3A_12 = arith.constant 0 : index
    %get3A_13 = arith.constant 0 : index
    %get3A_14 = vector.load %arg1[%get3A_11, %get3A_12, %get3A_13] : memref<2x1000x128xf32, #tpu.memory_space<vmem>>, vector<1x1000x128xf32>
    %get3A_15 = vector.shape_cast %get3A_14 : vector<1x1000x128xf32> to vector<1000x128xf32>
    %add3A_16 = arith.addf %get3A_10, %get3A_15 : vector<1000x128xf32>
    %get3A_17 = arith.constant 0 : index
    %get3A_18 = arith.constant 0 : index
    %get3A_19 = vector.load %arg2[%get3A_17, %get3A_18] : memref<1000x128xf32, #tpu.memory_space<vmem>>, vector<1000x128xf32>
    %add3A_20 = arith.addf %add3A_16, %get3A_19 : vector<1000x128xf32>
    %mul3A = vector.broadcast %rsqrt3A : vector<1000x1xf32> to vector<1000x128xf32>
    %mul3A_21 = arith.mulf %mul3A, %add3A_20 : vector<1000x128xf32>
    %get3A_22 = arith.constant 0 : index
    %get3A_23 = arith.constant 0 : index
    %get3A_24 = vector.load %arg4[%get3A_22, %get3A_23] : memref<1x128xf32, #tpu.memory_space<vmem>>, vector<1x128xf32>
    %add3A_25 = vector.broadcast %get3A_24 : vector<1x128xf32> to vector<1000x128xf32>
    %add3A_26 = arith.addf %mul3A_21, %add3A_25 : vector<1000x128xf32>
    %max3A = arith.constant 0.000000e+00 : f32
    %max3A_27 = vector.broadcast %max3A : f32 to vector<1000x128xf32>
    %max3A_28 = arith.maximumf %add3A_26, %max3A_27 : vector<1000x128xf32>
    %get3A_29 = arith.constant 0 : index
    %get3A_30 = arith.constant 0 : index
    %get3A_31 = vector.load %arg5[%get3A_29, %get3A_30] : memref<128x128xf32, #tpu.memory_space<vmem>>, vector<128x128xf32>
    %dot_general3A = arith.constant dense<0.000000e+00> : vector<1000x128xf32>
    %dot_general3A_32 = tpu.matmul %max3A_28, %get3A_31, %dot_general3A {dimension_numbers = #tpu.dot_dimension_numbers<[1], [0], [0], [1], [0, 0, 1, 1], [], []>, precision = #tpu.contract_precision<fp32>, transpose_lhs_hint = false} : vector<1000x128xf32>, vector<128x128xf32>, vector<1000x128xf32> -> vector<1000x128xf32>
    %mul3A_33 = vector.broadcast %rsqrt3A : vector<1000x1xf32> to vector<1000x128xf32>
    %mul3A_34 = arith.mulf %mul3A_33, %dot_general3A_32 : vector<1000x128xf32>
    %swap3A = arith.constant 0 : index
    %swap3A_35 = arith.constant 0 : index
    %swap3A_36 = vector.load %arg6[%swap3A, %swap3A_35] : memref<1000x128xf32, #tpu.memory_space<vmem>>, vector<1000x128xf32>
    tpu.vector_store %arg6[%swap3A, %swap3A_35], %mul3A_34 {strides = array<i32>} : memref<1000x128xf32, #tpu.memory_space<vmem>>, vector<1000x128xf32>,
    return
  }
  func.func @transform_0(%arg0: i32) -> (i32, i32, i32) {
    %c0_i32 = arith.constant 0 : i32
    %c0_i32_0 = arith.constant 0 : i32
    %c0_i32_1 = arith.constant 0 : i32
    return %c0_i32, %arg0, %c0_i32_0 : i32, i32, i32
  }
  func.func @transform_1(%arg0: i32) -> (i32, i32) {
    %c0_i32 = arith.constant 0 : i32
    %c0_i32_0 = arith.constant 0 : i32
    return %arg0, %c0_i32 : i32, i32
  }
  func.func @transform_2(%arg0: i32) -> (i32, i32, i32) {
    %c0_i32 = arith.constant 0 : i32
    %c0_i32_0 = arith.constant 0 : i32
    %c0_i32_1 = arith.constant 0 : i32
    return %c0_i32, %arg0, %c0_i32_0 : i32, i32, i32
  }
  func.func @transform_3(%arg0: i32) -> (i32, i32) {
    %c0_i32 = arith.constant 0 : i32
    %c0_i32_0 = arith.constant 0 : i32
    %c0_i32_1 = arith.constant 0 : i32
    return %c0_i32, %c0_i32_0 : i32, i32
  }
  func.func @transform_4(%arg0: i32) -> (i32, i32) {
    %c0_i32 = arith.constant 0 : i32
    %c0_i32_0 = arith.constant 0 : i32
    %c0_i32_1 = arith.constant 0 : i32
    return %c0_i32, %c0_i32_0 : i32, i32
  }
  func.func @transform_5(%arg0: i32) -> (i32, i32) {
    %c0_i32 = arith.constant 0 : i32
    %c0_i32_0 = arith.constant 0 : i32
    return %arg0, %c0_i32 : i32, i32
  }
}

module attributes {stable_mosaic.version = 14 : i64} {
  func.func @body(%arg0: i32, %arg1: memref<1000x128xf32, #tpu.memory_space<vmem>>, %arg2: memref<2x1000x1xf32, #tpu.memory_space<vmem>>, %arg3: memref<1000x128xf32, #tpu.memory_space<vmem>>) attributes {dimension_semantics = [#tpu.dimension_semantics<arbitrary>], iteration_bounds = array<i64: 10>, scalar_prefetch = 0 : i64, scratch_operands = 0 : i64, tpu.core_type = #tpu.core_type<tc>, window_params = [{transform_indices = @transform_0, window_bounds = array<i64: 1000, 128>}, {transform_indices = @transform_1, window_bounds = array<i64: 2, 1000, 1>}, {transform_indices = @transform_2, window_bounds = array<i64: 1000, 128>}]} {
    %get3A = arith.constant 0 : index
    %get3A_0 = arith.constant 0 : index
    %get3A_1 = arith.constant 0 : index
    %get3A_2 = vector.load %arg2[%get3A, %get3A_0, %get3A_1] : memref<2x1000x1xf32, #tpu.memory_space<vmem>>, vector<2x1000x1xf32>
    %reduce_sum3A = arith.constant dense<0.000000e+00> : vector<1000x1xf32>
    %reduce_sum3A_3 = vector.multi_reduction <add>, %get3A_2, %reduce_sum3A [0] : vector<2x1000x1xf32> to vector<1000x1xf32>
    %add3A = arith.constant 1.000000e+00 : f32
    %add3A_4 = vector.broadcast %add3A : f32 to vector<1000x1xf32>
    %add3A_5 = arith.addf %reduce_sum3A_3, %add3A_4 : vector<1000x1xf32>
    %rsqrt3A = math.rsqrt %add3A_5 : vector<1000x1xf32>
    %get3A_6 = arith.constant 0 : index
    %get3A_7 = arith.constant 0 : index
    %get3A_8 = vector.load %arg1[%get3A_6, %get3A_7] : memref<1000x128xf32, #tpu.memory_space<vmem>>, vector<1000x128xf32>
    %mul3A = vector.broadcast %rsqrt3A : vector<1000x1xf32> to vector<1000x128xf32>
    %mul3A_9 = arith.mulf %mul3A, %get3A_8 : vector<1000x128xf32>
    %swap3A = arith.constant 0 : index
    %swap3A_10 = arith.constant 0 : index
    %swap3A_11 = vector.load %arg3[%swap3A, %swap3A_10] : memref<1000x128xf32, #tpu.memory_space<vmem>>, vector<1000x128xf32>
    tpu.vector_store %arg3[%swap3A, %swap3A_10], %mul3A_9 {strides = array<i32>} : memref<1000x128xf32, #tpu.memory_space<vmem>>, vector<1000x128xf32>,
    return
  }
  func.func @transform_0(%arg0: i32) -> (i32, i32) {
    %c0_i32 = arith.constant 0 : i32
    %c0_i32_0 = arith.constant 0 : i32
    return %arg0, %c0_i32 : i32, i32
  }
  func.func @transform_1(%arg0: i32) -> (i32, i32, i32) {
    %c0_i32 = arith.constant 0 : i32
    %c0_i32_0 = arith.constant 0 : i32
    %c0_i32_1 = arith.constant 0 : i32
    return %c0_i32, %arg0, %c0_i32_0 : i32, i32, i32
  }
  func.func @transform_2(%arg0: i32) -> (i32, i32) {
    %c0_i32 = arith.constant 0 : i32
    %c0_i32_0 = arith.constant 0 : i32
    return %arg0, %c0_i32 : i32, i32
  }
}

module attributes {stable_mosaic.version = 14 : i64} {
  func.func @body(%arg0: i32, %arg1: memref<2x1000x128xf32, #tpu.memory_space<vmem>>, %arg2: memref<1000x128xf32, #tpu.memory_space<vmem>>, %arg3: memref<2x1000x1xf32, #tpu.memory_space<vmem>>, %arg4: memref<1x128xf32, #tpu.memory_space<vmem>>, %arg5: memref<1000x128xf32, #tpu.memory_space<vmem>>) attributes {dimension_semantics = [#tpu.dimension_semantics<arbitrary>], iteration_bounds = array<i64: 10>, scalar_prefetch = 0 : i64, scratch_operands = 0 : i64, tpu.core_type = #tpu.core_type<tc>, window_params = [{transform_indices = @transform_0, window_bounds = array<i64: 2, 1000, 128>}, {transform_indices = @transform_1, window_bounds = array<i64: 1000, 128>}, {transform_indices = @transform_2, window_bounds = array<i64: 2, 1000, 1>}, {pipeline_mode = #tpu.pipeline_mode<synchronous>, transform_indices = @transform_3, window_bounds = array<i64: 1, 128>}, {transform_indices = @transform_4, window_bounds = array<i64: 1000, 128>}]} {
    %get3A = arith.constant 0 : index
    %get3A_0 = arith.constant 0 : index
    %get3A_1 = arith.constant 0 : index
    %get3A_2 = vector.load %arg3[%get3A, %get3A_0, %get3A_1] : memref<2x1000x1xf32, #tpu.memory_space<vmem>>, vector<2x1000x1xf32>
    %reduce_sum3A = arith.constant dense<0.000000e+00> : vector<1000x1xf32>
    %reduce_sum3A_3 = vector.multi_reduction <add>, %get3A_2, %reduce_sum3A [0] : vector<2x1000x1xf32> to vector<1000x1xf32>
    %add3A = arith.constant 1.000000e+00 : f32
    %add3A_4 = vector.broadcast %add3A : f32 to vector<1000x1xf32>
    %add3A_5 = arith.addf %reduce_sum3A_3, %add3A_4 : vector<1000x1xf32>
    %rsqrt3A = math.rsqrt %add3A_5 : vector<1000x1xf32>
    %get3A_6 = arith.constant 0 : index
    %get3A_7 = arith.constant 0 : index
    %get3A_8 = arith.constant 0 : index
    %get3A_9 = vector.load %arg1[%get3A_6, %get3A_7, %get3A_8] : memref<2x1000x128xf32, #tpu.memory_space<vmem>>, vector<1x1000x128xf32>
    %get3A_10 = vector.shape_cast %get3A_9 : vector<1x1000x128xf32> to vector<1000x128xf32>
    %get3A_11 = arith.constant 1 : index
    %get3A_12 = arith.constant 0 : index
    %get3A_13 = arith.constant 0 : index
    %get3A_14 = vector.load %arg1[%get3A_11, %get3A_12, %get3A_13] : memref<2x1000x128xf32, #tpu.memory_space<vmem>>, vector<1x1000x128xf32>
    %get3A_15 = vector.shape_cast %get3A_14 : vector<1x1000x128xf32> to vector<1000x128xf32>
    %add3A_16 = arith.addf %get3A_10, %get3A_15 : vector<1000x128xf32>
    %get3A_17 = arith.constant 0 : index
    %get3A_18 = arith.constant 0 : index
    %get3A_19 = vector.load %arg2[%get3A_17, %get3A_18] : memref<1000x128xf32, #tpu.memory_space<vmem>>, vector<1000x128xf32>
    %add3A_20 = arith.addf %add3A_16, %get3A_19 : vector<1000x128xf32>
    %mul3A = vector.broadcast %rsqrt3A : vector<1000x1xf32> to vector<1000x128xf32>
    %mul3A_21 = arith.mulf %mul3A, %add3A_20 : vector<1000x128xf32>
    %get3A_22 = arith.constant 0 : index
    %get3A_23 = arith.constant 0 : index
    %get3A_24 = vector.load %arg4[%get3A_22, %get3A_23] : memref<1x128xf32, #tpu.memory_space<vmem>>, vector<1x128xf32>
    %add3A_25 = vector.broadcast %get3A_24 : vector<1x128xf32> to vector<1000x128xf32>
    %add3A_26 = arith.addf %mul3A_21, %add3A_25 : vector<1000x128xf32>
    %max3A = arith.constant 0.000000e+00 : f32
    %max3A_27 = vector.broadcast %max3A : f32 to vector<1000x128xf32>
    %max3A_28 = arith.maximumf %add3A_26, %max3A_27 : vector<1000x128xf32>
    %swap3A = arith.constant 0 : index
    %swap3A_29 = arith.constant 0 : index
    %swap3A_30 = vector.load %arg5[%swap3A, %swap3A_29] : memref<1000x128xf32, #tpu.memory_space<vmem>>, vector<1000x128xf32>
    tpu.vector_store %arg5[%swap3A, %swap3A_29], %max3A_28 {strides = array<i32>} : memref<1000x128xf32, #tpu.memory_space<vmem>>, vector<1000x128xf32>,
    return
  }
  func.func @transform_0(%arg0: i32) -> (i32, i32, i32) {
    %c0_i32 = arith.constant 0 : i32
    %c0_i32_0 = arith.constant 0 : i32
    %c0_i32_1 = arith.constant 0 : i32
    return %c0_i32, %arg0, %c0_i32_0 : i32, i32, i32
  }
  func.func @transform_1(%arg0: i32) -> (i32, i32) {
    %c0_i32 = arith.constant 0 : i32
    %c0_i32_0 = arith.constant 0 : i32
    return %arg0, %c0_i32 : i32, i32
  }
  func.func @transform_2(%arg0: i32) -> (i32, i32, i32) {
    %c0_i32 = arith.constant 0 : i32
    %c0_i32_0 = arith.constant 0 : i32
    %c0_i32_1 = arith.constant 0 : i32
    return %c0_i32, %arg0, %c0_i32_0 : i32, i32, i32
  }
  func.func @transform_3(%arg0: i32) -> (i32, i32) {
    %c0_i32 = arith.constant 0 : i32
    %c0_i32_0 = arith.constant 0 : i32
    %c0_i32_1 = arith.constant 0 : i32
    return %c0_i32, %c0_i32_0 : i32, i32
  }
  func.func @transform_4(%arg0: i32) -> (i32, i32) {
    %c0_i32 = arith.constant 0 : i32
    %c0_i32_0 = arith.constant 0 : i32
    return %arg0, %c0_i32 : i32, i32
  }
}

</mosaic_0001>

<sc_bundles>
// kernel: kernel.12.cloned.1.call-start
scs
__scs_entry_jumppad:
0x0: {  	(pc) =	sbr.rel $0x88, $3  }
0x1: {  	(tag) =	ssettag $0x0;
	lr =	simm.s32 $0x1  }
0x2: {  	[smem:$0x3F9B] =	sst lr;
	_ =	strace $0xD0000000  }
0x3: {  	_ = 	snop  }
0x4: {  	_ = 	snop  }
0x5: {  	_ = 	snop  }
0x6: {  	_ = 	snop  }
0x7: {  	_ = 	snop  }
__scs_overlays_trampoline_lowered:
0x8: {  	[smem:$0x3FAA] =	sst s0  }
0x9: {  	[smem:$0x3FAB] =	sst s1  }
0xa: {  	[smem:$0x3FAC] =	sst s2  }
0xb: {  	[smem:$0x3FAD] =	sst s3  }
0xc: {  	[smem:$0x3FAE] =	sst s4  }
0xd: {  	[smem:$0x3FAF] =	sst s5  }
0xe: {  	[smem:$0x3FB0] =	sst s6  }
0xf: {  	[smem:$0x3FB1] =	sst s7  }
0x10: {  	[smem:$0x3FB2] =	sst s8  }
0x11: {  	[smem:$0x3FB3] =	sst s9;
	s0 =	simm.s32 @!p0 $0x0  }
0x12: {  	s1 =	sld [smem:$0x3F99];
	s0 =	simm.s32 @p0 $0x1  }
0x13: {  	[smem:$0x3FB4] =	sst s0;
	s0 =	simm.s32 @!p1 $0x0  }
0x14: {  	s2 =	sld [smem:$0x3F98];
	s0 =	simm.s32 @p1 $0x1  }
0x15: {  	[smem:$0x3FB5] =	sst s0;
	s0 =	simm.s32 @!p2 $0x0  }
0x16: {  	s3 =	sld [smem:$0x3FDB];
	s0 =	simm.s32 @p2 $0x1  }
0x17: {  	s4 =	simm.s32 $0x1BF5;
	[smem:$0x3FB7] =	sst s0  }
0x18: {  	s0 =	sld [smem:$0x3F9A];
	_ =	swait.ge [sflag:s4], $0x0  }
0x19: {  	s7 =	sld [smem:$0x3F9B]  }
0x1a: {  	s8 =	sadd.s32 $0xFFFFE003, lr  }
0x1b: {  	s9 =	sadd.s32 $0xFFFFFEF7, lr;
	s5 =	simm.s32 $0xFFFFFFFF;
	p2 =	slt.u32 s8, $0xFFFFF086  }
0x1c: {  	p1 =	slt.u32 s9, $0xF7A;
	s5 =	simm.s32 @!p2 $0x0  }
0x1d: {  	s5 =	simm.s32 @p1 $0x1;
	p0 =	seq.s32 s7, s2  }
0x1e: {  	s7 =	smul.u32 @!p0 $0xF7A, s2;
	p2 =	seq.s32 @!p0 s5, $0x0  }
0x1f: {  	s9 =	smul.u32 $0xF7A, s1;
	s8 =	simm.s32 @!p0 $0x1BF5;
	p2 =	por !p2, p0  }
0x20: {  	[sflag:s8] =	ssyncset.s32 @!p0 $0xFFFFF086;
	s6 =	sadd.s32 @!p0 s3, s7;
	s7 =	simm.s32 @!p0 $0x108  }
0x21: {  	s3 =	sadd.s32 s3, s9;
	s6 =	sadd.s32 @!p0 $0x88, s6;
	s7 =	simm.s32 @p2 $0x1082  }
0x22: {  	[simem:s7], [sflag:s8] =	dma.local @!p0 [hbm:s6], $0xF7A  }
0x23: {  	s9 =	sor.u32 $0xD0000000, s2;
	s6 =	simm.s32 $0x108;
	_ =	swait.ge @!p0 [sflag:s8], $0x0  }
0x24: {  	s3 =	sadd.s32 $0x88, s3;
	s6 =	simm.s32 @!p1 $0x1082;
	[sflag:s4] =	ssyncset.s32 $0xFFFFF086  }
0x25: {  	[simem:s6], [sflag:s4] =	dma.local [hbm:s3], $0xF7A  }
0x26: {  	[smem:$0x3F9B] =	sst s1;
	(tag) =	ssettag s2;
	_ =	strace s9  }
0x27: {  	s1 =	sld [smem:$0x3FAB]  }
0x28: {  	s2 =	sld [smem:$0x3FAC]  }
0x29: {  	s4 =	sld [smem:$0x3FAE]  }
0x2a: {  	p0 =	seq.s32 s5, $0x0;
	s5 =	sld [smem:$0x3FAF]  }
0x2b: {  	s6 =	sld [smem:$0x3FB0]  }
0x2c: {  	s7 =	sld [smem:$0x3FB1]  }
0x2d: {  	s3 =	simm.s32 $0x108;
	s8 =	sld [smem:$0x3FB2]  }
0x2e: {  	s3 =	simm.s32 @!p0 $0x1082;
	s9 =	sld [smem:$0x3FB3]  }
0x2f: {  	lr =	sadd.s32 s0, s3;
	s0 =	sld [smem:$0x3FAA]  }
0x30: {  	s3 =	sld [smem:$0x3FAD]  }
0x31: {  	[smem:$0x3FB6] =	sst s10  }
0x32: {  	s10 =	sld [smem:$0x3FB4];
	_ =	sdelay $0x3  }
0x33: {  	p0 =	seq.s32 s10, $0x1;
	s10 =	sld [smem:$0x3FB6];
	_ =	sdelay $0x3  }
0x34: {  	[smem:$0x3FB6] =	sst s10  }
0x35: {  	s10 =	sld [smem:$0x3FB5];
	_ =	sdelay $0x3  }
0x36: {  	p1 =	seq.s32 s10, $0x1;
	s10 =	sld [smem:$0x3FB6];
	_ =	sdelay $0x3  }
0x37: {  	[smem:$0x3FB6] =	sst s10  }
0x38: {  	s10 =	sld [smem:$0x3FB7]  }
0x39: {  	_ = 	snop;
	(pc) =	sbr.ind lr, $3  }
0x3a: {  	_ = 	snop  }
0x3b: {  	_ = 	snop  }
0x3c: {  	p2 =	seq.s32 s10, $0x1;
	s10 =	sld [smem:$0x3FB6]  }
0x3d: {  	_ =	shalt  }
0x3e: {  	_ =	shalt  }
0x3f: {  	_ =	shalt  }
0x40: {  	_ =	shalt  }
0x41: {  	_ =	shalt  }
0x42: {  	_ =	shalt  }
0x43: {  	_ =	shalt  }
0x44: {  	_ =	shalt  }
0x45: {  	_ =	shalt  }
0x46: {  	_ =	shalt  }
0x47: {  	_ =	shalt  }
0x48: {  	_ =	shalt  }
0x49: {  	_ =	shalt  }
0x4a: {  	_ =	shalt  }
0x4b: {  	_ =	shalt  }
0x4c: {  	_ =	shalt  }
0x4d: {  	_ =	shalt  }
0x4e: {  	_ =	shalt  }
0x4f: {  	_ =	shalt  }
0x50: {  	_ =	shalt  }
0x51: {  	_ =	shalt  }
0x52: {  	_ =	shalt  }
0x53: {  	_ =	shalt  }
0x54: {  	_ =	shalt  }
0x55: {  	_ =	shalt  }
0x56: {  	_ =	shalt  }
0x57: {  	_ =	shalt  }
0x58: {  	_ =	shalt  }
0x59: {  	_ =	shalt  }
0x5a: {  	_ =	shalt  }
0x5b: {  	_ =	shalt  }
0x5c: {  	_ =	shalt  }
0x5d: {  	_ =	shalt  }
0x5e: {  	_ =	shalt  }
0x5f: {  	_ =	shalt  }
0x60: {  	_ =	shalt  }
0x61: {  	_ =	shalt  }
0x62: {  	_ =	shalt  }
0x63: {  	_ =	shalt  }
0x64: {  	_ =	shalt  }
0x65: {  	_ =	shalt  }
0x66: {  	_ =	shalt  }
0x67: {  	_ =	shalt  }
0x68: {  	_ =	shalt  }
0x69: {  	_ =	shalt  }
0x6a: {  	_ =	shalt  }
0x6b: {  	_ =	shalt  }
0x6c: {  	_ =	shalt  }
0x6d: {  	_ =	shalt  }
0x6e: {  	_ =	shalt  }
0x6f: {  	_ =	shalt  }
0x70: {  	_ =	shalt  }
0x71: {  	_ =	shalt  }
0x72: {  	_ =	shalt  }
0x73: {  	_ =	shalt  }
0x74: {  	_ =	shalt  }
0x75: {  	_ =	shalt  }
0x76: {  	_ =	shalt  }
0x77: {  	_ =	shalt  }
0x78: {  	_ =	shalt  }
0x79: {  	_ =	shalt  }
0x7a: {  	_ =	shalt  }
0x7b: {  	_ =	shalt  }
0x7c: {  	_ =	shalt  }
0x7d: {  	_ =	shalt  }
0x7e: {  	_ =	shalt  }
0x7f: {  	_ =	shalt  }
0x80: {  	_ =	shalt  }
0x81: {  	_ =	shalt  }
0x82: {  	_ =	shalt  }
0x83: {  	_ =	shalt  }
0x84: {  	_ =	shalt  }
0x85: {  	_ =	shalt  }
0x86: {  	_ =	shalt  }
0x87: {  	_ =	shalt  }
.Lfunc_end0:
.L_simem_size_0:
called_computation.1_lowered:
.L_overlay_start_0:
0x88: {  	s2 =	sld [smem:$0x3FD9]  }
0x89: {  	s3 =	sld [smem:$0x3FFE];
	_ =	sdelay $0x1  }
0x8a: {  	s1 =	srdreg.scid  }
0x8b: {  	s0 =	sand.u32 $0x1, s1  }
0x8c: {  	s17 =	sshll.u32 s0, $0xA;
	s2 =	sadd.s32 s3, s2  }
0x8d: {  	s2 =	sadd.s32 s2, s17  }
0x8e: {  	[smem:$0x3FC2] =	sst s2  }
0x8f: {  	_ = 	snop  }
0x90: {  	s2 =	sld [smem:$0x3FC8]  }
0x91: {  	s18 =	sld [smem:$0x3FD0];
	(tm) =	ssettm $0x1  }
0x92: {  	s4 =	sld [smem:$0x3FFB];
	_ =	sdelay $0x3  }
0x93: {  	_ =	strace s4  }
0x94: {  	s4 =	sld [smem:$0x3FFC];
	_ =	sdelay $0x3  }
0x95: {  	_ =	strace s4  }
0x96: {  	s4 =	sld [smem:$0x3FFD];
	_ =	sdelay $0x3  }
0x97: {  	_ =	strace s4  }
0x98: {  	_ =	strace $0x8FFFFFFF  }
0x99: {  	s19 =	sld [smem:$0x3FDB];
	_ =	sdelay $0x1  }
0x9a: {  	s5 =	simm.s32 $_scs_section_size  }
0x9b: {  	s6 =	simm.s32 $_size__tile_overlayer_lowered;
	s7 =	simm.s32 $_tile_overlayer_lowered  }
0x9c: {  	s22 =	simm.s32 $0x1BFF;
	s21 =	sshll.u32 s7, $0x1;
	s4 =	sadd.s32 s5, s19  }
0x9d: {  	s8 =	simm.s32 $0x0;
	s20 =	sshll.u32 s6, $0x1;
	s6 =	sadd.s32 s21, s4  }
0x9e: {  	[timem:s8], [sflag:s22] =	dma.local [hbm:s6], s20  }
0x9f: {  	_ =	swait.ge [sflag:s22], s20  }
0xa0: {  	s5 =	ssub.s32 $0x0, s20;
	[sflag:s22] =	ssyncset.done $0x0  }
0xa1: {  	[sflag:s22] =	ssyncadd.s32 s5;
	_ =	sdelay $0x1  }
0xa2: {  	s23 =	simm.s32 $0x1B8B  }
0xa3: {  	_ =	swait.ge [sflag:s23], $0x1  }
0xa4: {  	[sflag:s23] =	ssyncset.done $0x0  }
0xa5: {  	s25 =	simm.s32 $0x1B8E;
	s24 =	sld [smem:$0x3FFE];
	[sflag:s23] =	ssyncadd.s32 $0xFFFFFFFF  }
0xa6: {  	s26 =	simm.s32 $execute0_lowered;
	[smem:$0x3FD2] =	sst s25  }
0xa7: {  	s6 =	sshll.u32 s26, $0x1;
	_ =	strace $0x80000049;
	[dreg:$0x1] =	wrdreg $0xFFFFFFFF  }
0xa8: {  	s28 =	simm.s32 $_size_execute0_lowered;
	s4 =	sadd.s32 s4, s6;
	[dreg:$0x0] =	wrdreg $0x0  }
0xa9: {  	s6 =	sshll.u32 s28, $0x1;
	[dreg:$0x2] =	wrdreg s4  }
0xaa: {  	[dreg:$0x3] =	wrdreg s6  }
0xab: {  	[dreg:$0x4] =	wrdreg $0xC0  }
0xac: {  	_ =	task [dreg:s8], $0x5FFFF  }
0xad: {  	[dreg:$0x1] =	wrdreg $0xFFFFFFFF  }
0xae: {  	[dreg:$0x0] =	wrdreg $0x60  }
0xaf: {  	[dreg:$0x2] =	wrdreg s18  }
0xb0: {  	[dreg:$0x3] =	wrdreg s2  }
0xb1: {  	[dreg:$0x4] =	wrdreg s24  }
0xb2: {  	[dreg:$0x5] =	wrdreg $0x80000  }
0xb3: {  	[dreg:$0x6] =	wrdreg $0x9  }
0xb4: {  	_ =	task.clear_ibuf [dreg:s8], $0x7FFFF;
	_ =	strace $0x90000049  }
0xb5: {  	s29 =	simm.s32 $0x9;
	_ =	strace $0x8000004B  }
0xb6: {  	_ =	swait.ge [sflag:s29], $0x1  }
0xb7: {  	[sflag:s29] =	ssyncadd.s32 $0xFFFFFFFF  }
0xb8: {  	_ =	strace $0x9000004B  }
0xb9: {  	_ =	sfence  }
0xba: {  	s30 =	sld [smem:$0x0];
	_ =	sdelay $0x2  }
0xbb: {  	s31 =	sshll.u32 s1, $0xD;
	s1 =	sshrl.u32 s1, $0x2  }
0xbc: {  	s3 =	sand.u32 $0x4000, s31;
	s1 =	sadd.s32 s1, s30  }
0xbd: {  	s0 =	sor.u32 s3, s0;
	s1 =	sshll.u32 s1, $0x11  }
0xbe: {  	s0 =	sor.u32 s1, s0  }
0xbf: {  	s0 =	sadd.s32 $0x8F2B, s0  }
0xc0: {  	[sflag:s0] =	ssyncadd.remote.s32 $0x1  }
0xc1: {  	_ =	sfence.sel $0xFFFF  }
0xc2: {  	[dreg:$0x0] =	wrdreg $0xFFFFFFFF;
	(pc) =	sbr.abs _section_cstart, $3  }
0xc3: {  	[dreg:$0x1] =	wrdreg $0xFFFFFFFF  }
0xc4: {  	_ =	task.clear_ibuf [dreg:s8], $0x2FFFF;
	_ =	strace $0x9FFFFFFF  }
0xc5: {  	(tm) =	ssettm $0x7FFFFFFF  }
tec
execute0_lowered:
.L_overlay_start_1:
0x0: {  	(tag) =	ssettag $0x1  }
0x1: {  	s0 =	rddreg [dreg:$0x0]  }
0x2: {  	s1 =	rddreg [dreg:$0x1];
	s2 =	srdreg.scid  }
0x3: {  	s5 =	rddreg [dreg:$0x2];
	s13 =	stileid.u32  }
0x4: {  	s3 =	rddreg [dreg:$0x3];
	s28 =	simm.s32 $0x1C080;
	s7 =	smul.u32 $0x14000, s13  }
0x5: {  	s29 =	simm.s32 $0x1C100;
	s30 =	simm.s32 $0x1C180;
	s23 =	smul.u32 $0x50000, s13  }
0x6: {  	s31 =	simm.s32 $0x1C200;
	s2 =	sand.u32 $0x1, s2;
	s15 =	smul.u32 $0x4E, s13  }
0x7: {  	s6 =	smul.u32 $0x140000, s2;
	s4 =	sshll.u32 s2, $0x4;
	s21 =	ssub.s32 $0x2, s2  }
0x8: {  	s2 =	smul.u32 $0x4E0, s2;
	s8 =	sor.u32 s13, s4;
	s4 =	simm.s32 $0x0  }
0x9: {  	s11 =	sshrl.u32 s21, $0x1;
	s9 =	smul.u32 $0x4E, s8;
	s10 =	smin.u32 s8, $0x4  }
0xa: {  	s13 =	simm.s32 $0x4000;
	[smem:$0x7FF] =	sst s4;
	s2 =	sor.u32 s2, s10  }
0xb: {  	s6 =	sadd.s32 s7, s6;
	s20 =	sadd.s32 s10, s9;
	s2 =	sadd.s32 s15, s2  }
0xc: {  	s6 =	sshrl.u32 s6, $0x3;
	s7 =	sshll.u32 s20, $0x5;
	s2 =	sshll.u32 s2, $0x5  }
0xd: {  	s6 =	sadd.s32 s6, s5;
	s5 =	sadd.s32 s1, s7;
	s1 =	sadd.s32 s2, s1  }
0xe: {  	_ =	strace $0x8000004A;
	s22 =	sadd.s32 $0x10, s5;
	[dreg:$0x5] =	wrdreg s1  }
0xf: {  	p0 =	sgt.u32 s8, $0x3;
	s24 =	sadd.s32 $0x20, s5;
	[dreg:$0x6] =	wrdreg s22  }
0x10: {  	s8 =	simm.s32 $0x5;
	s25 =	sadd.s32 $0x30, s5;
	[dreg:$0x7] =	wrdreg s24  }
0x11: {  	s9 =	sshrl.u32 s23, $0x2;
	s26 =	sadd.s32 $0x40, s5;
	[dreg:$0x8] =	wrdreg s25  }
0x12: {  	s10 =	simm.s32 $0x1;
	s12 =	sadd.s32 $0x50, s5;
	[dreg:$0x9] =	wrdreg s26  }
0x13: {  	s15 =	simm.s32 $0x3;
	s14 =	sadd.s32 $0x60, s5;
	[dreg:$0xa] =	wrdreg s12  }
0x14: {  	s7 =	ssub.s32 s21, s11;
	s16 =	sadd.s32 $0x70, s5;
	[dreg:$0xb] =	wrdreg s14  }
0x15: {  	s2 =	simm.s32 $0x1C280;
	s21 =	sadd.s32 $0x980, s5;
	[dreg:$0xc] =	wrdreg s16  }
0x16: {  	s11 =	simm.s32 $0x6;
	s23 =	sadd.s32 $0x9A0, s5;
	[dreg:$0x11] =	wrdreg s21  }
0x17: {  	s1 =	simm.s32 $0x1C300;
	s22 =	sadd.s32 $0x990, s5;
	[dreg:$0x13] =	wrdreg s23  }
0x18: {  	s12 =	sadd.s32 s9, s3;
	s24 =	sadd.s32 $0x9B0, s5;
	[dreg:$0x12] =	wrdreg s22  }
0x19: {  	s25 =	sadd.s32 $0x9C0, s5;
	s26 =	sadd.s32 $0x9D0, s5;
	[dreg:$0x14] =	wrdreg s24  }
0x1a: {  	s9 =	simm.s32 $0x80;
	s14 =	simm.s32 $0x2;
	[dreg:$0x15] =	wrdreg s25  }
0x1b: {  	s16 =	simm.s32 $0x7;
	s17 =	sadd.s32 $0x4000, s12;
	[dreg:$0x16] =	wrdreg s26  }
0x1c: {  	s18 =	sadd.s32 $0x8000, s12;
	s19 =	sadd.s32 $0xC000, s12;
	[dreg:$0xd] =	wrdreg s17  }
0x1d: {  	s20 =	sadd.s32 $0x10000, s12;
	s24 =	sadd.s32 $0x52400, s6;
	[dreg:$0xe] =	wrdreg s18  }
0x1e: {  	s25 =	smax.u32 s7, $0x1;
	s26 =	simm.s32 $0x1C000;
	[dreg:$0xf] =	wrdreg s19  }
0x1f: {  	s6 =	simm.s32 $0x1C380;
	s7 =	simm.s32 $0x9;
	[dreg:$0x10] =	wrdreg s20  }
0x20: {  	v0 =	vimm.f32 $0.0e+00;
	s17 =	simm.s32 $0x4;
	s18 =	simm.s32 $0x8;
	s19 =	simm.s32 $0x0  }
.LBB2_1:
0x21: {  	[tilespmem:s26], [sflag:$0x5] =	stream.linear.gather [hbm4b:s5+s4], $0x80, $0x38;
	[tilespmem:$0x1C400] =	vst v63  }
0x22: {  	s20 =	rddreg [dreg:$0x6]  }
0x23: {  	[tilespmem:s28], [sflag:$0x5] =	stream.linear.gather [hbm4b:s20+s4], $0x80, $0x38;
	[tilespmem:$0x1C400] =	vst v63  }
0x24: {  	s21 =	rddreg [dreg:$0x7]  }
0x25: {  	[tilespmem:s29], [sflag:$0x6] =	stream.linear.gather [hbm4b:s21+s4], $0x80, $0x38;
	[tilespmem:$0x1C400] =	vst v63  }
0x26: {  	s22 =	rddreg [dreg:$0x8]  }
0x27: {  	[tilespmem:s30], [sflag:$0x6] =	stream.linear.gather [hbm4b:s22+s4], $0x80, $0x38;
	[tilespmem:$0x1C400] =	vst v63  }
0x28: {  	s23 =	rddreg [dreg:$0x9]  }
0x29: {  	[tilespmem:s31], [sflag:$0x7] =	stream.linear.gather [hbm4b:s23+s4], $0x80, $0x38;
	[tilespmem:$0x1C400] =	vst v63  }
0x2a: {  	s21 =	rddreg [dreg:$0xa]  }
0x2b: {  	[tilespmem:s2], [sflag:$0x7] =	stream.linear.gather [hbm4b:s21+s4], $0x80, $0x38;
	[tilespmem:$0x1C400] =	vst v63  }
0x2c: {  	s22 =	rddreg [dreg:$0xb]  }
0x2d: {  	[tilespmem:s1], [sflag:$0x8] =	stream.linear.gather [hbm4b:s22+s4], $0x80, $0x38;
	[tilespmem:$0x1C400] =	vst v63  }
0x2e: {  	s20 =	simm.s32 $0x0;
	s23 =	rddreg [dreg:$0xc];
	s21 =	simm.s32 $0x200  }
0x2f: {  	[tilespmem:s6], [sflag:$0x8] =	stream.linear.gather [hbm4b:s23+s4], $0x80, $0x38;
	[tilespmem:$0x1C400] =	vst v63  }
.LBB2_2:
0x30: {  	p1 =	sne.s32 s21, $0xFE00;
	[tilespmem:s20+$0x70] =	vst v0  }
0x31: {  	[tilespmem:s20+$0x0] =	vst v0  }
0x32: {  	[tilespmem:s20+$0x10] =	vst v0  }
.Ltmp0:
0x33: {  	[tilespmem:s20+$0x20] =	vst v0;
	(pc) =	sbr.rel @p1 .LBB2_2-.Ltmp0, $4  }
0x34: {  	[tilespmem:s20+$0x30] =	vst v0  }
0x35: {  	[tilespmem:s20+$0x40] =	vst v0  }
0x36: {  	[tilespmem:s20+$0x50] =	vst v0  }
0x37: {  	[tilespmem:s20+$0x60] =	vst v0;
	s20 =	sshra.s32 s21, $0x2;
	s21 =	sadd.s32 $0x200, s21  }
0x38: {  	[tilespmem:s20+$0x70] =	vst v0  }
0x39: {  	[tilespmem:s20+$0x0] =	vst v0  }
0x3a: {  	[tilespmem:s20+$0x10] =	vst v0  }
0x3b: {  	[tilespmem:s20+$0x20] =	vst v0  }
0x3c: {  	[tilespmem:s20+$0x30] =	vst v0  }
0x3d: {  	[tilespmem:s20+$0x40] =	vst v0  }
0x3e: {  	[tilespmem:s20+$0x50] =	vst v0  }
0x3f: {  	[tilespmem:s20+$0x60] =	vst v0;
	s20 =	simm.s32 $0x0  }
0x40: {  	[spmem:s12] =	stream.linear.scatter [tilespmem:s20], [sflag:$0x9], $0x4000, $0x38;
	[tilespmem:$0x1C400] =	vst v63  }
0x41: {  	_ =	swait.ge [sflag:s7], $0x4000  }
0x42: {  	[sflag:s7] =	ssyncset.done $0x0  }
0x43: {  	s21 =	rddreg [dreg:$0xd];
	[sflag:s7] =	ssyncadd.s32 $0xFFFFC000  }
0x44: {  	[spmem:s21] =	stream.linear.scatter [tilespmem:s20], [sflag:$0x9], $0x4000, $0x38;
	[tilespmem:$0x1C400] =	vst v63  }
0x45: {  	_ =	swait.ge [sflag:s7], $0x4000  }
0x46: {  	[sflag:s7] =	ssyncset.done $0x0  }
0x47: {  	s23 =	rddreg [dreg:$0xe];
	[sflag:s7] =	ssyncadd.s32 $0xFFFFC000  }
0x48: {  	[spmem:s23] =	stream.linear.scatter [tilespmem:s20], [sflag:$0x9], $0x4000, $0x38;
	[tilespmem:$0x1C400] =	vst v63  }
0x49: {  	_ =	swait.ge [sflag:s7], $0x4000  }
0x4a: {  	[sflag:s7] =	ssyncset.done $0x0  }
0x4b: {  	s22 =	rddreg [dreg:$0xf];
	[sflag:s7] =	ssyncadd.s32 $0xFFFFC000  }
0x4c: {  	[spmem:s22] =	stream.linear.scatter [tilespmem:s20], [sflag:$0x9], $0x4000, $0x38;
	[tilespmem:$0x1C400] =	vst v63  }
0x4d: {  	_ =	swait.ge [sflag:s7], $0x4000  }
0x4e: {  	[sflag:s7] =	ssyncset.done $0x0  }
0x4f: {  	s23 =	rddreg [dreg:$0x10];
	[sflag:s7] =	ssyncadd.s32 $0xFFFFC000  }
0x50: {  	[spmem:s23] =	stream.linear.scatter [tilespmem:s20], [sflag:$0x9], $0x4000, $0x38;
	[tilespmem:$0x1C400] =	vst v63  }
0x51: {  	_ =	swait.ge [sflag:s7], $0x4000  }
0x52: {  	[sflag:s7] =	ssyncset.done $0x0  }
0x53: {  	[sflag:s7] =	ssyncadd.s32 $0xFFFFC000  }
0x54: {  	_ =	swait.ge [sflag:s8], $0x80  }
0x55: {  	[sflag:s8] =	ssyncset.done $0x0  }
0x56: {  	[sflag:s8] =	ssyncadd.s32 $0xFFFFFF80  }
0x57: {  	_ =	swait.ge [sflag:s8], $0x80  }
0x58: {  	[sflag:s8] =	ssyncset.done $0x0  }
0x59: {  	[sflag:s8] =	ssyncadd.s32 $0xFFFFFF80  }
0x5a: {  	[tilespmem:s20], [sflag:$0x1] =	stream.indirect.gather [hbm4b:s0+s9], $0x80, s26, s9, $0xb8;
	[tilespmem:$0x1C400] =	vst v63  }
0x5b: {  	[bflag:$0x0] =	sbarrier.arrive $0xFFFF  }
0x5c: {  	_ =	swait.ge [sflag:s10], $0x4000  }
0x5d: {  	[sflag:s10] =	ssyncset.done $0x0  }
0x5e: {  	[sflag:s10] =	ssyncadd.s32 $0xFFFFC000  }
0x5f: {  	_ =	swait.ge [sflag:s11], $0x80  }
0x60: {  	[sflag:s11] =	ssyncset.done $0x0  }
0x61: {  	[sflag:s11] =	ssyncadd.s32 $0xFFFFFF80  }
0x62: {  	_ =	swait.ge [sflag:s11], $0x80  }
0x63: {  	[sflag:s11] =	ssyncset.done $0x0  }
0x64: {  	[sflag:s11] =	ssyncadd.s32 $0xFFFFFF80  }
0x65: {  	[tilespmem:s13], [sflag:$0x2] =	stream.indirect.gather [hbm4b:s0+s9], $0x80, s29, s9, $0xb8;
	[tilespmem:$0x1C400] =	vst v63  }
0x66: {  	_ = 	snop  }
0x67: {  	[spmem:s3] =	stream.indirect.scatter.add.f32 [tilespmem:s20], [sflag:$0x3], $0x80, s28, s9, $0xb8;
	[tilespmem:$0x1C400] =	vst v63  }
0x68: {  	_ =	swait.ge [sflag:s14], $0x4000  }
0x69: {  	[sflag:s14] =	ssyncset.done $0x0  }
0x6a: {  	[sflag:s14] =	ssyncadd.s32 $0xFFFFC000  }
0x6b: {  	_ =	swait.ge [sflag:s15], $0x4000  }
0x6c: {  	[sflag:s15] =	ssyncset.done $0x0  }
0x6d: {  	[sflag:s15] =	ssyncadd.s32 $0xFFFFC000  }
0x6e: {  	_ =	swait.ge [sflag:s16], $0x80  }
0x6f: {  	[sflag:s16] =	ssyncset.done $0x0  }
0x70: {  	[sflag:s16] =	ssyncadd.s32 $0xFFFFFF80  }
0x71: {  	_ =	swait.ge [sflag:s16], $0x80  }
0x72: {  	[sflag:s16] =	ssyncset.done $0x0  }
0x73: {  	s21 =	rddreg [dreg:$0x5];
	[sflag:s16] =	ssyncadd.s32 $0xFFFFFF80  }
0x74: {  	[tilespmem:s4], [sflag:$0x1] =	stream.indirect.gather [hbm4b:s0+s9], $0x80, s31, s9, $0xb8;
	[tilespmem:$0x1C400] =	vst v63  }
0x75: {  	s21 =	sadd.s32 $0x0, s21  }
0x76: {  	[spmem:s3] =	stream.indirect.scatter.add.f32 [tilespmem:s13], [sflag:$0x4], $0x80, s30, s9, $0xb8;
	[tilespmem:$0x1C400] =	vst v63  }
0x77: {  	s20 =	sadd.s32 $0x80, s21  }
0x78: {  	[tilespmem:s26], [sflag:$0x5] =	stream.linear.gather [hbm4b:s20+s4], $0x80, $0x38;
	[tilespmem:$0x1C400] =	vst v63  }
0x79: {  	s22 =	sadd.s32 $0x90, s21  }
0x7a: {  	[tilespmem:s28], [sflag:$0x5] =	stream.linear.gather [hbm4b:s22+s4], $0x80, $0x38;
	[tilespmem:$0x1C400] =	vst v63  }
0x7b: {  	_ =	swait.ge [sflag:s10], $0x4000  }
0x7c: {  	[sflag:s10] =	ssyncset.done $0x0  }
0x7d: {  	[sflag:s10] =	ssyncadd.s32 $0xFFFFC000  }
0x7e: {  	_ =	swait.ge [sflag:s17], $0x4000  }
0x7f: {  	[sflag:s17] =	ssyncset.done $0x0  }
0x80: {  	[sflag:s17] =	ssyncadd.s32 $0xFFFFC000  }
0x81: {  	_ =	swait.ge [sflag:s18], $0x80  }
0x82: {  	[sflag:s18] =	ssyncset.done $0x0  }
0x83: {  	[sflag:s18] =	ssyncadd.s32 $0xFFFFFF80  }
0x84: {  	_ =	swait.ge [sflag:s18], $0x80  }
0x85: {  	[sflag:s18] =	ssyncset.done $0x0  }
0x86: {  	[sflag:s18] =	ssyncadd.s32 $0xFFFFFF80  }
0x87: {  	[tilespmem:s13], [sflag:$0x2] =	stream.indirect.gather [hbm4b:s0+s9], $0x80, s1, s9, $0xb8;
	[tilespmem:$0x1C400] =	vst v63  }
0x88: {  	_ = 	snop  }
0x89: {  	[spmem:s3] =	stream.indirect.scatter.add.f32 [tilespmem:s4], [sflag:$0x3], $0x80, s2, s9, $0xb8;
	[tilespmem:$0x1C400] =	vst v63  }
0x8a: {  	s23 =	sadd.s32 $0xA0, s21  }
0x8b: {  	[tilespmem:s29], [sflag:$0x6] =	stream.linear.gather [hbm4b:s23+s4], $0x80, $0x38;
	[tilespmem:$0x1C400] =	vst v63  }
0x8c: {  	s22 =	sadd.s32 $0xB0, s21  }
0x8d: {  	[tilespmem:s30], [sflag:$0x6] =	stream.linear.gather [hbm4b:s22+s4], $0x80, $0x38;
	[tilespmem:$0x1C400] =	vst v63  }
0x8e: {  	_ =	swait.ge [sflag:s14], $0x4000  }
0x8f: {  	[sflag:s14] =	ssyncset.done $0x0  }
0x90: {  	[sflag:s14] =	ssyncadd.s32 $0xFFFFC000  }
0x91: {  	_ =	swait.ge [sflag:s15], $0x4000  }
0x92: {  	[sflag:s15] =	ssyncset.done $0x0  }
0x93: {  	[sflag:s15] =	ssyncadd.s32 $0xFFFFC000  }
0x94: {  	_ =	swait.ge [sflag:s8], $0x80  }
0x95: {  	[sflag:s8] =	ssyncset.done $0x0  }
0x96: {  	[sflag:s8] =	ssyncadd.s32 $0xFFFFFF80  }
0x97: {  	_ =	swait.ge [sflag:s8], $0x80  }
0x98: {  	[sflag:s8] =	ssyncset.done $0x0  }
0x99: {  	[sflag:s8] =	ssyncadd.s32 $0xFFFFFF80  }
0x9a: {  	[tilespmem:s4], [sflag:$0x1] =	stream.indirect.gather [hbm4b:s0+s9], $0x80, s26, s9, $0xb8;
	[tilespmem:$0x1C400] =	vst v63  }
0x9b: {  	_ = 	snop  }
0x9c: {  	[spmem:s3] =	stream.indirect.scatter.add.f32 [tilespmem:s13], [sflag:$0x4], $0x80, s6, s9, $0xb8;
	[tilespmem:$0x1C400] =	vst v63  }
0x9d: {  	s23 =	sadd.s32 $0xC0, s21  }
0x9e: {  	[tilespmem:s31], [sflag:$0x7] =	stream.linear.gather [hbm4b:s23+s4], $0x80, $0x38;
	[tilespmem:$0x1C400] =	vst v63  }
0x9f: {  	s22 =	sadd.s32 $0xD0, s21  }
0xa0: {  	[tilespmem:s2], [sflag:$0x7] =	stream.linear.gather [hbm4b:s22+s4], $0x80, $0x38;
	[tilespmem:$0x1C400] =	vst v63  }
0xa1: {  	_ =	swait.ge [sflag:s10], $0x4000  }
0xa2: {  	[sflag:s10] =	ssyncset.done $0x0  }
0xa3: {  	[sflag:s10] =	ssyncadd.s32 $0xFFFFC000  }
0xa4: {  	_ =	swait.ge [sflag:s17], $0x4000  }
0xa5: {  	[sflag:s17] =	ssyncset.done $0x0  }
0xa6: {  	[sflag:s17] =	ssyncadd.s32 $0xFFFFC000  }
0xa7: {  	_ =	swait.ge [sflag:s11], $0x80  }
0xa8: {  	[sflag:s11] =	ssyncset.done $0x0  }
0xa9: {  	[sflag:s11] =	ssyncadd.s32 $0xFFFFFF80  }
0xaa: {  	_ =	swait.ge [sflag:s11], $0x80  }
0xab: {  	[sflag:s11] =	ssyncset.done $0x0  }
0xac: {  	[sflag:s11] =	ssyncadd.s32 $0xFFFFFF80  }
0xad: {  	[tilespmem:s13], [sflag:$0x2] =	stream.indirect.gather [hbm4b:s0+s9], $0x80, s29, s9, $0xb8;
	[tilespmem:$0x1C400] =	vst v63  }
0xae: {  	_ = 	snop  }
0xaf: {  	[spmem:s3] =	stream.indirect.scatter.add.f32 [tilespmem:s4], [sflag:$0x3], $0x80, s28, s9, $0xb8;
	[tilespmem:$0x1C400] =	vst v63  }
0xb0: {  	s20 =	simm.s32 $0x80;
	s23 =	sadd.s32 $0xE0, s21;
	s21 =	sadd.s32 $0xF0, s21  }
0xb1: {  	[tilespmem:s1], [sflag:$0x8] =	stream.linear.gather [hbm4b:s23+s4], $0x80, $0x38;
	[tilespmem:$0x1C400] =	vst v63  }
.LBB2_4:
0xb2: {  	[tilespmem:s6], [sflag:$0x8] =	stream.linear.gather [hbm4b:s21+s4], $0x80, $0x38;
	[tilespmem:$0x1C400] =	vst v63  }
0xb3: {  	_ =	swait.ge [sflag:s14], $0x4000  }
0xb4: {  	[sflag:s14] =	ssyncset.done $0x0  }
0xb5: {  	[sflag:s14] =	ssyncadd.s32 $0xFFFFC000  }
0xb6: {  	_ =	swait.ge [sflag:s15], $0x4000  }
0xb7: {  	[sflag:s15] =	ssyncset.done $0x0  }
0xb8: {  	[sflag:s15] =	ssyncadd.s32 $0xFFFFC000  }
0xb9: {  	_ =	swait.ge [sflag:s16], $0x80  }
0xba: {  	[sflag:s16] =	ssyncset.done $0x0  }
0xbb: {  	[sflag:s16] =	ssyncadd.s32 $0xFFFFFF80  }
0xbc: {  	_ =	swait.ge [sflag:s16], $0x80  }
0xbd: {  	[sflag:s16] =	ssyncset.done $0x0  }
0xbe: {  	s22 =	smov.u32 s20;
	s23 =	rddreg [dreg:$0x5];
	[sflag:s16] =	ssyncadd.s32 $0xFFFFFF80  }
0xbf: {  	[tilespmem:s4], [sflag:$0x1] =	stream.indirect.gather [hbm4b:s0+s9], $0x80, s31, s9, $0xb8;
	[tilespmem:$0x1C400] =	vst v63  }
0xc0: {  	s21 =	sadd.s32 s22, s23  }
0xc1: {  	[spmem:s3] =	stream.indirect.scatter.add.f32 [tilespmem:s13], [sflag:$0x4], $0x80, s30, s9, $0xb8;
	[tilespmem:$0x1C400] =	vst v63  }
0xc2: {  	s22 =	sadd.s32 $0x80, s21  }
0xc3: {  	[tilespmem:s26], [sflag:$0x5] =	stream.linear.gather [hbm4b:s22+s4], $0x80, $0x38;
	[tilespmem:$0x1C400] =	vst v63  }
0xc4: {  	s23 =	sadd.s32 $0x90, s21  }
0xc5: {  	[tilespmem:s28], [sflag:$0x5] =	stream.linear.gather [hbm4b:s23+s4], $0x80, $0x38;
	[tilespmem:$0x1C400] =	vst v63  }
0xc6: {  	_ =	swait.ge [sflag:s10], $0x4000  }
0xc7: {  	[sflag:s10] =	ssyncset.done $0x0  }
0xc8: {  	[sflag:s10] =	ssyncadd.s32 $0xFFFFC000  }
0xc9: {  	_ =	swait.ge [sflag:s17], $0x4000  }
0xca: {  	[sflag:s17] =	ssyncset.done $0x0  }
0xcb: {  	[sflag:s17] =	ssyncadd.s32 $0xFFFFC000  }
0xcc: {  	_ =	swait.ge [sflag:s18], $0x80  }
0xcd: {  	[sflag:s18] =	ssyncset.done $0x0  }
0xce: {  	[sflag:s18] =	ssyncadd.s32 $0xFFFFFF80  }
0xcf: {  	_ =	swait.ge [sflag:s18], $0x80  }
0xd0: {  	[sflag:s18] =	ssyncset.done $0x0  }
0xd1: {  	[sflag:s18] =	ssyncadd.s32 $0xFFFFFF80  }
0xd2: {  	[tilespmem:s13], [sflag:$0x2] =	stream.indirect.gather [hbm4b:s0+s9], $0x80, s1, s9, $0xb8;
	[tilespmem:$0x1C400] =	vst v63  }
0xd3: {  	_ = 	snop  }
0xd4: {  	[spmem:s3] =	stream.indirect.scatter.add.f32 [tilespmem:s4], [sflag:$0x3], $0x80, s2, s9, $0xb8;
	[tilespmem:$0x1C400] =	vst v63  }
0xd5: {  	s22 =	sadd.s32 $0xA0, s21  }
0xd6: {  	[tilespmem:s29], [sflag:$0x6] =	stream.linear.gather [hbm4b:s22+s4], $0x80, $0x38;
	[tilespmem:$0x1C400] =	vst v63  }
0xd7: {  	s23 =	sadd.s32 $0xB0, s21  }
0xd8: {  	[tilespmem:s30], [sflag:$0x6] =	stream.linear.gather [hbm4b:s23+s4], $0x80, $0x38;
	[tilespmem:$0x1C400] =	vst v63  }
0xd9: {  	_ =	swait.ge [sflag:s14], $0x4000  }
0xda: {  	[sflag:s14] =	ssyncset.done $0x0  }
0xdb: {  	[sflag:s14] =	ssyncadd.s32 $0xFFFFC000  }
0xdc: {  	_ =	swait.ge [sflag:s15], $0x4000  }
0xdd: {  	[sflag:s15] =	ssyncset.done $0x0  }
0xde: {  	[sflag:s15] =	ssyncadd.s32 $0xFFFFC000  }
0xdf: {  	_ =	swait.ge [sflag:s8], $0x80  }
0xe0: {  	[sflag:s8] =	ssyncset.done $0x0  }
0xe1: {  	[sflag:s8] =	ssyncadd.s32 $0xFFFFFF80  }
0xe2: {  	_ =	swait.ge [sflag:s8], $0x80  }
0xe3: {  	[sflag:s8] =	ssyncset.done $0x0  }
0xe4: {  	[sflag:s8] =	ssyncadd.s32 $0xFFFFFF80  }
0xe5: {  	[tilespmem:s4], [sflag:$0x1] =	stream.indirect.gather [hbm4b:s0+s9], $0x80, s26, s9, $0xb8;
	[tilespmem:$0x1C400] =	vst v63  }
0xe6: {  	_ = 	snop  }
0xe7: {  	[spmem:s3] =	stream.indirect.scatter.add.f32 [tilespmem:s13], [sflag:$0x4], $0x80, s6, s9, $0xb8;
	[tilespmem:$0x1C400] =	vst v63  }
0xe8: {  	s22 =	sadd.s32 $0xC0, s21  }
0xe9: {  	[tilespmem:s31], [sflag:$0x7] =	stream.linear.gather [hbm4b:s22+s4], $0x80, $0x38;
	[tilespmem:$0x1C400] =	vst v63  }
0xea: {  	s23 =	sadd.s32 $0xD0, s21  }
0xeb: {  	[tilespmem:s2], [sflag:$0x7] =	stream.linear.gather [hbm4b:s23+s4], $0x80, $0x38;
	[tilespmem:$0x1C400] =	vst v63  }
0xec: {  	_ =	swait.ge [sflag:s10], $0x4000  }
0xed: {  	[sflag:s10] =	ssyncset.done $0x0  }
0xee: {  	[sflag:s10] =	ssyncadd.s32 $0xFFFFC000  }
0xef: {  	_ =	swait.ge [sflag:s17], $0x4000  }
0xf0: {  	[sflag:s17] =	ssyncset.done $0x0  }
0xf1: {  	[sflag:s17] =	ssyncadd.s32 $0xFFFFC000  }
0xf2: {  	_ =	swait.ge [sflag:s11], $0x80  }
0xf3: {  	[sflag:s11] =	ssyncset.done $0x0  }
0xf4: {  	[sflag:s11] =	ssyncadd.s32 $0xFFFFFF80  }
0xf5: {  	_ =	swait.ge [sflag:s11], $0x80  }
0xf6: {  	[sflag:s11] =	ssyncset.done $0x0  }
0xf7: {  	p1 =	sne.s32 s20, $0x880;
	[sflag:s11] =	ssyncadd.s32 $0xFFFFFF80  }
0xf8: {  	[tilespmem:s13], [sflag:$0x2] =	stream.indirect.gather [hbm4b:s0+s9], $0x80, s29, s9, $0xb8;
	[tilespmem:$0x1C400] =	vst v63  }
.Ltmp1:
0xf9: {  	_ = 	snop;
	(pc) =	sbr.rel @p1 .LBB2_4-.Ltmp1, $4  }
0xfa: {  	_ = 	snop  }
0xfb: {  	[spmem:s3] =	stream.indirect.scatter.add.f32 [tilespmem:s4], [sflag:$0x3], $0x80, s28, s9, $0xb8;
	[tilespmem:$0x1C400] =	vst v63  }
0xfc: {  	s20 =	sadd.s32 $0x80, s20;
	s23 =	sadd.s32 $0xE0, s21;
	s21 =	sadd.s32 $0xF0, s21  }
0xfd: {  	[tilespmem:s1], [sflag:$0x8] =	stream.linear.gather [hbm4b:s23+s4], $0x80, $0x38;
	[tilespmem:$0x1C400] =	vst v63  }
0xfe: {  	[tilespmem:s6], [sflag:$0x8] =	stream.linear.gather [hbm4b:s21+s4], $0x80, $0x38;
	[tilespmem:$0x1C400] =	vst v63  }
0xff: {  	_ =	swait.ge [sflag:s14], $0x4000  }
0x100: {  	[sflag:s14] =	ssyncset.done $0x0  }
0x101: {  	[sflag:s14] =	ssyncadd.s32 $0xFFFFC000  }
0x102: {  	_ =	swait.ge [sflag:s15], $0x4000  }
0x103: {  	[sflag:s15] =	ssyncset.done $0x0  }
0x104: {  	[sflag:s15] =	ssyncadd.s32 $0xFFFFC000  }
0x105: {  	_ =	swait.ge [sflag:s16], $0x80  }
0x106: {  	[sflag:s16] =	ssyncset.done $0x0  }
0x107: {  	[sflag:s16] =	ssyncadd.s32 $0xFFFFFF80  }
0x108: {  	_ =	swait.ge [sflag:s16], $0x80  }
0x109: {  	[sflag:s16] =	ssyncset.done $0x0  }
0x10a: {  	[sflag:s16] =	ssyncadd.s32 $0xFFFFFF80  }
0x10b: {  	[tilespmem:s4], [sflag:$0x1] =	stream.indirect.gather [hbm4b:s0+s9], $0x80, s31, s9, $0xb8;
	[tilespmem:$0x1C400] =	vst v63  }
0x10c: {  	_ = 	snop  }
0x10d: {  	[spmem:s3] =	stream.indirect.scatter.add.f32 [tilespmem:s13], [sflag:$0x4], $0x80, s30, s9, $0xb8;
	[tilespmem:$0x1C400] =	vst v63  }
0x10e: {  	s20 =	rddreg [dreg:$0x11]  }
0x10f: {  	[tilespmem:s26], [sflag:$0x5] =	stream.linear.gather [hbm4b:s20+s4], $0x80, $0x38;
	[tilespmem:$0x1C400] =	vst v63  }
0x110: {  	s22 =	rddreg [dreg:$0x12]  }
0x111: {  	[tilespmem:s28], [sflag:$0x5] =	stream.linear.gather [hbm4b:s22+s4], $0x80, $0x38;
	[tilespmem:$0x1C400] =	vst v63  }
0x112: {  	_ =	swait.ge [sflag:s10], $0x4000  }
0x113: {  	[sflag:s10] =	ssyncset.done $0x0  }
0x114: {  	[sflag:s10] =	ssyncadd.s32 $0xFFFFC000  }
0x115: {  	_ =	swait.ge [sflag:s17], $0x4000  }
0x116: {  	[sflag:s17] =	ssyncset.done $0x0  }
0x117: {  	[sflag:s17] =	ssyncadd.s32 $0xFFFFC000  }
0x118: {  	_ =	swait.ge [sflag:s18], $0x80  }
0x119: {  	[sflag:s18] =	ssyncset.done $0x0  }
0x11a: {  	[sflag:s18] =	ssyncadd.s32 $0xFFFFFF80  }
0x11b: {  	_ =	swait.ge [sflag:s18], $0x80  }
0x11c: {  	[sflag:s18] =	ssyncset.done $0x0  }
0x11d: {  	[sflag:s18] =	ssyncadd.s32 $0xFFFFFF80  }
0x11e: {  	[tilespmem:s13], [sflag:$0x2] =	stream.indirect.gather [hbm4b:s0+s9], $0x80, s1, s9, $0xb8;
	[tilespmem:$0x1C400] =	vst v63  }
0x11f: {  	_ = 	snop  }
0x120: {  	[spmem:s3] =	stream.indirect.scatter.add.f32 [tilespmem:s4], [sflag:$0x3], $0x80, s2, s9, $0xb8;
	[tilespmem:$0x1C400] =	vst v63  }
0x121: {  	s23 =	rddreg [dreg:$0x13]  }
0x122: {  	[tilespmem:s29], [sflag:$0x6] =	stream.linear.gather [hbm4b:s23+s4], $0x80, $0x38;
	[tilespmem:$0x1C400] =	vst v63  }
0x123: {  	s21 =	rddreg [dreg:$0x14]  }
0x124: {  	[tilespmem:s30], [sflag:$0x6] =	stream.linear.gather [hbm4b:s21+s4], $0x80, $0x38;
	[tilespmem:$0x1C400] =	vst v63  }
0x125: {  	_ =	swait.ge [sflag:s14], $0x4000  }
0x126: {  	[sflag:s14] =	ssyncset.done $0x0  }
0x127: {  	[sflag:s14] =	ssyncadd.s32 $0xFFFFC000  }
0x128: {  	_ =	swait.ge [sflag:s15], $0x4000  }
0x129: {  	[sflag:s15] =	ssyncset.done $0x0  }
0x12a: {  	[sflag:s15] =	ssyncadd.s32 $0xFFFFC000  }
0x12b: {  	_ =	swait.ge [sflag:s8], $0x80  }
0x12c: {  	[sflag:s8] =	ssyncset.done $0x0  }
0x12d: {  	[sflag:s8] =	ssyncadd.s32 $0xFFFFFF80  }
0x12e: {  	_ =	swait.ge [sflag:s8], $0x80  }
0x12f: {  	[sflag:s8] =	ssyncset.done $0x0  }
0x130: {  	[sflag:s8] =	ssyncadd.s32 $0xFFFFFF80  }
0x131: {  	[tilespmem:s4], [sflag:$0x1] =	stream.indirect.gather [hbm4b:s0+s9], $0x80, s26, s9, $0xb8;
	[tilespmem:$0x1C400] =	vst v63  }
0x132: {  	_ = 	snop  }
0x133: {  	[spmem:s3] =	stream.indirect.scatter.add.f32 [tilespmem:s13], [sflag:$0x4], $0x80, s6, s9, $0xb8;
	[tilespmem:$0x1C400] =	vst v63  }
0x134: {  	_ =	swait.ge [sflag:s10], $0x4000  }
0x135: {  	[sflag:s10] =	ssyncset.done $0x0  }
0x136: {  	[sflag:s10] =	ssyncadd.s32 $0xFFFFC000  }
0x137: {  	_ =	swait.ge [sflag:s17], $0x4000  }
0x138: {  	[sflag:s17] =	ssyncset.done $0x0  }
0x139: {  	[sflag:s17] =	ssyncadd.s32 $0xFFFFC000  }
0x13a: {  	_ =	swait.ge [sflag:s11], $0x80  }
0x13b: {  	[sflag:s11] =	ssyncset.done $0x0  }
0x13c: {  	[sflag:s11] =	ssyncadd.s32 $0xFFFFFF80  }
0x13d: {  	_ =	swait.ge [sflag:s11], $0x80  }
0x13e: {  	[sflag:s11] =	ssyncset.done $0x0  }
0x13f: {  	[sflag:s11] =	ssyncadd.s32 $0xFFFFFF80  }
0x140: {  	[tilespmem:s13], [sflag:$0x2] =	stream.indirect.gather [hbm4b:s0+s9], $0x80, s29, s9, $0xb8;
	[tilespmem:$0x1C400] =	vst v63  }
0x141: {  	_ = 	snop  }
0x142: {  	[spmem:s3] =	stream.indirect.scatter.add.f32 [tilespmem:s4], [sflag:$0x3], $0x80, s28, s9, $0xb8;
	[tilespmem:$0x1C400] =	vst v63  }
0x143: {  	_ =	swait.ge [sflag:s14], $0x4000  }
0x144: {  	[sflag:s14] =	ssyncset.done $0x0  }
0x145: {  	[sflag:s14] =	ssyncadd.s32 $0xFFFFC000  }
0x146: {  	_ =	swait.ge [sflag:s15], $0x4000  }
0x147: {  	[sflag:s15] =	ssyncset.done $0x0  }
0x148: {  	[sflag:s15] =	ssyncadd.s32 $0xFFFFC000  }
0x149: {  	[spmem:s3] =	stream.indirect.scatter.add.f32 [tilespmem:s13], [sflag:$0x4], $0x80, s30, s9, $0xb8;
	[tilespmem:$0x1C400] =	vst v63  }
0x14a: {  	_ =	swait.ge [sflag:s17], $0x4000  }
0x14b: {  	s20 =	simm.s32 @!p0 $0x0;
	[sflag:s17] =	ssyncset.done $0x0  }
0x14c: {  	s21 =	simm.s32 @!p0 $0x1C000;
	s22 =	rddreg [dreg:$0x15];
	[sflag:s17] =	ssyncadd.s32 $0xFFFFC000  }
0x14d: {  	[tilespmem:s21], [sflag:$0x5] =	stream.linear.gather @!p0 [hbm4b:s22+s20], $0x80, $0x38;
	[tilespmem:$0x1C400] =	vst v63  }
0x14e: {  	s23 =	rddreg [dreg:$0x16];
	s22 =	simm.s32 @!p0 $0x1C080  }
0x14f: {  	[tilespmem:s22], [sflag:$0x5] =	stream.linear.gather @!p0 [hbm4b:s23+s20], $0x80, $0x38;
	[tilespmem:$0x1C400] =	vst v63  }
0x150: {  	s23 =	simm.s32 @!p0 $0x5  }
0x151: {  	_ =	swait.ge @!p0 [sflag:s23], $0x80  }
0x152: {  	[sflag:s23] =	ssyncset.done @!p0 $0x0  }
0x153: {  	[sflag:s23] =	ssyncadd.s32 @!p0 $0xFFFFFF80  }
0x154: {  	_ =	swait.ge @!p0 [sflag:s23], $0x80  }
0x155: {  	[sflag:s23] =	ssyncset.done @!p0 $0x0  }
0x156: {  	[sflag:s23] =	ssyncadd.s32 @!p0 $0xFFFFFF80;
	s23 =	simm.s32 @!p0 $0x80  }
0x157: {  	[tilespmem:s20], [sflag:$0x9] =	stream.indirect.gather @!p0 [hbm4b:s0+s23], $0x80, s21, s23, $0xb8;
	[tilespmem:$0x1C400] =	vst v63  }
0x158: {  	s21 =	simm.s32 @!p0 $0x9  }
0x159: {  	_ =	swait.ge @!p0 [sflag:s21], $0x4000  }
0x15a: {  	[sflag:s21] =	ssyncset.done @!p0 $0x0  }
0x15b: {  	[sflag:s21] =	ssyncadd.s32 @!p0 $0xFFFFC000  }
0x15c: {  	[spmem:s3] =	stream.indirect.scatter.add.f32 @!p0 [tilespmem:s20], [sflag:$0x9], $0x80, s22, s23, $0xb8;
	[tilespmem:$0x1C400] =	vst v63  }
0x15d: {  	s19 =	sadd.s32 $0x1, s19;
	_ =	swait.ge @!p0 [sflag:s21], $0x4000  }
0x15e: {  	p1 =	sne.s32 s19, s25;
	s22 =	stileid.u32;
	[sflag:s21] =	ssyncset.done @!p0 $0x0  }
0x15f: {  	s23 =	sshrl.u32 s12, $0x3;
	s20 =	sshll.u32 s22, $0x6;
	[sflag:s21] =	ssyncadd.s32 @!p0 $0xFFFFC000  }
.Ltmp2:
0x160: {  	s20 =	sor.u32 $0x1C09, s20;
	[bflag:$0x0] =	sbarrier.arrive $0xFFFF;
	(pc) =	sbr.rel @p1 .LBB2_1-.Ltmp2, $4  }
0x161: {  	[hbm:s24], [sflag:s20] =	dma.local [spmem:s23], $0x2800  }
0x162: {  	_ =	swait.ge [sflag:s7], $0x2800  }
0x163: {  	[sflag:s7] =	ssyncset.done $0x0  }
0x164: {  	[sflag:s7] =	ssyncadd.s32 $0xFFFFD800  }
0x165: {  	_ =	sfence.sel $0x180000  }
0x166: {  	[bflag:$0x0] =	sbarrier.arrive $0xFFFF  }
0x167: {  	_ =	strace $0x9000004A  }
0x168: {  	s0 =	stileid.u32;
	[bflag:$0x2] =	sbarrier.arrive $0xFFFF  }
0x169: {  	p0 =	sne.s32 s0, $0x0;
	s0 =	rddreg [dreg:$0x4]  }
0x16a: {  	s0 =	sadd.s32 @!p0 $0x100000, s0  }
0x16b: {  	[sflag:s0] =	ssyncadd.tile.s32 @!p0 $0x1;
	_ =	shalt  }
.Lfunc_end2:
_tile_overlayer_lowered:
.L_overlay_start_2:
0x16c: {  	(tag) =	ssettag $0x2  }
0x16d: {  	s0 =	rddreg [dreg:$0x0];
	s2 =	stileid.u32  }
0x16e: {  	s1 =	rddreg [dreg:$0x1];
	p0 =	sne.s32 s2, $0x0  }
0x16f: {  	s3 =	rddreg [dreg:$0x2];
	[bflag:$0x3] =	sbarrier.arrive $0xFFFF;
	s2 =	simm.s32 @!p0 $0x1C09  }
0x170: {  	[timem:s3], [sflag:s2] =	dma.local @!p0 [hbm:s0], s1  }
0x171: {  	s0 =	simm.s32 @!p0 $0x9  }
0x172: {  	_ =	swait.ge @!p0 [sflag:s0], s1  }
0x173: {  	s1 =	ssub.s32 @!p0 $0x0, s1;
	[sflag:s0] =	ssyncset.done @!p0 $0x0  }
0x174: {  	[sflag:s0] =	ssyncadd.s32 @!p0 s1  }
0x175: {  	[bflag:$0x3] =	sbarrier.arrive $0xFFFF  }
0x176: {  	_ =	shalt  }

// kernel: kernel.15.cloned.1.call-start
scs
__scs_entry_jumppad:
0x0: {  	(pc) =	sbr.rel $0x88, $3  }
0x1: {  	(tag) =	ssettag $0x0;
	lr =	simm.s32 $0x1  }
0x2: {  	[smem:$0x3F9B] =	sst lr;
	_ =	strace $0xD0000000  }
0x3: {  	_ = 	snop  }
0x4: {  	_ = 	snop  }
0x5: {  	_ = 	snop  }
0x6: {  	_ = 	snop  }
0x7: {  	_ = 	snop  }
__scs_overlays_trampoline_lowered:
0x8: {  	[smem:$0x3FAA] =	sst s0  }
0x9: {  	[smem:$0x3FAB] =	sst s1  }
0xa: {  	[smem:$0x3FAC] =	sst s2  }
0xb: {  	[smem:$0x3FAD] =	sst s3  }
0xc: {  	[smem:$0x3FAE] =	sst s4  }
0xd: {  	[smem:$0x3FAF] =	sst s5  }
0xe: {  	[smem:$0x3FB0] =	sst s6  }
0xf: {  	[smem:$0x3FB1] =	sst s7  }
0x10: {  	[smem:$0x3FB2] =	sst s8  }
0x11: {  	[smem:$0x3FB3] =	sst s9;
	s0 =	simm.s32 @!p0 $0x0  }
0x12: {  	s1 =	sld [smem:$0x3F99];
	s0 =	simm.s32 @p0 $0x1  }
0x13: {  	[smem:$0x3FB4] =	sst s0;
	s0 =	simm.s32 @!p1 $0x0  }
0x14: {  	s2 =	sld [smem:$0x3F98];
	s0 =	simm.s32 @p1 $0x1  }
0x15: {  	[smem:$0x3FB5] =	sst s0;
	s0 =	simm.s32 @!p2 $0x0  }
0x16: {  	s3 =	sld [smem:$0x3FDB];
	s0 =	simm.s32 @p2 $0x1  }
0x17: {  	s4 =	simm.s32 $0x1BF5;
	[smem:$0x3FB7] =	sst s0  }
0x18: {  	s0 =	sld [smem:$0x3F9A];
	_ =	swait.ge [sflag:s4], $0x0  }
0x19: {  	s7 =	sld [smem:$0x3F9B]  }
0x1a: {  	s8 =	sadd.s32 $0xFFFFE003, lr  }
0x1b: {  	s9 =	sadd.s32 $0xFFFFFEF7, lr;
	s5 =	simm.s32 $0xFFFFFFFF;
	p2 =	slt.u32 s8, $0xFFFFF086  }
0x1c: {  	p1 =	slt.u32 s9, $0xF7A;
	s5 =	simm.s32 @!p2 $0x0  }
0x1d: {  	s5 =	simm.s32 @p1 $0x1;
	p0 =	seq.s32 s7, s2  }
0x1e: {  	s7 =	smul.u32 @!p0 $0xF7A, s2;
	p2 =	seq.s32 @!p0 s5, $0x0  }
0x1f: {  	s9 =	smul.u32 $0xF7A, s1;
	s8 =	simm.s32 @!p0 $0x1BF5;
	p2 =	por !p2, p0  }
0x20: {  	[sflag:s8] =	ssyncset.s32 @!p0 $0xFFFFF086;
	s6 =	sadd.s32 @!p0 s3, s7;
	s7 =	simm.s32 @!p0 $0x108  }
0x21: {  	s3 =	sadd.s32 s3, s9;
	s6 =	sadd.s32 @!p0 $0x88, s6;
	s7 =	simm.s32 @p2 $0x1082  }
0x22: {  	[simem:s7], [sflag:s8] =	dma.local @!p0 [hbm:s6], $0xF7A  }
0x23: {  	s9 =	sor.u32 $0xD0000000, s2;
	s6 =	simm.s32 $0x108;
	_ =	swait.ge @!p0 [sflag:s8], $0x0  }
0x24: {  	s3 =	sadd.s32 $0x88, s3;
	s6 =	simm.s32 @!p1 $0x1082;
	[sflag:s4] =	ssyncset.s32 $0xFFFFF086  }
0x25: {  	[simem:s6], [sflag:s4] =	dma.local [hbm:s3], $0xF7A  }
0x26: {  	[smem:$0x3F9B] =	sst s1;
	(tag) =	ssettag s2;
	_ =	strace s9  }
0x27: {  	s1 =	sld [smem:$0x3FAB]  }
0x28: {  	s2 =	sld [smem:$0x3FAC]  }
0x29: {  	s4 =	sld [smem:$0x3FAE]  }
0x2a: {  	p0 =	seq.s32 s5, $0x0;
	s5 =	sld [smem:$0x3FAF]  }
0x2b: {  	s6 =	sld [smem:$0x3FB0]  }
0x2c: {  	s7 =	sld [smem:$0x3FB1]  }
0x2d: {  	s3 =	simm.s32 $0x108;
	s8 =	sld [smem:$0x3FB2]  }
0x2e: {  	s3 =	simm.s32 @!p0 $0x1082;
	s9 =	sld [smem:$0x3FB3]  }
0x2f: {  	lr =	sadd.s32 s0, s3;
	s0 =	sld [smem:$0x3FAA]  }
0x30: {  	s3 =	sld [smem:$0x3FAD]  }
0x31: {  	[smem:$0x3FB6] =	sst s10  }
0x32: {  	s10 =	sld [smem:$0x3FB4];
	_ =	sdelay $0x3  }
0x33: {  	p0 =	seq.s32 s10, $0x1;
	s10 =	sld [smem:$0x3FB6];
	_ =	sdelay $0x3  }
0x34: {  	[smem:$0x3FB6] =	sst s10  }
0x35: {  	s10 =	sld [smem:$0x3FB5];
	_ =	sdelay $0x3  }
0x36: {  	p1 =	seq.s32 s10, $0x1;
	s10 =	sld [smem:$0x3FB6];
	_ =	sdelay $0x3  }
0x37: {  	[smem:$0x3FB6] =	sst s10  }
0x38: {  	s10 =	sld [smem:$0x3FB7]  }
0x39: {  	_ = 	snop;
	(pc) =	sbr.ind lr, $3  }
0x3a: {  	_ = 	snop  }
0x3b: {  	_ = 	snop  }
0x3c: {  	p2 =	seq.s32 s10, $0x1;
	s10 =	sld [smem:$0x3FB6]  }
0x3d: {  	_ =	shalt  }
0x3e: {  	_ =	shalt  }
0x3f: {  	_ =	shalt  }
0x40: {  	_ =	shalt  }
0x41: {  	_ =	shalt  }
0x42: {  	_ =	shalt  }
0x43: {  	_ =	shalt  }
0x44: {  	_ =	shalt  }
0x45: {  	_ =	shalt  }
0x46: {  	_ =	shalt  }
0x47: {  	_ =	shalt  }
0x48: {  	_ =	shalt  }
0x49: {  	_ =	shalt  }
0x4a: {  	_ =	shalt  }
0x4b: {  	_ =	shalt  }
0x4c: {  	_ =	shalt  }
0x4d: {  	_ =	shalt  }
0x4e: {  	_ =	shalt  }
0x4f: {  	_ =	shalt  }
0x50: {  	_ =	shalt  }
0x51: {  	_ =	shalt  }
0x52: {  	_ =	shalt  }
0x53: {  	_ =	shalt  }
0x54: {  	_ =	shalt  }
0x55: {  	_ =	shalt  }
0x56: {  	_ =	shalt  }
0x57: {  	_ =	shalt  }
0x58: {  	_ =	shalt  }
0x59: {  	_ =	shalt  }
0x5a: {  	_ =	shalt  }
0x5b: {  	_ =	shalt  }
0x5c: {  	_ =	shalt  }
0x5d: {  	_ =	shalt  }
0x5e: {  	_ =	shalt  }
0x5f: {  	_ =	shalt  }
0x60: {  	_ =	shalt  }
0x61: {  	_ =	shalt  }
0x62: {  	_ =	shalt  }
0x63: {  	_ =	shalt  }
0x64: {  	_ =	shalt  }
0x65: {  	_ =	shalt  }
0x66: {  	_ =	shalt  }
0x67: {  	_ =	shalt  }
0x68: {  	_ =	shalt  }
0x69: {  	_ =	shalt  }
0x6a: {  	_ =	shalt  }
0x6b: {  	_ =	shalt  }
0x6c: {  	_ =	shalt  }
0x6d: {  	_ =	shalt  }
0x6e: {  	_ =	shalt  }
0x6f: {  	_ =	shalt  }
0x70: {  	_ =	shalt  }
0x71: {  	_ =	shalt  }
0x72: {  	_ =	shalt  }
0x73: {  	_ =	shalt  }
0x74: {  	_ =	shalt  }
0x75: {  	_ =	shalt  }
0x76: {  	_ =	shalt  }
0x77: {  	_ =	shalt  }
0x78: {  	_ =	shalt  }
0x79: {  	_ =	shalt  }
0x7a: {  	_ =	shalt  }
0x7b: {  	_ =	shalt  }
0x7c: {  	_ =	shalt  }
0x7d: {  	_ =	shalt  }
0x7e: {  	_ =	shalt  }
0x7f: {  	_ =	shalt  }
0x80: {  	_ =	shalt  }
0x81: {  	_ =	shalt  }
0x82: {  	_ =	shalt  }
0x83: {  	_ =	shalt  }
0x84: {  	_ =	shalt  }
0x85: {  	_ =	shalt  }
0x86: {  	_ =	shalt  }
0x87: {  	_ =	shalt  }
.Lfunc_end0:
.L_simem_size_0:
called_computation.2_lowered:
.L_overlay_start_0:
0x88: {  	s2 =	sld [smem:$0x3FD9]  }
0x89: {  	s3 =	sld [smem:$0x3FFE];
	_ =	sdelay $0x1  }
0x8a: {  	s1 =	srdreg.scid  }
0x8b: {  	s0 =	sand.u32 $0x1, s1  }
0x8c: {  	s17 =	sshll.u32 s0, $0xA;
	s2 =	sadd.s32 s3, s2  }
0x8d: {  	s2 =	sadd.s32 s2, s17  }
0x8e: {  	[smem:$0x3FC2] =	sst s2  }
0x8f: {  	_ = 	snop  }
0x90: {  	s2 =	sld [smem:$0x3FC8]  }
0x91: {  	s18 =	sld [smem:$0x3FD0];
	(tm) =	ssettm $0x1  }
0x92: {  	s4 =	sld [smem:$0x3FFB];
	_ =	sdelay $0x3  }
0x93: {  	_ =	strace s4  }
0x94: {  	s4 =	sld [smem:$0x3FFC];
	_ =	sdelay $0x3  }
0x95: {  	_ =	strace s4  }
0x96: {  	s4 =	sld [smem:$0x3FFD];
	_ =	sdelay $0x3  }
0x97: {  	_ =	strace s4  }
0x98: {  	_ =	strace $0x8FFFFFFF  }
0x99: {  	s19 =	sld [smem:$0x3FDB];
	_ =	sdelay $0x1  }
0x9a: {  	s5 =	simm.s32 $_scs_section_size  }
0x9b: {  	s6 =	simm.s32 $_size__tile_overlayer_lowered;
	s7 =	simm.s32 $_tile_overlayer_lowered  }
0x9c: {  	s22 =	simm.s32 $0x1BFF;
	s21 =	sshll.u32 s7, $0x1;
	s4 =	sadd.s32 s5, s19  }
0x9d: {  	s8 =	simm.s32 $0x0;
	s20 =	sshll.u32 s6, $0x1;
	s6 =	sadd.s32 s21, s4  }
0x9e: {  	[timem:s8], [sflag:s22] =	dma.local [hbm:s6], s20  }
0x9f: {  	_ =	swait.ge [sflag:s22], s20  }
0xa0: {  	s5 =	ssub.s32 $0x0, s20;
	[sflag:s22] =	ssyncset.done $0x0  }
0xa1: {  	[sflag:s22] =	ssyncadd.s32 s5;
	_ =	sdelay $0x1  }
0xa2: {  	s23 =	simm.s32 $0x1B8B  }
0xa3: {  	_ =	swait.ge [sflag:s23], $0x1  }
0xa4: {  	[sflag:s23] =	ssyncset.done $0x0  }
0xa5: {  	s25 =	simm.s32 $0x1B8E;
	s24 =	sld [smem:$0x3FFE];
	[sflag:s23] =	ssyncadd.s32 $0xFFFFFFFF  }
0xa6: {  	s26 =	simm.s32 $execute0_lowered;
	[smem:$0x3FD2] =	sst s25  }
0xa7: {  	s6 =	sshll.u32 s26, $0x1;
	_ =	strace $0x8000004C;
	[dreg:$0x1] =	wrdreg $0xFFFFFFFF  }
0xa8: {  	s28 =	simm.s32 $_size_execute0_lowered;
	s4 =	sadd.s32 s4, s6;
	[dreg:$0x0] =	wrdreg $0x0  }
0xa9: {  	s6 =	sshll.u32 s28, $0x1;
	[dreg:$0x2] =	wrdreg s4  }
0xaa: {  	[dreg:$0x3] =	wrdreg s6  }
0xab: {  	[dreg:$0x4] =	wrdreg $0xC0  }
0xac: {  	_ =	task [dreg:s8], $0x5FFFF  }
0xad: {  	[dreg:$0x1] =	wrdreg $0xFFFFFFFF  }
0xae: {  	[dreg:$0x0] =	wrdreg $0x60  }
0xaf: {  	[dreg:$0x2] =	wrdreg s18  }
0xb0: {  	[dreg:$0x3] =	wrdreg s2  }
0xb1: {  	[dreg:$0x4] =	wrdreg s24  }
0xb2: {  	[dreg:$0x5] =	wrdreg $0x80000  }
0xb3: {  	[dreg:$0x6] =	wrdreg $0x9  }
0xb4: {  	_ =	task.clear_ibuf [dreg:s8], $0x7FFFF;
	_ =	strace $0x9000004C  }
0xb5: {  	s29 =	simm.s32 $0x9;
	_ =	strace $0x8000004E  }
0xb6: {  	_ =	swait.ge [sflag:s29], $0x1  }
0xb7: {  	[sflag:s29] =	ssyncadd.s32 $0xFFFFFFFF  }
0xb8: {  	_ =	strace $0x9000004E  }
0xb9: {  	_ =	sfence  }
0xba: {  	s30 =	sld [smem:$0x0];
	_ =	sdelay $0x2  }
0xbb: {  	s31 =	sshll.u32 s1, $0xD;
	s1 =	sshrl.u32 s1, $0x2  }
0xbc: {  	s3 =	sand.u32 $0x4000, s31;
	s1 =	sadd.s32 s1, s30  }
0xbd: {  	s0 =	sor.u32 s3, s0;
	s1 =	sshll.u32 s1, $0x11  }
0xbe: {  	s0 =	sor.u32 s1, s0  }
0xbf: {  	s0 =	sadd.s32 $0x8F2B, s0  }
0xc0: {  	[sflag:s0] =	ssyncadd.remote.s32 $0x1  }
0xc1: {  	_ =	sfence.sel $0xFFFF  }
0xc2: {  	[dreg:$0x0] =	wrdreg $0xFFFFFFFF;
	(pc) =	sbr.abs _section_cstart, $3  }
0xc3: {  	[dreg:$0x1] =	wrdreg $0xFFFFFFFF  }
0xc4: {  	_ =	task.clear_ibuf [dreg:s8], $0x2FFFF;
	_ =	strace $0x9FFFFFFF  }
0xc5: {  	(tm) =	ssettm $0x7FFFFFFF  }
tec
execute0_lowered:
.L_overlay_start_1:
0x0: {  	(tag) =	ssettag $0x1  }
0x1: {  	s0 =	rddreg [dreg:$0x0]  }
0x2: {  	s1 =	rddreg [dreg:$0x1];
	s2 =	srdreg.scid  }
0x3: {  	s5 =	rddreg [dreg:$0x2];
	s13 =	stileid.u32  }
0x4: {  	s3 =	rddreg [dreg:$0x3];
	s28 =	simm.s32 $0x1C080;
	s7 =	smul.u32 $0x14000, s13  }
0x5: {  	s29 =	simm.s32 $0x1C100;
	s30 =	simm.s32 $0x1C180;
	s23 =	smul.u32 $0x50000, s13  }
0x6: {  	s31 =	simm.s32 $0x1C200;
	s2 =	sand.u32 $0x1, s2;
	s15 =	smul.u32 $0x4E, s13  }
0x7: {  	s6 =	smul.u32 $0x140000, s2;
	s4 =	sshll.u32 s2, $0x4;
	s21 =	ssub.s32 $0x2, s2  }
0x8: {  	s2 =	smul.u32 $0x4E0, s2;
	s8 =	sor.u32 s13, s4;
	s4 =	simm.s32 $0x0  }
0x9: {  	s11 =	sshrl.u32 s21, $0x1;
	s9 =	smul.u32 $0x4E, s8;
	s10 =	smin.u32 s8, $0x4  }
0xa: {  	s13 =	simm.s32 $0x4000;
	[smem:$0x7FF] =	sst s4;
	s2 =	sor.u32 s2, s10  }
0xb: {  	s6 =	sadd.s32 s7, s6;
	s20 =	sadd.s32 s10, s9;
	s2 =	sadd.s32 s15, s2  }
0xc: {  	s6 =	sshrl.u32 s6, $0x3;
	s7 =	sshll.u32 s20, $0x5;
	s2 =	sshll.u32 s2, $0x5  }
0xd: {  	s6 =	sadd.s32 s6, s5;
	s5 =	sadd.s32 s1, s7;
	s1 =	sadd.s32 s2, s1  }
0xe: {  	_ =	strace $0x8000004D;
	s22 =	sadd.s32 $0x10, s5;
	[dreg:$0x5] =	wrdreg s1  }
0xf: {  	p0 =	sgt.u32 s8, $0x3;
	s24 =	sadd.s32 $0x20, s5;
	[dreg:$0x6] =	wrdreg s22  }
0x10: {  	s8 =	simm.s32 $0x5;
	s25 =	sadd.s32 $0x30, s5;
	[dreg:$0x7] =	wrdreg s24  }
0x11: {  	s9 =	sshrl.u32 s23, $0x2;
	s26 =	sadd.s32 $0x40, s5;
	[dreg:$0x8] =	wrdreg s25  }
0x12: {  	s10 =	simm.s32 $0x1;
	s12 =	sadd.s32 $0x50, s5;
	[dreg:$0x9] =	wrdreg s26  }
0x13: {  	s15 =	simm.s32 $0x3;
	s14 =	sadd.s32 $0x60, s5;
	[dreg:$0xa] =	wrdreg s12  }
0x14: {  	s7 =	ssub.s32 s21, s11;
	s16 =	sadd.s32 $0x70, s5;
	[dreg:$0xb] =	wrdreg s14  }
0x15: {  	s2 =	simm.s32 $0x1C280;
	s21 =	sadd.s32 $0x980, s5;
	[dreg:$0xc] =	wrdreg s16  }
0x16: {  	s11 =	simm.s32 $0x6;
	s23 =	sadd.s32 $0x9A0, s5;
	[dreg:$0x11] =	wrdreg s21  }
0x17: {  	s1 =	simm.s32 $0x1C300;
	s22 =	sadd.s32 $0x990, s5;
	[dreg:$0x13] =	wrdreg s23  }
0x18: {  	s12 =	sadd.s32 s9, s3;
	s24 =	sadd.s32 $0x9B0, s5;
	[dreg:$0x12] =	wrdreg s22  }
0x19: {  	s25 =	sadd.s32 $0x9C0, s5;
	s26 =	sadd.s32 $0x9D0, s5;
	[dreg:$0x14] =	wrdreg s24  }
0x1a: {  	s9 =	simm.s32 $0x80;
	s14 =	simm.s32 $0x2;
	[dreg:$0x15] =	wrdreg s25  }
0x1b: {  	s16 =	simm.s32 $0x7;
	s17 =	sadd.s32 $0x4000, s12;
	[dreg:$0x16] =	wrdreg s26  }
0x1c: {  	s18 =	sadd.s32 $0x8000, s12;
	s19 =	sadd.s32 $0xC000, s12;
	[dreg:$0xd] =	wrdreg s17  }
0x1d: {  	s20 =	sadd.s32 $0x10000, s12;
	s24 =	sadd.s32 $0x52400, s6;
	[dreg:$0xe] =	wrdreg s18  }
0x1e: {  	s25 =	smax.u32 s7, $0x1;
	s26 =	simm.s32 $0x1C000;
	[dreg:$0xf] =	wrdreg s19  }
0x1f: {  	s6 =	simm.s32 $0x1C380;
	s7 =	simm.s32 $0x9;
	[dreg:$0x10] =	wrdreg s20  }
0x20: {  	v0 =	vimm.f32 $0.0e+00;
	s17 =	simm.s32 $0x4;
	s18 =	simm.s32 $0x8;
	s19 =	simm.s32 $0x0  }
.LBB2_1:
0x21: {  	[tilespmem:s26], [sflag:$0x5] =	stream.linear.gather [hbm4b:s5+s4], $0x80, $0x38;
	[tilespmem:$0x1C400] =	vst v63  }
0x22: {  	s20 =	rddreg [dreg:$0x6]  }
0x23: {  	[tilespmem:s28], [sflag:$0x5] =	stream.linear.gather [hbm4b:s20+s4], $0x80, $0x38;
	[tilespmem:$0x1C400] =	vst v63  }
0x24: {  	s21 =	rddreg [dreg:$0x7]  }
0x25: {  	[tilespmem:s29], [sflag:$0x6] =	stream.linear.gather [hbm4b:s21+s4], $0x80, $0x38;
	[tilespmem:$0x1C400] =	vst v63  }
0x26: {  	s22 =	rddreg [dreg:$0x8]  }
0x27: {  	[tilespmem:s30], [sflag:$0x6] =	stream.linear.gather [hbm4b:s22+s4], $0x80, $0x38;
	[tilespmem:$0x1C400] =	vst v63  }
0x28: {  	s23 =	rddreg [dreg:$0x9]  }
0x29: {  	[tilespmem:s31], [sflag:$0x7] =	stream.linear.gather [hbm4b:s23+s4], $0x80, $0x38;
	[tilespmem:$0x1C400] =	vst v63  }
0x2a: {  	s21 =	rddreg [dreg:$0xa]  }
0x2b: {  	[tilespmem:s2], [sflag:$0x7] =	stream.linear.gather [hbm4b:s21+s4], $0x80, $0x38;
	[tilespmem:$0x1C400] =	vst v63  }
0x2c: {  	s22 =	rddreg [dreg:$0xb]  }
0x2d: {  	[tilespmem:s1], [sflag:$0x8] =	stream.linear.gather [hbm4b:s22+s4], $0x80, $0x38;
	[tilespmem:$0x1C400] =	vst v63  }
0x2e: {  	s20 =	simm.s32 $0x0;
	s23 =	rddreg [dreg:$0xc];
	s21 =	simm.s32 $0x200  }
0x2f: {  	[tilespmem:s6], [sflag:$0x8] =	stream.linear.gather [hbm4b:s23+s4], $0x80, $0x38;
	[tilespmem:$0x1C400] =	vst v63  }
.LBB2_2:
0x30: {  	p1 =	sne.s32 s21, $0xFE00;
	[tilespmem:s20+$0x70] =	vst v0  }
0x31: {  	[tilespmem:s20+$0x0] =	vst v0  }
0x32: {  	[tilespmem:s20+$0x10] =	vst v0  }
.Ltmp0:
0x33: {  	[tilespmem:s20+$0x20] =	vst v0;
	(pc) =	sbr.rel @p1 .LBB2_2-.Ltmp0, $4  }
0x34: {  	[tilespmem:s20+$0x30] =	vst v0  }
0x35: {  	[tilespmem:s20+$0x40] =	vst v0  }
0x36: {  	[tilespmem:s20+$0x50] =	vst v0  }
0x37: {  	[tilespmem:s20+$0x60] =	vst v0;
	s20 =	sshra.s32 s21, $0x2;
	s21 =	sadd.s32 $0x200, s21  }
0x38: {  	[tilespmem:s20+$0x70] =	vst v0  }
0x39: {  	[tilespmem:s20+$0x0] =	vst v0  }
0x3a: {  	[tilespmem:s20+$0x10] =	vst v0  }
0x3b: {  	[tilespmem:s20+$0x20] =	vst v0  }
0x3c: {  	[tilespmem:s20+$0x30] =	vst v0  }
0x3d: {  	[tilespmem:s20+$0x40] =	vst v0  }
0x3e: {  	[tilespmem:s20+$0x50] =	vst v0  }
0x3f: {  	[tilespmem:s20+$0x60] =	vst v0;
	s20 =	simm.s32 $0x0  }
0x40: {  	[spmem:s12] =	stream.linear.scatter [tilespmem:s20], [sflag:$0x9], $0x4000, $0x38;
	[tilespmem:$0x1C400] =	vst v63  }
0x41: {  	_ =	swait.ge [sflag:s7], $0x4000  }
0x42: {  	[sflag:s7] =	ssyncset.done $0x0  }
0x43: {  	s21 =	rddreg [dreg:$0xd];
	[sflag:s7] =	ssyncadd.s32 $0xFFFFC000  }
0x44: {  	[spmem:s21] =	stream.linear.scatter [tilespmem:s20], [sflag:$0x9], $0x4000, $0x38;
	[tilespmem:$0x1C400] =	vst v63  }
0x45: {  	_ =	swait.ge [sflag:s7], $0x4000  }
0x46: {  	[sflag:s7] =	ssyncset.done $0x0  }
0x47: {  	s23 =	rddreg [dreg:$0xe];
	[sflag:s7] =	ssyncadd.s32 $0xFFFFC000  }
0x48: {  	[spmem:s23] =	stream.linear.scatter [tilespmem:s20], [sflag:$0x9], $0x4000, $0x38;
	[tilespmem:$0x1C400] =	vst v63  }
0x49: {  	_ =	swait.ge [sflag:s7], $0x4000  }
0x4a: {  	[sflag:s7] =	ssyncset.done $0x0  }
0x4b: {  	s22 =	rddreg [dreg:$0xf];
	[sflag:s7] =	ssyncadd.s32 $0xFFFFC000  }
0x4c: {  	[spmem:s22] =	stream.linear.scatter [tilespmem:s20], [sflag:$0x9], $0x4000, $0x38;
	[tilespmem:$0x1C400] =	vst v63  }
0x4d: {  	_ =	swait.ge [sflag:s7], $0x4000  }
0x4e: {  	[sflag:s7] =	ssyncset.done $0x0  }
0x4f: {  	s23 =	rddreg [dreg:$0x10];
	[sflag:s7] =	ssyncadd.s32 $0xFFFFC000  }
0x50: {  	[spmem:s23] =	stream.linear.scatter [tilespmem:s20], [sflag:$0x9], $0x4000, $0x38;
	[tilespmem:$0x1C400] =	vst v63  }
0x51: {  	_ =	swait.ge [sflag:s7], $0x4000  }
0x52: {  	[sflag:s7] =	ssyncset.done $0x0  }
0x53: {  	[sflag:s7] =	ssyncadd.s32 $0xFFFFC000  }
0x54: {  	_ =	swait.ge [sflag:s8], $0x80  }
0x55: {  	[sflag:s8] =	ssyncset.done $0x0  }
0x56: {  	[sflag:s8] =	ssyncadd.s32 $0xFFFFFF80  }
0x57: {  	_ =	swait.ge [sflag:s8], $0x80  }
0x58: {  	[sflag:s8] =	ssyncset.done $0x0  }
0x59: {  	[sflag:s8] =	ssyncadd.s32 $0xFFFFFF80  }
0x5a: {  	[tilespmem:s20], [sflag:$0x1] =	stream.indirect.gather [hbm4b:s0+s9], $0x80, s26, s9, $0xb8;
	[tilespmem:$0x1C400] =	vst v63  }
0x5b: {  	[bflag:$0x0] =	sbarrier.arrive $0xFFFF  }
0x5c: {  	_ =	swait.ge [sflag:s10], $0x4000  }
0x5d: {  	[sflag:s10] =	ssyncset.done $0x0  }
0x5e: {  	[sflag:s10] =	ssyncadd.s32 $0xFFFFC000  }
0x5f: {  	_ =	swait.ge [sflag:s11], $0x80  }
0x60: {  	[sflag:s11] =	ssyncset.done $0x0  }
0x61: {  	[sflag:s11] =	ssyncadd.s32 $0xFFFFFF80  }
0x62: {  	_ =	swait.ge [sflag:s11], $0x80  }
0x63: {  	[sflag:s11] =	ssyncset.done $0x0  }
0x64: {  	[sflag:s11] =	ssyncadd.s32 $0xFFFFFF80  }
0x65: {  	[tilespmem:s13], [sflag:$0x2] =	stream.indirect.gather [hbm4b:s0+s9], $0x80, s29, s9, $0xb8;
	[tilespmem:$0x1C400] =	vst v63  }
0x66: {  	_ = 	snop  }
0x67: {  	[spmem:s3] =	stream.indirect.scatter.add.f32 [tilespmem:s20], [sflag:$0x3], $0x80, s28, s9, $0xb8;
	[tilespmem:$0x1C400] =	vst v63  }
0x68: {  	_ =	swait.ge [sflag:s14], $0x4000  }
0x69: {  	[sflag:s14] =	ssyncset.done $0x0  }
0x6a: {  	[sflag:s14] =	ssyncadd.s32 $0xFFFFC000  }
0x6b: {  	_ =	swait.ge [sflag:s15], $0x4000  }
0x6c: {  	[sflag:s15] =	ssyncset.done $0x0  }
0x6d: {  	[sflag:s15] =	ssyncadd.s32 $0xFFFFC000  }
0x6e: {  	_ =	swait.ge [sflag:s16], $0x80  }
0x6f: {  	[sflag:s16] =	ssyncset.done $0x0  }
0x70: {  	[sflag:s16] =	ssyncadd.s32 $0xFFFFFF80  }
0x71: {  	_ =	swait.ge [sflag:s16], $0x80  }
0x72: {  	[sflag:s16] =	ssyncset.done $0x0  }
0x73: {  	s21 =	rddreg [dreg:$0x5];
	[sflag:s16] =	ssyncadd.s32 $0xFFFFFF80  }
0x74: {  	[tilespmem:s4], [sflag:$0x1] =	stream.indirect.gather [hbm4b:s0+s9], $0x80, s31, s9, $0xb8;
	[tilespmem:$0x1C400] =	vst v63  }
0x75: {  	s21 =	sadd.s32 $0x0, s21  }
0x76: {  	[spmem:s3] =	stream.indirect.scatter.add.f32 [tilespmem:s13], [sflag:$0x4], $0x80, s30, s9, $0xb8;
	[tilespmem:$0x1C400] =	vst v63  }
0x77: {  	s20 =	sadd.s32 $0x80, s21  }
0x78: {  	[tilespmem:s26], [sflag:$0x5] =	stream.linear.gather [hbm4b:s20+s4], $0x80, $0x38;
	[tilespmem:$0x1C400] =	vst v63  }
0x79: {  	s22 =	sadd.s32 $0x90, s21  }
0x7a: {  	[tilespmem:s28], [sflag:$0x5] =	stream.linear.gather [hbm4b:s22+s4], $0x80, $0x38;
	[tilespmem:$0x1C400] =	vst v63  }
0x7b: {  	_ =	swait.ge [sflag:s10], $0x4000  }
0x7c: {  	[sflag:s10] =	ssyncset.done $0x0  }
0x7d: {  	[sflag:s10] =	ssyncadd.s32 $0xFFFFC000  }
0x7e: {  	_ =	swait.ge [sflag:s17], $0x4000  }
0x7f: {  	[sflag:s17] =	ssyncset.done $0x0  }
0x80: {  	[sflag:s17] =	ssyncadd.s32 $0xFFFFC000  }
0x81: {  	_ =	swait.ge [sflag:s18], $0x80  }
0x82: {  	[sflag:s18] =	ssyncset.done $0x0  }
0x83: {  	[sflag:s18] =	ssyncadd.s32 $0xFFFFFF80  }
0x84: {  	_ =	swait.ge [sflag:s18], $0x80  }
0x85: {  	[sflag:s18] =	ssyncset.done $0x0  }
0x86: {  	[sflag:s18] =	ssyncadd.s32 $0xFFFFFF80  }
0x87: {  	[tilespmem:s13], [sflag:$0x2] =	stream.indirect.gather [hbm4b:s0+s9], $0x80, s1, s9, $0xb8;
	[tilespmem:$0x1C400] =	vst v63  }
0x88: {  	_ = 	snop  }
0x89: {  	[spmem:s3] =	stream.indirect.scatter.add.f32 [tilespmem:s4], [sflag:$0x3], $0x80, s2, s9, $0xb8;
	[tilespmem:$0x1C400] =	vst v63  }
0x8a: {  	s23 =	sadd.s32 $0xA0, s21  }
0x8b: {  	[tilespmem:s29], [sflag:$0x6] =	stream.linear.gather [hbm4b:s23+s4], $0x80, $0x38;
	[tilespmem:$0x1C400] =	vst v63  }
0x8c: {  	s22 =	sadd.s32 $0xB0, s21  }
0x8d: {  	[tilespmem:s30], [sflag:$0x6] =	stream.linear.gather [hbm4b:s22+s4], $0x80, $0x38;
	[tilespmem:$0x1C400] =	vst v63  }
0x8e: {  	_ =	swait.ge [sflag:s14], $0x4000  }
0x8f: {  	[sflag:s14] =	ssyncset.done $0x0  }
0x90: {  	[sflag:s14] =	ssyncadd.s32 $0xFFFFC000  }
0x91: {  	_ =	swait.ge [sflag:s15], $0x4000  }
0x92: {  	[sflag:s15] =	ssyncset.done $0x0  }
0x93: {  	[sflag:s15] =	ssyncadd.s32 $0xFFFFC000  }
0x94: {  	_ =	swait.ge [sflag:s8], $0x80  }
0x95: {  	[sflag:s8] =	ssyncset.done $0x0  }
0x96: {  	[sflag:s8] =	ssyncadd.s32 $0xFFFFFF80  }
0x97: {  	_ =	swait.ge [sflag:s8], $0x80  }
0x98: {  	[sflag:s8] =	ssyncset.done $0x0  }
0x99: {  	[sflag:s8] =	ssyncadd.s32 $0xFFFFFF80  }
0x9a: {  	[tilespmem:s4], [sflag:$0x1] =	stream.indirect.gather [hbm4b:s0+s9], $0x80, s26, s9, $0xb8;
	[tilespmem:$0x1C400] =	vst v63  }
0x9b: {  	_ = 	snop  }
0x9c: {  	[spmem:s3] =	stream.indirect.scatter.add.f32 [tilespmem:s13], [sflag:$0x4], $0x80, s6, s9, $0xb8;
	[tilespmem:$0x1C400] =	vst v63  }
0x9d: {  	s23 =	sadd.s32 $0xC0, s21  }
0x9e: {  	[tilespmem:s31], [sflag:$0x7] =	stream.linear.gather [hbm4b:s23+s4], $0x80, $0x38;
	[tilespmem:$0x1C400] =	vst v63  }
0x9f: {  	s22 =	sadd.s32 $0xD0, s21  }
0xa0: {  	[tilespmem:s2], [sflag:$0x7] =	stream.linear.gather [hbm4b:s22+s4], $0x80, $0x38;
	[tilespmem:$0x1C400] =	vst v63  }
0xa1: {  	_ =	swait.ge [sflag:s10], $0x4000  }
0xa2: {  	[sflag:s10] =	ssyncset.done $0x0  }
0xa3: {  	[sflag:s10] =	ssyncadd.s32 $0xFFFFC000  }
0xa4: {  	_ =	swait.ge [sflag:s17], $0x4000  }
0xa5: {  	[sflag:s17] =	ssyncset.done $0x0  }
0xa6: {  	[sflag:s17] =	ssyncadd.s32 $0xFFFFC000  }
0xa7: {  	_ =	swait.ge [sflag:s11], $0x80  }
0xa8: {  	[sflag:s11] =	ssyncset.done $0x0  }
0xa9: {  	[sflag:s11] =	ssyncadd.s32 $0xFFFFFF80  }
0xaa: {  	_ =	swait.ge [sflag:s11], $0x80  }
0xab: {  	[sflag:s11] =	ssyncset.done $0x0  }
0xac: {  	[sflag:s11] =	ssyncadd.s32 $0xFFFFFF80  }
0xad: {  	[tilespmem:s13], [sflag:$0x2] =	stream.indirect.gather [hbm4b:s0+s9], $0x80, s29, s9, $0xb8;
	[tilespmem:$0x1C400] =	vst v63  }
0xae: {  	_ = 	snop  }
0xaf: {  	[spmem:s3] =	stream.indirect.scatter.add.f32 [tilespmem:s4], [sflag:$0x3], $0x80, s28, s9, $0xb8;
	[tilespmem:$0x1C400] =	vst v63  }
0xb0: {  	s20 =	simm.s32 $0x80;
	s23 =	sadd.s32 $0xE0, s21;
	s21 =	sadd.s32 $0xF0, s21  }
0xb1: {  	[tilespmem:s1], [sflag:$0x8] =	stream.linear.gather [hbm4b:s23+s4], $0x80, $0x38;
	[tilespmem:$0x1C400] =	vst v63  }
.LBB2_4:
0xb2: {  	[tilespmem:s6], [sflag:$0x8] =	stream.linear.gather [hbm4b:s21+s4], $0x80, $0x38;
	[tilespmem:$0x1C400] =	vst v63  }
0xb3: {  	_ =	swait.ge [sflag:s14], $0x4000  }
0xb4: {  	[sflag:s14] =	ssyncset.done $0x0  }
0xb5: {  	[sflag:s14] =	ssyncadd.s32 $0xFFFFC000  }
0xb6: {  	_ =	swait.ge [sflag:s15], $0x4000  }
0xb7: {  	[sflag:s15] =	ssyncset.done $0x0  }
0xb8: {  	[sflag:s15] =	ssyncadd.s32 $0xFFFFC000  }
0xb9: {  	_ =	swait.ge [sflag:s16], $0x80  }
0xba: {  	[sflag:s16] =	ssyncset.done $0x0  }
0xbb: {  	[sflag:s16] =	ssyncadd.s32 $0xFFFFFF80  }
0xbc: {  	_ =	swait.ge [sflag:s16], $0x80  }
0xbd: {  	[sflag:s16] =	ssyncset.done $0x0  }
0xbe: {  	s22 =	smov.u32 s20;
	s23 =	rddreg [dreg:$0x5];
	[sflag:s16] =	ssyncadd.s32 $0xFFFFFF80  }
0xbf: {  	[tilespmem:s4], [sflag:$0x1] =	stream.indirect.gather [hbm4b:s0+s9], $0x80, s31, s9, $0xb8;
	[tilespmem:$0x1C400] =	vst v63  }
0xc0: {  	s21 =	sadd.s32 s22, s23  }
0xc1: {  	[spmem:s3] =	stream.indirect.scatter.add.f32 [tilespmem:s13], [sflag:$0x4], $0x80, s30, s9, $0xb8;
	[tilespmem:$0x1C400] =	vst v63  }
0xc2: {  	s22 =	sadd.s32 $0x80, s21  }
0xc3: {  	[tilespmem:s26], [sflag:$0x5] =	stream.linear.gather [hbm4b:s22+s4], $0x80, $0x38;
	[tilespmem:$0x1C400] =	vst v63  }
0xc4: {  	s23 =	sadd.s32 $0x90, s21  }
0xc5: {  	[tilespmem:s28], [sflag:$0x5] =	stream.linear.gather [hbm4b:s23+s4], $0x80, $0x38;
	[tilespmem:$0x1C400] =	vst v63  }
0xc6: {  	_ =	swait.ge [sflag:s10], $0x4000  }
0xc7: {  	[sflag:s10] =	ssyncset.done $0x0  }
0xc8: {  	[sflag:s10] =	ssyncadd.s32 $0xFFFFC000  }
0xc9: {  	_ =	swait.ge [sflag:s17], $0x4000  }
0xca: {  	[sflag:s17] =	ssyncset.done $0x0  }
0xcb: {  	[sflag:s17] =	ssyncadd.s32 $0xFFFFC000  }
0xcc: {  	_ =	swait.ge [sflag:s18], $0x80  }
0xcd: {  	[sflag:s18] =	ssyncset.done $0x0  }
0xce: {  	[sflag:s18] =	ssyncadd.s32 $0xFFFFFF80  }
0xcf: {  	_ =	swait.ge [sflag:s18], $0x80  }
0xd0: {  	[sflag:s18] =	ssyncset.done $0x0  }
0xd1: {  	[sflag:s18] =	ssyncadd.s32 $0xFFFFFF80  }
0xd2: {  	[tilespmem:s13], [sflag:$0x2] =	stream.indirect.gather [hbm4b:s0+s9], $0x80, s1, s9, $0xb8;
	[tilespmem:$0x1C400] =	vst v63  }
0xd3: {  	_ = 	snop  }
0xd4: {  	[spmem:s3] =	stream.indirect.scatter.add.f32 [tilespmem:s4], [sflag:$0x3], $0x80, s2, s9, $0xb8;
	[tilespmem:$0x1C400] =	vst v63  }
0xd5: {  	s22 =	sadd.s32 $0xA0, s21  }
0xd6: {  	[tilespmem:s29], [sflag:$0x6] =	stream.linear.gather [hbm4b:s22+s4], $0x80, $0x38;
	[tilespmem:$0x1C400] =	vst v63  }
0xd7: {  	s23 =	sadd.s32 $0xB0, s21  }
0xd8: {  	[tilespmem:s30], [sflag:$0x6] =	stream.linear.gather [hbm4b:s23+s4], $0x80, $0x38;
	[tilespmem:$0x1C400] =	vst v63  }
0xd9: {  	_ =	swait.ge [sflag:s14], $0x4000  }
0xda: {  	[sflag:s14] =	ssyncset.done $0x0  }
0xdb: {  	[sflag:s14] =	ssyncadd.s32 $0xFFFFC000  }
0xdc: {  	_ =	swait.ge [sflag:s15], $0x4000  }
0xdd: {  	[sflag:s15] =	ssyncset.done $0x0  }
0xde: {  	[sflag:s15] =	ssyncadd.s32 $0xFFFFC000  }
0xdf: {  	_ =	swait.ge [sflag:s8], $0x80  }
0xe0: {  	[sflag:s8] =	ssyncset.done $0x0  }
0xe1: {  	[sflag:s8] =	ssyncadd.s32 $0xFFFFFF80  }
0xe2: {  	_ =	swait.ge [sflag:s8], $0x80  }
0xe3: {  	[sflag:s8] =	ssyncset.done $0x0  }
0xe4: {  	[sflag:s8] =	ssyncadd.s32 $0xFFFFFF80  }
0xe5: {  	[tilespmem:s4], [sflag:$0x1] =	stream.indirect.gather [hbm4b:s0+s9], $0x80, s26, s9, $0xb8;
	[tilespmem:$0x1C400] =	vst v63  }
0xe6: {  	_ = 	snop  }
0xe7: {  	[spmem:s3] =	stream.indirect.scatter.add.f32 [tilespmem:s13], [sflag:$0x4], $0x80, s6, s9, $0xb8;
	[tilespmem:$0x1C400] =	vst v63  }
0xe8: {  	s22 =	sadd.s32 $0xC0, s21  }
0xe9: {  	[tilespmem:s31], [sflag:$0x7] =	stream.linear.gather [hbm4b:s22+s4], $0x80, $0x38;
	[tilespmem:$0x1C400] =	vst v63  }
0xea: {  	s23 =	sadd.s32 $0xD0, s21  }
0xeb: {  	[tilespmem:s2], [sflag:$0x7] =	stream.linear.gather [hbm4b:s23+s4], $0x80, $0x38;
	[tilespmem:$0x1C400] =	vst v63  }
0xec: {  	_ =	swait.ge [sflag:s10], $0x4000  }
0xed: {  	[sflag:s10] =	ssyncset.done $0x0  }
0xee: {  	[sflag:s10] =	ssyncadd.s32 $0xFFFFC000  }
0xef: {  	_ =	swait.ge [sflag:s17], $0x4000  }
0xf0: {  	[sflag:s17] =	ssyncset.done $0x0  }
0xf1: {  	[sflag:s17] =	ssyncadd.s32 $0xFFFFC000  }
0xf2: {  	_ =	swait.ge [sflag:s11], $0x80  }
0xf3: {  	[sflag:s11] =	ssyncset.done $0x0  }
0xf4: {  	[sflag:s11] =	ssyncadd.s32 $0xFFFFFF80  }
0xf5: {  	_ =	swait.ge [sflag:s11], $0x80  }
0xf6: {  	[sflag:s11] =	ssyncset.done $0x0  }
0xf7: {  	p1 =	sne.s32 s20, $0x880;
	[sflag:s11] =	ssyncadd.s32 $0xFFFFFF80  }
0xf8: {  	[tilespmem:s13], [sflag:$0x2] =	stream.indirect.gather [hbm4b:s0+s9], $0x80, s29, s9, $0xb8;
	[tilespmem:$0x1C400] =	vst v63  }
.Ltmp1:
0xf9: {  	_ = 	snop;
	(pc) =	sbr.rel @p1 .LBB2_4-.Ltmp1, $4  }
0xfa: {  	_ = 	snop  }
0xfb: {  	[spmem:s3] =	stream.indirect.scatter.add.f32 [tilespmem:s4], [sflag:$0x3], $0x80, s28, s9, $0xb8;
	[tilespmem:$0x1C400] =	vst v63  }
0xfc: {  	s20 =	sadd.s32 $0x80, s20;
	s23 =	sadd.s32 $0xE0, s21;
	s21 =	sadd.s32 $0xF0, s21  }
0xfd: {  	[tilespmem:s1], [sflag:$0x8] =	stream.linear.gather [hbm4b:s23+s4], $0x80, $0x38;
	[tilespmem:$0x1C400] =	vst v63  }
0xfe: {  	[tilespmem:s6], [sflag:$0x8] =	stream.linear.gather [hbm4b:s21+s4], $0x80, $0x38;
	[tilespmem:$0x1C400] =	vst v63  }
0xff: {  	_ =	swait.ge [sflag:s14], $0x4000  }
0x100: {  	[sflag:s14] =	ssyncset.done $0x0  }
0x101: {  	[sflag:s14] =	ssyncadd.s32 $0xFFFFC000  }
0x102: {  	_ =	swait.ge [sflag:s15], $0x4000  }
0x103: {  	[sflag:s15] =	ssyncset.done $0x0  }
0x104: {  	[sflag:s15] =	ssyncadd.s32 $0xFFFFC000  }
0x105: {  	_ =	swait.ge [sflag:s16], $0x80  }
0x106: {  	[sflag:s16] =	ssyncset.done $0x0  }
0x107: {  	[sflag:s16] =	ssyncadd.s32 $0xFFFFFF80  }
0x108: {  	_ =	swait.ge [sflag:s16], $0x80  }
0x109: {  	[sflag:s16] =	ssyncset.done $0x0  }
0x10a: {  	[sflag:s16] =	ssyncadd.s32 $0xFFFFFF80  }
0x10b: {  	[tilespmem:s4], [sflag:$0x1] =	stream.indirect.gather [hbm4b:s0+s9], $0x80, s31, s9, $0xb8;
	[tilespmem:$0x1C400] =	vst v63  }
0x10c: {  	_ = 	snop  }
0x10d: {  	[spmem:s3] =	stream.indirect.scatter.add.f32 [tilespmem:s13], [sflag:$0x4], $0x80, s30, s9, $0xb8;
	[tilespmem:$0x1C400] =	vst v63  }
0x10e: {  	s20 =	rddreg [dreg:$0x11]  }
0x10f: {  	[tilespmem:s26], [sflag:$0x5] =	stream.linear.gather [hbm4b:s20+s4], $0x80, $0x38;
	[tilespmem:$0x1C400] =	vst v63  }
0x110: {  	s22 =	rddreg [dreg:$0x12]  }
0x111: {  	[tilespmem:s28], [sflag:$0x5] =	stream.linear.gather [hbm4b:s22+s4], $0x80, $0x38;
	[tilespmem:$0x1C400] =	vst v63  }
0x112: {  	_ =	swait.ge [sflag:s10], $0x4000  }
0x113: {  	[sflag:s10] =	ssyncset.done $0x0  }
0x114: {  	[sflag:s10] =	ssyncadd.s32 $0xFFFFC000  }
0x115: {  	_ =	swait.ge [sflag:s17], $0x4000  }
0x116: {  	[sflag:s17] =	ssyncset.done $0x0  }
0x117: {  	[sflag:s17] =	ssyncadd.s32 $0xFFFFC000  }
0x118: {  	_ =	swait.ge [sflag:s18], $0x80  }
0x119: {  	[sflag:s18] =	ssyncset.done $0x0  }
0x11a: {  	[sflag:s18] =	ssyncadd.s32 $0xFFFFFF80  }
0x11b: {  	_ =	swait.ge [sflag:s18], $0x80  }
0x11c: {  	[sflag:s18] =	ssyncset.done $0x0  }
0x11d: {  	[sflag:s18] =	ssyncadd.s32 $0xFFFFFF80  }
0x11e: {  	[tilespmem:s13], [sflag:$0x2] =	stream.indirect.gather [hbm4b:s0+s9], $0x80, s1, s9, $0xb8;
	[tilespmem:$0x1C400] =	vst v63  }
0x11f: {  	_ = 	snop  }
0x120: {  	[spmem:s3] =	stream.indirect.scatter.add.f32 [tilespmem:s4], [sflag:$0x3], $0x80, s2, s9, $0xb8;
	[tilespmem:$0x1C400] =	vst v63  }
0x121: {  	s23 =	rddreg [dreg:$0x13]  }
0x122: {  	[tilespmem:s29], [sflag:$0x6] =	stream.linear.gather [hbm4b:s23+s4], $0x80, $0x38;
	[tilespmem:$0x1C400] =	vst v63  }
0x123: {  	s21 =	rddreg [dreg:$0x14]  }
0x124: {  	[tilespmem:s30], [sflag:$0x6] =	stream.linear.gather [hbm4b:s21+s4], $0x80, $0x38;
	[tilespmem:$0x1C400] =	vst v63  }
0x125: {  	_ =	swait.ge [sflag:s14], $0x4000  }
0x126: {  	[sflag:s14] =	ssyncset.done $0x0  }
0x127: {  	[sflag:s14] =	ssyncadd.s32 $0xFFFFC000  }
0x128: {  	_ =	swait.ge [sflag:s15], $0x4000  }
0x129: {  	[sflag:s15] =	ssyncset.done $0x0  }
0x12a: {  	[sflag:s15] =	ssyncadd.s32 $0xFFFFC000  }
0x12b: {  	_ =	swait.ge [sflag:s8], $0x80  }
0x12c: {  	[sflag:s8] =	ssyncset.done $0x0  }
0x12d: {  	[sflag:s8] =	ssyncadd.s32 $0xFFFFFF80  }
0x12e: {  	_ =	swait.ge [sflag:s8], $0x80  }
0x12f: {  	[sflag:s8] =	ssyncset.done $0x0  }
0x130: {  	[sflag:s8] =	ssyncadd.s32 $0xFFFFFF80  }
0x131: {  	[tilespmem:s4], [sflag:$0x1] =	stream.indirect.gather [hbm4b:s0+s9], $0x80, s26, s9, $0xb8;
	[tilespmem:$0x1C400] =	vst v63  }
0x132: {  	_ = 	snop  }
0x133: {  	[spmem:s3] =	stream.indirect.scatter.add.f32 [tilespmem:s13], [sflag:$0x4], $0x80, s6, s9, $0xb8;
	[tilespmem:$0x1C400] =	vst v63  }
0x134: {  	_ =	swait.ge [sflag:s10], $0x4000  }
0x135: {  	[sflag:s10] =	ssyncset.done $0x0  }
0x136: {  	[sflag:s10] =	ssyncadd.s32 $0xFFFFC000  }
0x137: {  	_ =	swait.ge [sflag:s17], $0x4000  }
0x138: {  	[sflag:s17] =	ssyncset.done $0x0  }
0x139: {  	[sflag:s17] =	ssyncadd.s32 $0xFFFFC000  }
0x13a: {  	_ =	swait.ge [sflag:s11], $0x80  }
0x13b: {  	[sflag:s11] =	ssyncset.done $0x0  }
0x13c: {  	[sflag:s11] =	ssyncadd.s32 $0xFFFFFF80  }
0x13d: {  	_ =	swait.ge [sflag:s11], $0x80  }
0x13e: {  	[sflag:s11] =	ssyncset.done $0x0  }
0x13f: {  	[sflag:s11] =	ssyncadd.s32 $0xFFFFFF80  }
0x140: {  	[tilespmem:s13], [sflag:$0x2] =	stream.indirect.gather [hbm4b:s0+s9], $0x80, s29, s9, $0xb8;
	[tilespmem:$0x1C400] =	vst v63  }
0x141: {  	_ = 	snop  }
0x142: {  	[spmem:s3] =	stream.indirect.scatter.add.f32 [tilespmem:s4], [sflag:$0x3], $0x80, s28, s9, $0xb8;
	[tilespmem:$0x1C400] =	vst v63  }
0x143: {  	_ =	swait.ge [sflag:s14], $0x4000  }
0x144: {  	[sflag:s14] =	ssyncset.done $0x0  }
0x145: {  	[sflag:s14] =	ssyncadd.s32 $0xFFFFC000  }
0x146: {  	_ =	swait.ge [sflag:s15], $0x4000  }
0x147: {  	[sflag:s15] =	ssyncset.done $0x0  }
0x148: {  	[sflag:s15] =	ssyncadd.s32 $0xFFFFC000  }
0x149: {  	[spmem:s3] =	stream.indirect.scatter.add.f32 [tilespmem:s13], [sflag:$0x4], $0x80, s30, s9, $0xb8;
	[tilespmem:$0x1C400] =	vst v63  }
0x14a: {  	_ =	swait.ge [sflag:s17], $0x4000  }
0x14b: {  	s20 =	simm.s32 @!p0 $0x0;
	[sflag:s17] =	ssyncset.done $0x0  }
0x14c: {  	s21 =	simm.s32 @!p0 $0x1C000;
	s22 =	rddreg [dreg:$0x15];
	[sflag:s17] =	ssyncadd.s32 $0xFFFFC000  }
0x14d: {  	[tilespmem:s21], [sflag:$0x5] =	stream.linear.gather @!p0 [hbm4b:s22+s20], $0x80, $0x38;
	[tilespmem:$0x1C400] =	vst v63  }
0x14e: {  	s23 =	rddreg [dreg:$0x16];
	s22 =	simm.s32 @!p0 $0x1C080  }
0x14f: {  	[tilespmem:s22], [sflag:$0x5] =	stream.linear.gather @!p0 [hbm4b:s23+s20], $0x80, $0x38;
	[tilespmem:$0x1C400] =	vst v63  }
0x150: {  	s23 =	simm.s32 @!p0 $0x5  }
0x151: {  	_ =	swait.ge @!p0 [sflag:s23], $0x80  }
0x152: {  	[sflag:s23] =	ssyncset.done @!p0 $0x0  }
0x153: {  	[sflag:s23] =	ssyncadd.s32 @!p0 $0xFFFFFF80  }
0x154: {  	_ =	swait.ge @!p0 [sflag:s23], $0x80  }
0x155: {  	[sflag:s23] =	ssyncset.done @!p0 $0x0  }
0x156: {  	[sflag:s23] =	ssyncadd.s32 @!p0 $0xFFFFFF80;
	s23 =	simm.s32 @!p0 $0x80  }
0x157: {  	[tilespmem:s20], [sflag:$0x9] =	stream.indirect.gather @!p0 [hbm4b:s0+s23], $0x80, s21, s23, $0xb8;
	[tilespmem:$0x1C400] =	vst v63  }
0x158: {  	s21 =	simm.s32 @!p0 $0x9  }
0x159: {  	_ =	swait.ge @!p0 [sflag:s21], $0x4000  }
0x15a: {  	[sflag:s21] =	ssyncset.done @!p0 $0x0  }
0x15b: {  	[sflag:s21] =	ssyncadd.s32 @!p0 $0xFFFFC000  }
0x15c: {  	[spmem:s3] =	stream.indirect.scatter.add.f32 @!p0 [tilespmem:s20], [sflag:$0x9], $0x80, s22, s23, $0xb8;
	[tilespmem:$0x1C400] =	vst v63  }
0x15d: {  	s19 =	sadd.s32 $0x1, s19;
	_ =	swait.ge @!p0 [sflag:s21], $0x4000  }
0x15e: {  	p1 =	sne.s32 s19, s25;
	s22 =	stileid.u32;
	[sflag:s21] =	ssyncset.done @!p0 $0x0  }
0x15f: {  	s23 =	sshrl.u32 s12, $0x3;
	s20 =	sshll.u32 s22, $0x6;
	[sflag:s21] =	ssyncadd.s32 @!p0 $0xFFFFC000  }
.Ltmp2:
0x160: {  	s20 =	sor.u32 $0x1C09, s20;
	[bflag:$0x0] =	sbarrier.arrive $0xFFFF;
	(pc) =	sbr.rel @p1 .LBB2_1-.Ltmp2, $4  }
0x161: {  	[hbm:s24], [sflag:s20] =	dma.local [spmem:s23], $0x2800  }
0x162: {  	_ =	swait.ge [sflag:s7], $0x2800  }
0x163: {  	[sflag:s7] =	ssyncset.done $0x0  }
0x164: {  	[sflag:s7] =	ssyncadd.s32 $0xFFFFD800  }
0x165: {  	_ =	sfence.sel $0x180000  }
0x166: {  	[bflag:$0x0] =	sbarrier.arrive $0xFFFF  }
0x167: {  	_ =	strace $0x9000004D  }
0x168: {  	s0 =	stileid.u32;
	[bflag:$0x2] =	sbarrier.arrive $0xFFFF  }
0x169: {  	p0 =	sne.s32 s0, $0x0;
	s0 =	rddreg [dreg:$0x4]  }
0x16a: {  	s0 =	sadd.s32 @!p0 $0x100000, s0  }
0x16b: {  	[sflag:s0] =	ssyncadd.tile.s32 @!p0 $0x1;
	_ =	shalt  }
.Lfunc_end2:
_tile_overlayer_lowered:
.L_overlay_start_2:
0x16c: {  	(tag) =	ssettag $0x2  }
0x16d: {  	s0 =	rddreg [dreg:$0x0];
	s2 =	stileid.u32  }
0x16e: {  	s1 =	rddreg [dreg:$0x1];
	p0 =	sne.s32 s2, $0x0  }
0x16f: {  	s3 =	rddreg [dreg:$0x2];
	[bflag:$0x3] =	sbarrier.arrive $0xFFFF;
	s2 =	simm.s32 @!p0 $0x1C09  }
0x170: {  	[timem:s3], [sflag:s2] =	dma.local @!p0 [hbm:s0], s1  }
0x171: {  	s0 =	simm.s32 @!p0 $0x9  }
0x172: {  	_ =	swait.ge @!p0 [sflag:s0], s1  }
0x173: {  	s1 =	ssub.s32 @!p0 $0x0, s1;
	[sflag:s0] =	ssyncset.done @!p0 $0x0  }
0x174: {  	[sflag:s0] =	ssyncadd.s32 @!p0 s1  }
0x175: {  	[bflag:$0x3] =	sbarrier.arrive $0xFFFF  }
0x176: {  	_ =	shalt  }

// kernel: kernel.9.cloned.1.call-start
scs
__scs_entry_jumppad:
0x0: {  	(pc) =	sbr.rel $0x88, $3  }
0x1: {  	(tag) =	ssettag $0x0;
	lr =	simm.s32 $0x1  }
0x2: {  	[smem:$0x3F9B] =	sst lr;
	_ =	strace $0xD0000000  }
0x3: {  	_ = 	snop  }
0x4: {  	_ = 	snop  }
0x5: {  	_ = 	snop  }
0x6: {  	_ = 	snop  }
0x7: {  	_ = 	snop  }
__scs_overlays_trampoline_lowered:
0x8: {  	[smem:$0x3FAA] =	sst s0  }
0x9: {  	[smem:$0x3FAB] =	sst s1  }
0xa: {  	[smem:$0x3FAC] =	sst s2  }
0xb: {  	[smem:$0x3FAD] =	sst s3  }
0xc: {  	[smem:$0x3FAE] =	sst s4  }
0xd: {  	[smem:$0x3FAF] =	sst s5  }
0xe: {  	[smem:$0x3FB0] =	sst s6  }
0xf: {  	[smem:$0x3FB1] =	sst s7  }
0x10: {  	[smem:$0x3FB2] =	sst s8  }
0x11: {  	[smem:$0x3FB3] =	sst s9;
	s0 =	simm.s32 @!p0 $0x0  }
0x12: {  	s1 =	sld [smem:$0x3F99];
	s0 =	simm.s32 @p0 $0x1  }
0x13: {  	[smem:$0x3FB4] =	sst s0;
	s0 =	simm.s32 @!p1 $0x0  }
0x14: {  	s2 =	sld [smem:$0x3F98];
	s0 =	simm.s32 @p1 $0x1  }
0x15: {  	[smem:$0x3FB5] =	sst s0;
	s0 =	simm.s32 @!p2 $0x0  }
0x16: {  	s3 =	sld [smem:$0x3FDB];
	s0 =	simm.s32 @p2 $0x1  }
0x17: {  	s4 =	simm.s32 $0x1BF5;
	[smem:$0x3FB7] =	sst s0  }
0x18: {  	s0 =	sld [smem:$0x3F9A];
	_ =	swait.ge [sflag:s4], $0x0  }
0x19: {  	s7 =	sld [smem:$0x3F9B]  }
0x1a: {  	s8 =	sadd.s32 $0xFFFFE003, lr  }
0x1b: {  	s9 =	sadd.s32 $0xFFFFFEF7, lr;
	s5 =	simm.s32 $0xFFFFFFFF;
	p2 =	slt.u32 s8, $0xFFFFF086  }
0x1c: {  	p1 =	slt.u32 s9, $0xF7A;
	s5 =	simm.s32 @!p2 $0x0  }
0x1d: {  	s5 =	simm.s32 @p1 $0x1;
	p0 =	seq.s32 s7, s2  }
0x1e: {  	s7 =	smul.u32 @!p0 $0xF7A, s2;
	p2 =	seq.s32 @!p0 s5, $0x0  }
0x1f: {  	s9 =	smul.u32 $0xF7A, s1;
	s8 =	simm.s32 @!p0 $0x1BF5;
	p2 =	por !p2, p0  }
0x20: {  	[sflag:s8] =	ssyncset.s32 @!p0 $0xFFFFF086;
	s6 =	sadd.s32 @!p0 s3, s7;
	s7 =	simm.s32 @!p0 $0x108  }
0x21: {  	s3 =	sadd.s32 s3, s9;
	s6 =	sadd.s32 @!p0 $0x88, s6;
	s7 =	simm.s32 @p2 $0x1082  }
0x22: {  	[simem:s7], [sflag:s8] =	dma.local @!p0 [hbm:s6], $0xF7A  }
0x23: {  	s9 =	sor.u32 $0xD0000000, s2;
	s6 =	simm.s32 $0x108;
	_ =	swait.ge @!p0 [sflag:s8], $0x0  }
0x24: {  	s3 =	sadd.s32 $0x88, s3;
	s6 =	simm.s32 @!p1 $0x1082;
	[sflag:s4] =	ssyncset.s32 $0xFFFFF086  }
0x25: {  	[simem:s6], [sflag:s4] =	dma.local [hbm:s3], $0xF7A  }
0x26: {  	[smem:$0x3F9B] =	sst s1;
	(tag) =	ssettag s2;
	_ =	strace s9  }
0x27: {  	s1 =	sld [smem:$0x3FAB]  }
0x28: {  	s2 =	sld [smem:$0x3FAC]  }
0x29: {  	s4 =	sld [smem:$0x3FAE]  }
0x2a: {  	p0 =	seq.s32 s5, $0x0;
	s5 =	sld [smem:$0x3FAF]  }
0x2b: {  	s6 =	sld [smem:$0x3FB0]  }
0x2c: {  	s7 =	sld [smem:$0x3FB1]  }
0x2d: {  	s3 =	simm.s32 $0x108;
	s8 =	sld [smem:$0x3FB2]  }
0x2e: {  	s3 =	simm.s32 @!p0 $0x1082;
	s9 =	sld [smem:$0x3FB3]  }
0x2f: {  	lr =	sadd.s32 s0, s3;
	s0 =	sld [smem:$0x3FAA]  }
0x30: {  	s3 =	sld [smem:$0x3FAD]  }
0x31: {  	[smem:$0x3FB6] =	sst s10  }
0x32: {  	s10 =	sld [smem:$0x3FB4];
	_ =	sdelay $0x3  }
0x33: {  	p0 =	seq.s32 s10, $0x1;
	s10 =	sld [smem:$0x3FB6];
	_ =	sdelay $0x3  }
0x34: {  	[smem:$0x3FB6] =	sst s10  }
0x35: {  	s10 =	sld [smem:$0x3FB5];
	_ =	sdelay $0x3  }
0x36: {  	p1 =	seq.s32 s10, $0x1;
	s10 =	sld [smem:$0x3FB6];
	_ =	sdelay $0x3  }
0x37: {  	[smem:$0x3FB6] =	sst s10  }
0x38: {  	s10 =	sld [smem:$0x3FB7]  }
0x39: {  	_ = 	snop;
	(pc) =	sbr.ind lr, $3  }
0x3a: {  	_ = 	snop  }
0x3b: {  	_ = 	snop  }
0x3c: {  	p2 =	seq.s32 s10, $0x1;
	s10 =	sld [smem:$0x3FB6]  }
0x3d: {  	_ =	shalt  }
0x3e: {  	_ =	shalt  }
0x3f: {  	_ =	shalt  }
0x40: {  	_ =	shalt  }
0x41: {  	_ =	shalt  }
0x42: {  	_ =	shalt  }
0x43: {  	_ =	shalt  }
0x44: {  	_ =	shalt  }
0x45: {  	_ =	shalt  }
0x46: {  	_ =	shalt  }
0x47: {  	_ =	shalt  }
0x48: {  	_ =	shalt  }
0x49: {  	_ =	shalt  }
0x4a: {  	_ =	shalt  }
0x4b: {  	_ =	shalt  }
0x4c: {  	_ =	shalt  }
0x4d: {  	_ =	shalt  }
0x4e: {  	_ =	shalt  }
0x4f: {  	_ =	shalt  }
0x50: {  	_ =	shalt  }
0x51: {  	_ =	shalt  }
0x52: {  	_ =	shalt  }
0x53: {  	_ =	shalt  }
0x54: {  	_ =	shalt  }
0x55: {  	_ =	shalt  }
0x56: {  	_ =	shalt  }
0x57: {  	_ =	shalt  }
0x58: {  	_ =	shalt  }
0x59: {  	_ =	shalt  }
0x5a: {  	_ =	shalt  }
0x5b: {  	_ =	shalt  }
0x5c: {  	_ =	shalt  }
0x5d: {  	_ =	shalt  }
0x5e: {  	_ =	shalt  }
0x5f: {  	_ =	shalt  }
0x60: {  	_ =	shalt  }
0x61: {  	_ =	shalt  }
0x62: {  	_ =	shalt  }
0x63: {  	_ =	shalt  }
0x64: {  	_ =	shalt  }
0x65: {  	_ =	shalt  }
0x66: {  	_ =	shalt  }
0x67: {  	_ =	shalt  }
0x68: {  	_ =	shalt  }
0x69: {  	_ =	shalt  }
0x6a: {  	_ =	shalt  }
0x6b: {  	_ =	shalt  }
0x6c: {  	_ =	shalt  }
0x6d: {  	_ =	shalt  }
0x6e: {  	_ =	shalt  }
0x6f: {  	_ =	shalt  }
0x70: {  	_ =	shalt  }
0x71: {  	_ =	shalt  }
0x72: {  	_ =	shalt  }
0x73: {  	_ =	shalt  }
0x74: {  	_ =	shalt  }
0x75: {  	_ =	shalt  }
0x76: {  	_ =	shalt  }
0x77: {  	_ =	shalt  }
0x78: {  	_ =	shalt  }
0x79: {  	_ =	shalt  }
0x7a: {  	_ =	shalt  }
0x7b: {  	_ =	shalt  }
0x7c: {  	_ =	shalt  }
0x7d: {  	_ =	shalt  }
0x7e: {  	_ =	shalt  }
0x7f: {  	_ =	shalt  }
0x80: {  	_ =	shalt  }
0x81: {  	_ =	shalt  }
0x82: {  	_ =	shalt  }
0x83: {  	_ =	shalt  }
0x84: {  	_ =	shalt  }
0x85: {  	_ =	shalt  }
0x86: {  	_ =	shalt  }
0x87: {  	_ =	shalt  }
.Lfunc_end0:
.L_simem_size_0:
called_computation_lowered:
.L_overlay_start_0:
0x88: {  	s2 =	sld [smem:$0x3FD9]  }
0x89: {  	s3 =	sld [smem:$0x3FFE];
	_ =	sdelay $0x1  }
0x8a: {  	s1 =	srdreg.scid  }
0x8b: {  	s0 =	sand.u32 $0x1, s1  }
0x8c: {  	s18 =	sshll.u32 s0, $0xA;
	s2 =	sadd.s32 s3, s2  }
0x8d: {  	s2 =	sadd.s32 s2, s18  }
0x8e: {  	[smem:$0x3FC2] =	sst s2  }
0x8f: {  	_ = 	snop  }
0x90: {  	s2 =	sld [smem:$0x3FC8]  }
0x91: {  	s19 =	sld [smem:$0x3FD0];
	(tm) =	ssettm $0x1  }
0x92: {  	s4 =	sld [smem:$0x3FFB];
	_ =	sdelay $0x3  }
0x93: {  	_ =	strace s4  }
0x94: {  	s4 =	sld [smem:$0x3FFC];
	_ =	sdelay $0x3  }
0x95: {  	_ =	strace s4  }
0x96: {  	s4 =	sld [smem:$0x3FFD];
	_ =	sdelay $0x3  }
0x97: {  	_ =	strace s4  }
0x98: {  	_ =	strace $0x8FFFFFFF  }
0x99: {  	s20 =	sld [smem:$0x3FDB];
	_ =	sdelay $0x1  }
0x9a: {  	s5 =	simm.s32 $_scs_section_size  }
0x9b: {  	s6 =	simm.s32 $_size__tile_overlayer_lowered;
	s7 =	simm.s32 $_tile_overlayer_lowered  }
0x9c: {  	s23 =	simm.s32 $0x1BFF;
	s22 =	sshll.u32 s7, $0x1;
	s4 =	sadd.s32 s5, s20  }
0x9d: {  	s8 =	simm.s32 $0x0;
	s21 =	sshll.u32 s6, $0x1;
	s6 =	sadd.s32 s22, s4  }
0x9e: {  	[timem:s8], [sflag:s23] =	dma.local [hbm:s6], s21  }
0x9f: {  	_ =	swait.ge [sflag:s23], s21  }
0xa0: {  	s5 =	ssub.s32 $0x0, s21;
	[sflag:s23] =	ssyncset.done $0x0  }
0xa1: {  	[sflag:s23] =	ssyncadd.s32 s5;
	_ =	sdelay $0x1  }
0xa2: {  	s24 =	simm.s32 $0x1B8B  }
0xa3: {  	_ =	swait.ge [sflag:s24], $0x1  }
0xa4: {  	[sflag:s24] =	ssyncset.done $0x0  }
0xa5: {  	s25 =	simm.s32 $0x1B8E;
	[sflag:s24] =	ssyncadd.s32 $0xFFFFFFFF  }
0xa6: {  	s26 =	simm.s32 $execute0_lowered;
	[smem:$0x3FD2] =	sst s25  }
0xa7: {  	s5 =	sshll.u32 s26, $0x1;
	_ =	strace $0x80000046;
	[dreg:$0x1] =	wrdreg $0xFFFFFFFF  }
0xa8: {  	s28 =	simm.s32 $_size_execute0_lowered;
	s4 =	sadd.s32 s4, s5;
	[dreg:$0x0] =	wrdreg $0x0  }
0xa9: {  	s5 =	sshll.u32 s28, $0x1;
	[dreg:$0x2] =	wrdreg s4  }
0xaa: {  	[dreg:$0x3] =	wrdreg s5  }
0xab: {  	[dreg:$0x4] =	wrdreg $0xC0  }
0xac: {  	_ =	task [dreg:s8], $0x5FFFF  }
0xad: {  	[dreg:$0x1] =	wrdreg $0xFFFFFFFF  }
0xae: {  	[dreg:$0x0] =	wrdreg $0x60  }
0xaf: {  	[dreg:$0x2] =	wrdreg s2  }
0xb0: {  	[dreg:$0x3] =	wrdreg s19  }
0xb1: {  	[dreg:$0x4] =	wrdreg $0x50000  }
0xb2: {  	[dreg:$0x5] =	wrdreg $0x9  }
0xb3: {  	_ =	task.clear_ibuf [dreg:s8], $0x6FFFF;
	_ =	strace $0x90000046  }
0xb4: {  	s29 =	simm.s32 $0x9;
	_ =	strace $0x80000048  }
0xb5: {  	_ =	swait.ge [sflag:s29], $0x1  }
0xb6: {  	[sflag:s29] =	ssyncadd.s32 $0xFFFFFFFF  }
0xb7: {  	_ =	strace $0x90000048  }
0xb8: {  	_ =	sfence  }
0xb9: {  	s30 =	sld [smem:$0x0];
	_ =	sdelay $0x2  }
0xba: {  	s31 =	sshll.u32 s1, $0xD;
	s1 =	sshrl.u32 s1, $0x2  }
0xbb: {  	s3 =	sand.u32 $0x4000, s31;
	s1 =	sadd.s32 s1, s30  }
0xbc: {  	s0 =	sor.u32 s3, s0;
	s1 =	sshll.u32 s1, $0x11  }
0xbd: {  	s0 =	sor.u32 s1, s0  }
0xbe: {  	s0 =	sadd.s32 $0x8F2B, s0  }
0xbf: {  	[sflag:s0] =	ssyncadd.remote.s32 $0x1  }
0xc0: {  	_ =	sfence.sel $0xFFFF  }
0xc1: {  	[dreg:$0x0] =	wrdreg $0xFFFFFFFF;
	(pc) =	sbr.abs _section_cstart, $3  }
0xc2: {  	[dreg:$0x1] =	wrdreg $0xFFFFFFFF  }
0xc3: {  	_ =	task.clear_ibuf [dreg:s8], $0x2FFFF;
	_ =	strace $0x9FFFFFFF  }
0xc4: {  	(tm) =	ssettm $0x7FFFFFFF  }
0xc5: {  	_ =	shalt  }
tec
execute0_lowered:
.L_overlay_start_1:
0x0: {  	(tag) =	ssettag $0x1  }
0x1: {  	s4 =	rddreg [dreg:$0x0]  }
0x2: {  	s8 =	rddreg [dreg:$0x1]  }
0x3: {  	s0 =	srdreg.scid;
	s2 =	rddreg [dreg:$0x2];
	s3 =	simm.s32 $0x0  }
0x4: {  	s12 =	simm.s32 $0x1;
	s13 =	simm.s32 $0x2780;
	s14 =	simm.s32 $0x50  }
0x5: {  	s15 =	simm.s32 $0x4F80;
	s16 =	simm.s32 $0x2;
	s19 =	simm.s32 $0x0  }
0x6: {  	s5 =	sand.u32 $0x1, s0;
	s0 =	stileid.u32;
	[smem:$0x7FF] =	sst s3  }
0x7: {  	s1 =	sshll.u32 s5, $0x4;
	s9 =	ssub.s32 $0x2, s5;
	s11 =	smul.u32 $0x2800, s5  }
0x8: {  	s31 =	sshll.u32 s0, $0xA;
	p1 =	sgt.u32 s0, $0x9;
	s10 =	sor.u32 s0, s1  }
0x9: {  	s1 =	rddreg [dreg:$0x3];
	_ =	strace $0x80000047;
	s29 =	sshrl.u32 s9, $0x1  }
0xa: {  	s17 =	sshll.u32 @!p1 s0, $0x6;
	s6 =	smul.u32 $0x4E, s10;
	s7 =	smin.u32 s10, $0x4  }
0xb: {  	s9 =	ssub.s32 s9, s29;
	s11 =	sadd.s32 s31, s11;
	p0 =	sgt.u32 s10, $0x3  }
.Ltmp0:
0xc: {  	s10 =	simm.s32 $0x80;
	s17 =	sor.u32 @!p1 $0x1C02, s17;
	(pc) =	sbr.rel .LBB2_1-.Ltmp0, $4  }
0xd: {  	s11 =	sshrl.u32 s11, $0x3;
	s9 =	smax.u32 s9, $0x1;
	s6 =	sadd.s32 s7, s6  }
0xe: {  	v0 =	vimm.f32 $0.0e+00;
	v1 =	vlaneseq.u32;
	s7 =	sadd.s32 $0x2780, s31;
	s8 =	sadd.s32 s8, s11;
	s6 =	sshll.u32 s6, $0x5  }
0xf: {  	v6 =	vimm.s32 $0x0;
	v7 =	vimm.f32 $1.000000000e+00;
	v2 =	vor.u32 $0x10, v1;
	s11 =	simm.s32 $0x100;
	s30 =	sadd.s32 s6, s4;
	s6 =	sadd.s32 s31, s2  }
0x10: {  	v3 =	vor.u32 $0x20, v1;
	v4 =	vor.u32 $0x30, v1;
	v5 =	vor.u32 $0x40, v1;
	s4 =	sadd.s32 $0x10, s30;
	s5 =	sadd.s32 $0x9D0, s30;
	s18 =	sshrl.u32 @!p1 s6, $0x3  }
.LBB2_8:
0x11: {  	v8 =	vld [tilespmem:s21+$0x2700];
	_ =	sdelay $0x4  }
0x12: {  	v9 =	vshra.s32 v8, $0x1F  }
0x13: {  	v9 =	vshrl.u32 v9, $0x19  }
0x14: {  	v9 =	vadd.s32 v9, v8  }
0x15: {  	v9 =	vshra.s32 v9, $0x7  }
0x16: {  	v10 =	vshll.u32 v9, $0x7  }
0x17: {  	vm0 =	vlt.s32 v8, $0x1;
	vm1 =	vne.s32 v8, v10  }
0x18: {  	vm0 =	vmand vm0, vm1  }
0x19: {  	v63 =	vsel vm0, $0xFFFFFFFF, v6  }
0x1a: {  	v9 =	vadd.s32 v63, v9  }
0x1b: {  	v8 =	vand.u32 $0x7F, v8;
	v9 =	vshll.u32 v9, $0x7  }
0x1c: {  	v8 =	vor.u32 v8, v9;
	_ =	sdelay $0x4  }
0x1d: {  	[tilespmem:v8+s13+$0x0] =	vst.idx.add.f32.msk $0xffff, v7  }
.LBB2_9:
0x1e: {  	[spmem:s2] =	stream.indirect.scatter.add.f32 [tilespmem:s13], [sflag:$0x2], $0x80, s15, s14, $0xb8;
	[tilespmem:$0x5280] =	vst v63  }
0x1f: {  	_ =	swait.ge [sflag:s16], $0x2800  }
0x20: {  	s19 =	sadd.s32 $0x1, s19;
	[sflag:s16] =	ssyncset.done $0x0  }
0x21: {  	p2 =	sne.s32 s19, s9;
	[sflag:s16] =	ssyncadd.s32 $0xFFFFD800  }
.Ltmp1:
0x22: {  	s20 =	simm.s32 @!p1 $0x2;
	[bflag:$0x0] =	sbarrier.arrive $0xFFFF;
	(pc) =	sbr.rel @!p2 .LBB2_10-.Ltmp1, $4  }
0x23: {  	[hbm:s8], [sflag:s17] =	dma.local @!p1 [spmem:s18], $0x80  }
0x24: {  	_ =	swait.ge @!p1 [sflag:s20], $0x80  }
0x25: {  	[sflag:s20] =	ssyncset.done @!p1 $0x0  }
0x26: {  	[sflag:s20] =	ssyncadd.s32 @!p1 $0xFFFFFF80  }
.LBB2_1:
0x27: {  	[tilespmem:s3], [sflag:$0x1] =	stream.strided.gather [hbm4b:s4+s10], $0x2700, s11, s10, $0x38;
	[tilespmem:$0x5280] =	vst v63  }
0x28: {  	s20 =	simm.s32 @!p0 $0x0;
	s21 =	simm.s32 @!p0 $0x2700  }
0x29: {  	[tilespmem:s21], [sflag:$0x2] =	stream.linear.gather @!p0 [hbm4b:s5+s20], $0x80, $0x38;
	[tilespmem:$0x5280] =	vst v63  }
0x2a: {  	s20 =	simm.s32 @!p0 $0x2  }
0x2b: {  	_ =	swait.ge @!p0 [sflag:s20], $0x80  }
0x2c: {  	[sflag:s20] =	ssyncset.done @!p0 $0x0  }
0x2d: {  	s21 =	simm.s32 $0x200;
	[sflag:s20] =	ssyncadd.s32 @!p0 $0xFFFFFF80;
	s20 =	simm.s32 $0x0  }
.LBB2_2:
0x2e: {  	p2 =	sne.s32 s21, $0x9E00;
	[tilespmem:s20+$0x27F0] =	vst v0  }
0x2f: {  	[tilespmem:s20+$0x2780] =	vst v0  }
0x30: {  	[tilespmem:s20+$0x2790] =	vst v0  }
.Ltmp2:
0x31: {  	[tilespmem:s20+$0x27A0] =	vst v0;
	(pc) =	sbr.rel @p2 .LBB2_2-.Ltmp2, $4  }
0x32: {  	[tilespmem:s20+$0x27B0] =	vst v0  }
0x33: {  	[tilespmem:s20+$0x27C0] =	vst v0  }
0x34: {  	[tilespmem:s20+$0x27D0] =	vst v0  }
0x35: {  	[tilespmem:s20+$0x27E0] =	vst v0;
	s20 =	sshra.s32 s21, $0x2;
	s21 =	sadd.s32 $0x200, s21  }
0x36: {  	[tilespmem:s20+$0x27F0] =	vst v0  }
0x37: {  	[tilespmem:s20+$0x2780] =	vst v0  }
0x38: {  	[tilespmem:s20+$0x2790] =	vst v0  }
0x39: {  	[tilespmem:s20+$0x27A0] =	vst v0  }
0x3a: {  	[tilespmem:s20+$0x27B0] =	vst v0  }
0x3b: {  	[tilespmem:s20+$0x27C0] =	vst v0  }
0x3c: {  	[tilespmem:s20+$0x27D0] =	vst v0  }
0x3d: {  	[tilespmem:s20+$0x27E0] =	vst v0;
	s20 =	simm.s32 @!p1 $0x2  }
0x3e: {  	[spmem:s6] =	stream.linear.scatter @!p1 [tilespmem:s7], [sflag:$0x2], $0x400, $0x38;
	[tilespmem:$0x5280] =	vst v63  }
0x3f: {  	_ =	swait.ge @!p1 [sflag:s20], $0x400  }
0x40: {  	[sflag:s20] =	ssyncset.done @!p1 $0x0  }
0x41: {  	[sflag:s20] =	ssyncadd.s32 @!p1 $0xFFFFFC00  }
0x42: {  	[tilespmem:$0x4F80] =	vst v1  }
0x43: {  	[tilespmem:$0x4F90] =	vst v2  }
0x44: {  	[tilespmem:$0x4FA0] =	vst v3  }
0x45: {  	[tilespmem:$0x4FB0] =	vst v4  }
0x46: {  	[tilespmem:$0x4FC0] =	vst v5  }
0x47: {  	[bflag:$0x0] =	sbarrier.arrive $0xFFFF  }
0x48: {  	_ =	swait.ge [sflag:s12], $0x2700  }
0x49: {  	[sflag:s12] =	ssyncset.done $0x0  }
0x4a: {  	s21 =	simm.s32 $0x0;
	s20 =	simm.s32 $0x40;
	[sflag:s12] =	ssyncadd.s32 $0xFFFFD900  }
.LBB2_4:
0x4b: {  	p2 =	sne.s32 s20, $0x9BC0;
	v8 =	vld [tilespmem:s21+$0x0];
	_ =	sdelay $0x4  }
0x4c: {  	v9 =	vshra.s32 v8, $0x1F  }
0x4d: {  	v9 =	vshrl.u32 v9, $0x19  }
0x4e: {  	v9 =	vadd.s32 v9, v8  }
0x4f: {  	v9 =	vshra.s32 v9, $0x7  }
0x50: {  	v10 =	vshll.u32 v9, $0x7  }
0x51: {  	vm0 =	vlt.s32 v8, $0x1;
	vm1 =	vne.s32 v8, v10  }
0x52: {  	vm0 =	vmand vm0, vm1  }
0x53: {  	v10 =	vsel vm0, $0xFFFFFFFF, v6  }
0x54: {  	v9 =	vadd.s32 v10, v9  }
0x55: {  	v8 =	vand.u32 $0x7F, v8;
	v9 =	vshll.u32 v9, $0x7  }
0x56: {  	v8 =	vor.u32 v8, v9  }
.Ltmp3:
0x57: {  	(pc) =	sbr.rel @p2 .LBB2_4-.Ltmp3, $2  }
0x58: {  	_ =	sdelay $0x2  }
0x59: {  	s21 =	sshra.s32 s20, $0x2;
	s20 =	sadd.s32 $0x40, s20;
	[tilespmem:v8+s13+$0x0] =	vst.idx.add.f32.msk $0xffff, v7  }
0x5a: {  	v8 =	vld [tilespmem:s21+$0x0];
	_ =	sdelay $0x4  }
0x5b: {  	v9 =	vshra.s32 v8, $0x1F  }
0x5c: {  	v9 =	vshrl.u32 v9, $0x19  }
0x5d: {  	v9 =	vadd.s32 v9, v8  }
0x5e: {  	v9 =	vshra.s32 v9, $0x7  }
0x5f: {  	v10 =	vshll.u32 v9, $0x7  }
0x60: {  	vm0 =	vlt.s32 v8, $0x1;
	vm1 =	vne.s32 v8, v10  }
0x61: {  	vm0 =	vmand vm0, vm1  }
0x62: {  	v63 =	vsel vm0, $0xFFFFFFFF, v6  }
0x63: {  	v9 =	vadd.s32 v63, v9  }
0x64: {  	v8 =	vand.u32 $0x7F, v8;
	v9 =	vshll.u32 v9, $0x7  }
0x65: {  	v8 =	vor.u32 v8, v9  }
.Ltmp4:
0x66: {  	_ = 	snop;
	(pc) =	sbr.rel @p0 .LBB2_9-.Ltmp4, $2  }
0x67: {  	_ =	sdelay $0x2  }
0x68: {  	s20 =	simm.s32 $0x0;
	[tilespmem:v8+s13+$0x0] =	vst.idx.add.f32.msk $0xffff, v7  }
0x69: {  	s21 =	sshra.s32 s20, $0x2;
	s20 =	sadd.s32 $0x40, s20  }
.LBB2_7:
0x6a: {  	p2 =	sne.s32 s20, $0x1C0;
	v8 =	vld [tilespmem:s21+$0x2700];
	_ =	sdelay $0x4  }
0x6b: {  	v9 =	vshra.s32 v8, $0x1F  }
0x6c: {  	v9 =	vshrl.u32 v9, $0x19  }
0x6d: {  	v9 =	vadd.s32 v9, v8  }
0x6e: {  	v9 =	vshra.s32 v9, $0x7  }
0x6f: {  	v10 =	vshll.u32 v9, $0x7  }
0x70: {  	vm0 =	vlt.s32 v8, $0x1;
	vm1 =	vne.s32 v8, v10  }
0x71: {  	vm0 =	vmand vm0, vm1  }
0x72: {  	v10 =	vsel vm0, $0xFFFFFFFF, v6  }
0x73: {  	v9 =	vadd.s32 v10, v9  }
0x74: {  	v8 =	vand.u32 $0x7F, v8;
	v9 =	vshll.u32 v9, $0x7  }
0x75: {  	v8 =	vor.u32 v8, v9  }
.Ltmp5:
0x76: {  	(pc) =	sbr.rel @p2 .LBB2_7-.Ltmp5, $2  }
0x77: {  	_ =	sdelay $0x2  }
0x78: {  	s21 =	sshra.s32 s20, $0x2;
	s20 =	sadd.s32 $0x40, s20;
	[tilespmem:v8+s13+$0x0] =	vst.idx.add.f32.msk $0xffff, v7  }
.Ltmp6:
0x79: {  	_ = 	snop;
	(pc) =	sbr.rel .LBB2_8-.Ltmp6, $1  }
0x7a: {  	_ =	sdelay $0x3  }
.LBB2_10:
0x7b: {  	_ =	sfence.sel $0x180000  }
0x7c: {  	[bflag:$0x0] =	sbarrier.arrive $0xFFFF  }
0x7d: {  	p0 =	sne.s32 s0, $0x0;
	_ =	strace $0x90000047  }
0x7e: {  	s0 =	sadd.s32 @!p0 $0x100000, s1;
	[bflag:$0x2] =	sbarrier.arrive $0xFFFF  }
0x7f: {  	[sflag:s0] =	ssyncadd.tile.s32 @!p0 $0x1;
	_ =	shalt  }
.Lfunc_end2:
_tile_overlayer_lowered:
.L_overlay_start_2:
0x80: {  	(tag) =	ssettag $0x2  }
0x81: {  	s0 =	rddreg [dreg:$0x0];
	s2 =	stileid.u32  }
0x82: {  	s1 =	rddreg [dreg:$0x1];
	p0 =	sne.s32 s2, $0x0  }
0x83: {  	s3 =	rddreg [dreg:$0x2];
	[bflag:$0x3] =	sbarrier.arrive $0xFFFF;
	s2 =	simm.s32 @!p0 $0x1C02  }
0x84: {  	[timem:s3], [sflag:s2] =	dma.local @!p0 [hbm:s0], s1  }
0x85: {  	s0 =	simm.s32 @!p0 $0x2  }
0x86: {  	_ =	swait.ge @!p0 [sflag:s0], s1  }
0x87: {  	s1 =	ssub.s32 @!p0 $0x0, s1;
	[sflag:s0] =	ssyncset.done @!p0 $0x0  }
0x88: {  	[sflag:s0] =	ssyncadd.s32 @!p0 s1  }
0x89: {  	[bflag:$0x3] =	sbarrier.arrive $0xFFFF  }
0x8a: {  	_ =	shalt  }

</sc_bundles>
